<compile_context>
chip_gen: v7x
topology: tpu7x:2x2x1
jax: 0.10.2.dev20260603
libtpu: 0.0.44.dev20260713+nightly
codegen_flags: <defaults>
</compile_context>

<pallas_src>
import functools

import jax
import jax.numpy as jnp
from jax import lax
from jax.experimental import pallas as pl
from jax.experimental.pallas import tpu as pltpu
from jax.experimental.pallas import tpu_sc as plsc

BATCH = 16384
HIDDEN = 64
GAMMA = 12.0

NUM_CORES = 2
NUM_SUBCORES = 16
NW = NUM_CORES * NUM_SUBCORES
B_PER_W = BATCH // NW
CHUNK = 128
N_CHUNKS = B_PER_W // CHUNK
LANES = 16

TBLK = 512
TNBLK = BATCH // TBLK



NQ = 8
QROWS = TBLK // NQ


def _tc_body(idx_r, rel_hbm, out_ref, buf, sems):
    k = pl.program_id(0)

    def issue_block(blk, par):
        def enqueue(r, carry):
            for q in range(NQ):
                ir = idx_r[blk * TBLK + q * QROWS + r]
                pltpu.async_copy(rel_hbm.at[ir],
                                 buf.at[par, q * QROWS + r], sems.at[par])
            return carry

        lax.fori_loop(0, QROWS, enqueue, 0, unroll=2)

    par = lax.rem(k, 2)
    nxt = lax.rem(k + 1, 2)

    @pl.when(k == 0)
    def _():
        issue_block(0, 0)

    @pl.when(k + 1 < TNBLK)
    def _():
        issue_block(k + 1, nxt)

    pltpu.make_async_copy(
        rel_hbm.at[pl.ds(0, TBLK)], buf.at[par], sems.at[par]).wait()
    out_ref[...] = buf[par]



def _sc_body(heads_hbm, tails_hbm, ent_hbm, relrows_hbm, out_hbm,
             idx_h, idx_t, rows_h, rows_t, rows_r, out_v, sem):
    wid = lax.axis_index("s") * NUM_CORES + lax.axis_index("c")
    base = wid * B_PER_W
    crow = wid * N_CHUNKS

    pltpu.sync_copy(heads_hbm.at[pl.ds(crow, N_CHUNKS)], idx_h)
    pltpu.sync_copy(tails_hbm.at[pl.ds(crow, N_CHUNKS)], idx_t)

    copies = [pltpu.async_copy(
        relrows_hbm.at[pl.ds(base, B_PER_W)], rows_r, sem)]
    for j in range(N_CHUNKS):
        dst = pl.ds(j * CHUNK, CHUNK)
        copies.append(pltpu.async_copy(
            ent_hbm.at[idx_h.at[j]], rows_h.at[dst], sem))
        copies.append(pltpu.async_copy(
            ent_hbm.at[idx_t.at[j]], rows_t.at[dst], sem))
    for c in copies:
        c.wait()

    lane = lax.iota(jnp.int32, LANES)
    dnums = lax.GatherDimensionNumbers(
        offset_dims=(), collapsed_slice_dims=(0,), start_index_map=(0,))

    def _shuffle(x, idx):
        return lax.gather(x, idx[:, None], dnums, slice_sizes=(1,),
                          mode=lax.GatherScatterMode.PROMISE_IN_BOUNDS)

    def row_group(g, carry):
        out_vec = jnp.zeros((LANES,), jnp.float32)
        for u in range(LANES):
            i = g * LANES + u
            acc = None
            for k in range(HIDDEN // LANES):
                sl = pl.ds(k * LANES, LANES)
                d = jnp.abs(rows_h[i, sl] + rows_r[i, sl] - rows_t[i, sl])
                acc = d if acc is None else acc + d
            for sh in (8, 4, 2, 1):
                acc = acc + _shuffle(acc, lane ^ sh)
            out_vec = jnp.where(lane == u, GAMMA - acc, out_vec)
        out_v[pl.ds(g * LANES, LANES)] = out_vec
        return carry

    lax.fori_loop(0, B_PER_W // LANES, row_group, 0, unroll=False)

    pltpu.sync_copy(out_v, out_hbm.at[pl.ds(base, B_PER_W)])


@jax.jit
def _score(heads, tails, rels, entity_embedding, relation_embedding):
    grid_spec = pltpu.PrefetchScalarGridSpec(
        num_scalar_prefetch=1,
        grid=(TNBLK,),
        in_specs=[pl.BlockSpec(memory_space=pl.ANY)],
        out_specs=pl.BlockSpec((TBLK, HIDDEN), lambda k, *p: (k, 0)),
        scratch_shapes=[
            pltpu.VMEM((2, TBLK, HIDDEN), jnp.float32),
            pltpu.SemaphoreType.DMA((2,)),
        ],
    )
    rel_rows = pl.pallas_call(
        _tc_body,
        grid_spec=grid_spec,
        out_shape=jax.ShapeDtypeStruct((BATCH, HIDDEN), jnp.float32),
        compiler_params=pltpu.CompilerParams(
            dimension_semantics=("arbitrary",)),
    )(rels, relation_embedding)

    mesh = plsc.VectorSubcoreMesh(
        core_axis_name="c", subcore_axis_name="s",
        num_cores=NUM_CORES, num_subcores=NUM_SUBCORES)
    fn = functools.partial(
        pl.kernel,
        out_type=jax.ShapeDtypeStruct((BATCH,), jnp.float32),
        mesh=mesh,
        scratch_types=[
            pltpu.VMEM((N_CHUNKS, CHUNK), jnp.int32),
            pltpu.VMEM((N_CHUNKS, CHUNK), jnp.int32),
            pltpu.VMEM((B_PER_W, HIDDEN), jnp.float32),
            pltpu.VMEM((B_PER_W, HIDDEN), jnp.float32),
            pltpu.VMEM((B_PER_W, HIDDEN), jnp.float32),
            pltpu.VMEM((B_PER_W,), jnp.float32),
            pltpu.SemaphoreType.DMA,
        ],
        compiler_params=pltpu.CompilerParams(use_tc_tiling_on_sc=False),
    )(_sc_body)
    return fn(heads, tails, entity_embedding, rel_rows)


def kernel(sample, entity_embedding, relation_embedding):
    sample = sample.astype(jnp.int32)
    heads = sample[:, 0].reshape(BATCH // CHUNK, CHUNK)
    tails = sample[:, 2].reshape(BATCH // CHUNK, CHUNK)
    rels = sample[:, 1]
    score = _score(heads, tails, rels, entity_embedding, relation_embedding)
    return score.reshape(BATCH, 1)

# --- scband reference (transcript-rebuilt; emitter-appended) ---
"""Pipeline reference for scband-kgemodel-58789512347648 (READ-ONLY COPY).

The authoritative reference and input builder live on the scoring server;
editing this copy changes nothing except your own understanding.
"""

import jax, jax.numpy as jnp
import numpy as np

NENTITY = 1000000
NRELATION = 1000000
HIDDEN_DIM = 64
GAMMA = 12.0
EPSILON = 2.0
EMBEDDING_RANGE = (GAMMA + EPSILON) / HIDDEN_DIM
BATCH = 16384


def setup_inputs(seed: int = 0) -> dict:
    key = jax.random.key(seed)
    k1, k2, k3 = jax.random.split(key, 3)
    sample = jax.random.randint(k1, (BATCH, 3), 0, NENTITY, dtype=jnp.int64) if jax.config.jax_enable_x64 else jax.random.randint(k1, (BATCH, 3), 0, NENTITY).astype(jnp.int32)
    entity_embedding = jax.random.uniform(k2, (NENTITY, HIDDEN_DIM), dtype=jnp.float32, minval=-EMBEDDING_RANGE, maxval=EMBEDDING_RANGE)
    relation_embedding = jax.random.uniform(k3, (NRELATION, HIDDEN_DIM), dtype=jnp.float32, minval=-EMBEDDING_RANGE, maxval=EMBEDDING_RANGE)
    return {"sample": sample, "entity_embedding": entity_embedding, "relation_embedding": relation_embedding}


def reference(sample, entity_embedding, relation_embedding):
    # mode == 'single': gather head/relation/tail rows, TransE score
    head = jnp.take(entity_embedding, sample[:, 0], axis=0)[:, None, :]
    relation = jnp.take(relation_embedding, sample[:, 1], axis=0)[:, None, :]
    tail = jnp.take(entity_embedding, sample[:, 2], axis=0)[:, None, :]
    # TransE (mode != 'head-batch'): score = (head + relation) - tail
    score = (head + relation) - tail
    score = GAMMA - jnp.sum(jnp.abs(score), axis=2)  # L1 norm over embedding dim
    return score  # [batch, 1]

if __name__ == "__main__":
    import jax
    _d = setup_inputs()
    print(jax.jit(kernel)(*tuple(_d.values())))

</pallas_src>

<mosaic_0001>
#map = affine_map<(d0, d1) -> (0, 0)>
#map1 = affine_map<(d0, d1) -> (0)>
module attributes {stable_mosaic.version = 14 : i64} {
  func.func @_sc_body(%arg0: i32, %arg1: i32, %arg2: memref<128x128xi32, #tpu.memory_space<hbm>>, %arg3: memref<128x128xi32, #tpu.memory_space<hbm>>, %arg4: memref<1000000x64xf32, #tpu.memory_space<hbm>>, %arg5: memref<16384x64xf32, #tpu.memory_space<hbm>>, %arg6: memref<16384xf32, #tpu.memory_space<hbm>>, %arg7: memref<4x128xi32, #tpu.memory_space<vmem>>, %arg8: memref<4x128xi32, #tpu.memory_space<vmem>>, %arg9: memref<512x64xf32, #tpu.memory_space<vmem>>, %arg10: memref<512x64xf32, #tpu.memory_space<vmem>>, %arg11: memref<512x64xf32, #tpu.memory_space<vmem>>, %arg12: memref<512xf32, #tpu.memory_space<vmem>>, %arg13: memref<!tpu.dma_semaphore, #tpu.memory_space<semaphore_mem>>) attributes {dimension_semantics = [#tpu.dimension_semantics<core_parallel>, #tpu.dimension_semantics<subcore_parallel>], iteration_bounds = array<i64: 2, 16>, scalar_prefetch = 0 : i64, scratch_operands = 7 : i64, tpu.core_type = #tpu.core_type<sc_vector_subcore>, window_params = [{transform_indices = #map}, {transform_indices = #map}, {transform_indices = #map}, {transform_indices = #map}, {transform_indices = #map1}]} {
    %mul3A = arith.constant 2 : i32
    %mul3A_0 = arith.muli %arg1, %mul3A : i32
    %add3A = arith.addi %mul3A_0, %arg0 : i32
    %mul3A_1 = arith.constant 512 : i32
    %mul3A_2 = arith.muli %add3A, %mul3A_1 : i32
    %mul3A_3 = arith.constant 4 : i32
    %mul3A_4 = arith.muli %add3A, %mul3A_3 : i32
    "tpu.region"() ({
      %run_scoped3A = tpu.sem_alloc : memref<!tpu.dma_semaphore, #tpu.memory_space<semaphore_mem>>
      %dma_start3A_176 = arith.constant 0 : i32
      %dma_start3A_177 = tpu.memref_slice %arg2[%mul3A_4, %dma_start3A_176] : memref<128x128xi32, #tpu.memory_space<hbm>> -> memref<4x128xi32, #tpu.memory_space<hbm>>
      %dma_start3A_178 = arith.constant 0 : i32
      %dma_start3A_179 = tpu.memref_slice %arg2[%mul3A_4, %dma_start3A_178] : memref<128x128xi32, #tpu.memory_space<hbm>> -> memref<4x128xi32, #tpu.memory_space<hbm>>
      tpu.enqueue_dma source(%dma_start3A_179 : memref<4x128xi32, #tpu.memory_space<hbm>>) target(%arg7 : memref<4x128xi32, #tpu.memory_space<vmem>>) target_semaphore(%run_scoped3A : memref<!tpu.dma_semaphore, #tpu.memory_space<semaphore_mem>>)
      %dma_wait3A_180 = arith.constant 0 : i32
      %dma_wait3A_181 = tpu.memref_slice %arg2[%mul3A_4, %dma_wait3A_180] : memref<128x128xi32, #tpu.memory_space<hbm>> -> memref<4x128xi32, #tpu.memory_space<hbm>>
      %dma_wait3A_182 = arith.constant 0 : i32
      %dma_wait3A_183 = tpu.memref_slice %arg2[%mul3A_4, %dma_wait3A_182] : memref<128x128xi32, #tpu.memory_space<hbm>> -> memref<4x128xi32, #tpu.memory_space<hbm>>
      tpu.wait_dma2 semaphore(%run_scoped3A : memref<!tpu.dma_semaphore, #tpu.memory_space<semaphore_mem>>) src(%dma_wait3A_183 : memref<4x128xi32, #tpu.memory_space<hbm>>) dst(%arg7 : memref<4x128xi32, #tpu.memory_space<vmem>>)
      tpu.yield
    }) : () -> ()
    "tpu.region"() ({
      %run_scoped3A = tpu.sem_alloc : memref<!tpu.dma_semaphore, #tpu.memory_space<semaphore_mem>>
      %dma_start3A_176 = arith.constant 0 : i32
      %dma_start3A_177 = tpu.memref_slice %arg3[%mul3A_4, %dma_start3A_176] : memref<128x128xi32, #tpu.memory_space<hbm>> -> memref<4x128xi32, #tpu.memory_space<hbm>>
      %dma_start3A_178 = arith.constant 0 : i32
      %dma_start3A_179 = tpu.memref_slice %arg3[%mul3A_4, %dma_start3A_178] : memref<128x128xi32, #tpu.memory_space<hbm>> -> memref<4x128xi32, #tpu.memory_space<hbm>>
      tpu.enqueue_dma source(%dma_start3A_179 : memref<4x128xi32, #tpu.memory_space<hbm>>) target(%arg8 : memref<4x128xi32, #tpu.memory_space<vmem>>) target_semaphore(%run_scoped3A : memref<!tpu.dma_semaphore, #tpu.memory_space<semaphore_mem>>)
      %dma_wait3A_180 = arith.constant 0 : i32
      %dma_wait3A_181 = tpu.memref_slice %arg3[%mul3A_4, %dma_wait3A_180] : memref<128x128xi32, #tpu.memory_space<hbm>> -> memref<4x128xi32, #tpu.memory_space<hbm>>
      %dma_wait3A_182 = arith.constant 0 : i32
      %dma_wait3A_183 = tpu.memref_slice %arg3[%mul3A_4, %dma_wait3A_182] : memref<128x128xi32, #tpu.memory_space<hbm>> -> memref<4x128xi32, #tpu.memory_space<hbm>>
      tpu.wait_dma2 semaphore(%run_scoped3A : memref<!tpu.dma_semaphore, #tpu.memory_space<semaphore_mem>>) src(%dma_wait3A_183 : memref<4x128xi32, #tpu.memory_space<hbm>>) dst(%arg8 : memref<4x128xi32, #tpu.memory_space<vmem>>)
      tpu.yield
    }) : () -> ()
    %dma_start3A = arith.constant 0 : i32
    %dma_start3A_5 = tpu.memref_slice %arg5[%mul3A_2, %dma_start3A] : memref<16384x64xf32, #tpu.memory_space<hbm>> -> memref<512x64xf32, #tpu.memory_space<hbm>>
    %dma_start3A_6 = arith.constant 0 : i32
    %dma_start3A_7 = tpu.memref_slice %arg5[%mul3A_2, %dma_start3A_6] : memref<16384x64xf32, #tpu.memory_space<hbm>> -> memref<512x64xf32, #tpu.memory_space<hbm>>
    tpu.enqueue_dma source(%dma_start3A_7 : memref<512x64xf32, #tpu.memory_space<hbm>>) target(%arg11 : memref<512x64xf32, #tpu.memory_space<vmem>>) target_semaphore(%arg13 : memref<!tpu.dma_semaphore, #tpu.memory_space<semaphore_mem>>)
    %dma_start3A_8 = arith.constant 0 : i32
    %dma_start3A_9 = arith.constant 0 : i32
    %dma_start3A_10 = arith.constant 0 : i32
    %dma_start3A_11 = tpu.memref_slice %arg9[%dma_start3A_9, %dma_start3A_10] : memref<512x64xf32, #tpu.memory_space<vmem>> -> memref<128x64xf32, #tpu.memory_space<vmem>>
    %dma_start3A_12 = arith.constant 0 : i32
    %dma_start3A_13 = tpu.memref_slice %arg7[%dma_start3A_8, %dma_start3A_12] : memref<4x128xi32, #tpu.memory_space<vmem>> -> memref<1x128xi32, #tpu.memory_space<vmem>>
    %dma_start3A_14 = tpu.memref_squeeze %dma_start3A_13 : memref<1x128xi32, #tpu.memory_space<vmem>> -> memref<128xi32, #tpu.memory_space<vmem>>
    %dma_start3A_15 = arith.constant 0 : i32
    %dma_start3A_16 = arith.constant 0 : i32
    %dma_start3A_17 = tpu.memref_slice %arg4[%dma_start3A_15, %dma_start3A_16] : memref<1000000x64xf32, #tpu.memory_space<hbm>> -> memref<1000000x64xf32, #tpu.memory_space<hbm>>
    tpu.enqueue_indirect_dma source(%dma_start3A_17 : memref<1000000x64xf32, #tpu.memory_space<hbm>>) target(%dma_start3A_11 : memref<128x64xf32, #tpu.memory_space<vmem>>) offsets(%dma_start3A_14 : memref<128xi32, #tpu.memory_space<vmem>>) semaphore(%arg13 : memref<!tpu.dma_semaphore, #tpu.memory_space<semaphore_mem>>)
    %dma_start3A_18 = arith.constant 0 : i32
    %dma_start3A_19 = arith.constant 0 : i32
    %dma_start3A_20 = arith.constant 0 : i32
    %dma_start3A_21 = tpu.memref_slice %arg10[%dma_start3A_19, %dma_start3A_20] : memref<512x64xf32, #tpu.memory_space<vmem>> -> memref<128x64xf32, #tpu.memory_space<vmem>>
    %dma_start3A_22 = arith.constant 0 : i32
    %dma_start3A_23 = tpu.memref_slice %arg8[%dma_start3A_18, %dma_start3A_22] : memref<4x128xi32, #tpu.memory_space<vmem>> -> memref<1x128xi32, #tpu.memory_space<vmem>>
    %dma_start3A_24 = tpu.memref_squeeze %dma_start3A_23 : memref<1x128xi32, #tpu.memory_space<vmem>> -> memref<128xi32, #tpu.memory_space<vmem>>
    %dma_start3A_25 = arith.constant 0 : i32
    %dma_start3A_26 = arith.constant 0 : i32
    %dma_start3A_27 = tpu.memref_slice %arg4[%dma_start3A_25, %dma_start3A_26] : memref<1000000x64xf32, #tpu.memory_space<hbm>> -> memref<1000000x64xf32, #tpu.memory_space<hbm>>
    tpu.enqueue_indirect_dma source(%dma_start3A_27 : memref<1000000x64xf32, #tpu.memory_space<hbm>>) target(%dma_start3A_21 : memref<128x64xf32, #tpu.memory_space<vmem>>) offsets(%dma_start3A_24 : memref<128xi32, #tpu.memory_space<vmem>>) semaphore(%arg13 : memref<!tpu.dma_semaphore, #tpu.memory_space<semaphore_mem>>)
    %dma_start3A_28 = arith.constant 1 : i32
    %dma_start3A_29 = arith.constant 128 : i32
    %dma_start3A_30 = arith.constant 0 : i32
    %dma_start3A_31 = tpu.memref_slice %arg9[%dma_start3A_29, %dma_start3A_30] : memref<512x64xf32, #tpu.memory_space<vmem>> -> memref<128x64xf32, #tpu.memory_space<vmem>>
    %dma_start3A_32 = arith.constant 0 : i32
    %dma_start3A_33 = tpu.memref_slice %arg7[%dma_start3A_28, %dma_start3A_32] : memref<4x128xi32, #tpu.memory_space<vmem>> -> memref<1x128xi32, #tpu.memory_space<vmem>>
    %dma_start3A_34 = tpu.memref_squeeze %dma_start3A_33 : memref<1x128xi32, #tpu.memory_space<vmem>> -> memref<128xi32, #tpu.memory_space<vmem>>
    %dma_start3A_35 = arith.constant 0 : i32
    %dma_start3A_36 = arith.constant 0 : i32
    %dma_start3A_37 = tpu.memref_slice %arg4[%dma_start3A_35, %dma_start3A_36] : memref<1000000x64xf32, #tpu.memory_space<hbm>> -> memref<1000000x64xf32, #tpu.memory_space<hbm>>
    tpu.enqueue_indirect_dma source(%dma_start3A_37 : memref<1000000x64xf32, #tpu.memory_space<hbm>>) target(%dma_start3A_31 : memref<128x64xf32, #tpu.memory_space<vmem>>) offsets(%dma_start3A_34 : memref<128xi32, #tpu.memory_space<vmem>>) semaphore(%arg13 : memref<!tpu.dma_semaphore, #tpu.memory_space<semaphore_mem>>)
    %dma_start3A_38 = arith.constant 1 : i32
    %dma_start3A_39 = arith.constant 128 : i32
    %dma_start3A_40 = arith.constant 0 : i32
    %dma_start3A_41 = tpu.memref_slice %arg10[%dma_start3A_39, %dma_start3A_40] : memref<512x64xf32, #tpu.memory_space<vmem>> -> memref<128x64xf32, #tpu.memory_space<vmem>>
    %dma_start3A_42 = arith.constant 0 : i32
    %dma_start3A_43 = tpu.memref_slice %arg8[%dma_start3A_38, %dma_start3A_42] : memref<4x128xi32, #tpu.memory_space<vmem>> -> memref<1x128xi32, #tpu.memory_space<vmem>>
    %dma_start3A_44 = tpu.memref_squeeze %dma_start3A_43 : memref<1x128xi32, #tpu.memory_space<vmem>> -> memref<128xi32, #tpu.memory_space<vmem>>
    %dma_start3A_45 = arith.constant 0 : i32
    %dma_start3A_46 = arith.constant 0 : i32
    %dma_start3A_47 = tpu.memref_slice %arg4[%dma_start3A_45, %dma_start3A_46] : memref<1000000x64xf32, #tpu.memory_space<hbm>> -> memref<1000000x64xf32, #tpu.memory_space<hbm>>
    tpu.enqueue_indirect_dma source(%dma_start3A_47 : memref<1000000x64xf32, #tpu.memory_space<hbm>>) target(%dma_start3A_41 : memref<128x64xf32, #tpu.memory_space<vmem>>) offsets(%dma_start3A_44 : memref<128xi32, #tpu.memory_space<vmem>>) semaphore(%arg13 : memref<!tpu.dma_semaphore, #tpu.memory_space<semaphore_mem>>)
    %dma_start3A_48 = arith.constant 2 : i32
    %dma_start3A_49 = arith.constant 256 : i32
    %dma_start3A_50 = arith.constant 0 : i32
    %dma_start3A_51 = tpu.memref_slice %arg9[%dma_start3A_49, %dma_start3A_50] : memref<512x64xf32, #tpu.memory_space<vmem>> -> memref<128x64xf32, #tpu.memory_space<vmem>>
    %dma_start3A_52 = arith.constant 0 : i32
    %dma_start3A_53 = tpu.memref_slice %arg7[%dma_start3A_48, %dma_start3A_52] : memref<4x128xi32, #tpu.memory_space<vmem>> -> memref<1x128xi32, #tpu.memory_space<vmem>>
    %dma_start3A_54 = tpu.memref_squeeze %dma_start3A_53 : memref<1x128xi32, #tpu.memory_space<vmem>> -> memref<128xi32, #tpu.memory_space<vmem>>
    %dma_start3A_55 = arith.constant 0 : i32
    %dma_start3A_56 = arith.constant 0 : i32
    %dma_start3A_57 = tpu.memref_slice %arg4[%dma_start3A_55, %dma_start3A_56] : memref<1000000x64xf32, #tpu.memory_space<hbm>> -> memref<1000000x64xf32, #tpu.memory_space<hbm>>
    tpu.enqueue_indirect_dma source(%dma_start3A_57 : memref<1000000x64xf32, #tpu.memory_space<hbm>>) target(%dma_start3A_51 : memref<128x64xf32, #tpu.memory_space<vmem>>) offsets(%dma_start3A_54 : memref<128xi32, #tpu.memory_space<vmem>>) semaphore(%arg13 : memref<!tpu.dma_semaphore, #tpu.memory_space<semaphore_mem>>)
    %dma_start3A_58 = arith.constant 2 : i32
    %dma_start3A_59 = arith.constant 256 : i32
    %dma_start3A_60 = arith.constant 0 : i32
    %dma_start3A_61 = tpu.memref_slice %arg10[%dma_start3A_59, %dma_start3A_60] : memref<512x64xf32, #tpu.memory_space<vmem>> -> memref<128x64xf32, #tpu.memory_space<vmem>>
    %dma_start3A_62 = arith.constant 0 : i32
    %dma_start3A_63 = tpu.memref_slice %arg8[%dma_start3A_58, %dma_start3A_62] : memref<4x128xi32, #tpu.memory_space<vmem>> -> memref<1x128xi32, #tpu.memory_space<vmem>>
    %dma_start3A_64 = tpu.memref_squeeze %dma_start3A_63 : memref<1x128xi32, #tpu.memory_space<vmem>> -> memref<128xi32, #tpu.memory_space<vmem>>
    %dma_start3A_65 = arith.constant 0 : i32
    %dma_start3A_66 = arith.constant 0 : i32
    %dma_start3A_67 = tpu.memref_slice %arg4[%dma_start3A_65, %dma_start3A_66] : memref<1000000x64xf32, #tpu.memory_space<hbm>> -> memref<1000000x64xf32, #tpu.memory_space<hbm>>
    tpu.enqueue_indirect_dma source(%dma_start3A_67 : memref<1000000x64xf32, #tpu.memory_space<hbm>>) target(%dma_start3A_61 : memref<128x64xf32, #tpu.memory_space<vmem>>) offsets(%dma_start3A_64 : memref<128xi32, #tpu.memory_space<vmem>>) semaphore(%arg13 : memref<!tpu.dma_semaphore, #tpu.memory_space<semaphore_mem>>)
    %dma_start3A_68 = arith.constant 3 : i32
    %dma_start3A_69 = arith.constant 384 : i32
    %dma_start3A_70 = arith.constant 0 : i32
    %dma_start3A_71 = tpu.memref_slice %arg9[%dma_start3A_69, %dma_start3A_70] : memref<512x64xf32, #tpu.memory_space<vmem>> -> memref<128x64xf32, #tpu.memory_space<vmem>>
    %dma_start3A_72 = arith.constant 0 : i32
    %dma_start3A_73 = tpu.memref_slice %arg7[%dma_start3A_68, %dma_start3A_72] : memref<4x128xi32, #tpu.memory_space<vmem>> -> memref<1x128xi32, #tpu.memory_space<vmem>>
    %dma_start3A_74 = tpu.memref_squeeze %dma_start3A_73 : memref<1x128xi32, #tpu.memory_space<vmem>> -> memref<128xi32, #tpu.memory_space<vmem>>
    %dma_start3A_75 = arith.constant 0 : i32
    %dma_start3A_76 = arith.constant 0 : i32
    %dma_start3A_77 = tpu.memref_slice %arg4[%dma_start3A_75, %dma_start3A_76] : memref<1000000x64xf32, #tpu.memory_space<hbm>> -> memref<1000000x64xf32, #tpu.memory_space<hbm>>
    tpu.enqueue_indirect_dma source(%dma_start3A_77 : memref<1000000x64xf32, #tpu.memory_space<hbm>>) target(%dma_start3A_71 : memref<128x64xf32, #tpu.memory_space<vmem>>) offsets(%dma_start3A_74 : memref<128xi32, #tpu.memory_space<vmem>>) semaphore(%arg13 : memref<!tpu.dma_semaphore, #tpu.memory_space<semaphore_mem>>)
    %dma_start3A_78 = arith.constant 3 : i32
    %dma_start3A_79 = arith.constant 384 : i32
    %dma_start3A_80 = arith.constant 0 : i32
    %dma_start3A_81 = tpu.memref_slice %arg10[%dma_start3A_79, %dma_start3A_80] : memref<512x64xf32, #tpu.memory_space<vmem>> -> memref<128x64xf32, #tpu.memory_space<vmem>>
    %dma_start3A_82 = arith.constant 0 : i32
    %dma_start3A_83 = tpu.memref_slice %arg8[%dma_start3A_78, %dma_start3A_82] : memref<4x128xi32, #tpu.memory_space<vmem>> -> memref<1x128xi32, #tpu.memory_space<vmem>>
    %dma_start3A_84 = tpu.memref_squeeze %dma_start3A_83 : memref<1x128xi32, #tpu.memory_space<vmem>> -> memref<128xi32, #tpu.memory_space<vmem>>
    %dma_start3A_85 = arith.constant 0 : i32
    %dma_start3A_86 = arith.constant 0 : i32
    %dma_start3A_87 = tpu.memref_slice %arg4[%dma_start3A_85, %dma_start3A_86] : memref<1000000x64xf32, #tpu.memory_space<hbm>> -> memref<1000000x64xf32, #tpu.memory_space<hbm>>
    tpu.enqueue_indirect_dma source(%dma_start3A_87 : memref<1000000x64xf32, #tpu.memory_space<hbm>>) target(%dma_start3A_81 : memref<128x64xf32, #tpu.memory_space<vmem>>) offsets(%dma_start3A_84 : memref<128xi32, #tpu.memory_space<vmem>>) semaphore(%arg13 : memref<!tpu.dma_semaphore, #tpu.memory_space<semaphore_mem>>)
    %dma_wait3A = arith.constant 0 : i32
    %dma_wait3A_88 = tpu.memref_slice %arg5[%mul3A_2, %dma_wait3A] : memref<16384x64xf32, #tpu.memory_space<hbm>> -> memref<512x64xf32, #tpu.memory_space<hbm>>
    %dma_wait3A_89 = arith.constant 0 : i32
    %dma_wait3A_90 = tpu.memref_slice %arg5[%mul3A_2, %dma_wait3A_89] : memref<16384x64xf32, #tpu.memory_space<hbm>> -> memref<512x64xf32, #tpu.memory_space<hbm>>
    tpu.wait_dma2 semaphore(%arg13 : memref<!tpu.dma_semaphore, #tpu.memory_space<semaphore_mem>>) src(%dma_wait3A_90 : memref<512x64xf32, #tpu.memory_space<hbm>>) dst(%arg11 : memref<512x64xf32, #tpu.memory_space<vmem>>)
    %dma_wait3A_91 = arith.constant 0 : i32
    %dma_wait3A_92 = arith.constant 0 : i32
    %dma_wait3A_93 = arith.constant 0 : i32
    %dma_wait3A_94 = tpu.memref_slice %arg9[%dma_wait3A_92, %dma_wait3A_93] : memref<512x64xf32, #tpu.memory_space<vmem>> -> memref<128x64xf32, #tpu.memory_space<vmem>>
    %dma_wait3A_95 = arith.constant 0 : i32
    %dma_wait3A_96 = tpu.memref_slice %arg7[%dma_wait3A_91, %dma_wait3A_95] : memref<4x128xi32, #tpu.memory_space<vmem>> -> memref<1x128xi32, #tpu.memory_space<vmem>>
    %dma_wait3A_97 = tpu.memref_squeeze %dma_wait3A_96 : memref<1x128xi32, #tpu.memory_space<vmem>> -> memref<128xi32, #tpu.memory_space<vmem>>
    %dma_wait3A_98 = arith.constant 0 : i32
    %dma_wait3A_99 = arith.constant 0 : i32
    %dma_wait3A_100 = tpu.memref_slice %arg4[%dma_wait3A_98, %dma_wait3A_99] : memref<1000000x64xf32, #tpu.memory_space<hbm>> -> memref<1000000x64xf32, #tpu.memory_space<hbm>>
    tpu.wait_indirect_dma semaphore(%arg13 : memref<!tpu.dma_semaphore, #tpu.memory_space<semaphore_mem>>) src(%dma_wait3A_100 : memref<1000000x64xf32, #tpu.memory_space<hbm>>) dst(%dma_wait3A_94 : memref<128x64xf32, #tpu.memory_space<vmem>>)
    %dma_wait3A_101 = arith.constant 0 : i32
    %dma_wait3A_102 = arith.constant 0 : i32
    %dma_wait3A_103 = arith.constant 0 : i32
    %dma_wait3A_104 = tpu.memref_slice %arg10[%dma_wait3A_102, %dma_wait3A_103] : memref<512x64xf32, #tpu.memory_space<vmem>> -> memref<128x64xf32, #tpu.memory_space<vmem>>
    %dma_wait3A_105 = arith.constant 0 : i32
    %dma_wait3A_106 = tpu.memref_slice %arg8[%dma_wait3A_101, %dma_wait3A_105] : memref<4x128xi32, #tpu.memory_space<vmem>> -> memref<1x128xi32, #tpu.memory_space<vmem>>
    %dma_wait3A_107 = tpu.memref_squeeze %dma_wait3A_106 : memref<1x128xi32, #tpu.memory_space<vmem>> -> memref<128xi32, #tpu.memory_space<vmem>>
    %dma_wait3A_108 = arith.constant 0 : i32
    %dma_wait3A_109 = arith.constant 0 : i32
    %dma_wait3A_110 = tpu.memref_slice %arg4[%dma_wait3A_108, %dma_wait3A_109] : memref<1000000x64xf32, #tpu.memory_space<hbm>> -> memref<1000000x64xf32, #tpu.memory_space<hbm>>
    tpu.wait_indirect_dma semaphore(%arg13 : memref<!tpu.dma_semaphore, #tpu.memory_space<semaphore_mem>>) src(%dma_wait3A_110 : memref<1000000x64xf32, #tpu.memory_space<hbm>>) dst(%dma_wait3A_104 : memref<128x64xf32, #tpu.memory_space<vmem>>)
    %dma_wait3A_111 = arith.constant 1 : i32
    %dma_wait3A_112 = arith.constant 128 : i32
    %dma_wait3A_113 = arith.constant 0 : i32
    %dma_wait3A_114 = tpu.memref_slice %arg9[%dma_wait3A_112, %dma_wait3A_113] : memref<512x64xf32, #tpu.memory_space<vmem>> -> memref<128x64xf32, #tpu.memory_space<vmem>>
    %dma_wait3A_115 = arith.constant 0 : i32
    %dma_wait3A_116 = tpu.memref_slice %arg7[%dma_wait3A_111, %dma_wait3A_115] : memref<4x128xi32, #tpu.memory_space<vmem>> -> memref<1x128xi32, #tpu.memory_space<vmem>>
    %dma_wait3A_117 = tpu.memref_squeeze %dma_wait3A_116 : memref<1x128xi32, #tpu.memory_space<vmem>> -> memref<128xi32, #tpu.memory_space<vmem>>
    %dma_wait3A_118 = arith.constant 0 : i32
    %dma_wait3A_119 = arith.constant 0 : i32
    %dma_wait3A_120 = tpu.memref_slice %arg4[%dma_wait3A_118, %dma_wait3A_119] : memref<1000000x64xf32, #tpu.memory_space<hbm>> -> memref<1000000x64xf32, #tpu.memory_space<hbm>>
    tpu.wait_indirect_dma semaphore(%arg13 : memref<!tpu.dma_semaphore, #tpu.memory_space<semaphore_mem>>) src(%dma_wait3A_120 : memref<1000000x64xf32, #tpu.memory_space<hbm>>) dst(%dma_wait3A_114 : memref<128x64xf32, #tpu.memory_space<vmem>>)
    %dma_wait3A_121 = arith.constant 1 : i32
    %dma_wait3A_122 = arith.constant 128 : i32
    %dma_wait3A_123 = arith.constant 0 : i32
    %dma_wait3A_124 = tpu.memref_slice %arg10[%dma_wait3A_122, %dma_wait3A_123] : memref<512x64xf32, #tpu.memory_space<vmem>> -> memref<128x64xf32, #tpu.memory_space<vmem>>
    %dma_wait3A_125 = arith.constant 0 : i32
    %dma_wait3A_126 = tpu.memref_slice %arg8[%dma_wait3A_121, %dma_wait3A_125] : memref<4x128xi32, #tpu.memory_space<vmem>> -> memref<1x128xi32, #tpu.memory_space<vmem>>
    %dma_wait3A_127 = tpu.memref_squeeze %dma_wait3A_126 : memref<1x128xi32, #tpu.memory_space<vmem>> -> memref<128xi32, #tpu.memory_space<vmem>>
    %dma_wait3A_128 = arith.constant 0 : i32
    %dma_wait3A_129 = arith.constant 0 : i32
    %dma_wait3A_130 = tpu.memref_slice %arg4[%dma_wait3A_128, %dma_wait3A_129] : memref<1000000x64xf32, #tpu.memory_space<hbm>> -> memref<1000000x64xf32, #tpu.memory_space<hbm>>
    tpu.wait_indirect_dma semaphore(%arg13 : memref<!tpu.dma_semaphore, #tpu.memory_space<semaphore_mem>>) src(%dma_wait3A_130 : memref<1000000x64xf32, #tpu.memory_space<hbm>>) dst(%dma_wait3A_124 : memref<128x64xf32, #tpu.memory_space<vmem>>)
    %dma_wait3A_131 = arith.constant 2 : i32
    %dma_wait3A_132 = arith.constant 256 : i32
    %dma_wait3A_133 = arith.constant 0 : i32
    %dma_wait3A_134 = tpu.memref_slice %arg9[%dma_wait3A_132, %dma_wait3A_133] : memref<512x64xf32, #tpu.memory_space<vmem>> -> memref<128x64xf32, #tpu.memory_space<vmem>>
    %dma_wait3A_135 = arith.constant 0 : i32
    %dma_wait3A_136 = tpu.memref_slice %arg7[%dma_wait3A_131, %dma_wait3A_135] : memref<4x128xi32, #tpu.memory_space<vmem>> -> memref<1x128xi32, #tpu.memory_space<vmem>>
    %dma_wait3A_137 = tpu.memref_squeeze %dma_wait3A_136 : memref<1x128xi32, #tpu.memory_space<vmem>> -> memref<128xi32, #tpu.memory_space<vmem>>
    %dma_wait3A_138 = arith.constant 0 : i32
    %dma_wait3A_139 = arith.constant 0 : i32
    %dma_wait3A_140 = tpu.memref_slice %arg4[%dma_wait3A_138, %dma_wait3A_139] : memref<1000000x64xf32, #tpu.memory_space<hbm>> -> memref<1000000x64xf32, #tpu.memory_space<hbm>>
    tpu.wait_indirect_dma semaphore(%arg13 : memref<!tpu.dma_semaphore, #tpu.memory_space<semaphore_mem>>) src(%dma_wait3A_140 : memref<1000000x64xf32, #tpu.memory_space<hbm>>) dst(%dma_wait3A_134 : memref<128x64xf32, #tpu.memory_space<vmem>>)
    %dma_wait3A_141 = arith.constant 2 : i32
    %dma_wait3A_142 = arith.constant 256 : i32
    %dma_wait3A_143 = arith.constant 0 : i32
    %dma_wait3A_144 = tpu.memref_slice %arg10[%dma_wait3A_142, %dma_wait3A_143] : memref<512x64xf32, #tpu.memory_space<vmem>> -> memref<128x64xf32, #tpu.memory_space<vmem>>
    %dma_wait3A_145 = arith.constant 0 : i32
    %dma_wait3A_146 = tpu.memref_slice %arg8[%dma_wait3A_141, %dma_wait3A_145] : memref<4x128xi32, #tpu.memory_space<vmem>> -> memref<1x128xi32, #tpu.memory_space<vmem>>
    %dma_wait3A_147 = tpu.memref_squeeze %dma_wait3A_146 : memref<1x128xi32, #tpu.memory_space<vmem>> -> memref<128xi32, #tpu.memory_space<vmem>>
    %dma_wait3A_148 = arith.constant 0 : i32
    %dma_wait3A_149 = arith.constant 0 : i32
    %dma_wait3A_150 = tpu.memref_slice %arg4[%dma_wait3A_148, %dma_wait3A_149] : memref<1000000x64xf32, #tpu.memory_space<hbm>> -> memref<1000000x64xf32, #tpu.memory_space<hbm>>
    tpu.wait_indirect_dma semaphore(%arg13 : memref<!tpu.dma_semaphore, #tpu.memory_space<semaphore_mem>>) src(%dma_wait3A_150 : memref<1000000x64xf32, #tpu.memory_space<hbm>>) dst(%dma_wait3A_144 : memref<128x64xf32, #tpu.memory_space<vmem>>)
    %dma_wait3A_151 = arith.constant 3 : i32
    %dma_wait3A_152 = arith.constant 384 : i32
    %dma_wait3A_153 = arith.constant 0 : i32
    %dma_wait3A_154 = tpu.memref_slice %arg9[%dma_wait3A_152, %dma_wait3A_153] : memref<512x64xf32, #tpu.memory_space<vmem>> -> memref<128x64xf32, #tpu.memory_space<vmem>>
    %dma_wait3A_155 = arith.constant 0 : i32
    %dma_wait3A_156 = tpu.memref_slice %arg7[%dma_wait3A_151, %dma_wait3A_155] : memref<4x128xi32, #tpu.memory_space<vmem>> -> memref<1x128xi32, #tpu.memory_space<vmem>>
    %dma_wait3A_157 = tpu.memref_squeeze %dma_wait3A_156 : memref<1x128xi32, #tpu.memory_space<vmem>> -> memref<128xi32, #tpu.memory_space<vmem>>
    %dma_wait3A_158 = arith.constant 0 : i32
    %dma_wait3A_159 = arith.constant 0 : i32
    %dma_wait3A_160 = tpu.memref_slice %arg4[%dma_wait3A_158, %dma_wait3A_159] : memref<1000000x64xf32, #tpu.memory_space<hbm>> -> memref<1000000x64xf32, #tpu.memory_space<hbm>>
    tpu.wait_indirect_dma semaphore(%arg13 : memref<!tpu.dma_semaphore, #tpu.memory_space<semaphore_mem>>) src(%dma_wait3A_160 : memref<1000000x64xf32, #tpu.memory_space<hbm>>) dst(%dma_wait3A_154 : memref<128x64xf32, #tpu.memory_space<vmem>>)
    %dma_wait3A_161 = arith.constant 3 : i32
    %dma_wait3A_162 = arith.constant 384 : i32
    %dma_wait3A_163 = arith.constant 0 : i32
    %dma_wait3A_164 = tpu.memref_slice %arg10[%dma_wait3A_162, %dma_wait3A_163] : memref<512x64xf32, #tpu.memory_space<vmem>> -> memref<128x64xf32, #tpu.memory_space<vmem>>
    %dma_wait3A_165 = arith.constant 0 : i32
    %dma_wait3A_166 = tpu.memref_slice %arg8[%dma_wait3A_161, %dma_wait3A_165] : memref<4x128xi32, #tpu.memory_space<vmem>> -> memref<1x128xi32, #tpu.memory_space<vmem>>
    %dma_wait3A_167 = tpu.memref_squeeze %dma_wait3A_166 : memref<1x128xi32, #tpu.memory_space<vmem>> -> memref<128xi32, #tpu.memory_space<vmem>>
    %dma_wait3A_168 = arith.constant 0 : i32
    %dma_wait3A_169 = arith.constant 0 : i32
    %dma_wait3A_170 = tpu.memref_slice %arg4[%dma_wait3A_168, %dma_wait3A_169] : memref<1000000x64xf32, #tpu.memory_space<hbm>> -> memref<1000000x64xf32, #tpu.memory_space<hbm>>
    tpu.wait_indirect_dma semaphore(%arg13 : memref<!tpu.dma_semaphore, #tpu.memory_space<semaphore_mem>>) src(%dma_wait3A_170 : memref<1000000x64xf32, #tpu.memory_space<hbm>>) dst(%dma_wait3A_164 : memref<128x64xf32, #tpu.memory_space<vmem>>)
    %iota3A = tpu.iota {dimensions = array<i32: 0>} : vector<16xi32>
    %scan3A = arith.constant 0 : i32
    %scan3A_171 = arith.constant 0 : i32
    %scan3A_172 = arith.constant 32 : i32
    %scan3A_173 = arith.addi %scan3A_171, %scan3A_172 : i32
    %scan3A_174 = arith.constant 1 : i32
    scf.for %scan3A_176 = %scan3A_171 to %scan3A_173 step %scan3A_174  : i32 {
      %broadcast_in_dim3A = arith.constant 0.000000e+00 : f32
      %broadcast_in_dim3A_177 = vector.broadcast %broadcast_in_dim3A : f32 to vector<16xf32>
      %mul3A_178 = arith.constant 16 : i32
      %mul3A_179 = arith.muli %scan3A_176, %mul3A_178 : i32
      %add3A_180 = arith.constant 0 : i32
      %add3A_181 = arith.addi %mul3A_179, %add3A_180 : i32
      %get3A = arith.index_cast %add3A_181 : i32 to index
      %get3A_182 = arith.constant 0 : index
      %get3A_183 = tpu.vector_load %arg9[%get3A, %get3A_182] {strides = array<i32>} : memref<512x64xf32, #tpu.memory_space<vmem>>, vector<1x16xf32>,
      %get3A_184 = vector.shape_cast %get3A_183 : vector<1x16xf32> to vector<16xf32>
      %get3A_185 = arith.index_cast %add3A_181 : i32 to index
      %get3A_186 = arith.constant 0 : index
      %get3A_187 = tpu.vector_load %arg11[%get3A_185, %get3A_186] {strides = array<i32>} : memref<512x64xf32, #tpu.memory_space<vmem>>, vector<1x16xf32>,
      %get3A_188 = vector.shape_cast %get3A_187 : vector<1x16xf32> to vector<16xf32>
      %add3A_189 = arith.addf %get3A_184, %get3A_188 : vector<16xf32>
      %get3A_190 = arith.index_cast %add3A_181 : i32 to index
      %get3A_191 = arith.constant 0 : index
      %get3A_192 = tpu.vector_load %arg10[%get3A_190, %get3A_191] {strides = array<i32>} : memref<512x64xf32, #tpu.memory_space<vmem>>, vector<1x16xf32>,
      %get3A_193 = vector.shape_cast %get3A_192 : vector<1x16xf32> to vector<16xf32>
      %sub3A = arith.subf %add3A_189, %get3A_193 : vector<16xf32>
      %abs3A = math.absf %sub3A : vector<16xf32>
      %get3A_194 = arith.index_cast %add3A_181 : i32 to index
      %get3A_195 = arith.constant 16 : index
      %get3A_196 = tpu.vector_load %arg9[%get3A_194, %get3A_195] {strides = array<i32>} : memref<512x64xf32, #tpu.memory_space<vmem>>, vector<1x16xf32>,
      %get3A_197 = vector.shape_cast %get3A_196 : vector<1x16xf32> to vector<16xf32>
      %get3A_198 = arith.index_cast %add3A_181 : i32 to index
      %get3A_199 = arith.constant 16 : index
      %get3A_200 = tpu.vector_load %arg11[%get3A_198, %get3A_199] {strides = array<i32>} : memref<512x64xf32, #tpu.memory_space<vmem>>, vector<1x16xf32>,
      %get3A_201 = vector.shape_cast %get3A_200 : vector<1x16xf32> to vector<16xf32>
      %add3A_202 = arith.addf %get3A_197, %get3A_201 : vector<16xf32>
      %get3A_203 = arith.index_cast %add3A_181 : i32 to index
      %get3A_204 = arith.constant 16 : index
      %get3A_205 = tpu.vector_load %arg10[%get3A_203, %get3A_204] {strides = array<i32>} : memref<512x64xf32, #tpu.memory_space<vmem>>, vector<1x16xf32>,
      %get3A_206 = vector.shape_cast %get3A_205 : vector<1x16xf32> to vector<16xf32>
      %sub3A_207 = arith.subf %add3A_202, %get3A_206 : vector<16xf32>
      %abs3A_208 = math.absf %sub3A_207 : vector<16xf32>
      %add3A_209 = arith.addf %abs3A, %abs3A_208 : vector<16xf32>
      %get3A_210 = arith.index_cast %add3A_181 : i32 to index
      %get3A_211 = arith.constant 32 : index
      %get3A_212 = tpu.vector_load %arg9[%get3A_210, %get3A_211] {strides = array<i32>} : memref<512x64xf32, #tpu.memory_space<vmem>>, vector<1x16xf32>,
      %get3A_213 = vector.shape_cast %get3A_212 : vector<1x16xf32> to vector<16xf32>
      %get3A_214 = arith.index_cast %add3A_181 : i32 to index
      %get3A_215 = arith.constant 32 : index
      %get3A_216 = tpu.vector_load %arg11[%get3A_214, %get3A_215] {strides = array<i32>} : memref<512x64xf32, #tpu.memory_space<vmem>>, vector<1x16xf32>,
      %get3A_217 = vector.shape_cast %get3A_216 : vector<1x16xf32> to vector<16xf32>
      %add3A_218 = arith.addf %get3A_213, %get3A_217 : vector<16xf32>
      %get3A_219 = arith.index_cast %add3A_181 : i32 to index
      %get3A_220 = arith.constant 32 : index
      %get3A_221 = tpu.vector_load %arg10[%get3A_219, %get3A_220] {strides = array<i32>} : memref<512x64xf32, #tpu.memory_space<vmem>>, vector<1x16xf32>,
      %get3A_222 = vector.shape_cast %get3A_221 : vector<1x16xf32> to vector<16xf32>
      %sub3A_223 = arith.subf %add3A_218, %get3A_222 : vector<16xf32>
      %abs3A_224 = math.absf %sub3A_223 : vector<16xf32>
      %add3A_225 = arith.addf %add3A_209, %abs3A_224 : vector<16xf32>
      %get3A_226 = arith.index_cast %add3A_181 : i32 to index
      %get3A_227 = arith.constant 48 : index
      %get3A_228 = tpu.vector_load %arg9[%get3A_226, %get3A_227] {strides = array<i32>} : memref<512x64xf32, #tpu.memory_space<vmem>>, vector<1x16xf32>,
      %get3A_229 = vector.shape_cast %get3A_228 : vector<1x16xf32> to vector<16xf32>
      %get3A_230 = arith.index_cast %add3A_181 : i32 to index
      %get3A_231 = arith.constant 48 : index
      %get3A_232 = tpu.vector_load %arg11[%get3A_230, %get3A_231] {strides = array<i32>} : memref<512x64xf32, #tpu.memory_space<vmem>>, vector<1x16xf32>,
      %get3A_233 = vector.shape_cast %get3A_232 : vector<1x16xf32> to vector<16xf32>
      %add3A_234 = arith.addf %get3A_229, %get3A_233 : vector<16xf32>
      %get3A_235 = arith.index_cast %add3A_181 : i32 to index
      %get3A_236 = arith.constant 48 : index
      %get3A_237 = tpu.vector_load %arg10[%get3A_235, %get3A_236] {strides = array<i32>} : memref<512x64xf32, #tpu.memory_space<vmem>>, vector<1x16xf32>,
      %get3A_238 = vector.shape_cast %get3A_237 : vector<1x16xf32> to vector<16xf32>
      %sub3A_239 = arith.subf %add3A_234, %get3A_238 : vector<16xf32>
      %abs3A_240 = math.absf %sub3A_239 : vector<16xf32>
      %add3A_241 = arith.addf %add3A_225, %abs3A_240 : vector<16xf32>
      %xor3A = arith.constant 8 : i32
      %xor3A_242 = vector.broadcast %xor3A : i32 to vector<16xi32>
      %xor3A_243 = arith.xori %iota3A, %xor3A_242 : vector<16xi32>
      %broadcast_in_dim3A_244 = vector.shape_cast %xor3A_243 : vector<16xi32> to vector<16x1xi32>
      %gather3A = vector.shape_cast %broadcast_in_dim3A_244 : vector<16x1xi32> to vector<16xi32>
      %gather3A_245 = tpu.dynamic_gather %add3A_241[%gather3A] in [0] : vector<16xf32>, vector<16xi32> -> vector<16xf32>
      %add3A_246 = arith.addf %add3A_241, %gather3A_245 : vector<16xf32>
      %xor3A_247 = arith.constant 4 : i32
      %xor3A_248 = vector.broadcast %xor3A_247 : i32 to vector<16xi32>
      %xor3A_249 = arith.xori %iota3A, %xor3A_248 : vector<16xi32>
      %broadcast_in_dim3A_250 = vector.shape_cast %xor3A_249 : vector<16xi32> to vector<16x1xi32>
      %gather3A_251 = vector.shape_cast %broadcast_in_dim3A_250 : vector<16x1xi32> to vector<16xi32>
      %gather3A_252 = tpu.dynamic_gather %add3A_246[%gather3A_251] in [0] : vector<16xf32>, vector<16xi32> -> vector<16xf32>
      %add3A_253 = arith.addf %add3A_246, %gather3A_252 : vector<16xf32>
      %xor3A_254 = arith.constant 2 : i32
      %xor3A_255 = vector.broadcast %xor3A_254 : i32 to vector<16xi32>
      %xor3A_256 = arith.xori %iota3A, %xor3A_255 : vector<16xi32>
      %broadcast_in_dim3A_257 = vector.shape_cast %xor3A_256 : vector<16xi32> to vector<16x1xi32>
      %gather3A_258 = vector.shape_cast %broadcast_in_dim3A_257 : vector<16x1xi32> to vector<16xi32>
      %gather3A_259 = tpu.dynamic_gather %add3A_253[%gather3A_258] in [0] : vector<16xf32>, vector<16xi32> -> vector<16xf32>
      %add3A_260 = arith.addf %add3A_253, %gather3A_259 : vector<16xf32>
      %xor3A_261 = arith.constant 1 : i32
      %xor3A_262 = vector.broadcast %xor3A_261 : i32 to vector<16xi32>
      %xor3A_263 = arith.xori %iota3A, %xor3A_262 : vector<16xi32>
      %broadcast_in_dim3A_264 = vector.shape_cast %xor3A_263 : vector<16xi32> to vector<16x1xi32>
      %gather3A_265 = vector.shape_cast %broadcast_in_dim3A_264 : vector<16x1xi32> to vector<16xi32>
      %gather3A_266 = tpu.dynamic_gather %add3A_260[%gather3A_265] in [0] : vector<16xf32>, vector<16xi32> -> vector<16xf32>
      %add3A_267 = arith.addf %add3A_260, %gather3A_266 : vector<16xf32>
      %eq3A = arith.constant 0 : i32
      %eq3A_268 = vector.broadcast %eq3A : i32 to vector<16xi32>
      %eq3A_269 = arith.cmpi eq, %iota3A, %eq3A_268 : vector<16xi32>
      %sub3A_270 = arith.constant 1.200000e+01 : f32
      %sub3A_271 = vector.broadcast %sub3A_270 : f32 to vector<16xf32>
      %sub3A_272 = arith.subf %sub3A_271, %add3A_267 : vector<16xf32>
      %select_n3A = arith.select %eq3A_269, %sub3A_272, %broadcast_in_dim3A_177 : vector<16xi1>, vector<16xf32>
      %mul3A_273 = arith.constant 16 : i32
      %mul3A_274 = arith.muli %scan3A_176, %mul3A_273 : i32
      %add3A_275 = arith.constant 1 : i32
      %add3A_276 = arith.addi %mul3A_274, %add3A_275 : i32
      %get3A_277 = arith.index_cast %add3A_276 : i32 to index
      %get3A_278 = arith.constant 0 : index
      %get3A_279 = tpu.vector_load %arg9[%get3A_277, %get3A_278] {strides = array<i32>} : memref<512x64xf32, #tpu.memory_space<vmem>>, vector<1x16xf32>,
      %get3A_280 = vector.shape_cast %get3A_279 : vector<1x16xf32> to vector<16xf32>
      %get3A_281 = arith.index_cast %add3A_276 : i32 to index
      %get3A_282 = arith.constant 0 : index
      %get3A_283 = tpu.vector_load %arg11[%get3A_281, %get3A_282] {strides = array<i32>} : memref<512x64xf32, #tpu.memory_space<vmem>>, vector<1x16xf32>,
      %get3A_284 = vector.shape_cast %get3A_283 : vector<1x16xf32> to vector<16xf32>
      %add3A_285 = arith.addf %get3A_280, %get3A_284 : vector<16xf32>
      %get3A_286 = arith.index_cast %add3A_276 : i32 to index
      %get3A_287 = arith.constant 0 : index
      %get3A_288 = tpu.vector_load %arg10[%get3A_286, %get3A_287] {strides = array<i32>} : memref<512x64xf32, #tpu.memory_space<vmem>>, vector<1x16xf32>,
      %get3A_289 = vector.shape_cast %get3A_288 : vector<1x16xf32> to vector<16xf32>
      %sub3A_290 = arith.subf %add3A_285, %get3A_289 : vector<16xf32>
      %abs3A_291 = math.absf %sub3A_290 : vector<16xf32>
      %get3A_292 = arith.index_cast %add3A_276 : i32 to index
      %get3A_293 = arith.constant 16 : index
      %get3A_294 = tpu.vector_load %arg9[%get3A_292, %get3A_293] {strides = array<i32>} : memref<512x64xf32, #tpu.memory_space<vmem>>, vector<1x16xf32>,
      %get3A_295 = vector.shape_cast %get3A_294 : vector<1x16xf32> to vector<16xf32>
      %get3A_296 = arith.index_cast %add3A_276 : i32 to index
      %get3A_297 = arith.constant 16 : index
      %get3A_298 = tpu.vector_load %arg11[%get3A_296, %get3A_297] {strides = array<i32>} : memref<512x64xf32, #tpu.memory_space<vmem>>, vector<1x16xf32>,
      %get3A_299 = vector.shape_cast %get3A_298 : vector<1x16xf32> to vector<16xf32>
      %add3A_300 = arith.addf %get3A_295, %get3A_299 : vector<16xf32>
      %get3A_301 = arith.index_cast %add3A_276 : i32 to index
      %get3A_302 = arith.constant 16 : index
      %get3A_303 = tpu.vector_load %arg10[%get3A_301, %get3A_302] {strides = array<i32>} : memref<512x64xf32, #tpu.memory_space<vmem>>, vector<1x16xf32>,
      %get3A_304 = vector.shape_cast %get3A_303 : vector<1x16xf32> to vector<16xf32>
      %sub3A_305 = arith.subf %add3A_300, %get3A_304 : vector<16xf32>
      %abs3A_306 = math.absf %sub3A_305 : vector<16xf32>
      %add3A_307 = arith.addf %abs3A_291, %abs3A_306 : vector<16xf32>
      %get3A_308 = arith.index_cast %add3A_276 : i32 to index
      %get3A_309 = arith.constant 32 : index
      %get3A_310 = tpu.vector_load %arg9[%get3A_308, %get3A_309] {strides = array<i32>} : memref<512x64xf32, #tpu.memory_space<vmem>>, vector<1x16xf32>,
      %get3A_311 = vector.shape_cast %get3A_310 : vector<1x16xf32> to vector<16xf32>
      %get3A_312 = arith.index_cast %add3A_276 : i32 to index
      %get3A_313 = arith.constant 32 : index
      %get3A_314 = tpu.vector_load %arg11[%get3A_312, %get3A_313] {strides = array<i32>} : memref<512x64xf32, #tpu.memory_space<vmem>>, vector<1x16xf32>,
      %get3A_315 = vector.shape_cast %get3A_314 : vector<1x16xf32> to vector<16xf32>
      %add3A_316 = arith.addf %get3A_311, %get3A_315 : vector<16xf32>
      %get3A_317 = arith.index_cast %add3A_276 : i32 to index
      %get3A_318 = arith.constant 32 : index
      %get3A_319 = tpu.vector_load %arg10[%get3A_317, %get3A_318] {strides = array<i32>} : memref<512x64xf32, #tpu.memory_space<vmem>>, vector<1x16xf32>,
      %get3A_320 = vector.shape_cast %get3A_319 : vector<1x16xf32> to vector<16xf32>
      %sub3A_321 = arith.subf %add3A_316, %get3A_320 : vector<16xf32>
      %abs3A_322 = math.absf %sub3A_321 : vector<16xf32>
      %add3A_323 = arith.addf %add3A_307, %abs3A_322 : vector<16xf32>
      %get3A_324 = arith.index_cast %add3A_276 : i32 to index
      %get3A_325 = arith.constant 48 : index
      %get3A_326 = tpu.vector_load %arg9[%get3A_324, %get3A_325] {strides = array<i32>} : memref<512x64xf32, #tpu.memory_space<vmem>>, vector<1x16xf32>,
      %get3A_327 = vector.shape_cast %get3A_326 : vector<1x16xf32> to vector<16xf32>
      %get3A_328 = arith.index_cast %add3A_276 : i32 to index
      %get3A_329 = arith.constant 48 : index
      %get3A_330 = tpu.vector_load %arg11[%get3A_328, %get3A_329] {strides = array<i32>} : memref<512x64xf32, #tpu.memory_space<vmem>>, vector<1x16xf32>,
      %get3A_331 = vector.shape_cast %get3A_330 : vector<1x16xf32> to vector<16xf32>
      %add3A_332 = arith.addf %get3A_327, %get3A_331 : vector<16xf32>
      %get3A_333 = arith.index_cast %add3A_276 : i32 to index
      %get3A_334 = arith.constant 48 : index
      %get3A_335 = tpu.vector_load %arg10[%get3A_333, %get3A_334] {strides = array<i32>} : memref<512x64xf32, #tpu.memory_space<vmem>>, vector<1x16xf32>,
      %get3A_336 = vector.shape_cast %get3A_335 : vector<1x16xf32> to vector<16xf32>
      %sub3A_337 = arith.subf %add3A_332, %get3A_336 : vector<16xf32>
      %abs3A_338 = math.absf %sub3A_337 : vector<16xf32>
      %add3A_339 = arith.addf %add3A_323, %abs3A_338 : vector<16xf32>
      %xor3A_340 = arith.constant 8 : i32
      %xor3A_341 = vector.broadcast %xor3A_340 : i32 to vector<16xi32>
      %xor3A_342 = arith.xori %iota3A, %xor3A_341 : vector<16xi32>
      %broadcast_in_dim3A_343 = vector.shape_cast %xor3A_342 : vector<16xi32> to vector<16x1xi32>
      %gather3A_344 = vector.shape_cast %broadcast_in_dim3A_343 : vector<16x1xi32> to vector<16xi32>
      %gather3A_345 = tpu.dynamic_gather %add3A_339[%gather3A_344] in [0] : vector<16xf32>, vector<16xi32> -> vector<16xf32>
      %add3A_346 = arith.addf %add3A_339, %gather3A_345 : vector<16xf32>
      %xor3A_347 = arith.constant 4 : i32
      %xor3A_348 = vector.broadcast %xor3A_347 : i32 to vector<16xi32>
      %xor3A_349 = arith.xori %iota3A, %xor3A_348 : vector<16xi32>
      %broadcast_in_dim3A_350 = vector.shape_cast %xor3A_349 : vector<16xi32> to vector<16x1xi32>
      %gather3A_351 = vector.shape_cast %broadcast_in_dim3A_350 : vector<16x1xi32> to vector<16xi32>
      %gather3A_352 = tpu.dynamic_gather %add3A_346[%gather3A_351] in [0] : vector<16xf32>, vector<16xi32> -> vector<16xf32>
      %add3A_353 = arith.addf %add3A_346, %gather3A_352 : vector<16xf32>
      %xor3A_354 = arith.constant 2 : i32
      %xor3A_355 = vector.broadcast %xor3A_354 : i32 to vector<16xi32>
      %xor3A_356 = arith.xori %iota3A, %xor3A_355 : vector<16xi32>
      %broadcast_in_dim3A_357 = vector.shape_cast %xor3A_356 : vector<16xi32> to vector<16x1xi32>
      %gather3A_358 = vector.shape_cast %broadcast_in_dim3A_357 : vector<16x1xi32> to vector<16xi32>
      %gather3A_359 = tpu.dynamic_gather %add3A_353[%gather3A_358] in [0] : vector<16xf32>, vector<16xi32> -> vector<16xf32>
      %add3A_360 = arith.addf %add3A_353, %gather3A_359 : vector<16xf32>
      %xor3A_361 = arith.constant 1 : i32
      %xor3A_362 = vector.broadcast %xor3A_361 : i32 to vector<16xi32>
      %xor3A_363 = arith.xori %iota3A, %xor3A_362 : vector<16xi32>
      %broadcast_in_dim3A_364 = vector.shape_cast %xor3A_363 : vector<16xi32> to vector<16x1xi32>
      %gather3A_365 = vector.shape_cast %broadcast_in_dim3A_364 : vector<16x1xi32> to vector<16xi32>
      %gather3A_366 = tpu.dynamic_gather %add3A_360[%gather3A_365] in [0] : vector<16xf32>, vector<16xi32> -> vector<16xf32>
      %add3A_367 = arith.addf %add3A_360, %gather3A_366 : vector<16xf32>
      %eq3A_368 = arith.constant 1 : i32
      %eq3A_369 = vector.broadcast %eq3A_368 : i32 to vector<16xi32>
      %eq3A_370 = arith.cmpi eq, %iota3A, %eq3A_369 : vector<16xi32>
      %sub3A_371 = arith.constant 1.200000e+01 : f32
      %sub3A_372 = vector.broadcast %sub3A_371 : f32 to vector<16xf32>
      %sub3A_373 = arith.subf %sub3A_372, %add3A_367 : vector<16xf32>
      %select_n3A_374 = arith.select %eq3A_370, %sub3A_373, %select_n3A : vector<16xi1>, vector<16xf32>
      %mul3A_375 = arith.constant 16 : i32
      %mul3A_376 = arith.muli %scan3A_176, %mul3A_375 : i32
      %add3A_377 = arith.constant 2 : i32
      %add3A_378 = arith.addi %mul3A_376, %add3A_377 : i32
      %get3A_379 = arith.index_cast %add3A_378 : i32 to index
      %get3A_380 = arith.constant 0 : index
      %get3A_381 = tpu.vector_load %arg9[%get3A_379, %get3A_380] {strides = array<i32>} : memref<512x64xf32, #tpu.memory_space<vmem>>, vector<1x16xf32>,
      %get3A_382 = vector.shape_cast %get3A_381 : vector<1x16xf32> to vector<16xf32>
      %get3A_383 = arith.index_cast %add3A_378 : i32 to index
      %get3A_384 = arith.constant 0 : index
      %get3A_385 = tpu.vector_load %arg11[%get3A_383, %get3A_384] {strides = array<i32>} : memref<512x64xf32, #tpu.memory_space<vmem>>, vector<1x16xf32>,
      %get3A_386 = vector.shape_cast %get3A_385 : vector<1x16xf32> to vector<16xf32>
      %add3A_387 = arith.addf %get3A_382, %get3A_386 : vector<16xf32>
      %get3A_388 = arith.index_cast %add3A_378 : i32 to index
      %get3A_389 = arith.constant 0 : index
      %get3A_390 = tpu.vector_load %arg10[%get3A_388, %get3A_389] {strides = array<i32>} : memref<512x64xf32, #tpu.memory_space<vmem>>, vector<1x16xf32>,
      %get3A_391 = vector.shape_cast %get3A_390 : vector<1x16xf32> to vector<16xf32>
      %sub3A_392 = arith.subf %add3A_387, %get3A_391 : vector<16xf32>
      %abs3A_393 = math.absf %sub3A_392 : vector<16xf32>
      %get3A_394 = arith.index_cast %add3A_378 : i32 to index
      %get3A_395 = arith.constant 16 : index
      %get3A_396 = tpu.vector_load %arg9[%get3A_394, %get3A_395] {strides = array<i32>} : memref<512x64xf32, #tpu.memory_space<vmem>>, vector<1x16xf32>,
      %get3A_397 = vector.shape_cast %get3A_396 : vector<1x16xf32> to vector<16xf32>
      %get3A_398 = arith.index_cast %add3A_378 : i32 to index
      %get3A_399 = arith.constant 16 : index
      %get3A_400 = tpu.vector_load %arg11[%get3A_398, %get3A_399] {strides = array<i32>} : memref<512x64xf32, #tpu.memory_space<vmem>>, vector<1x16xf32>,
      %get3A_401 = vector.shape_cast %get3A_400 : vector<1x16xf32> to vector<16xf32>
      %add3A_402 = arith.addf %get3A_397, %get3A_401 : vector<16xf32>
      %get3A_403 = arith.index_cast %add3A_378 : i32 to index
      %get3A_404 = arith.constant 16 : index
      %get3A_405 = tpu.vector_load %arg10[%get3A_403, %get3A_404] {strides = array<i32>} : memref<512x64xf32, #tpu.memory_space<vmem>>, vector<1x16xf32>,
      %get3A_406 = vector.shape_cast %get3A_405 : vector<1x16xf32> to vector<16xf32>
      %sub3A_407 = arith.subf %add3A_402, %get3A_406 : vector<16xf32>
      %abs3A_408 = math.absf %sub3A_407 : vector<16xf32>
      %add3A_409 = arith.addf %abs3A_393, %abs3A_408 : vector<16xf32>
      %get3A_410 = arith.index_cast %add3A_378 : i32 to index
      %get3A_411 = arith.constant 32 : index
      %get3A_412 = tpu.vector_load %arg9[%get3A_410, %get3A_411] {strides = array<i32>} : memref<512x64xf32, #tpu.memory_space<vmem>>, vector<1x16xf32>,
      %get3A_413 = vector.shape_cast %get3A_412 : vector<1x16xf32> to vector<16xf32>
      %get3A_414 = arith.index_cast %add3A_378 : i32 to index
      %get3A_415 = arith.constant 32 : index
      %get3A_416 = tpu.vector_load %arg11[%get3A_414, %get3A_415] {strides = array<i32>} : memref<512x64xf32, #tpu.memory_space<vmem>>, vector<1x16xf32>,
      %get3A_417 = vector.shape_cast %get3A_416 : vector<1x16xf32> to vector<16xf32>
      %add3A_418 = arith.addf %get3A_413, %get3A_417 : vector<16xf32>
      %get3A_419 = arith.index_cast %add3A_378 : i32 to index
      %get3A_420 = arith.constant 32 : index
      %get3A_421 = tpu.vector_load %arg10[%get3A_419, %get3A_420] {strides = array<i32>} : memref<512x64xf32, #tpu.memory_space<vmem>>, vector<1x16xf32>,
      %get3A_422 = vector.shape_cast %get3A_421 : vector<1x16xf32> to vector<16xf32>
      %sub3A_423 = arith.subf %add3A_418, %get3A_422 : vector<16xf32>
      %abs3A_424 = math.absf %sub3A_423 : vector<16xf32>
      %add3A_425 = arith.addf %add3A_409, %abs3A_424 : vector<16xf32>
      %get3A_426 = arith.index_cast %add3A_378 : i32 to index
      %get3A_427 = arith.constant 48 : index
      %get3A_428 = tpu.vector_load %arg9[%get3A_426, %get3A_427] {strides = array<i32>} : memref<512x64xf32, #tpu.memory_space<vmem>>, vector<1x16xf32>,
      %get3A_429 = vector.shape_cast %get3A_428 : vector<1x16xf32> to vector<16xf32>
      %get3A_430 = arith.index_cast %add3A_378 : i32 to index
      %get3A_431 = arith.constant 48 : index
      %get3A_432 = tpu.vector_load %arg11[%get3A_430, %get3A_431] {strides = array<i32>} : memref<512x64xf32, #tpu.memory_space<vmem>>, vector<1x16xf32>,
      %get3A_433 = vector.shape_cast %get3A_432 : vector<1x16xf32> to vector<16xf32>
      %add3A_434 = arith.addf %get3A_429, %get3A_433 : vector<16xf32>
      %get3A_435 = arith.index_cast %add3A_378 : i32 to index
      %get3A_436 = arith.constant 48 : index
      %get3A_437 = tpu.vector_load %arg10[%get3A_435, %get3A_436] {strides = array<i32>} : memref<512x64xf32, #tpu.memory_space<vmem>>, vector<1x16xf32>,
      %get3A_438 = vector.shape_cast %get3A_437 : vector<1x16xf32> to vector<16xf32>
      %sub3A_439 = arith.subf %add3A_434, %get3A_438 : vector<16xf32>
      %abs3A_440 = math.absf %sub3A_439 : vector<16xf32>
      %add3A_441 = arith.addf %add3A_425, %abs3A_440 : vector<16xf32>
      %xor3A_442 = arith.constant 8 : i32
      %xor3A_443 = vector.broadcast %xor3A_442 : i32 to vector<16xi32>
      %xor3A_444 = arith.xori %iota3A, %xor3A_443 : vector<16xi32>
      %broadcast_in_dim3A_445 = vector.shape_cast %xor3A_444 : vector<16xi32> to vector<16x1xi32>
      %gather3A_446 = vector.shape_cast %broadcast_in_dim3A_445 : vector<16x1xi32> to vector<16xi32>
      %gather3A_447 = tpu.dynamic_gather %add3A_441[%gather3A_446] in [0] : vector<16xf32>, vector<16xi32> -> vector<16xf32>
      %add3A_448 = arith.addf %add3A_441, %gather3A_447 : vector<16xf32>
      %xor3A_449 = arith.constant 4 : i32
      %xor3A_450 = vector.broadcast %xor3A_449 : i32 to vector<16xi32>
      %xor3A_451 = arith.xori %iota3A, %xor3A_450 : vector<16xi32>
      %broadcast_in_dim3A_452 = vector.shape_cast %xor3A_451 : vector<16xi32> to vector<16x1xi32>
      %gather3A_453 = vector.shape_cast %broadcast_in_dim3A_452 : vector<16x1xi32> to vector<16xi32>
      %gather3A_454 = tpu.dynamic_gather %add3A_448[%gather3A_453] in [0] : vector<16xf32>, vector<16xi32> -> vector<16xf32>
      %add3A_455 = arith.addf %add3A_448, %gather3A_454 : vector<16xf32>
      %xor3A_456 = arith.constant 2 : i32
      %xor3A_457 = vector.broadcast %xor3A_456 : i32 to vector<16xi32>
      %xor3A_458 = arith.xori %iota3A, %xor3A_457 : vector<16xi32>
      %broadcast_in_dim3A_459 = vector.shape_cast %xor3A_458 : vector<16xi32> to vector<16x1xi32>
      %gather3A_460 = vector.shape_cast %broadcast_in_dim3A_459 : vector<16x1xi32> to vector<16xi32>
      %gather3A_461 = tpu.dynamic_gather %add3A_455[%gather3A_460] in [0] : vector<16xf32>, vector<16xi32> -> vector<16xf32>
      %add3A_462 = arith.addf %add3A_455, %gather3A_461 : vector<16xf32>
      %xor3A_463 = arith.constant 1 : i32
      %xor3A_464 = vector.broadcast %xor3A_463 : i32 to vector<16xi32>
      %xor3A_465 = arith.xori %iota3A, %xor3A_464 : vector<16xi32>
      %broadcast_in_dim3A_466 = vector.shape_cast %xor3A_465 : vector<16xi32> to vector<16x1xi32>
      %gather3A_467 = vector.shape_cast %broadcast_in_dim3A_466 : vector<16x1xi32> to vector<16xi32>
      %gather3A_468 = tpu.dynamic_gather %add3A_462[%gather3A_467] in [0] : vector<16xf32>, vector<16xi32> -> vector<16xf32>
      %add3A_469 = arith.addf %add3A_462, %gather3A_468 : vector<16xf32>
      %eq3A_470 = arith.constant 2 : i32
      %eq3A_471 = vector.broadcast %eq3A_470 : i32 to vector<16xi32>
      %eq3A_472 = arith.cmpi eq, %iota3A, %eq3A_471 : vector<16xi32>
      %sub3A_473 = arith.constant 1.200000e+01 : f32
      %sub3A_474 = vector.broadcast %sub3A_473 : f32 to vector<16xf32>
      %sub3A_475 = arith.subf %sub3A_474, %add3A_469 : vector<16xf32>
      %select_n3A_476 = arith.select %eq3A_472, %sub3A_475, %select_n3A_374 : vector<16xi1>, vector<16xf32>
      %mul3A_477 = arith.constant 16 : i32
      %mul3A_478 = arith.muli %scan3A_176, %mul3A_477 : i32
      %add3A_479 = arith.constant 3 : i32
      %add3A_480 = arith.addi %mul3A_478, %add3A_479 : i32
      %get3A_481 = arith.index_cast %add3A_480 : i32 to index
      %get3A_482 = arith.constant 0 : index
      %get3A_483 = tpu.vector_load %arg9[%get3A_481, %get3A_482] {strides = array<i32>} : memref<512x64xf32, #tpu.memory_space<vmem>>, vector<1x16xf32>,
      %get3A_484 = vector.shape_cast %get3A_483 : vector<1x16xf32> to vector<16xf32>
      %get3A_485 = arith.index_cast %add3A_480 : i32 to index
      %get3A_486 = arith.constant 0 : index
      %get3A_487 = tpu.vector_load %arg11[%get3A_485, %get3A_486] {strides = array<i32>} : memref<512x64xf32, #tpu.memory_space<vmem>>, vector<1x16xf32>,
      %get3A_488 = vector.shape_cast %get3A_487 : vector<1x16xf32> to vector<16xf32>
      %add3A_489 = arith.addf %get3A_484, %get3A_488 : vector<16xf32>
      %get3A_490 = arith.index_cast %add3A_480 : i32 to index
      %get3A_491 = arith.constant 0 : index
      %get3A_492 = tpu.vector_load %arg10[%get3A_490, %get3A_491] {strides = array<i32>} : memref<512x64xf32, #tpu.memory_space<vmem>>, vector<1x16xf32>,
      %get3A_493 = vector.shape_cast %get3A_492 : vector<1x16xf32> to vector<16xf32>
      %sub3A_494 = arith.subf %add3A_489, %get3A_493 : vector<16xf32>
      %abs3A_495 = math.absf %sub3A_494 : vector<16xf32>
      %get3A_496 = arith.index_cast %add3A_480 : i32 to index
      %get3A_497 = arith.constant 16 : index
      %get3A_498 = tpu.vector_load %arg9[%get3A_496, %get3A_497] {strides = array<i32>} : memref<512x64xf32, #tpu.memory_space<vmem>>, vector<1x16xf32>,
      %get3A_499 = vector.shape_cast %get3A_498 : vector<1x16xf32> to vector<16xf32>
      %get3A_500 = arith.index_cast %add3A_480 : i32 to index
      %get3A_501 = arith.constant 16 : index
      %get3A_502 = tpu.vector_load %arg11[%get3A_500, %get3A_501] {strides = array<i32>} : memref<512x64xf32, #tpu.memory_space<vmem>>, vector<1x16xf32>,
      %get3A_503 = vector.shape_cast %get3A_502 : vector<1x16xf32> to vector<16xf32>
      %add3A_504 = arith.addf %get3A_499, %get3A_503 : vector<16xf32>
      %get3A_505 = arith.index_cast %add3A_480 : i32 to index
      %get3A_506 = arith.constant 16 : index
      %get3A_507 = tpu.vector_load %arg10[%get3A_505, %get3A_506] {strides = array<i32>} : memref<512x64xf32, #tpu.memory_space<vmem>>, vector<1x16xf32>,
      %get3A_508 = vector.shape_cast %get3A_507 : vector<1x16xf32> to vector<16xf32>
      %sub3A_509 = arith.subf %add3A_504, %get3A_508 : vector<16xf32>
      %abs3A_510 = math.absf %sub3A_509 : vector<16xf32>
      %add3A_511 = arith.addf %abs3A_495, %abs3A_510 : vector<16xf32>
      %get3A_512 = arith.index_cast %add3A_480 : i32 to index
      %get3A_513 = arith.constant 32 : index
      %get3A_514 = tpu.vector_load %arg9[%get3A_512, %get3A_513] {strides = array<i32>} : memref<512x64xf32, #tpu.memory_space<vmem>>, vector<1x16xf32>,
      %get3A_515 = vector.shape_cast %get3A_514 : vector<1x16xf32> to vector<16xf32>
      %get3A_516 = arith.index_cast %add3A_480 : i32 to index
      %get3A_517 = arith.constant 32 : index
      %get3A_518 = tpu.vector_load %arg11[%get3A_516, %get3A_517] {strides = array<i32>} : memref<512x64xf32, #tpu.memory_space<vmem>>, vector<1x16xf32>,
      %get3A_519 = vector.shape_cast %get3A_518 : vector<1x16xf32> to vector<16xf32>
      %add3A_520 = arith.addf %get3A_515, %get3A_519 : vector<16xf32>
      %get3A_521 = arith.index_cast %add3A_480 : i32 to index
      %get3A_522 = arith.constant 32 : index
      %get3A_523 = tpu.vector_load %arg10[%get3A_521, %get3A_522] {strides = array<i32>} : memref<512x64xf32, #tpu.memory_space<vmem>>, vector<1x16xf32>,
      %get3A_524 = vector.shape_cast %get3A_523 : vector<1x16xf32> to vector<16xf32>
      %sub3A_525 = arith.subf %add3A_520, %get3A_524 : vector<16xf32>
      %abs3A_526 = math.absf %sub3A_525 : vector<16xf32>
      %add3A_527 = arith.addf %add3A_511, %abs3A_526 : vector<16xf32>
      %get3A_528 = arith.index_cast %add3A_480 : i32 to index
      %get3A_529 = arith.constant 48 : index
      %get3A_530 = tpu.vector_load %arg9[%get3A_528, %get3A_529] {strides = array<i32>} : memref<512x64xf32, #tpu.memory_space<vmem>>, vector<1x16xf32>,
      %get3A_531 = vector.shape_cast %get3A_530 : vector<1x16xf32> to vector<16xf32>
      %get3A_532 = arith.index_cast %add3A_480 : i32 to index
      %get3A_533 = arith.constant 48 : index
      %get3A_534 = tpu.vector_load %arg11[%get3A_532, %get3A_533] {strides = array<i32>} : memref<512x64xf32, #tpu.memory_space<vmem>>, vector<1x16xf32>,
      %get3A_535 = vector.shape_cast %get3A_534 : vector<1x16xf32> to vector<16xf32>
      %add3A_536 = arith.addf %get3A_531, %get3A_535 : vector<16xf32>
      %get3A_537 = arith.index_cast %add3A_480 : i32 to index
      %get3A_538 = arith.constant 48 : index
      %get3A_539 = tpu.vector_load %arg10[%get3A_537, %get3A_538] {strides = array<i32>} : memref<512x64xf32, #tpu.memory_space<vmem>>, vector<1x16xf32>,
      %get3A_540 = vector.shape_cast %get3A_539 : vector<1x16xf32> to vector<16xf32>
      %sub3A_541 = arith.subf %add3A_536, %get3A_540 : vector<16xf32>
      %abs3A_542 = math.absf %sub3A_541 : vector<16xf32>
      %add3A_543 = arith.addf %add3A_527, %abs3A_542 : vector<16xf32>
      %xor3A_544 = arith.constant 8 : i32
      %xor3A_545 = vector.broadcast %xor3A_544 : i32 to vector<16xi32>
      %xor3A_546 = arith.xori %iota3A, %xor3A_545 : vector<16xi32>
      %broadcast_in_dim3A_547 = vector.shape_cast %xor3A_546 : vector<16xi32> to vector<16x1xi32>
      %gather3A_548 = vector.shape_cast %broadcast_in_dim3A_547 : vector<16x1xi32> to vector<16xi32>
      %gather3A_549 = tpu.dynamic_gather %add3A_543[%gather3A_548] in [0] : vector<16xf32>, vector<16xi32> -> vector<16xf32>
      %add3A_550 = arith.addf %add3A_543, %gather3A_549 : vector<16xf32>
      %xor3A_551 = arith.constant 4 : i32
      %xor3A_552 = vector.broadcast %xor3A_551 : i32 to vector<16xi32>
      %xor3A_553 = arith.xori %iota3A, %xor3A_552 : vector<16xi32>
      %broadcast_in_dim3A_554 = vector.shape_cast %xor3A_553 : vector<16xi32> to vector<16x1xi32>
      %gather3A_555 = vector.shape_cast %broadcast_in_dim3A_554 : vector<16x1xi32> to vector<16xi32>
      %gather3A_556 = tpu.dynamic_gather %add3A_550[%gather3A_555] in [0] : vector<16xf32>, vector<16xi32> -> vector<16xf32>
      %add3A_557 = arith.addf %add3A_550, %gather3A_556 : vector<16xf32>
      %xor3A_558 = arith.constant 2 : i32
      %xor3A_559 = vector.broadcast %xor3A_558 : i32 to vector<16xi32>
      %xor3A_560 = arith.xori %iota3A, %xor3A_559 : vector<16xi32>
      %broadcast_in_dim3A_561 = vector.shape_cast %xor3A_560 : vector<16xi32> to vector<16x1xi32>
      %gather3A_562 = vector.shape_cast %broadcast_in_dim3A_561 : vector<16x1xi32> to vector<16xi32>
      %gather3A_563 = tpu.dynamic_gather %add3A_557[%gather3A_562] in [0] : vector<16xf32>, vector<16xi32> -> vector<16xf32>
      %add3A_564 = arith.addf %add3A_557, %gather3A_563 : vector<16xf32>
      %xor3A_565 = arith.constant 1 : i32
      %xor3A_566 = vector.broadcast %xor3A_565 : i32 to vector<16xi32>
      %xor3A_567 = arith.xori %iota3A, %xor3A_566 : vector<16xi32>
      %broadcast_in_dim3A_568 = vector.shape_cast %xor3A_567 : vector<16xi32> to vector<16x1xi32>
      %gather3A_569 = vector.shape_cast %broadcast_in_dim3A_568 : vector<16x1xi32> to vector<16xi32>
      %gather3A_570 = tpu.dynamic_gather %add3A_564[%gather3A_569] in [0] : vector<16xf32>, vector<16xi32> -> vector<16xf32>
      %add3A_571 = arith.addf %add3A_564, %gather3A_570 : vector<16xf32>
      %eq3A_572 = arith.constant 3 : i32
      %eq3A_573 = vector.broadcast %eq3A_572 : i32 to vector<16xi32>
      %eq3A_574 = arith.cmpi eq, %iota3A, %eq3A_573 : vector<16xi32>
      %sub3A_575 = arith.constant 1.200000e+01 : f32
      %sub3A_576 = vector.broadcast %sub3A_575 : f32 to vector<16xf32>
      %sub3A_577 = arith.subf %sub3A_576, %add3A_571 : vector<16xf32>
      %select_n3A_578 = arith.select %eq3A_574, %sub3A_577, %select_n3A_476 : vector<16xi1>, vector<16xf32>
      %mul3A_579 = arith.constant 16 : i32
      %mul3A_580 = arith.muli %scan3A_176, %mul3A_579 : i32
      %add3A_581 = arith.constant 4 : i32
      %add3A_582 = arith.addi %mul3A_580, %add3A_581 : i32
      %get3A_583 = arith.index_cast %add3A_582 : i32 to index
      %get3A_584 = arith.constant 0 : index
      %get3A_585 = tpu.vector_load %arg9[%get3A_583, %get3A_584] {strides = array<i32>} : memref<512x64xf32, #tpu.memory_space<vmem>>, vector<1x16xf32>,
      %get3A_586 = vector.shape_cast %get3A_585 : vector<1x16xf32> to vector<16xf32>
      %get3A_587 = arith.index_cast %add3A_582 : i32 to index
      %get3A_588 = arith.constant 0 : index
      %get3A_589 = tpu.vector_load %arg11[%get3A_587, %get3A_588] {strides = array<i32>} : memref<512x64xf32, #tpu.memory_space<vmem>>, vector<1x16xf32>,
      %get3A_590 = vector.shape_cast %get3A_589 : vector<1x16xf32> to vector<16xf32>
      %add3A_591 = arith.addf %get3A_586, %get3A_590 : vector<16xf32>
      %get3A_592 = arith.index_cast %add3A_582 : i32 to index
      %get3A_593 = arith.constant 0 : index
      %get3A_594 = tpu.vector_load %arg10[%get3A_592, %get3A_593] {strides = array<i32>} : memref<512x64xf32, #tpu.memory_space<vmem>>, vector<1x16xf32>,
      %get3A_595 = vector.shape_cast %get3A_594 : vector<1x16xf32> to vector<16xf32>
      %sub3A_596 = arith.subf %add3A_591, %get3A_595 : vector<16xf32>
      %abs3A_597 = math.absf %sub3A_596 : vector<16xf32>
      %get3A_598 = arith.index_cast %add3A_582 : i32 to index
      %get3A_599 = arith.constant 16 : index
      %get3A_600 = tpu.vector_load %arg9[%get3A_598, %get3A_599] {strides = array<i32>} : memref<512x64xf32, #tpu.memory_space<vmem>>, vector<1x16xf32>,
      %get3A_601 = vector.shape_cast %get3A_600 : vector<1x16xf32> to vector<16xf32>
      %get3A_602 = arith.index_cast %add3A_582 : i32 to index
      %get3A_603 = arith.constant 16 : index
      %get3A_604 = tpu.vector_load %arg11[%get3A_602, %get3A_603] {strides = array<i32>} : memref<512x64xf32, #tpu.memory_space<vmem>>, vector<1x16xf32>,
      %get3A_605 = vector.shape_cast %get3A_604 : vector<1x16xf32> to vector<16xf32>
      %add3A_606 = arith.addf %get3A_601, %get3A_605 : vector<16xf32>
      %get3A_607 = arith.index_cast %add3A_582 : i32 to index
      %get3A_608 = arith.constant 16 : index
      %get3A_609 = tpu.vector_load %arg10[%get3A_607, %get3A_608] {strides = array<i32>} : memref<512x64xf32, #tpu.memory_space<vmem>>, vector<1x16xf32>,
      %get3A_610 = vector.shape_cast %get3A_609 : vector<1x16xf32> to vector<16xf32>
      %sub3A_611 = arith.subf %add3A_606, %get3A_610 : vector<16xf32>
      %abs3A_612 = math.absf %sub3A_611 : vector<16xf32>
      %add3A_613 = arith.addf %abs3A_597, %abs3A_612 : vector<16xf32>
      %get3A_614 = arith.index_cast %add3A_582 : i32 to index
      %get3A_615 = arith.constant 32 : index
      %get3A_616 = tpu.vector_load %arg9[%get3A_614, %get3A_615] {strides = array<i32>} : memref<512x64xf32, #tpu.memory_space<vmem>>, vector<1x16xf32>,
      %get3A_617 = vector.shape_cast %get3A_616 : vector<1x16xf32> to vector<16xf32>
      %get3A_618 = arith.index_cast %add3A_582 : i32 to index
      %get3A_619 = arith.constant 32 : index
      %get3A_620 = tpu.vector_load %arg11[%get3A_618, %get3A_619] {strides = array<i32>} : memref<512x64xf32, #tpu.memory_space<vmem>>, vector<1x16xf32>,
      %get3A_621 = vector.shape_cast %get3A_620 : vector<1x16xf32> to vector<16xf32>
      %add3A_622 = arith.addf %get3A_617, %get3A_621 : vector<16xf32>
      %get3A_623 = arith.index_cast %add3A_582 : i32 to index
      %get3A_624 = arith.constant 32 : index
      %get3A_625 = tpu.vector_load %arg10[%get3A_623, %get3A_624] {strides = array<i32>} : memref<512x64xf32, #tpu.memory_space<vmem>>, vector<1x16xf32>,
      %get3A_626 = vector.shape_cast %get3A_625 : vector<1x16xf32> to vector<16xf32>
      %sub3A_627 = arith.subf %add3A_622, %get3A_626 : vector<16xf32>
      %abs3A_628 = math.absf %sub3A_627 : vector<16xf32>
      %add3A_629 = arith.addf %add3A_613, %abs3A_628 : vector<16xf32>
      %get3A_630 = arith.index_cast %add3A_582 : i32 to index
      %get3A_631 = arith.constant 48 : index
      %get3A_632 = tpu.vector_load %arg9[%get3A_630, %get3A_631] {strides = array<i32>} : memref<512x64xf32, #tpu.memory_space<vmem>>, vector<1x16xf32>,
      %get3A_633 = vector.shape_cast %get3A_632 : vector<1x16xf32> to vector<16xf32>
      %get3A_634 = arith.index_cast %add3A_582 : i32 to index
      %get3A_635 = arith.constant 48 : index
      %get3A_636 = tpu.vector_load %arg11[%get3A_634, %get3A_635] {strides = array<i32>} : memref<512x64xf32, #tpu.memory_space<vmem>>, vector<1x16xf32>,
      %get3A_637 = vector.shape_cast %get3A_636 : vector<1x16xf32> to vector<16xf32>
      %add3A_638 = arith.addf %get3A_633, %get3A_637 : vector<16xf32>
      %get3A_639 = arith.index_cast %add3A_582 : i32 to index
      %get3A_640 = arith.constant 48 : index
      %get3A_641 = tpu.vector_load %arg10[%get3A_639, %get3A_640] {strides = array<i32>} : memref<512x64xf32, #tpu.memory_space<vmem>>, vector<1x16xf32>,
      %get3A_642 = vector.shape_cast %get3A_641 : vector<1x16xf32> to vector<16xf32>
      %sub3A_643 = arith.subf %add3A_638, %get3A_642 : vector<16xf32>
      %abs3A_644 = math.absf %sub3A_643 : vector<16xf32>
      %add3A_645 = arith.addf %add3A_629, %abs3A_644 : vector<16xf32>
      %xor3A_646 = arith.constant 8 : i32
      %xor3A_647 = vector.broadcast %xor3A_646 : i32 to vector<16xi32>
      %xor3A_648 = arith.xori %iota3A, %xor3A_647 : vector<16xi32>
      %broadcast_in_dim3A_649 = vector.shape_cast %xor3A_648 : vector<16xi32> to vector<16x1xi32>
      %gather3A_650 = vector.shape_cast %broadcast_in_dim3A_649 : vector<16x1xi32> to vector<16xi32>
      %gather3A_651 = tpu.dynamic_gather %add3A_645[%gather3A_650] in [0] : vector<16xf32>, vector<16xi32> -> vector<16xf32>
      %add3A_652 = arith.addf %add3A_645, %gather3A_651 : vector<16xf32>
      %xor3A_653 = arith.constant 4 : i32
      %xor3A_654 = vector.broadcast %xor3A_653 : i32 to vector<16xi32>
      %xor3A_655 = arith.xori %iota3A, %xor3A_654 : vector<16xi32>
      %broadcast_in_dim3A_656 = vector.shape_cast %xor3A_655 : vector<16xi32> to vector<16x1xi32>
      %gather3A_657 = vector.shape_cast %broadcast_in_dim3A_656 : vector<16x1xi32> to vector<16xi32>
      %gather3A_658 = tpu.dynamic_gather %add3A_652[%gather3A_657] in [0] : vector<16xf32>, vector<16xi32> -> vector<16xf32>
      %add3A_659 = arith.addf %add3A_652, %gather3A_658 : vector<16xf32>
      %xor3A_660 = arith.constant 2 : i32
      %xor3A_661 = vector.broadcast %xor3A_660 : i32 to vector<16xi32>
      %xor3A_662 = arith.xori %iota3A, %xor3A_661 : vector<16xi32>
      %broadcast_in_dim3A_663 = vector.shape_cast %xor3A_662 : vector<16xi32> to vector<16x1xi32>
      %gather3A_664 = vector.shape_cast %broadcast_in_dim3A_663 : vector<16x1xi32> to vector<16xi32>
      %gather3A_665 = tpu.dynamic_gather %add3A_659[%gather3A_664] in [0] : vector<16xf32>, vector<16xi32> -> vector<16xf32>
      %add3A_666 = arith.addf %add3A_659, %gather3A_665 : vector<16xf32>
      %xor3A_667 = arith.constant 1 : i32
      %xor3A_668 = vector.broadcast %xor3A_667 : i32 to vector<16xi32>
      %xor3A_669 = arith.xori %iota3A, %xor3A_668 : vector<16xi32>
      %broadcast_in_dim3A_670 = vector.shape_cast %xor3A_669 : vector<16xi32> to vector<16x1xi32>
      %gather3A_671 = vector.shape_cast %broadcast_in_dim3A_670 : vector<16x1xi32> to vector<16xi32>
      %gather3A_672 = tpu.dynamic_gather %add3A_666[%gather3A_671] in [0] : vector<16xf32>, vector<16xi32> -> vector<16xf32>
      %add3A_673 = arith.addf %add3A_666, %gather3A_672 : vector<16xf32>
      %eq3A_674 = arith.constant 4 : i32
      %eq3A_675 = vector.broadcast %eq3A_674 : i32 to vector<16xi32>
      %eq3A_676 = arith.cmpi eq, %iota3A, %eq3A_675 : vector<16xi32>
      %sub3A_677 = arith.constant 1.200000e+01 : f32
      %sub3A_678 = vector.broadcast %sub3A_677 : f32 to vector<16xf32>
      %sub3A_679 = arith.subf %sub3A_678, %add3A_673 : vector<16xf32>
      %select_n3A_680 = arith.select %eq3A_676, %sub3A_679, %select_n3A_578 : vector<16xi1>, vector<16xf32>
      %mul3A_681 = arith.constant 16 : i32
      %mul3A_682 = arith.muli %scan3A_176, %mul3A_681 : i32
      %add3A_683 = arith.constant 5 : i32
      %add3A_684 = arith.addi %mul3A_682, %add3A_683 : i32
      %get3A_685 = arith.index_cast %add3A_684 : i32 to index
      %get3A_686 = arith.constant 0 : index
      %get3A_687 = tpu.vector_load %arg9[%get3A_685, %get3A_686] {strides = array<i32>} : memref<512x64xf32, #tpu.memory_space<vmem>>, vector<1x16xf32>,
      %get3A_688 = vector.shape_cast %get3A_687 : vector<1x16xf32> to vector<16xf32>
      %get3A_689 = arith.index_cast %add3A_684 : i32 to index
      %get3A_690 = arith.constant 0 : index
      %get3A_691 = tpu.vector_load %arg11[%get3A_689, %get3A_690] {strides = array<i32>} : memref<512x64xf32, #tpu.memory_space<vmem>>, vector<1x16xf32>,
      %get3A_692 = vector.shape_cast %get3A_691 : vector<1x16xf32> to vector<16xf32>
      %add3A_693 = arith.addf %get3A_688, %get3A_692 : vector<16xf32>
      %get3A_694 = arith.index_cast %add3A_684 : i32 to index
      %get3A_695 = arith.constant 0 : index
      %get3A_696 = tpu.vector_load %arg10[%get3A_694, %get3A_695] {strides = array<i32>} : memref<512x64xf32, #tpu.memory_space<vmem>>, vector<1x16xf32>,
      %get3A_697 = vector.shape_cast %get3A_696 : vector<1x16xf32> to vector<16xf32>
      %sub3A_698 = arith.subf %add3A_693, %get3A_697 : vector<16xf32>
      %abs3A_699 = math.absf %sub3A_698 : vector<16xf32>
      %get3A_700 = arith.index_cast %add3A_684 : i32 to index
      %get3A_701 = arith.constant 16 : index
      %get3A_702 = tpu.vector_load %arg9[%get3A_700, %get3A_701] {strides = array<i32>} : memref<512x64xf32, #tpu.memory_space<vmem>>, vector<1x16xf32>,
      %get3A_703 = vector.shape_cast %get3A_702 : vector<1x16xf32> to vector<16xf32>
      %get3A_704 = arith.index_cast %add3A_684 : i32 to index
      %get3A_705 = arith.constant 16 : index
      %get3A_706 = tpu.vector_load %arg11[%get3A_704, %get3A_705] {strides = array<i32>} : memref<512x64xf32, #tpu.memory_space<vmem>>, vector<1x16xf32>,
      %get3A_707 = vector.shape_cast %get3A_706 : vector<1x16xf32> to vector<16xf32>
      %add3A_708 = arith.addf %get3A_703, %get3A_707 : vector<16xf32>
      %get3A_709 = arith.index_cast %add3A_684 : i32 to index
      %get3A_710 = arith.constant 16 : index
      %get3A_711 = tpu.vector_load %arg10[%get3A_709, %get3A_710] {strides = array<i32>} : memref<512x64xf32, #tpu.memory_space<vmem>>, vector<1x16xf32>,
      %get3A_712 = vector.shape_cast %get3A_711 : vector<1x16xf32> to vector<16xf32>
      %sub3A_713 = arith.subf %add3A_708, %get3A_712 : vector<16xf32>
      %abs3A_714 = math.absf %sub3A_713 : vector<16xf32>
      %add3A_715 = arith.addf %abs3A_699, %abs3A_714 : vector<16xf32>
      %get3A_716 = arith.index_cast %add3A_684 : i32 to index
      %get3A_717 = arith.constant 32 : index
      %get3A_718 = tpu.vector_load %arg9[%get3A_716, %get3A_717] {strides = array<i32>} : memref<512x64xf32, #tpu.memory_space<vmem>>, vector<1x16xf32>,
      %get3A_719 = vector.shape_cast %get3A_718 : vector<1x16xf32> to vector<16xf32>
      %get3A_720 = arith.index_cast %add3A_684 : i32 to index
      %get3A_721 = arith.constant 32 : index
      %get3A_722 = tpu.vector_load %arg11[%get3A_720, %get3A_721] {strides = array<i32>} : memref<512x64xf32, #tpu.memory_space<vmem>>, vector<1x16xf32>,
      %get3A_723 = vector.shape_cast %get3A_722 : vector<1x16xf32> to vector<16xf32>
      %add3A_724 = arith.addf %get3A_719, %get3A_723 : vector<16xf32>
      %get3A_725 = arith.index_cast %add3A_684 : i32 to index
      %get3A_726 = arith.constant 32 : index
      %get3A_727 = tpu.vector_load %arg10[%get3A_725, %get3A_726] {strides = array<i32>} : memref<512x64xf32, #tpu.memory_space<vmem>>, vector<1x16xf32>,
      %get3A_728 = vector.shape_cast %get3A_727 : vector<1x16xf32> to vector<16xf32>
      %sub3A_729 = arith.subf %add3A_724, %get3A_728 : vector<16xf32>
      %abs3A_730 = math.absf %sub3A_729 : vector<16xf32>
      %add3A_731 = arith.addf %add3A_715, %abs3A_730 : vector<16xf32>
      %get3A_732 = arith.index_cast %add3A_684 : i32 to index
      %get3A_733 = arith.constant 48 : index
      %get3A_734 = tpu.vector_load %arg9[%get3A_732, %get3A_733] {strides = array<i32>} : memref<512x64xf32, #tpu.memory_space<vmem>>, vector<1x16xf32>,
      %get3A_735 = vector.shape_cast %get3A_734 : vector<1x16xf32> to vector<16xf32>
      %get3A_736 = arith.index_cast %add3A_684 : i32 to index
      %get3A_737 = arith.constant 48 : index
      %get3A_738 = tpu.vector_load %arg11[%get3A_736, %get3A_737] {strides = array<i32>} : memref<512x64xf32, #tpu.memory_space<vmem>>, vector<1x16xf32>,
      %get3A_739 = vector.shape_cast %get3A_738 : vector<1x16xf32> to vector<16xf32>
      %add3A_740 = arith.addf %get3A_735, %get3A_739 : vector<16xf32>
      %get3A_741 = arith.index_cast %add3A_684 : i32 to index
      %get3A_742 = arith.constant 48 : index
      %get3A_743 = tpu.vector_load %arg10[%get3A_741, %get3A_742] {strides = array<i32>} : memref<512x64xf32, #tpu.memory_space<vmem>>, vector<1x16xf32>,
      %get3A_744 = vector.shape_cast %get3A_743 : vector<1x16xf32> to vector<16xf32>
      %sub3A_745 = arith.subf %add3A_740, %get3A_744 : vector<16xf32>
      %abs3A_746 = math.absf %sub3A_745 : vector<16xf32>
      %add3A_747 = arith.addf %add3A_731, %abs3A_746 : vector<16xf32>
      %xor3A_748 = arith.constant 8 : i32
      %xor3A_749 = vector.broadcast %xor3A_748 : i32 to vector<16xi32>
      %xor3A_750 = arith.xori %iota3A, %xor3A_749 : vector<16xi32>
      %broadcast_in_dim3A_751 = vector.shape_cast %xor3A_750 : vector<16xi32> to vector<16x1xi32>
      %gather3A_752 = vector.shape_cast %broadcast_in_dim3A_751 : vector<16x1xi32> to vector<16xi32>
      %gather3A_753 = tpu.dynamic_gather %add3A_747[%gather3A_752] in [0] : vector<16xf32>, vector<16xi32> -> vector<16xf32>
      %add3A_754 = arith.addf %add3A_747, %gather3A_753 : vector<16xf32>
      %xor3A_755 = arith.constant 4 : i32
      %xor3A_756 = vector.broadcast %xor3A_755 : i32 to vector<16xi32>
      %xor3A_757 = arith.xori %iota3A, %xor3A_756 : vector<16xi32>
      %broadcast_in_dim3A_758 = vector.shape_cast %xor3A_757 : vector<16xi32> to vector<16x1xi32>
      %gather3A_759 = vector.shape_cast %broadcast_in_dim3A_758 : vector<16x1xi32> to vector<16xi32>
      %gather3A_760 = tpu.dynamic_gather %add3A_754[%gather3A_759] in [0] : vector<16xf32>, vector<16xi32> -> vector<16xf32>
      %add3A_761 = arith.addf %add3A_754, %gather3A_760 : vector<16xf32>
      %xor3A_762 = arith.constant 2 : i32
      %xor3A_763 = vector.broadcast %xor3A_762 : i32 to vector<16xi32>
      %xor3A_764 = arith.xori %iota3A, %xor3A_763 : vector<16xi32>
      %broadcast_in_dim3A_765 = vector.shape_cast %xor3A_764 : vector<16xi32> to vector<16x1xi32>
      %gather3A_766 = vector.shape_cast %broadcast_in_dim3A_765 : vector<16x1xi32> to vector<16xi32>
      %gather3A_767 = tpu.dynamic_gather %add3A_761[%gather3A_766] in [0] : vector<16xf32>, vector<16xi32> -> vector<16xf32>
      %add3A_768 = arith.addf %add3A_761, %gather3A_767 : vector<16xf32>
      %xor3A_769 = arith.constant 1 : i32
      %xor3A_770 = vector.broadcast %xor3A_769 : i32 to vector<16xi32>
      %xor3A_771 = arith.xori %iota3A, %xor3A_770 : vector<16xi32>
      %broadcast_in_dim3A_772 = vector.shape_cast %xor3A_771 : vector<16xi32> to vector<16x1xi32>
      %gather3A_773 = vector.shape_cast %broadcast_in_dim3A_772 : vector<16x1xi32> to vector<16xi32>
      %gather3A_774 = tpu.dynamic_gather %add3A_768[%gather3A_773] in [0] : vector<16xf32>, vector<16xi32> -> vector<16xf32>
      %add3A_775 = arith.addf %add3A_768, %gather3A_774 : vector<16xf32>
      %eq3A_776 = arith.constant 5 : i32
      %eq3A_777 = vector.broadcast %eq3A_776 : i32 to vector<16xi32>
      %eq3A_778 = arith.cmpi eq, %iota3A, %eq3A_777 : vector<16xi32>
      %sub3A_779 = arith.constant 1.200000e+01 : f32
      %sub3A_780 = vector.broadcast %sub3A_779 : f32 to vector<16xf32>
      %sub3A_781 = arith.subf %sub3A_780, %add3A_775 : vector<16xf32>
      %select_n3A_782 = arith.select %eq3A_778, %sub3A_781, %select_n3A_680 : vector<16xi1>, vector<16xf32>
      %mul3A_783 = arith.constant 16 : i32
      %mul3A_784 = arith.muli %scan3A_176, %mul3A_783 : i32
      %add3A_785 = arith.constant 6 : i32
      %add3A_786 = arith.addi %mul3A_784, %add3A_785 : i32
      %get3A_787 = arith.index_cast %add3A_786 : i32 to index
      %get3A_788 = arith.constant 0 : index
      %get3A_789 = tpu.vector_load %arg9[%get3A_787, %get3A_788] {strides = array<i32>} : memref<512x64xf32, #tpu.memory_space<vmem>>, vector<1x16xf32>,
      %get3A_790 = vector.shape_cast %get3A_789 : vector<1x16xf32> to vector<16xf32>
      %get3A_791 = arith.index_cast %add3A_786 : i32 to index
      %get3A_792 = arith.constant 0 : index
      %get3A_793 = tpu.vector_load %arg11[%get3A_791, %get3A_792] {strides = array<i32>} : memref<512x64xf32, #tpu.memory_space<vmem>>, vector<1x16xf32>,
      %get3A_794 = vector.shape_cast %get3A_793 : vector<1x16xf32> to vector<16xf32>
      %add3A_795 = arith.addf %get3A_790, %get3A_794 : vector<16xf32>
      %get3A_796 = arith.index_cast %add3A_786 : i32 to index
      %get3A_797 = arith.constant 0 : index
      %get3A_798 = tpu.vector_load %arg10[%get3A_796, %get3A_797] {strides = array<i32>} : memref<512x64xf32, #tpu.memory_space<vmem>>, vector<1x16xf32>,
      %get3A_799 = vector.shape_cast %get3A_798 : vector<1x16xf32> to vector<16xf32>
      %sub3A_800 = arith.subf %add3A_795, %get3A_799 : vector<16xf32>
      %abs3A_801 = math.absf %sub3A_800 : vector<16xf32>
      %get3A_802 = arith.index_cast %add3A_786 : i32 to index
      %get3A_803 = arith.constant 16 : index
      %get3A_804 = tpu.vector_load %arg9[%get3A_802, %get3A_803] {strides = array<i32>} : memref<512x64xf32, #tpu.memory_space<vmem>>, vector<1x16xf32>,
      %get3A_805 = vector.shape_cast %get3A_804 : vector<1x16xf32> to vector<16xf32>
      %get3A_806 = arith.index_cast %add3A_786 : i32 to index
      %get3A_807 = arith.constant 16 : index
      %get3A_808 = tpu.vector_load %arg11[%get3A_806, %get3A_807] {strides = array<i32>} : memref<512x64xf32, #tpu.memory_space<vmem>>, vector<1x16xf32>,
      %get3A_809 = vector.shape_cast %get3A_808 : vector<1x16xf32> to vector<16xf32>
      %add3A_810 = arith.addf %get3A_805, %get3A_809 : vector<16xf32>
      %get3A_811 = arith.index_cast %add3A_786 : i32 to index
      %get3A_812 = arith.constant 16 : index
      %get3A_813 = tpu.vector_load %arg10[%get3A_811, %get3A_812] {strides = array<i32>} : memref<512x64xf32, #tpu.memory_space<vmem>>, vector<1x16xf32>,
      %get3A_814 = vector.shape_cast %get3A_813 : vector<1x16xf32> to vector<16xf32>
      %sub3A_815 = arith.subf %add3A_810, %get3A_814 : vector<16xf32>
      %abs3A_816 = math.absf %sub3A_815 : vector<16xf32>
      %add3A_817 = arith.addf %abs3A_801, %abs3A_816 : vector<16xf32>
      %get3A_818 = arith.index_cast %add3A_786 : i32 to index
      %get3A_819 = arith.constant 32 : index
      %get3A_820 = tpu.vector_load %arg9[%get3A_818, %get3A_819] {strides = array<i32>} : memref<512x64xf32, #tpu.memory_space<vmem>>, vector<1x16xf32>,
      %get3A_821 = vector.shape_cast %get3A_820 : vector<1x16xf32> to vector<16xf32>
      %get3A_822 = arith.index_cast %add3A_786 : i32 to index
      %get3A_823 = arith.constant 32 : index
      %get3A_824 = tpu.vector_load %arg11[%get3A_822, %get3A_823] {strides = array<i32>} : memref<512x64xf32, #tpu.memory_space<vmem>>, vector<1x16xf32>,
      %get3A_825 = vector.shape_cast %get3A_824 : vector<1x16xf32> to vector<16xf32>
      %add3A_826 = arith.addf %get3A_821, %get3A_825 : vector<16xf32>
      %get3A_827 = arith.index_cast %add3A_786 : i32 to index
      %get3A_828 = arith.constant 32 : index
      %get3A_829 = tpu.vector_load %arg10[%get3A_827, %get3A_828] {strides = array<i32>} : memref<512x64xf32, #tpu.memory_space<vmem>>, vector<1x16xf32>,
      %get3A_830 = vector.shape_cast %get3A_829 : vector<1x16xf32> to vector<16xf32>
      %sub3A_831 = arith.subf %add3A_826, %get3A_830 : vector<16xf32>
      %abs3A_832 = math.absf %sub3A_831 : vector<16xf32>
      %add3A_833 = arith.addf %add3A_817, %abs3A_832 : vector<16xf32>
      %get3A_834 = arith.index_cast %add3A_786 : i32 to index
      %get3A_835 = arith.constant 48 : index
      %get3A_836 = tpu.vector_load %arg9[%get3A_834, %get3A_835] {strides = array<i32>} : memref<512x64xf32, #tpu.memory_space<vmem>>, vector<1x16xf32>,
      %get3A_837 = vector.shape_cast %get3A_836 : vector<1x16xf32> to vector<16xf32>
      %get3A_838 = arith.index_cast %add3A_786 : i32 to index
      %get3A_839 = arith.constant 48 : index
      %get3A_840 = tpu.vector_load %arg11[%get3A_838, %get3A_839] {strides = array<i32>} : memref<512x64xf32, #tpu.memory_space<vmem>>, vector<1x16xf32>,
      %get3A_841 = vector.shape_cast %get3A_840 : vector<1x16xf32> to vector<16xf32>
      %add3A_842 = arith.addf %get3A_837, %get3A_841 : vector<16xf32>
      %get3A_843 = arith.index_cast %add3A_786 : i32 to index
      %get3A_844 = arith.constant 48 : index
      %get3A_845 = tpu.vector_load %arg10[%get3A_843, %get3A_844] {strides = array<i32>} : memref<512x64xf32, #tpu.memory_space<vmem>>, vector<1x16xf32>,
      %get3A_846 = vector.shape_cast %get3A_845 : vector<1x16xf32> to vector<16xf32>
      %sub3A_847 = arith.subf %add3A_842, %get3A_846 : vector<16xf32>
      %abs3A_848 = math.absf %sub3A_847 : vector<16xf32>
      %add3A_849 = arith.addf %add3A_833, %abs3A_848 : vector<16xf32>
      %xor3A_850 = arith.constant 8 : i32
      %xor3A_851 = vector.broadcast %xor3A_850 : i32 to vector<16xi32>
      %xor3A_852 = arith.xori %iota3A, %xor3A_851 : vector<16xi32>
      %broadcast_in_dim3A_853 = vector.shape_cast %xor3A_852 : vector<16xi32> to vector<16x1xi32>
      %gather3A_854 = vector.shape_cast %broadcast_in_dim3A_853 : vector<16x1xi32> to vector<16xi32>
      %gather3A_855 = tpu.dynamic_gather %add3A_849[%gather3A_854] in [0] : vector<16xf32>, vector<16xi32> -> vector<16xf32>
      %add3A_856 = arith.addf %add3A_849, %gather3A_855 : vector<16xf32>
      %xor3A_857 = arith.constant 4 : i32
      %xor3A_858 = vector.broadcast %xor3A_857 : i32 to vector<16xi32>
      %xor3A_859 = arith.xori %iota3A, %xor3A_858 : vector<16xi32>
      %broadcast_in_dim3A_860 = vector.shape_cast %xor3A_859 : vector<16xi32> to vector<16x1xi32>
      %gather3A_861 = vector.shape_cast %broadcast_in_dim3A_860 : vector<16x1xi32> to vector<16xi32>
      %gather3A_862 = tpu.dynamic_gather %add3A_856[%gather3A_861] in [0] : vector<16xf32>, vector<16xi32> -> vector<16xf32>
      %add3A_863 = arith.addf %add3A_856, %gather3A_862 : vector<16xf32>
      %xor3A_864 = arith.constant 2 : i32
      %xor3A_865 = vector.broadcast %xor3A_864 : i32 to vector<16xi32>
      %xor3A_866 = arith.xori %iota3A, %xor3A_865 : vector<16xi32>
      %broadcast_in_dim3A_867 = vector.shape_cast %xor3A_866 : vector<16xi32> to vector<16x1xi32>
      %gather3A_868 = vector.shape_cast %broadcast_in_dim3A_867 : vector<16x1xi32> to vector<16xi32>
      %gather3A_869 = tpu.dynamic_gather %add3A_863[%gather3A_868] in [0] : vector<16xf32>, vector<16xi32> -> vector<16xf32>
      %add3A_870 = arith.addf %add3A_863, %gather3A_869 : vector<16xf32>
      %xor3A_871 = arith.constant 1 : i32
      %xor3A_872 = vector.broadcast %xor3A_871 : i32 to vector<16xi32>
      %xor3A_873 = arith.xori %iota3A, %xor3A_872 : vector<16xi32>
      %broadcast_in_dim3A_874 = vector.shape_cast %xor3A_873 : vector<16xi32> to vector<16x1xi32>
      %gather3A_875 = vector.shape_cast %broadcast_in_dim3A_874 : vector<16x1xi32> to vector<16xi32>
      %gather3A_876 = tpu.dynamic_gather %add3A_870[%gather3A_875] in [0] : vector<16xf32>, vector<16xi32> -> vector<16xf32>
      %add3A_877 = arith.addf %add3A_870, %gather3A_876 : vector<16xf32>
      %eq3A_878 = arith.constant 6 : i32
      %eq3A_879 = vector.broadcast %eq3A_878 : i32 to vector<16xi32>
      %eq3A_880 = arith.cmpi eq, %iota3A, %eq3A_879 : vector<16xi32>
      %sub3A_881 = arith.constant 1.200000e+01 : f32
      %sub3A_882 = vector.broadcast %sub3A_881 : f32 to vector<16xf32>
      %sub3A_883 = arith.subf %sub3A_882, %add3A_877 : vector<16xf32>
      %select_n3A_884 = arith.select %eq3A_880, %sub3A_883, %select_n3A_782 : vector<16xi1>, vector<16xf32>
      %mul3A_885 = arith.constant 16 : i32
      %mul3A_886 = arith.muli %scan3A_176, %mul3A_885 : i32
      %add3A_887 = arith.constant 7 : i32
      %add3A_888 = arith.addi %mul3A_886, %add3A_887 : i32
      %get3A_889 = arith.index_cast %add3A_888 : i32 to index
      %get3A_890 = arith.constant 0 : index
      %get3A_891 = tpu.vector_load %arg9[%get3A_889, %get3A_890] {strides = array<i32>} : memref<512x64xf32, #tpu.memory_space<vmem>>, vector<1x16xf32>,
      %get3A_892 = vector.shape_cast %get3A_891 : vector<1x16xf32> to vector<16xf32>
      %get3A_893 = arith.index_cast %add3A_888 : i32 to index
      %get3A_894 = arith.constant 0 : index
      %get3A_895 = tpu.vector_load %arg11[%get3A_893, %get3A_894] {strides = array<i32>} : memref<512x64xf32, #tpu.memory_space<vmem>>, vector<1x16xf32>,
      %get3A_896 = vector.shape_cast %get3A_895 : vector<1x16xf32> to vector<16xf32>
      %add3A_897 = arith.addf %get3A_892, %get3A_896 : vector<16xf32>
      %get3A_898 = arith.index_cast %add3A_888 : i32 to index
      %get3A_899 = arith.constant 0 : index
      %get3A_900 = tpu.vector_load %arg10[%get3A_898, %get3A_899] {strides = array<i32>} : memref<512x64xf32, #tpu.memory_space<vmem>>, vector<1x16xf32>,
      %get3A_901 = vector.shape_cast %get3A_900 : vector<1x16xf32> to vector<16xf32>
      %sub3A_902 = arith.subf %add3A_897, %get3A_901 : vector<16xf32>
      %abs3A_903 = math.absf %sub3A_902 : vector<16xf32>
      %get3A_904 = arith.index_cast %add3A_888 : i32 to index
      %get3A_905 = arith.constant 16 : index
      %get3A_906 = tpu.vector_load %arg9[%get3A_904, %get3A_905] {strides = array<i32>} : memref<512x64xf32, #tpu.memory_space<vmem>>, vector<1x16xf32>,
      %get3A_907 = vector.shape_cast %get3A_906 : vector<1x16xf32> to vector<16xf32>
      %get3A_908 = arith.index_cast %add3A_888 : i32 to index
      %get3A_909 = arith.constant 16 : index
      %get3A_910 = tpu.vector_load %arg11[%get3A_908, %get3A_909] {strides = array<i32>} : memref<512x64xf32, #tpu.memory_space<vmem>>, vector<1x16xf32>,
      %get3A_911 = vector.shape_cast %get3A_910 : vector<1x16xf32> to vector<16xf32>
      %add3A_912 = arith.addf %get3A_907, %get3A_911 : vector<16xf32>
      %get3A_913 = arith.index_cast %add3A_888 : i32 to index
      %get3A_914 = arith.constant 16 : index
      %get3A_915 = tpu.vector_load %arg10[%get3A_913, %get3A_914] {strides = array<i32>} : memref<512x64xf32, #tpu.memory_space<vmem>>, vector<1x16xf32>,
      %get3A_916 = vector.shape_cast %get3A_915 : vector<1x16xf32> to vector<16xf32>
      %sub3A_917 = arith.subf %add3A_912, %get3A_916 : vector<16xf32>
      %abs3A_918 = math.absf %sub3A_917 : vector<16xf32>
      %add3A_919 = arith.addf %abs3A_903, %abs3A_918 : vector<16xf32>
      %get3A_920 = arith.index_cast %add3A_888 : i32 to index
      %get3A_921 = arith.constant 32 : index
      %get3A_922 = tpu.vector_load %arg9[%get3A_920, %get3A_921] {strides = array<i32>} : memref<512x64xf32, #tpu.memory_space<vmem>>, vector<1x16xf32>,
      %get3A_923 = vector.shape_cast %get3A_922 : vector<1x16xf32> to vector<16xf32>
      %get3A_924 = arith.index_cast %add3A_888 : i32 to index
      %get3A_925 = arith.constant 32 : index
      %get3A_926 = tpu.vector_load %arg11[%get3A_924, %get3A_925] {strides = array<i32>} : memref<512x64xf32, #tpu.memory_space<vmem>>, vector<1x16xf32>,
      %get3A_927 = vector.shape_cast %get3A_926 : vector<1x16xf32> to vector<16xf32>
      %add3A_928 = arith.addf %get3A_923, %get3A_927 : vector<16xf32>
      %get3A_929 = arith.index_cast %add3A_888 : i32 to index
      %get3A_930 = arith.constant 32 : index
      %get3A_931 = tpu.vector_load %arg10[%get3A_929, %get3A_930] {strides = array<i32>} : memref<512x64xf32, #tpu.memory_space<vmem>>, vector<1x16xf32>,
      %get3A_932 = vector.shape_cast %get3A_931 : vector<1x16xf32> to vector<16xf32>
      %sub3A_933 = arith.subf %add3A_928, %get3A_932 : vector<16xf32>
      %abs3A_934 = math.absf %sub3A_933 : vector<16xf32>
      %add3A_935 = arith.addf %add3A_919, %abs3A_934 : vector<16xf32>
      %get3A_936 = arith.index_cast %add3A_888 : i32 to index
      %get3A_937 = arith.constant 48 : index
      %get3A_938 = tpu.vector_load %arg9[%get3A_936, %get3A_937] {strides = array<i32>} : memref<512x64xf32, #tpu.memory_space<vmem>>, vector<1x16xf32>,
      %get3A_939 = vector.shape_cast %get3A_938 : vector<1x16xf32> to vector<16xf32>
      %get3A_940 = arith.index_cast %add3A_888 : i32 to index
      %get3A_941 = arith.constant 48 : index
      %get3A_942 = tpu.vector_load %arg11[%get3A_940, %get3A_941] {strides = array<i32>} : memref<512x64xf32, #tpu.memory_space<vmem>>, vector<1x16xf32>,
      %get3A_943 = vector.shape_cast %get3A_942 : vector<1x16xf32> to vector<16xf32>
      %add3A_944 = arith.addf %get3A_939, %get3A_943 : vector<16xf32>
      %get3A_945 = arith.index_cast %add3A_888 : i32 to index
      %get3A_946 = arith.constant 48 : index
      %get3A_947 = tpu.vector_load %arg10[%get3A_945, %get3A_946] {strides = array<i32>} : memref<512x64xf32, #tpu.memory_space<vmem>>, vector<1x16xf32>,
      %get3A_948 = vector.shape_cast %get3A_947 : vector<1x16xf32> to vector<16xf32>
      %sub3A_949 = arith.subf %add3A_944, %get3A_948 : vector<16xf32>
      %abs3A_950 = math.absf %sub3A_949 : vector<16xf32>
      %add3A_951 = arith.addf %add3A_935, %abs3A_950 : vector<16xf32>
      %xor3A_952 = arith.constant 8 : i32
      %xor3A_953 = vector.broadcast %xor3A_952 : i32 to vector<16xi32>
      %xor3A_954 = arith.xori %iota3A, %xor3A_953 : vector<16xi32>
      %broadcast_in_dim3A_955 = vector.shape_cast %xor3A_954 : vector<16xi32> to vector<16x1xi32>
      %gather3A_956 = vector.shape_cast %broadcast_in_dim3A_955 : vector<16x1xi32> to vector<16xi32>
      %gather3A_957 = tpu.dynamic_gather %add3A_951[%gather3A_956] in [0] : vector<16xf32>, vector<16xi32> -> vector<16xf32>
      %add3A_958 = arith.addf %add3A_951, %gather3A_957 : vector<16xf32>
      %xor3A_959 = arith.constant 4 : i32
      %xor3A_960 = vector.broadcast %xor3A_959 : i32 to vector<16xi32>
      %xor3A_961 = arith.xori %iota3A, %xor3A_960 : vector<16xi32>
      %broadcast_in_dim3A_962 = vector.shape_cast %xor3A_961 : vector<16xi32> to vector<16x1xi32>
      %gather3A_963 = vector.shape_cast %broadcast_in_dim3A_962 : vector<16x1xi32> to vector<16xi32>
      %gather3A_964 = tpu.dynamic_gather %add3A_958[%gather3A_963] in [0] : vector<16xf32>, vector<16xi32> -> vector<16xf32>
      %add3A_965 = arith.addf %add3A_958, %gather3A_964 : vector<16xf32>
      %xor3A_966 = arith.constant 2 : i32
      %xor3A_967 = vector.broadcast %xor3A_966 : i32 to vector<16xi32>
      %xor3A_968 = arith.xori %iota3A, %xor3A_967 : vector<16xi32>
      %broadcast_in_dim3A_969 = vector.shape_cast %xor3A_968 : vector<16xi32> to vector<16x1xi32>
      %gather3A_970 = vector.shape_cast %broadcast_in_dim3A_969 : vector<16x1xi32> to vector<16xi32>
      %gather3A_971 = tpu.dynamic_gather %add3A_965[%gather3A_970] in [0] : vector<16xf32>, vector<16xi32> -> vector<16xf32>
      %add3A_972 = arith.addf %add3A_965, %gather3A_971 : vector<16xf32>
      %xor3A_973 = arith.constant 1 : i32
      %xor3A_974 = vector.broadcast %xor3A_973 : i32 to vector<16xi32>
      %xor3A_975 = arith.xori %iota3A, %xor3A_974 : vector<16xi32>
      %broadcast_in_dim3A_976 = vector.shape_cast %xor3A_975 : vector<16xi32> to vector<16x1xi32>
      %gather3A_977 = vector.shape_cast %broadcast_in_dim3A_976 : vector<16x1xi32> to vector<16xi32>
      %gather3A_978 = tpu.dynamic_gather %add3A_972[%gather3A_977] in [0] : vector<16xf32>, vector<16xi32> -> vector<16xf32>
      %add3A_979 = arith.addf %add3A_972, %gather3A_978 : vector<16xf32>
      %eq3A_980 = arith.constant 7 : i32
      %eq3A_981 = vector.broadcast %eq3A_980 : i32 to vector<16xi32>
      %eq3A_982 = arith.cmpi eq, %iota3A, %eq3A_981 : vector<16xi32>
      %sub3A_983 = arith.constant 1.200000e+01 : f32
      %sub3A_984 = vector.broadcast %sub3A_983 : f32 to vector<16xf32>
      %sub3A_985 = arith.subf %sub3A_984, %add3A_979 : vector<16xf32>
      %select_n3A_986 = arith.select %eq3A_982, %sub3A_985, %select_n3A_884 : vector<16xi1>, vector<16xf32>
      %mul3A_987 = arith.constant 16 : i32
      %mul3A_988 = arith.muli %scan3A_176, %mul3A_987 : i32
      %add3A_989 = arith.constant 8 : i32
      %add3A_990 = arith.addi %mul3A_988, %add3A_989 : i32
      %get3A_991 = arith.index_cast %add3A_990 : i32 to index
      %get3A_992 = arith.constant 0 : index
      %get3A_993 = tpu.vector_load %arg9[%get3A_991, %get3A_992] {strides = array<i32>} : memref<512x64xf32, #tpu.memory_space<vmem>>, vector<1x16xf32>,
      %get3A_994 = vector.shape_cast %get3A_993 : vector<1x16xf32> to vector<16xf32>
      %get3A_995 = arith.index_cast %add3A_990 : i32 to index
      %get3A_996 = arith.constant 0 : index
      %get3A_997 = tpu.vector_load %arg11[%get3A_995, %get3A_996] {strides = array<i32>} : memref<512x64xf32, #tpu.memory_space<vmem>>, vector<1x16xf32>,
      %get3A_998 = vector.shape_cast %get3A_997 : vector<1x16xf32> to vector<16xf32>
      %add3A_999 = arith.addf %get3A_994, %get3A_998 : vector<16xf32>
      %get3A_1000 = arith.index_cast %add3A_990 : i32 to index
      %get3A_1001 = arith.constant 0 : index
      %get3A_1002 = tpu.vector_load %arg10[%get3A_1000, %get3A_1001] {strides = array<i32>} : memref<512x64xf32, #tpu.memory_space<vmem>>, vector<1x16xf32>,
      %get3A_1003 = vector.shape_cast %get3A_1002 : vector<1x16xf32> to vector<16xf32>
      %sub3A_1004 = arith.subf %add3A_999, %get3A_1003 : vector<16xf32>
      %abs3A_1005 = math.absf %sub3A_1004 : vector<16xf32>
      %get3A_1006 = arith.index_cast %add3A_990 : i32 to index
      %get3A_1007 = arith.constant 16 : index
      %get3A_1008 = tpu.vector_load %arg9[%get3A_1006, %get3A_1007] {strides = array<i32>} : memref<512x64xf32, #tpu.memory_space<vmem>>, vector<1x16xf32>,
      %get3A_1009 = vector.shape_cast %get3A_1008 : vector<1x16xf32> to vector<16xf32>
      %get3A_1010 = arith.index_cast %add3A_990 : i32 to index
      %get3A_1011 = arith.constant 16 : index
      %get3A_1012 = tpu.vector_load %arg11[%get3A_1010, %get3A_1011] {strides = array<i32>} : memref<512x64xf32, #tpu.memory_space<vmem>>, vector<1x16xf32>,
      %get3A_1013 = vector.shape_cast %get3A_1012 : vector<1x16xf32> to vector<16xf32>
      %add3A_1014 = arith.addf %get3A_1009, %get3A_1013 : vector<16xf32>
      %get3A_1015 = arith.index_cast %add3A_990 : i32 to index
      %get3A_1016 = arith.constant 16 : index
      %get3A_1017 = tpu.vector_load %arg10[%get3A_1015, %get3A_1016] {strides = array<i32>} : memref<512x64xf32, #tpu.memory_space<vmem>>, vector<1x16xf32>,
      %get3A_1018 = vector.shape_cast %get3A_1017 : vector<1x16xf32> to vector<16xf32>
      %sub3A_1019 = arith.subf %add3A_1014, %get3A_1018 : vector<16xf32>
      %abs3A_1020 = math.absf %sub3A_1019 : vector<16xf32>
      %add3A_1021 = arith.addf %abs3A_1005, %abs3A_1020 : vector<16xf32>
      %get3A_1022 = arith.index_cast %add3A_990 : i32 to index
      %get3A_1023 = arith.constant 32 : index
      %get3A_1024 = tpu.vector_load %arg9[%get3A_1022, %get3A_1023] {strides = array<i32>} : memref<512x64xf32, #tpu.memory_space<vmem>>, vector<1x16xf32>,
      %get3A_1025 = vector.shape_cast %get3A_1024 : vector<1x16xf32> to vector<16xf32>
      %get3A_1026 = arith.index_cast %add3A_990 : i32 to index
      %get3A_1027 = arith.constant 32 : index
      %get3A_1028 = tpu.vector_load %arg11[%get3A_1026, %get3A_1027] {strides = array<i32>} : memref<512x64xf32, #tpu.memory_space<vmem>>, vector<1x16xf32>,
      %get3A_1029 = vector.shape_cast %get3A_1028 : vector<1x16xf32> to vector<16xf32>
      %add3A_1030 = arith.addf %get3A_1025, %get3A_1029 : vector<16xf32>
      %get3A_1031 = arith.index_cast %add3A_990 : i32 to index
      %get3A_1032 = arith.constant 32 : index
      %get3A_1033 = tpu.vector_load %arg10[%get3A_1031, %get3A_1032] {strides = array<i32>} : memref<512x64xf32, #tpu.memory_space<vmem>>, vector<1x16xf32>,
      %get3A_1034 = vector.shape_cast %get3A_1033 : vector<1x16xf32> to vector<16xf32>
      %sub3A_1035 = arith.subf %add3A_1030, %get3A_1034 : vector<16xf32>
      %abs3A_1036 = math.absf %sub3A_1035 : vector<16xf32>
      %add3A_1037 = arith.addf %add3A_1021, %abs3A_1036 : vector<16xf32>
      %get3A_1038 = arith.index_cast %add3A_990 : i32 to index
      %get3A_1039 = arith.constant 48 : index
      %get3A_1040 = tpu.vector_load %arg9[%get3A_1038, %get3A_1039] {strides = array<i32>} : memref<512x64xf32, #tpu.memory_space<vmem>>, vector<1x16xf32>,
      %get3A_1041 = vector.shape_cast %get3A_1040 : vector<1x16xf32> to vector<16xf32>
      %get3A_1042 = arith.index_cast %add3A_990 : i32 to index
      %get3A_1043 = arith.constant 48 : index
      %get3A_1044 = tpu.vector_load %arg11[%get3A_1042, %get3A_1043] {strides = array<i32>} : memref<512x64xf32, #tpu.memory_space<vmem>>, vector<1x16xf32>,
      %get3A_1045 = vector.shape_cast %get3A_1044 : vector<1x16xf32> to vector<16xf32>
      %add3A_1046 = arith.addf %get3A_1041, %get3A_1045 : vector<16xf32>
      %get3A_1047 = arith.index_cast %add3A_990 : i32 to index
      %get3A_1048 = arith.constant 48 : index
      %get3A_1049 = tpu.vector_load %arg10[%get3A_1047, %get3A_1048] {strides = array<i32>} : memref<512x64xf32, #tpu.memory_space<vmem>>, vector<1x16xf32>,
      %get3A_1050 = vector.shape_cast %get3A_1049 : vector<1x16xf32> to vector<16xf32>
      %sub3A_1051 = arith.subf %add3A_1046, %get3A_1050 : vector<16xf32>
      %abs3A_1052 = math.absf %sub3A_1051 : vector<16xf32>
      %add3A_1053 = arith.addf %add3A_1037, %abs3A_1052 : vector<16xf32>
      %xor3A_1054 = arith.constant 8 : i32
      %xor3A_1055 = vector.broadcast %xor3A_1054 : i32 to vector<16xi32>
      %xor3A_1056 = arith.xori %iota3A, %xor3A_1055 : vector<16xi32>
      %broadcast_in_dim3A_1057 = vector.shape_cast %xor3A_1056 : vector<16xi32> to vector<16x1xi32>
      %gather3A_1058 = vector.shape_cast %broadcast_in_dim3A_1057 : vector<16x1xi32> to vector<16xi32>
      %gather3A_1059 = tpu.dynamic_gather %add3A_1053[%gather3A_1058] in [0] : vector<16xf32>, vector<16xi32> -> vector<16xf32>
      %add3A_1060 = arith.addf %add3A_1053, %gather3A_1059 : vector<16xf32>
      %xor3A_1061 = arith.constant 4 : i32
      %xor3A_1062 = vector.broadcast %xor3A_1061 : i32 to vector<16xi32>
      %xor3A_1063 = arith.xori %iota3A, %xor3A_1062 : vector<16xi32>
      %broadcast_in_dim3A_1064 = vector.shape_cast %xor3A_1063 : vector<16xi32> to vector<16x1xi32>
      %gather3A_1065 = vector.shape_cast %broadcast_in_dim3A_1064 : vector<16x1xi32> to vector<16xi32>
      %gather3A_1066 = tpu.dynamic_gather %add3A_1060[%gather3A_1065] in [0] : vector<16xf32>, vector<16xi32> -> vector<16xf32>
      %add3A_1067 = arith.addf %add3A_1060, %gather3A_1066 : vector<16xf32>
      %xor3A_1068 = arith.constant 2 : i32
      %xor3A_1069 = vector.broadcast %xor3A_1068 : i32 to vector<16xi32>
      %xor3A_1070 = arith.xori %iota3A, %xor3A_1069 : vector<16xi32>
      %broadcast_in_dim3A_1071 = vector.shape_cast %xor3A_1070 : vector<16xi32> to vector<16x1xi32>
      %gather3A_1072 = vector.shape_cast %broadcast_in_dim3A_1071 : vector<16x1xi32> to vector<16xi32>
      %gather3A_1073 = tpu.dynamic_gather %add3A_1067[%gather3A_1072] in [0] : vector<16xf32>, vector<16xi32> -> vector<16xf32>
      %add3A_1074 = arith.addf %add3A_1067, %gather3A_1073 : vector<16xf32>
      %xor3A_1075 = arith.constant 1 : i32
      %xor3A_1076 = vector.broadcast %xor3A_1075 : i32 to vector<16xi32>
      %xor3A_1077 = arith.xori %iota3A, %xor3A_1076 : vector<16xi32>
      %broadcast_in_dim3A_1078 = vector.shape_cast %xor3A_1077 : vector<16xi32> to vector<16x1xi32>
      %gather3A_1079 = vector.shape_cast %broadcast_in_dim3A_1078 : vector<16x1xi32> to vector<16xi32>
      %gather3A_1080 = tpu.dynamic_gather %add3A_1074[%gather3A_1079] in [0] : vector<16xf32>, vector<16xi32> -> vector<16xf32>
      %add3A_1081 = arith.addf %add3A_1074, %gather3A_1080 : vector<16xf32>
      %eq3A_1082 = arith.constant 8 : i32
      %eq3A_1083 = vector.broadcast %eq3A_1082 : i32 to vector<16xi32>
      %eq3A_1084 = arith.cmpi eq, %iota3A, %eq3A_1083 : vector<16xi32>
      %sub3A_1085 = arith.constant 1.200000e+01 : f32
      %sub3A_1086 = vector.broadcast %sub3A_1085 : f32 to vector<16xf32>
      %sub3A_1087 = arith.subf %sub3A_1086, %add3A_1081 : vector<16xf32>
      %select_n3A_1088 = arith.select %eq3A_1084, %sub3A_1087, %select_n3A_986 : vector<16xi1>, vector<16xf32>
      %mul3A_1089 = arith.constant 16 : i32
      %mul3A_1090 = arith.muli %scan3A_176, %mul3A_1089 : i32
      %add3A_1091 = arith.constant 9 : i32
      %add3A_1092 = arith.addi %mul3A_1090, %add3A_1091 : i32
      %get3A_1093 = arith.index_cast %add3A_1092 : i32 to index
      %get3A_1094 = arith.constant 0 : index
      %get3A_1095 = tpu.vector_load %arg9[%get3A_1093, %get3A_1094] {strides = array<i32>} : memref<512x64xf32, #tpu.memory_space<vmem>>, vector<1x16xf32>,
      %get3A_1096 = vector.shape_cast %get3A_1095 : vector<1x16xf32> to vector<16xf32>
      %get3A_1097 = arith.index_cast %add3A_1092 : i32 to index
      %get3A_1098 = arith.constant 0 : index
      %get3A_1099 = tpu.vector_load %arg11[%get3A_1097, %get3A_1098] {strides = array<i32>} : memref<512x64xf32, #tpu.memory_space<vmem>>, vector<1x16xf32>,
      %get3A_1100 = vector.shape_cast %get3A_1099 : vector<1x16xf32> to vector<16xf32>
      %add3A_1101 = arith.addf %get3A_1096, %get3A_1100 : vector<16xf32>
      %get3A_1102 = arith.index_cast %add3A_1092 : i32 to index
      %get3A_1103 = arith.constant 0 : index
      %get3A_1104 = tpu.vector_load %arg10[%get3A_1102, %get3A_1103] {strides = array<i32>} : memref<512x64xf32, #tpu.memory_space<vmem>>, vector<1x16xf32>,
      %get3A_1105 = vector.shape_cast %get3A_1104 : vector<1x16xf32> to vector<16xf32>
      %sub3A_1106 = arith.subf %add3A_1101, %get3A_1105 : vector<16xf32>
      %abs3A_1107 = math.absf %sub3A_1106 : vector<16xf32>
      %get3A_1108 = arith.index_cast %add3A_1092 : i32 to index
      %get3A_1109 = arith.constant 16 : index
      %get3A_1110 = tpu.vector_load %arg9[%get3A_1108, %get3A_1109] {strides = array<i32>} : memref<512x64xf32, #tpu.memory_space<vmem>>, vector<1x16xf32>,
      %get3A_1111 = vector.shape_cast %get3A_1110 : vector<1x16xf32> to vector<16xf32>
      %get3A_1112 = arith.index_cast %add3A_1092 : i32 to index
      %get3A_1113 = arith.constant 16 : index
      %get3A_1114 = tpu.vector_load %arg11[%get3A_1112, %get3A_1113] {strides = array<i32>} : memref<512x64xf32, #tpu.memory_space<vmem>>, vector<1x16xf32>,
      %get3A_1115 = vector.shape_cast %get3A_1114 : vector<1x16xf32> to vector<16xf32>
      %add3A_1116 = arith.addf %get3A_1111, %get3A_1115 : vector<16xf32>
      %get3A_1117 = arith.index_cast %add3A_1092 : i32 to index
      %get3A_1118 = arith.constant 16 : index
      %get3A_1119 = tpu.vector_load %arg10[%get3A_1117, %get3A_1118] {strides = array<i32>} : memref<512x64xf32, #tpu.memory_space<vmem>>, vector<1x16xf32>,
      %get3A_1120 = vector.shape_cast %get3A_1119 : vector<1x16xf32> to vector<16xf32>
      %sub3A_1121 = arith.subf %add3A_1116, %get3A_1120 : vector<16xf32>
      %abs3A_1122 = math.absf %sub3A_1121 : vector<16xf32>
      %add3A_1123 = arith.addf %abs3A_1107, %abs3A_1122 : vector<16xf32>
      %get3A_1124 = arith.index_cast %add3A_1092 : i32 to index
      %get3A_1125 = arith.constant 32 : index
      %get3A_1126 = tpu.vector_load %arg9[%get3A_1124, %get3A_1125] {strides = array<i32>} : memref<512x64xf32, #tpu.memory_space<vmem>>, vector<1x16xf32>,
      %get3A_1127 = vector.shape_cast %get3A_1126 : vector<1x16xf32> to vector<16xf32>
      %get3A_1128 = arith.index_cast %add3A_1092 : i32 to index
      %get3A_1129 = arith.constant 32 : index
      %get3A_1130 = tpu.vector_load %arg11[%get3A_1128, %get3A_1129] {strides = array<i32>} : memref<512x64xf32, #tpu.memory_space<vmem>>, vector<1x16xf32>,
      %get3A_1131 = vector.shape_cast %get3A_1130 : vector<1x16xf32> to vector<16xf32>
      %add3A_1132 = arith.addf %get3A_1127, %get3A_1131 : vector<16xf32>
      %get3A_1133 = arith.index_cast %add3A_1092 : i32 to index
      %get3A_1134 = arith.constant 32 : index
      %get3A_1135 = tpu.vector_load %arg10[%get3A_1133, %get3A_1134] {strides = array<i32>} : memref<512x64xf32, #tpu.memory_space<vmem>>, vector<1x16xf32>,
      %get3A_1136 = vector.shape_cast %get3A_1135 : vector<1x16xf32> to vector<16xf32>
      %sub3A_1137 = arith.subf %add3A_1132, %get3A_1136 : vector<16xf32>
      %abs3A_1138 = math.absf %sub3A_1137 : vector<16xf32>
      %add3A_1139 = arith.addf %add3A_1123, %abs3A_1138 : vector<16xf32>
      %get3A_1140 = arith.index_cast %add3A_1092 : i32 to index
      %get3A_1141 = arith.constant 48 : index
      %get3A_1142 = tpu.vector_load %arg9[%get3A_1140, %get3A_1141] {strides = array<i32>} : memref<512x64xf32, #tpu.memory_space<vmem>>, vector<1x16xf32>,
      %get3A_1143 = vector.shape_cast %get3A_1142 : vector<1x16xf32> to vector<16xf32>
      %get3A_1144 = arith.index_cast %add3A_1092 : i32 to index
      %get3A_1145 = arith.constant 48 : index
      %get3A_1146 = tpu.vector_load %arg11[%get3A_1144, %get3A_1145] {strides = array<i32>} : memref<512x64xf32, #tpu.memory_space<vmem>>, vector<1x16xf32>,
      %get3A_1147 = vector.shape_cast %get3A_1146 : vector<1x16xf32> to vector<16xf32>
      %add3A_1148 = arith.addf %get3A_1143, %get3A_1147 : vector<16xf32>
      %get3A_1149 = arith.index_cast %add3A_1092 : i32 to index
      %get3A_1150 = arith.constant 48 : index
      %get3A_1151 = tpu.vector_load %arg10[%get3A_1149, %get3A_1150] {strides = array<i32>} : memref<512x64xf32, #tpu.memory_space<vmem>>, vector<1x16xf32>,
      %get3A_1152 = vector.shape_cast %get3A_1151 : vector<1x16xf32> to vector<16xf32>
      %sub3A_1153 = arith.subf %add3A_1148, %get3A_1152 : vector<16xf32>
      %abs3A_1154 = math.absf %sub3A_1153 : vector<16xf32>
      %add3A_1155 = arith.addf %add3A_1139, %abs3A_1154 : vector<16xf32>
      %xor3A_1156 = arith.constant 8 : i32
      %xor3A_1157 = vector.broadcast %xor3A_1156 : i32 to vector<16xi32>
      %xor3A_1158 = arith.xori %iota3A, %xor3A_1157 : vector<16xi32>
      %broadcast_in_dim3A_1159 = vector.shape_cast %xor3A_1158 : vector<16xi32> to vector<16x1xi32>
      %gather3A_1160 = vector.shape_cast %broadcast_in_dim3A_1159 : vector<16x1xi32> to vector<16xi32>
      %gather3A_1161 = tpu.dynamic_gather %add3A_1155[%gather3A_1160] in [0] : vector<16xf32>, vector<16xi32> -> vector<16xf32>
      %add3A_1162 = arith.addf %add3A_1155, %gather3A_1161 : vector<16xf32>
      %xor3A_1163 = arith.constant 4 : i32
      %xor3A_1164 = vector.broadcast %xor3A_1163 : i32 to vector<16xi32>
      %xor3A_1165 = arith.xori %iota3A, %xor3A_1164 : vector<16xi32>
      %broadcast_in_dim3A_1166 = vector.shape_cast %xor3A_1165 : vector<16xi32> to vector<16x1xi32>
      %gather3A_1167 = vector.shape_cast %broadcast_in_dim3A_1166 : vector<16x1xi32> to vector<16xi32>
      %gather3A_1168 = tpu.dynamic_gather %add3A_1162[%gather3A_1167] in [0] : vector<16xf32>, vector<16xi32> -> vector<16xf32>
      %add3A_1169 = arith.addf %add3A_1162, %gather3A_1168 : vector<16xf32>
      %xor3A_1170 = arith.constant 2 : i32
      %xor3A_1171 = vector.broadcast %xor3A_1170 : i32 to vector<16xi32>
      %xor3A_1172 = arith.xori %iota3A, %xor3A_1171 : vector<16xi32>
      %broadcast_in_dim3A_1173 = vector.shape_cast %xor3A_1172 : vector<16xi32> to vector<16x1xi32>
      %gather3A_1174 = vector.shape_cast %broadcast_in_dim3A_1173 : vector<16x1xi32> to vector<16xi32>
      %gather3A_1175 = tpu.dynamic_gather %add3A_1169[%gather3A_1174] in [0] : vector<16xf32>, vector<16xi32> -> vector<16xf32>
      %add3A_1176 = arith.addf %add3A_1169, %gather3A_1175 : vector<16xf32>
      %xor3A_1177 = arith.constant 1 : i32
      %xor3A_1178 = vector.broadcast %xor3A_1177 : i32 to vector<16xi32>
      %xor3A_1179 = arith.xori %iota3A, %xor3A_1178 : vector<16xi32>
      %broadcast_in_dim3A_1180 = vector.shape_cast %xor3A_1179 : vector<16xi32> to vector<16x1xi32>
      %gather3A_1181 = vector.shape_cast %broadcast_in_dim3A_1180 : vector<16x1xi32> to vector<16xi32>
      %gather3A_1182 = tpu.dynamic_gather %add3A_1176[%gather3A_1181] in [0] : vector<16xf32>, vector<16xi32> -> vector<16xf32>
      %add3A_1183 = arith.addf %add3A_1176, %gather3A_1182 : vector<16xf32>
      %eq3A_1184 = arith.constant 9 : i32
      %eq3A_1185 = vector.broadcast %eq3A_1184 : i32 to vector<16xi32>
      %eq3A_1186 = arith.cmpi eq, %iota3A, %eq3A_1185 : vector<16xi32>
      %sub3A_1187 = arith.constant 1.200000e+01 : f32
      %sub3A_1188 = vector.broadcast %sub3A_1187 : f32 to vector<16xf32>
      %sub3A_1189 = arith.subf %sub3A_1188, %add3A_1183 : vector<16xf32>
      %select_n3A_1190 = arith.select %eq3A_1186, %sub3A_1189, %select_n3A_1088 : vector<16xi1>, vector<16xf32>
      %mul3A_1191 = arith.constant 16 : i32
      %mul3A_1192 = arith.muli %scan3A_176, %mul3A_1191 : i32
      %add3A_1193 = arith.constant 10 : i32
      %add3A_1194 = arith.addi %mul3A_1192, %add3A_1193 : i32
      %get3A_1195 = arith.index_cast %add3A_1194 : i32 to index
      %get3A_1196 = arith.constant 0 : index
      %get3A_1197 = tpu.vector_load %arg9[%get3A_1195, %get3A_1196] {strides = array<i32>} : memref<512x64xf32, #tpu.memory_space<vmem>>, vector<1x16xf32>,
      %get3A_1198 = vector.shape_cast %get3A_1197 : vector<1x16xf32> to vector<16xf32>
      %get3A_1199 = arith.index_cast %add3A_1194 : i32 to index
      %get3A_1200 = arith.constant 0 : index
      %get3A_1201 = tpu.vector_load %arg11[%get3A_1199, %get3A_1200] {strides = array<i32>} : memref<512x64xf32, #tpu.memory_space<vmem>>, vector<1x16xf32>,
      %get3A_1202 = vector.shape_cast %get3A_1201 : vector<1x16xf32> to vector<16xf32>
      %add3A_1203 = arith.addf %get3A_1198, %get3A_1202 : vector<16xf32>
      %get3A_1204 = arith.index_cast %add3A_1194 : i32 to index
      %get3A_1205 = arith.constant 0 : index
      %get3A_1206 = tpu.vector_load %arg10[%get3A_1204, %get3A_1205] {strides = array<i32>} : memref<512x64xf32, #tpu.memory_space<vmem>>, vector<1x16xf32>,
      %get3A_1207 = vector.shape_cast %get3A_1206 : vector<1x16xf32> to vector<16xf32>
      %sub3A_1208 = arith.subf %add3A_1203, %get3A_1207 : vector<16xf32>
      %abs3A_1209 = math.absf %sub3A_1208 : vector<16xf32>
      %get3A_1210 = arith.index_cast %add3A_1194 : i32 to index
      %get3A_1211 = arith.constant 16 : index
      %get3A_1212 = tpu.vector_load %arg9[%get3A_1210, %get3A_1211] {strides = array<i32>} : memref<512x64xf32, #tpu.memory_space<vmem>>, vector<1x16xf32>,
      %get3A_1213 = vector.shape_cast %get3A_1212 : vector<1x16xf32> to vector<16xf32>
      %get3A_1214 = arith.index_cast %add3A_1194 : i32 to index
      %get3A_1215 = arith.constant 16 : index
      %get3A_1216 = tpu.vector_load %arg11[%get3A_1214, %get3A_1215] {strides = array<i32>} : memref<512x64xf32, #tpu.memory_space<vmem>>, vector<1x16xf32>,
      %get3A_1217 = vector.shape_cast %get3A_1216 : vector<1x16xf32> to vector<16xf32>
      %add3A_1218 = arith.addf %get3A_1213, %get3A_1217 : vector<16xf32>
      %get3A_1219 = arith.index_cast %add3A_1194 : i32 to index
      %get3A_1220 = arith.constant 16 : index
      %get3A_1221 = tpu.vector_load %arg10[%get3A_1219, %get3A_1220] {strides = array<i32>} : memref<512x64xf32, #tpu.memory_space<vmem>>, vector<1x16xf32>,
      %get3A_1222 = vector.shape_cast %get3A_1221 : vector<1x16xf32> to vector<16xf32>
      %sub3A_1223 = arith.subf %add3A_1218, %get3A_1222 : vector<16xf32>
      %abs3A_1224 = math.absf %sub3A_1223 : vector<16xf32>
      %add3A_1225 = arith.addf %abs3A_1209, %abs3A_1224 : vector<16xf32>
      %get3A_1226 = arith.index_cast %add3A_1194 : i32 to index
      %get3A_1227 = arith.constant 32 : index
      %get3A_1228 = tpu.vector_load %arg9[%get3A_1226, %get3A_1227] {strides = array<i32>} : memref<512x64xf32, #tpu.memory_space<vmem>>, vector<1x16xf32>,
      %get3A_1229 = vector.shape_cast %get3A_1228 : vector<1x16xf32> to vector<16xf32>
      %get3A_1230 = arith.index_cast %add3A_1194 : i32 to index
      %get3A_1231 = arith.constant 32 : index
      %get3A_1232 = tpu.vector_load %arg11[%get3A_1230, %get3A_1231] {strides = array<i32>} : memref<512x64xf32, #tpu.memory_space<vmem>>, vector<1x16xf32>,
      %get3A_1233 = vector.shape_cast %get3A_1232 : vector<1x16xf32> to vector<16xf32>
      %add3A_1234 = arith.addf %get3A_1229, %get3A_1233 : vector<16xf32>
      %get3A_1235 = arith.index_cast %add3A_1194 : i32 to index
      %get3A_1236 = arith.constant 32 : index
      %get3A_1237 = tpu.vector_load %arg10[%get3A_1235, %get3A_1236] {strides = array<i32>} : memref<512x64xf32, #tpu.memory_space<vmem>>, vector<1x16xf32>,
      %get3A_1238 = vector.shape_cast %get3A_1237 : vector<1x16xf32> to vector<16xf32>
      %sub3A_1239 = arith.subf %add3A_1234, %get3A_1238 : vector<16xf32>
      %abs3A_1240 = math.absf %sub3A_1239 : vector<16xf32>
      %add3A_1241 = arith.addf %add3A_1225, %abs3A_1240 : vector<16xf32>
      %get3A_1242 = arith.index_cast %add3A_1194 : i32 to index
      %get3A_1243 = arith.constant 48 : index
      %get3A_1244 = tpu.vector_load %arg9[%get3A_1242, %get3A_1243] {strides = array<i32>} : memref<512x64xf32, #tpu.memory_space<vmem>>, vector<1x16xf32>,
      %get3A_1245 = vector.shape_cast %get3A_1244 : vector<1x16xf32> to vector<16xf32>
      %get3A_1246 = arith.index_cast %add3A_1194 : i32 to index
      %get3A_1247 = arith.constant 48 : index
      %get3A_1248 = tpu.vector_load %arg11[%get3A_1246, %get3A_1247] {strides = array<i32>} : memref<512x64xf32, #tpu.memory_space<vmem>>, vector<1x16xf32>,
      %get3A_1249 = vector.shape_cast %get3A_1248 : vector<1x16xf32> to vector<16xf32>
      %add3A_1250 = arith.addf %get3A_1245, %get3A_1249 : vector<16xf32>
      %get3A_1251 = arith.index_cast %add3A_1194 : i32 to index
      %get3A_1252 = arith.constant 48 : index
      %get3A_1253 = tpu.vector_load %arg10[%get3A_1251, %get3A_1252] {strides = array<i32>} : memref<512x64xf32, #tpu.memory_space<vmem>>, vector<1x16xf32>,
      %get3A_1254 = vector.shape_cast %get3A_1253 : vector<1x16xf32> to vector<16xf32>
      %sub3A_1255 = arith.subf %add3A_1250, %get3A_1254 : vector<16xf32>
      %abs3A_1256 = math.absf %sub3A_1255 : vector<16xf32>
      %add3A_1257 = arith.addf %add3A_1241, %abs3A_1256 : vector<16xf32>
      %xor3A_1258 = arith.constant 8 : i32
      %xor3A_1259 = vector.broadcast %xor3A_1258 : i32 to vector<16xi32>
      %xor3A_1260 = arith.xori %iota3A, %xor3A_1259 : vector<16xi32>
      %broadcast_in_dim3A_1261 = vector.shape_cast %xor3A_1260 : vector<16xi32> to vector<16x1xi32>
      %gather3A_1262 = vector.shape_cast %broadcast_in_dim3A_1261 : vector<16x1xi32> to vector<16xi32>
      %gather3A_1263 = tpu.dynamic_gather %add3A_1257[%gather3A_1262] in [0] : vector<16xf32>, vector<16xi32> -> vector<16xf32>
      %add3A_1264 = arith.addf %add3A_1257, %gather3A_1263 : vector<16xf32>
      %xor3A_1265 = arith.constant 4 : i32
      %xor3A_1266 = vector.broadcast %xor3A_1265 : i32 to vector<16xi32>
      %xor3A_1267 = arith.xori %iota3A, %xor3A_1266 : vector<16xi32>
      %broadcast_in_dim3A_1268 = vector.shape_cast %xor3A_1267 : vector<16xi32> to vector<16x1xi32>
      %gather3A_1269 = vector.shape_cast %broadcast_in_dim3A_1268 : vector<16x1xi32> to vector<16xi32>
      %gather3A_1270 = tpu.dynamic_gather %add3A_1264[%gather3A_1269] in [0] : vector<16xf32>, vector<16xi32> -> vector<16xf32>
      %add3A_1271 = arith.addf %add3A_1264, %gather3A_1270 : vector<16xf32>
      %xor3A_1272 = arith.constant 2 : i32
      %xor3A_1273 = vector.broadcast %xor3A_1272 : i32 to vector<16xi32>
      %xor3A_1274 = arith.xori %iota3A, %xor3A_1273 : vector<16xi32>
      %broadcast_in_dim3A_1275 = vector.shape_cast %xor3A_1274 : vector<16xi32> to vector<16x1xi32>
      %gather3A_1276 = vector.shape_cast %broadcast_in_dim3A_1275 : vector<16x1xi32> to vector<16xi32>
      %gather3A_1277 = tpu.dynamic_gather %add3A_1271[%gather3A_1276] in [0] : vector<16xf32>, vector<16xi32> -> vector<16xf32>
      %add3A_1278 = arith.addf %add3A_1271, %gather3A_1277 : vector<16xf32>
      %xor3A_1279 = arith.constant 1 : i32
      %xor3A_1280 = vector.broadcast %xor3A_1279 : i32 to vector<16xi32>
      %xor3A_1281 = arith.xori %iota3A, %xor3A_1280 : vector<16xi32>
      %broadcast_in_dim3A_1282 = vector.shape_cast %xor3A_1281 : vector<16xi32> to vector<16x1xi32>
      %gather3A_1283 = vector.shape_cast %broadcast_in_dim3A_1282 : vector<16x1xi32> to vector<16xi32>
      %gather3A_1284 = tpu.dynamic_gather %add3A_1278[%gather3A_1283] in [0] : vector<16xf32>, vector<16xi32> -> vector<16xf32>
      %add3A_1285 = arith.addf %add3A_1278, %gather3A_1284 : vector<16xf32>
      %eq3A_1286 = arith.constant 10 : i32
      %eq3A_1287 = vector.broadcast %eq3A_1286 : i32 to vector<16xi32>
      %eq3A_1288 = arith.cmpi eq, %iota3A, %eq3A_1287 : vector<16xi32>
      %sub3A_1289 = arith.constant 1.200000e+01 : f32
      %sub3A_1290 = vector.broadcast %sub3A_1289 : f32 to vector<16xf32>
      %sub3A_1291 = arith.subf %sub3A_1290, %add3A_1285 : vector<16xf32>
      %select_n3A_1292 = arith.select %eq3A_1288, %sub3A_1291, %select_n3A_1190 : vector<16xi1>, vector<16xf32>
      %mul3A_1293 = arith.constant 16 : i32
      %mul3A_1294 = arith.muli %scan3A_176, %mul3A_1293 : i32
      %add3A_1295 = arith.constant 11 : i32
      %add3A_1296 = arith.addi %mul3A_1294, %add3A_1295 : i32
      %get3A_1297 = arith.index_cast %add3A_1296 : i32 to index
      %get3A_1298 = arith.constant 0 : index
      %get3A_1299 = tpu.vector_load %arg9[%get3A_1297, %get3A_1298] {strides = array<i32>} : memref<512x64xf32, #tpu.memory_space<vmem>>, vector<1x16xf32>,
      %get3A_1300 = vector.shape_cast %get3A_1299 : vector<1x16xf32> to vector<16xf32>
      %get3A_1301 = arith.index_cast %add3A_1296 : i32 to index
      %get3A_1302 = arith.constant 0 : index
      %get3A_1303 = tpu.vector_load %arg11[%get3A_1301, %get3A_1302] {strides = array<i32>} : memref<512x64xf32, #tpu.memory_space<vmem>>, vector<1x16xf32>,
      %get3A_1304 = vector.shape_cast %get3A_1303 : vector<1x16xf32> to vector<16xf32>
      %add3A_1305 = arith.addf %get3A_1300, %get3A_1304 : vector<16xf32>
      %get3A_1306 = arith.index_cast %add3A_1296 : i32 to index
      %get3A_1307 = arith.constant 0 : index
      %get3A_1308 = tpu.vector_load %arg10[%get3A_1306, %get3A_1307] {strides = array<i32>} : memref<512x64xf32, #tpu.memory_space<vmem>>, vector<1x16xf32>,
      %get3A_1309 = vector.shape_cast %get3A_1308 : vector<1x16xf32> to vector<16xf32>
      %sub3A_1310 = arith.subf %add3A_1305, %get3A_1309 : vector<16xf32>
      %abs3A_1311 = math.absf %sub3A_1310 : vector<16xf32>
      %get3A_1312 = arith.index_cast %add3A_1296 : i32 to index
      %get3A_1313 = arith.constant 16 : index
      %get3A_1314 = tpu.vector_load %arg9[%get3A_1312, %get3A_1313] {strides = array<i32>} : memref<512x64xf32, #tpu.memory_space<vmem>>, vector<1x16xf32>,
      %get3A_1315 = vector.shape_cast %get3A_1314 : vector<1x16xf32> to vector<16xf32>
      %get3A_1316 = arith.index_cast %add3A_1296 : i32 to index
      %get3A_1317 = arith.constant 16 : index
      %get3A_1318 = tpu.vector_load %arg11[%get3A_1316, %get3A_1317] {strides = array<i32>} : memref<512x64xf32, #tpu.memory_space<vmem>>, vector<1x16xf32>,
      %get3A_1319 = vector.shape_cast %get3A_1318 : vector<1x16xf32> to vector<16xf32>
      %add3A_1320 = arith.addf %get3A_1315, %get3A_1319 : vector<16xf32>
      %get3A_1321 = arith.index_cast %add3A_1296 : i32 to index
      %get3A_1322 = arith.constant 16 : index
      %get3A_1323 = tpu.vector_load %arg10[%get3A_1321, %get3A_1322] {strides = array<i32>} : memref<512x64xf32, #tpu.memory_space<vmem>>, vector<1x16xf32>,
      %get3A_1324 = vector.shape_cast %get3A_1323 : vector<1x16xf32> to vector<16xf32>
      %sub3A_1325 = arith.subf %add3A_1320, %get3A_1324 : vector<16xf32>
      %abs3A_1326 = math.absf %sub3A_1325 : vector<16xf32>
      %add3A_1327 = arith.addf %abs3A_1311, %abs3A_1326 : vector<16xf32>
      %get3A_1328 = arith.index_cast %add3A_1296 : i32 to index
      %get3A_1329 = arith.constant 32 : index
      %get3A_1330 = tpu.vector_load %arg9[%get3A_1328, %get3A_1329] {strides = array<i32>} : memref<512x64xf32, #tpu.memory_space<vmem>>, vector<1x16xf32>,
      %get3A_1331 = vector.shape_cast %get3A_1330 : vector<1x16xf32> to vector<16xf32>
      %get3A_1332 = arith.index_cast %add3A_1296 : i32 to index
      %get3A_1333 = arith.constant 32 : index
      %get3A_1334 = tpu.vector_load %arg11[%get3A_1332, %get3A_1333] {strides = array<i32>} : memref<512x64xf32, #tpu.memory_space<vmem>>, vector<1x16xf32>,
      %get3A_1335 = vector.shape_cast %get3A_1334 : vector<1x16xf32> to vector<16xf32>
      %add3A_1336 = arith.addf %get3A_1331, %get3A_1335 : vector<16xf32>
      %get3A_1337 = arith.index_cast %add3A_1296 : i32 to index
      %get3A_1338 = arith.constant 32 : index
      %get3A_1339 = tpu.vector_load %arg10[%get3A_1337, %get3A_1338] {strides = array<i32>} : memref<512x64xf32, #tpu.memory_space<vmem>>, vector<1x16xf32>,
      %get3A_1340 = vector.shape_cast %get3A_1339 : vector<1x16xf32> to vector<16xf32>
      %sub3A_1341 = arith.subf %add3A_1336, %get3A_1340 : vector<16xf32>
      %abs3A_1342 = math.absf %sub3A_1341 : vector<16xf32>
      %add3A_1343 = arith.addf %add3A_1327, %abs3A_1342 : vector<16xf32>
      %get3A_1344 = arith.index_cast %add3A_1296 : i32 to index
      %get3A_1345 = arith.constant 48 : index
      %get3A_1346 = tpu.vector_load %arg9[%get3A_1344, %get3A_1345] {strides = array<i32>} : memref<512x64xf32, #tpu.memory_space<vmem>>, vector<1x16xf32>,
      %get3A_1347 = vector.shape_cast %get3A_1346 : vector<1x16xf32> to vector<16xf32>
      %get3A_1348 = arith.index_cast %add3A_1296 : i32 to index
      %get3A_1349 = arith.constant 48 : index
      %get3A_1350 = tpu.vector_load %arg11[%get3A_1348, %get3A_1349] {strides = array<i32>} : memref<512x64xf32, #tpu.memory_space<vmem>>, vector<1x16xf32>,
      %get3A_1351 = vector.shape_cast %get3A_1350 : vector<1x16xf32> to vector<16xf32>
      %add3A_1352 = arith.addf %get3A_1347, %get3A_1351 : vector<16xf32>
      %get3A_1353 = arith.index_cast %add3A_1296 : i32 to index
      %get3A_1354 = arith.constant 48 : index
      %get3A_1355 = tpu.vector_load %arg10[%get3A_1353, %get3A_1354] {strides = array<i32>} : memref<512x64xf32, #tpu.memory_space<vmem>>, vector<1x16xf32>,
      %get3A_1356 = vector.shape_cast %get3A_1355 : vector<1x16xf32> to vector<16xf32>
      %sub3A_1357 = arith.subf %add3A_1352, %get3A_1356 : vector<16xf32>
      %abs3A_1358 = math.absf %sub3A_1357 : vector<16xf32>
      %add3A_1359 = arith.addf %add3A_1343, %abs3A_1358 : vector<16xf32>
      %xor3A_1360 = arith.constant 8 : i32
      %xor3A_1361 = vector.broadcast %xor3A_1360 : i32 to vector<16xi32>
      %xor3A_1362 = arith.xori %iota3A, %xor3A_1361 : vector<16xi32>
      %broadcast_in_dim3A_1363 = vector.shape_cast %xor3A_1362 : vector<16xi32> to vector<16x1xi32>
      %gather3A_1364 = vector.shape_cast %broadcast_in_dim3A_1363 : vector<16x1xi32> to vector<16xi32>
      %gather3A_1365 = tpu.dynamic_gather %add3A_1359[%gather3A_1364] in [0] : vector<16xf32>, vector<16xi32> -> vector<16xf32>
      %add3A_1366 = arith.addf %add3A_1359, %gather3A_1365 : vector<16xf32>
      %xor3A_1367 = arith.constant 4 : i32
      %xor3A_1368 = vector.broadcast %xor3A_1367 : i32 to vector<16xi32>
      %xor3A_1369 = arith.xori %iota3A, %xor3A_1368 : vector<16xi32>
      %broadcast_in_dim3A_1370 = vector.shape_cast %xor3A_1369 : vector<16xi32> to vector<16x1xi32>
      %gather3A_1371 = vector.shape_cast %broadcast_in_dim3A_1370 : vector<16x1xi32> to vector<16xi32>
      %gather3A_1372 = tpu.dynamic_gather %add3A_1366[%gather3A_1371] in [0] : vector<16xf32>, vector<16xi32> -> vector<16xf32>
      %add3A_1373 = arith.addf %add3A_1366, %gather3A_1372 : vector<16xf32>
      %xor3A_1374 = arith.constant 2 : i32
      %xor3A_1375 = vector.broadcast %xor3A_1374 : i32 to vector<16xi32>
      %xor3A_1376 = arith.xori %iota3A, %xor3A_1375 : vector<16xi32>
      %broadcast_in_dim3A_1377 = vector.shape_cast %xor3A_1376 : vector<16xi32> to vector<16x1xi32>
      %gather3A_1378 = vector.shape_cast %broadcast_in_dim3A_1377 : vector<16x1xi32> to vector<16xi32>
      %gather3A_1379 = tpu.dynamic_gather %add3A_1373[%gather3A_1378] in [0] : vector<16xf32>, vector<16xi32> -> vector<16xf32>
      %add3A_1380 = arith.addf %add3A_1373, %gather3A_1379 : vector<16xf32>
      %xor3A_1381 = arith.constant 1 : i32
      %xor3A_1382 = vector.broadcast %xor3A_1381 : i32 to vector<16xi32>
      %xor3A_1383 = arith.xori %iota3A, %xor3A_1382 : vector<16xi32>
      %broadcast_in_dim3A_1384 = vector.shape_cast %xor3A_1383 : vector<16xi32> to vector<16x1xi32>
      %gather3A_1385 = vector.shape_cast %broadcast_in_dim3A_1384 : vector<16x1xi32> to vector<16xi32>
      %gather3A_1386 = tpu.dynamic_gather %add3A_1380[%gather3A_1385] in [0] : vector<16xf32>, vector<16xi32> -> vector<16xf32>
      %add3A_1387 = arith.addf %add3A_1380, %gather3A_1386 : vector<16xf32>
      %eq3A_1388 = arith.constant 11 : i32
      %eq3A_1389 = vector.broadcast %eq3A_1388 : i32 to vector<16xi32>
      %eq3A_1390 = arith.cmpi eq, %iota3A, %eq3A_1389 : vector<16xi32>
      %sub3A_1391 = arith.constant 1.200000e+01 : f32
      %sub3A_1392 = vector.broadcast %sub3A_1391 : f32 to vector<16xf32>
      %sub3A_1393 = arith.subf %sub3A_1392, %add3A_1387 : vector<16xf32>
      %select_n3A_1394 = arith.select %eq3A_1390, %sub3A_1393, %select_n3A_1292 : vector<16xi1>, vector<16xf32>
      %mul3A_1395 = arith.constant 16 : i32
      %mul3A_1396 = arith.muli %scan3A_176, %mul3A_1395 : i32
      %add3A_1397 = arith.constant 12 : i32
      %add3A_1398 = arith.addi %mul3A_1396, %add3A_1397 : i32
      %get3A_1399 = arith.index_cast %add3A_1398 : i32 to index
      %get3A_1400 = arith.constant 0 : index
      %get3A_1401 = tpu.vector_load %arg9[%get3A_1399, %get3A_1400] {strides = array<i32>} : memref<512x64xf32, #tpu.memory_space<vmem>>, vector<1x16xf32>,
      %get3A_1402 = vector.shape_cast %get3A_1401 : vector<1x16xf32> to vector<16xf32>
      %get3A_1403 = arith.index_cast %add3A_1398 : i32 to index
      %get3A_1404 = arith.constant 0 : index
      %get3A_1405 = tpu.vector_load %arg11[%get3A_1403, %get3A_1404] {strides = array<i32>} : memref<512x64xf32, #tpu.memory_space<vmem>>, vector<1x16xf32>,
      %get3A_1406 = vector.shape_cast %get3A_1405 : vector<1x16xf32> to vector<16xf32>
      %add3A_1407 = arith.addf %get3A_1402, %get3A_1406 : vector<16xf32>
      %get3A_1408 = arith.index_cast %add3A_1398 : i32 to index
      %get3A_1409 = arith.constant 0 : index
      %get3A_1410 = tpu.vector_load %arg10[%get3A_1408, %get3A_1409] {strides = array<i32>} : memref<512x64xf32, #tpu.memory_space<vmem>>, vector<1x16xf32>,
      %get3A_1411 = vector.shape_cast %get3A_1410 : vector<1x16xf32> to vector<16xf32>
      %sub3A_1412 = arith.subf %add3A_1407, %get3A_1411 : vector<16xf32>
      %abs3A_1413 = math.absf %sub3A_1412 : vector<16xf32>
      %get3A_1414 = arith.index_cast %add3A_1398 : i32 to index
      %get3A_1415 = arith.constant 16 : index
      %get3A_1416 = tpu.vector_load %arg9[%get3A_1414, %get3A_1415] {strides = array<i32>} : memref<512x64xf32, #tpu.memory_space<vmem>>, vector<1x16xf32>,
      %get3A_1417 = vector.shape_cast %get3A_1416 : vector<1x16xf32> to vector<16xf32>
      %get3A_1418 = arith.index_cast %add3A_1398 : i32 to index
      %get3A_1419 = arith.constant 16 : index
      %get3A_1420 = tpu.vector_load %arg11[%get3A_1418, %get3A_1419] {strides = array<i32>} : memref<512x64xf32, #tpu.memory_space<vmem>>, vector<1x16xf32>,
      %get3A_1421 = vector.shape_cast %get3A_1420 : vector<1x16xf32> to vector<16xf32>
      %add3A_1422 = arith.addf %get3A_1417, %get3A_1421 : vector<16xf32>
      %get3A_1423 = arith.index_cast %add3A_1398 : i32 to index
      %get3A_1424 = arith.constant 16 : index
      %get3A_1425 = tpu.vector_load %arg10[%get3A_1423, %get3A_1424] {strides = array<i32>} : memref<512x64xf32, #tpu.memory_space<vmem>>, vector<1x16xf32>,
      %get3A_1426 = vector.shape_cast %get3A_1425 : vector<1x16xf32> to vector<16xf32>
      %sub3A_1427 = arith.subf %add3A_1422, %get3A_1426 : vector<16xf32>
      %abs3A_1428 = math.absf %sub3A_1427 : vector<16xf32>
      %add3A_1429 = arith.addf %abs3A_1413, %abs3A_1428 : vector<16xf32>
      %get3A_1430 = arith.index_cast %add3A_1398 : i32 to index
      %get3A_1431 = arith.constant 32 : index
      %get3A_1432 = tpu.vector_load %arg9[%get3A_1430, %get3A_1431] {strides = array<i32>} : memref<512x64xf32, #tpu.memory_space<vmem>>, vector<1x16xf32>,
      %get3A_1433 = vector.shape_cast %get3A_1432 : vector<1x16xf32> to vector<16xf32>
      %get3A_1434 = arith.index_cast %add3A_1398 : i32 to index
      %get3A_1435 = arith.constant 32 : index
      %get3A_1436 = tpu.vector_load %arg11[%get3A_1434, %get3A_1435] {strides = array<i32>} : memref<512x64xf32, #tpu.memory_space<vmem>>, vector<1x16xf32>,
      %get3A_1437 = vector.shape_cast %get3A_1436 : vector<1x16xf32> to vector<16xf32>
      %add3A_1438 = arith.addf %get3A_1433, %get3A_1437 : vector<16xf32>
      %get3A_1439 = arith.index_cast %add3A_1398 : i32 to index
      %get3A_1440 = arith.constant 32 : index
      %get3A_1441 = tpu.vector_load %arg10[%get3A_1439, %get3A_1440] {strides = array<i32>} : memref<512x64xf32, #tpu.memory_space<vmem>>, vector<1x16xf32>,
      %get3A_1442 = vector.shape_cast %get3A_1441 : vector<1x16xf32> to vector<16xf32>
      %sub3A_1443 = arith.subf %add3A_1438, %get3A_1442 : vector<16xf32>
      %abs3A_1444 = math.absf %sub3A_1443 : vector<16xf32>
      %add3A_1445 = arith.addf %add3A_1429, %abs3A_1444 : vector<16xf32>
      %get3A_1446 = arith.index_cast %add3A_1398 : i32 to index
      %get3A_1447 = arith.constant 48 : index
      %get3A_1448 = tpu.vector_load %arg9[%get3A_1446, %get3A_1447] {strides = array<i32>} : memref<512x64xf32, #tpu.memory_space<vmem>>, vector<1x16xf32>,
      %get3A_1449 = vector.shape_cast %get3A_1448 : vector<1x16xf32> to vector<16xf32>
      %get3A_1450 = arith.index_cast %add3A_1398 : i32 to index
      %get3A_1451 = arith.constant 48 : index
      %get3A_1452 = tpu.vector_load %arg11[%get3A_1450, %get3A_1451] {strides = array<i32>} : memref<512x64xf32, #tpu.memory_space<vmem>>, vector<1x16xf32>,
      %get3A_1453 = vector.shape_cast %get3A_1452 : vector<1x16xf32> to vector<16xf32>
      %add3A_1454 = arith.addf %get3A_1449, %get3A_1453 : vector<16xf32>
      %get3A_1455 = arith.index_cast %add3A_1398 : i32 to index
      %get3A_1456 = arith.constant 48 : index
      %get3A_1457 = tpu.vector_load %arg10[%get3A_1455, %get3A_1456] {strides = array<i32>} : memref<512x64xf32, #tpu.memory_space<vmem>>, vector<1x16xf32>,
      %get3A_1458 = vector.shape_cast %get3A_1457 : vector<1x16xf32> to vector<16xf32>
      %sub3A_1459 = arith.subf %add3A_1454, %get3A_1458 : vector<16xf32>
      %abs3A_1460 = math.absf %sub3A_1459 : vector<16xf32>
      %add3A_1461 = arith.addf %add3A_1445, %abs3A_1460 : vector<16xf32>
      %xor3A_1462 = arith.constant 8 : i32
      %xor3A_1463 = vector.broadcast %xor3A_1462 : i32 to vector<16xi32>
      %xor3A_1464 = arith.xori %iota3A, %xor3A_1463 : vector<16xi32>
      %broadcast_in_dim3A_1465 = vector.shape_cast %xor3A_1464 : vector<16xi32> to vector<16x1xi32>
      %gather3A_1466 = vector.shape_cast %broadcast_in_dim3A_1465 : vector<16x1xi32> to vector<16xi32>
      %gather3A_1467 = tpu.dynamic_gather %add3A_1461[%gather3A_1466] in [0] : vector<16xf32>, vector<16xi32> -> vector<16xf32>
      %add3A_1468 = arith.addf %add3A_1461, %gather3A_1467 : vector<16xf32>
      %xor3A_1469 = arith.constant 4 : i32
      %xor3A_1470 = vector.broadcast %xor3A_1469 : i32 to vector<16xi32>
      %xor3A_1471 = arith.xori %iota3A, %xor3A_1470 : vector<16xi32>
      %broadcast_in_dim3A_1472 = vector.shape_cast %xor3A_1471 : vector<16xi32> to vector<16x1xi32>
      %gather3A_1473 = vector.shape_cast %broadcast_in_dim3A_1472 : vector<16x1xi32> to vector<16xi32>
      %gather3A_1474 = tpu.dynamic_gather %add3A_1468[%gather3A_1473] in [0] : vector<16xf32>, vector<16xi32> -> vector<16xf32>
      %add3A_1475 = arith.addf %add3A_1468, %gather3A_1474 : vector<16xf32>
      %xor3A_1476 = arith.constant 2 : i32
      %xor3A_1477 = vector.broadcast %xor3A_1476 : i32 to vector<16xi32>
      %xor3A_1478 = arith.xori %iota3A, %xor3A_1477 : vector<16xi32>
      %broadcast_in_dim3A_1479 = vector.shape_cast %xor3A_1478 : vector<16xi32> to vector<16x1xi32>
      %gather3A_1480 = vector.shape_cast %broadcast_in_dim3A_1479 : vector<16x1xi32> to vector<16xi32>
      %gather3A_1481 = tpu.dynamic_gather %add3A_1475[%gather3A_1480] in [0] : vector<16xf32>, vector<16xi32> -> vector<16xf32>
      %add3A_1482 = arith.addf %add3A_1475, %gather3A_1481 : vector<16xf32>
      %xor3A_1483 = arith.constant 1 : i32
      %xor3A_1484 = vector.broadcast %xor3A_1483 : i32 to vector<16xi32>
      %xor3A_1485 = arith.xori %iota3A, %xor3A_1484 : vector<16xi32>
      %broadcast_in_dim3A_1486 = vector.shape_cast %xor3A_1485 : vector<16xi32> to vector<16x1xi32>
      %gather3A_1487 = vector.shape_cast %broadcast_in_dim3A_1486 : vector<16x1xi32> to vector<16xi32>
      %gather3A_1488 = tpu.dynamic_gather %add3A_1482[%gather3A_1487] in [0] : vector<16xf32>, vector<16xi32> -> vector<16xf32>
      %add3A_1489 = arith.addf %add3A_1482, %gather3A_1488 : vector<16xf32>
      %eq3A_1490 = arith.constant 12 : i32
      %eq3A_1491 = vector.broadcast %eq3A_1490 : i32 to vector<16xi32>
      %eq3A_1492 = arith.cmpi eq, %iota3A, %eq3A_1491 : vector<16xi32>
      %sub3A_1493 = arith.constant 1.200000e+01 : f32
      %sub3A_1494 = vector.broadcast %sub3A_1493 : f32 to vector<16xf32>
      %sub3A_1495 = arith.subf %sub3A_1494, %add3A_1489 : vector<16xf32>
      %select_n3A_1496 = arith.select %eq3A_1492, %sub3A_1495, %select_n3A_1394 : vector<16xi1>, vector<16xf32>
      %mul3A_1497 = arith.constant 16 : i32
      %mul3A_1498 = arith.muli %scan3A_176, %mul3A_1497 : i32
      %add3A_1499 = arith.constant 13 : i32
      %add3A_1500 = arith.addi %mul3A_1498, %add3A_1499 : i32
      %get3A_1501 = arith.index_cast %add3A_1500 : i32 to index
      %get3A_1502 = arith.constant 0 : index
      %get3A_1503 = tpu.vector_load %arg9[%get3A_1501, %get3A_1502] {strides = array<i32>} : memref<512x64xf32, #tpu.memory_space<vmem>>, vector<1x16xf32>,
      %get3A_1504 = vector.shape_cast %get3A_1503 : vector<1x16xf32> to vector<16xf32>
      %get3A_1505 = arith.index_cast %add3A_1500 : i32 to index
      %get3A_1506 = arith.constant 0 : index
      %get3A_1507 = tpu.vector_load %arg11[%get3A_1505, %get3A_1506] {strides = array<i32>} : memref<512x64xf32, #tpu.memory_space<vmem>>, vector<1x16xf32>,
      %get3A_1508 = vector.shape_cast %get3A_1507 : vector<1x16xf32> to vector<16xf32>
      %add3A_1509 = arith.addf %get3A_1504, %get3A_1508 : vector<16xf32>
      %get3A_1510 = arith.index_cast %add3A_1500 : i32 to index
      %get3A_1511 = arith.constant 0 : index
      %get3A_1512 = tpu.vector_load %arg10[%get3A_1510, %get3A_1511] {strides = array<i32>} : memref<512x64xf32, #tpu.memory_space<vmem>>, vector<1x16xf32>,
      %get3A_1513 = vector.shape_cast %get3A_1512 : vector<1x16xf32> to vector<16xf32>
      %sub3A_1514 = arith.subf %add3A_1509, %get3A_1513 : vector<16xf32>
      %abs3A_1515 = math.absf %sub3A_1514 : vector<16xf32>
      %get3A_1516 = arith.index_cast %add3A_1500 : i32 to index
      %get3A_1517 = arith.constant 16 : index
      %get3A_1518 = tpu.vector_load %arg9[%get3A_1516, %get3A_1517] {strides = array<i32>} : memref<512x64xf32, #tpu.memory_space<vmem>>, vector<1x16xf32>,
      %get3A_1519 = vector.shape_cast %get3A_1518 : vector<1x16xf32> to vector<16xf32>
      %get3A_1520 = arith.index_cast %add3A_1500 : i32 to index
      %get3A_1521 = arith.constant 16 : index
      %get3A_1522 = tpu.vector_load %arg11[%get3A_1520, %get3A_1521] {strides = array<i32>} : memref<512x64xf32, #tpu.memory_space<vmem>>, vector<1x16xf32>,
      %get3A_1523 = vector.shape_cast %get3A_1522 : vector<1x16xf32> to vector<16xf32>
      %add3A_1524 = arith.addf %get3A_1519, %get3A_1523 : vector<16xf32>
      %get3A_1525 = arith.index_cast %add3A_1500 : i32 to index
      %get3A_1526 = arith.constant 16 : index
      %get3A_1527 = tpu.vector_load %arg10[%get3A_1525, %get3A_1526] {strides = array<i32>} : memref<512x64xf32, #tpu.memory_space<vmem>>, vector<1x16xf32>,
      %get3A_1528 = vector.shape_cast %get3A_1527 : vector<1x16xf32> to vector<16xf32>
      %sub3A_1529 = arith.subf %add3A_1524, %get3A_1528 : vector<16xf32>
      %abs3A_1530 = math.absf %sub3A_1529 : vector<16xf32>
      %add3A_1531 = arith.addf %abs3A_1515, %abs3A_1530 : vector<16xf32>
      %get3A_1532 = arith.index_cast %add3A_1500 : i32 to index
      %get3A_1533 = arith.constant 32 : index
      %get3A_1534 = tpu.vector_load %arg9[%get3A_1532, %get3A_1533] {strides = array<i32>} : memref<512x64xf32, #tpu.memory_space<vmem>>, vector<1x16xf32>,
      %get3A_1535 = vector.shape_cast %get3A_1534 : vector<1x16xf32> to vector<16xf32>
      %get3A_1536 = arith.index_cast %add3A_1500 : i32 to index
      %get3A_1537 = arith.constant 32 : index
      %get3A_1538 = tpu.vector_load %arg11[%get3A_1536, %get3A_1537] {strides = array<i32>} : memref<512x64xf32, #tpu.memory_space<vmem>>, vector<1x16xf32>,
      %get3A_1539 = vector.shape_cast %get3A_1538 : vector<1x16xf32> to vector<16xf32>
      %add3A_1540 = arith.addf %get3A_1535, %get3A_1539 : vector<16xf32>
      %get3A_1541 = arith.index_cast %add3A_1500 : i32 to index
      %get3A_1542 = arith.constant 32 : index
      %get3A_1543 = tpu.vector_load %arg10[%get3A_1541, %get3A_1542] {strides = array<i32>} : memref<512x64xf32, #tpu.memory_space<vmem>>, vector<1x16xf32>,
      %get3A_1544 = vector.shape_cast %get3A_1543 : vector<1x16xf32> to vector<16xf32>
      %sub3A_1545 = arith.subf %add3A_1540, %get3A_1544 : vector<16xf32>
      %abs3A_1546 = math.absf %sub3A_1545 : vector<16xf32>
      %add3A_1547 = arith.addf %add3A_1531, %abs3A_1546 : vector<16xf32>
      %get3A_1548 = arith.index_cast %add3A_1500 : i32 to index
      %get3A_1549 = arith.constant 48 : index
      %get3A_1550 = tpu.vector_load %arg9[%get3A_1548, %get3A_1549] {strides = array<i32>} : memref<512x64xf32, #tpu.memory_space<vmem>>, vector<1x16xf32>,
      %get3A_1551 = vector.shape_cast %get3A_1550 : vector<1x16xf32> to vector<16xf32>
      %get3A_1552 = arith.index_cast %add3A_1500 : i32 to index
      %get3A_1553 = arith.constant 48 : index
      %get3A_1554 = tpu.vector_load %arg11[%get3A_1552, %get3A_1553] {strides = array<i32>} : memref<512x64xf32, #tpu.memory_space<vmem>>, vector<1x16xf32>,
      %get3A_1555 = vector.shape_cast %get3A_1554 : vector<1x16xf32> to vector<16xf32>
      %add3A_1556 = arith.addf %get3A_1551, %get3A_1555 : vector<16xf32>
      %get3A_1557 = arith.index_cast %add3A_1500 : i32 to index
      %get3A_1558 = arith.constant 48 : index
      %get3A_1559 = tpu.vector_load %arg10[%get3A_1557, %get3A_1558] {strides = array<i32>} : memref<512x64xf32, #tpu.memory_space<vmem>>, vector<1x16xf32>,
      %get3A_1560 = vector.shape_cast %get3A_1559 : vector<1x16xf32> to vector<16xf32>
      %sub3A_1561 = arith.subf %add3A_1556, %get3A_1560 : vector<16xf32>
      %abs3A_1562 = math.absf %sub3A_1561 : vector<16xf32>
      %add3A_1563 = arith.addf %add3A_1547, %abs3A_1562 : vector<16xf32>
      %xor3A_1564 = arith.constant 8 : i32
      %xor3A_1565 = vector.broadcast %xor3A_1564 : i32 to vector<16xi32>
      %xor3A_1566 = arith.xori %iota3A, %xor3A_1565 : vector<16xi32>
      %broadcast_in_dim3A_1567 = vector.shape_cast %xor3A_1566 : vector<16xi32> to vector<16x1xi32>
      %gather3A_1568 = vector.shape_cast %broadcast_in_dim3A_1567 : vector<16x1xi32> to vector<16xi32>
      %gather3A_1569 = tpu.dynamic_gather %add3A_1563[%gather3A_1568] in [0] : vector<16xf32>, vector<16xi32> -> vector<16xf32>
      %add3A_1570 = arith.addf %add3A_1563, %gather3A_1569 : vector<16xf32>
      %xor3A_1571 = arith.constant 4 : i32
      %xor3A_1572 = vector.broadcast %xor3A_1571 : i32 to vector<16xi32>
      %xor3A_1573 = arith.xori %iota3A, %xor3A_1572 : vector<16xi32>
      %broadcast_in_dim3A_1574 = vector.shape_cast %xor3A_1573 : vector<16xi32> to vector<16x1xi32>
      %gather3A_1575 = vector.shape_cast %broadcast_in_dim3A_1574 : vector<16x1xi32> to vector<16xi32>
      %gather3A_1576 = tpu.dynamic_gather %add3A_1570[%gather3A_1575] in [0] : vector<16xf32>, vector<16xi32> -> vector<16xf32>
      %add3A_1577 = arith.addf %add3A_1570, %gather3A_1576 : vector<16xf32>
      %xor3A_1578 = arith.constant 2 : i32
      %xor3A_1579 = vector.broadcast %xor3A_1578 : i32 to vector<16xi32>
      %xor3A_1580 = arith.xori %iota3A, %xor3A_1579 : vector<16xi32>
      %broadcast_in_dim3A_1581 = vector.shape_cast %xor3A_1580 : vector<16xi32> to vector<16x1xi32>
      %gather3A_1582 = vector.shape_cast %broadcast_in_dim3A_1581 : vector<16x1xi32> to vector<16xi32>
      %gather3A_1583 = tpu.dynamic_gather %add3A_1577[%gather3A_1582] in [0] : vector<16xf32>, vector<16xi32> -> vector<16xf32>
      %add3A_1584 = arith.addf %add3A_1577, %gather3A_1583 : vector<16xf32>
      %xor3A_1585 = arith.constant 1 : i32
      %xor3A_1586 = vector.broadcast %xor3A_1585 : i32 to vector<16xi32>
      %xor3A_1587 = arith.xori %iota3A, %xor3A_1586 : vector<16xi32>
      %broadcast_in_dim3A_1588 = vector.shape_cast %xor3A_1587 : vector<16xi32> to vector<16x1xi32>
      %gather3A_1589 = vector.shape_cast %broadcast_in_dim3A_1588 : vector<16x1xi32> to vector<16xi32>
      %gather3A_1590 = tpu.dynamic_gather %add3A_1584[%gather3A_1589] in [0] : vector<16xf32>, vector<16xi32> -> vector<16xf32>
      %add3A_1591 = arith.addf %add3A_1584, %gather3A_1590 : vector<16xf32>
      %eq3A_1592 = arith.constant 13 : i32
      %eq3A_1593 = vector.broadcast %eq3A_1592 : i32 to vector<16xi32>
      %eq3A_1594 = arith.cmpi eq, %iota3A, %eq3A_1593 : vector<16xi32>
      %sub3A_1595 = arith.constant 1.200000e+01 : f32
      %sub3A_1596 = vector.broadcast %sub3A_1595 : f32 to vector<16xf32>
      %sub3A_1597 = arith.subf %sub3A_1596, %add3A_1591 : vector<16xf32>
      %select_n3A_1598 = arith.select %eq3A_1594, %sub3A_1597, %select_n3A_1496 : vector<16xi1>, vector<16xf32>
      %mul3A_1599 = arith.constant 16 : i32
      %mul3A_1600 = arith.muli %scan3A_176, %mul3A_1599 : i32
      %add3A_1601 = arith.constant 14 : i32
      %add3A_1602 = arith.addi %mul3A_1600, %add3A_1601 : i32
      %get3A_1603 = arith.index_cast %add3A_1602 : i32 to index
      %get3A_1604 = arith.constant 0 : index
      %get3A_1605 = tpu.vector_load %arg9[%get3A_1603, %get3A_1604] {strides = array<i32>} : memref<512x64xf32, #tpu.memory_space<vmem>>, vector<1x16xf32>,
      %get3A_1606 = vector.shape_cast %get3A_1605 : vector<1x16xf32> to vector<16xf32>
      %get3A_1607 = arith.index_cast %add3A_1602 : i32 to index
      %get3A_1608 = arith.constant 0 : index
      %get3A_1609 = tpu.vector_load %arg11[%get3A_1607, %get3A_1608] {strides = array<i32>} : memref<512x64xf32, #tpu.memory_space<vmem>>, vector<1x16xf32>,
      %get3A_1610 = vector.shape_cast %get3A_1609 : vector<1x16xf32> to vector<16xf32>
      %add3A_1611 = arith.addf %get3A_1606, %get3A_1610 : vector<16xf32>
      %get3A_1612 = arith.index_cast %add3A_1602 : i32 to index
      %get3A_1613 = arith.constant 0 : index
      %get3A_1614 = tpu.vector_load %arg10[%get3A_1612, %get3A_1613] {strides = array<i32>} : memref<512x64xf32, #tpu.memory_space<vmem>>, vector<1x16xf32>,
      %get3A_1615 = vector.shape_cast %get3A_1614 : vector<1x16xf32> to vector<16xf32>
      %sub3A_1616 = arith.subf %add3A_1611, %get3A_1615 : vector<16xf32>
      %abs3A_1617 = math.absf %sub3A_1616 : vector<16xf32>
      %get3A_1618 = arith.index_cast %add3A_1602 : i32 to index
      %get3A_1619 = arith.constant 16 : index
      %get3A_1620 = tpu.vector_load %arg9[%get3A_1618, %get3A_1619] {strides = array<i32>} : memref<512x64xf32, #tpu.memory_space<vmem>>, vector<1x16xf32>,
      %get3A_1621 = vector.shape_cast %get3A_1620 : vector<1x16xf32> to vector<16xf32>
      %get3A_1622 = arith.index_cast %add3A_1602 : i32 to index
      %get3A_1623 = arith.constant 16 : index
      %get3A_1624 = tpu.vector_load %arg11[%get3A_1622, %get3A_1623] {strides = array<i32>} : memref<512x64xf32, #tpu.memory_space<vmem>>, vector<1x16xf32>,
      %get3A_1625 = vector.shape_cast %get3A_1624 : vector<1x16xf32> to vector<16xf32>
      %add3A_1626 = arith.addf %get3A_1621, %get3A_1625 : vector<16xf32>
      %get3A_1627 = arith.index_cast %add3A_1602 : i32 to index
      %get3A_1628 = arith.constant 16 : index
      %get3A_1629 = tpu.vector_load %arg10[%get3A_1627, %get3A_1628] {strides = array<i32>} : memref<512x64xf32, #tpu.memory_space<vmem>>, vector<1x16xf32>,
      %get3A_1630 = vector.shape_cast %get3A_1629 : vector<1x16xf32> to vector<16xf32>
      %sub3A_1631 = arith.subf %add3A_1626, %get3A_1630 : vector<16xf32>
      %abs3A_1632 = math.absf %sub3A_1631 : vector<16xf32>
      %add3A_1633 = arith.addf %abs3A_1617, %abs3A_1632 : vector<16xf32>
      %get3A_1634 = arith.index_cast %add3A_1602 : i32 to index
      %get3A_1635 = arith.constant 32 : index
      %get3A_1636 = tpu.vector_load %arg9[%get3A_1634, %get3A_1635] {strides = array<i32>} : memref<512x64xf32, #tpu.memory_space<vmem>>, vector<1x16xf32>,
      %get3A_1637 = vector.shape_cast %get3A_1636 : vector<1x16xf32> to vector<16xf32>
      %get3A_1638 = arith.index_cast %add3A_1602 : i32 to index
      %get3A_1639 = arith.constant 32 : index
      %get3A_1640 = tpu.vector_load %arg11[%get3A_1638, %get3A_1639] {strides = array<i32>} : memref<512x64xf32, #tpu.memory_space<vmem>>, vector<1x16xf32>,
      %get3A_1641 = vector.shape_cast %get3A_1640 : vector<1x16xf32> to vector<16xf32>
      %add3A_1642 = arith.addf %get3A_1637, %get3A_1641 : vector<16xf32>
      %get3A_1643 = arith.index_cast %add3A_1602 : i32 to index
      %get3A_1644 = arith.constant 32 : index
      %get3A_1645 = tpu.vector_load %arg10[%get3A_1643, %get3A_1644] {strides = array<i32>} : memref<512x64xf32, #tpu.memory_space<vmem>>, vector<1x16xf32>,
      %get3A_1646 = vector.shape_cast %get3A_1645 : vector<1x16xf32> to vector<16xf32>
      %sub3A_1647 = arith.subf %add3A_1642, %get3A_1646 : vector<16xf32>
      %abs3A_1648 = math.absf %sub3A_1647 : vector<16xf32>
      %add3A_1649 = arith.addf %add3A_1633, %abs3A_1648 : vector<16xf32>
      %get3A_1650 = arith.index_cast %add3A_1602 : i32 to index
      %get3A_1651 = arith.constant 48 : index
      %get3A_1652 = tpu.vector_load %arg9[%get3A_1650, %get3A_1651] {strides = array<i32>} : memref<512x64xf32, #tpu.memory_space<vmem>>, vector<1x16xf32>,
      %get3A_1653 = vector.shape_cast %get3A_1652 : vector<1x16xf32> to vector<16xf32>
      %get3A_1654 = arith.index_cast %add3A_1602 : i32 to index
      %get3A_1655 = arith.constant 48 : index
      %get3A_1656 = tpu.vector_load %arg11[%get3A_1654, %get3A_1655] {strides = array<i32>} : memref<512x64xf32, #tpu.memory_space<vmem>>, vector<1x16xf32>,
      %get3A_1657 = vector.shape_cast %get3A_1656 : vector<1x16xf32> to vector<16xf32>
      %add3A_1658 = arith.addf %get3A_1653, %get3A_1657 : vector<16xf32>
      %get3A_1659 = arith.index_cast %add3A_1602 : i32 to index
      %get3A_1660 = arith.constant 48 : index
      %get3A_1661 = tpu.vector_load %arg10[%get3A_1659, %get3A_1660] {strides = array<i32>} : memref<512x64xf32, #tpu.memory_space<vmem>>, vector<1x16xf32>,
      %get3A_1662 = vector.shape_cast %get3A_1661 : vector<1x16xf32> to vector<16xf32>
      %sub3A_1663 = arith.subf %add3A_1658, %get3A_1662 : vector<16xf32>
      %abs3A_1664 = math.absf %sub3A_1663 : vector<16xf32>
      %add3A_1665 = arith.addf %add3A_1649, %abs3A_1664 : vector<16xf32>
      %xor3A_1666 = arith.constant 8 : i32
      %xor3A_1667 = vector.broadcast %xor3A_1666 : i32 to vector<16xi32>
      %xor3A_1668 = arith.xori %iota3A, %xor3A_1667 : vector<16xi32>
      %broadcast_in_dim3A_1669 = vector.shape_cast %xor3A_1668 : vector<16xi32> to vector<16x1xi32>
      %gather3A_1670 = vector.shape_cast %broadcast_in_dim3A_1669 : vector<16x1xi32> to vector<16xi32>
      %gather3A_1671 = tpu.dynamic_gather %add3A_1665[%gather3A_1670] in [0] : vector<16xf32>, vector<16xi32> -> vector<16xf32>
      %add3A_1672 = arith.addf %add3A_1665, %gather3A_1671 : vector<16xf32>
      %xor3A_1673 = arith.constant 4 : i32
      %xor3A_1674 = vector.broadcast %xor3A_1673 : i32 to vector<16xi32>
      %xor3A_1675 = arith.xori %iota3A, %xor3A_1674 : vector<16xi32>
      %broadcast_in_dim3A_1676 = vector.shape_cast %xor3A_1675 : vector<16xi32> to vector<16x1xi32>
      %gather3A_1677 = vector.shape_cast %broadcast_in_dim3A_1676 : vector<16x1xi32> to vector<16xi32>
      %gather3A_1678 = tpu.dynamic_gather %add3A_1672[%gather3A_1677] in [0] : vector<16xf32>, vector<16xi32> -> vector<16xf32>
      %add3A_1679 = arith.addf %add3A_1672, %gather3A_1678 : vector<16xf32>
      %xor3A_1680 = arith.constant 2 : i32
      %xor3A_1681 = vector.broadcast %xor3A_1680 : i32 to vector<16xi32>
      %xor3A_1682 = arith.xori %iota3A, %xor3A_1681 : vector<16xi32>
      %broadcast_in_dim3A_1683 = vector.shape_cast %xor3A_1682 : vector<16xi32> to vector<16x1xi32>
      %gather3A_1684 = vector.shape_cast %broadcast_in_dim3A_1683 : vector<16x1xi32> to vector<16xi32>
      %gather3A_1685 = tpu.dynamic_gather %add3A_1679[%gather3A_1684] in [0] : vector<16xf32>, vector<16xi32> -> vector<16xf32>
      %add3A_1686 = arith.addf %add3A_1679, %gather3A_1685 : vector<16xf32>
      %xor3A_1687 = arith.constant 1 : i32
      %xor3A_1688 = vector.broadcast %xor3A_1687 : i32 to vector<16xi32>
      %xor3A_1689 = arith.xori %iota3A, %xor3A_1688 : vector<16xi32>
      %broadcast_in_dim3A_1690 = vector.shape_cast %xor3A_1689 : vector<16xi32> to vector<16x1xi32>
      %gather3A_1691 = vector.shape_cast %broadcast_in_dim3A_1690 : vector<16x1xi32> to vector<16xi32>
      %gather3A_1692 = tpu.dynamic_gather %add3A_1686[%gather3A_1691] in [0] : vector<16xf32>, vector<16xi32> -> vector<16xf32>
      %add3A_1693 = arith.addf %add3A_1686, %gather3A_1692 : vector<16xf32>
      %eq3A_1694 = arith.constant 14 : i32
      %eq3A_1695 = vector.broadcast %eq3A_1694 : i32 to vector<16xi32>
      %eq3A_1696 = arith.cmpi eq, %iota3A, %eq3A_1695 : vector<16xi32>
      %sub3A_1697 = arith.constant 1.200000e+01 : f32
      %sub3A_1698 = vector.broadcast %sub3A_1697 : f32 to vector<16xf32>
      %sub3A_1699 = arith.subf %sub3A_1698, %add3A_1693 : vector<16xf32>
      %select_n3A_1700 = arith.select %eq3A_1696, %sub3A_1699, %select_n3A_1598 : vector<16xi1>, vector<16xf32>
      %mul3A_1701 = arith.constant 16 : i32
      %mul3A_1702 = arith.muli %scan3A_176, %mul3A_1701 : i32
      %add3A_1703 = arith.constant 15 : i32
      %add3A_1704 = arith.addi %mul3A_1702, %add3A_1703 : i32
      %get3A_1705 = arith.index_cast %add3A_1704 : i32 to index
      %get3A_1706 = arith.constant 0 : index
      %get3A_1707 = tpu.vector_load %arg9[%get3A_1705, %get3A_1706] {strides = array<i32>} : memref<512x64xf32, #tpu.memory_space<vmem>>, vector<1x16xf32>,
      %get3A_1708 = vector.shape_cast %get3A_1707 : vector<1x16xf32> to vector<16xf32>
      %get3A_1709 = arith.index_cast %add3A_1704 : i32 to index
      %get3A_1710 = arith.constant 0 : index
      %get3A_1711 = tpu.vector_load %arg11[%get3A_1709, %get3A_1710] {strides = array<i32>} : memref<512x64xf32, #tpu.memory_space<vmem>>, vector<1x16xf32>,
      %get3A_1712 = vector.shape_cast %get3A_1711 : vector<1x16xf32> to vector<16xf32>
      %add3A_1713 = arith.addf %get3A_1708, %get3A_1712 : vector<16xf32>
      %get3A_1714 = arith.index_cast %add3A_1704 : i32 to index
      %get3A_1715 = arith.constant 0 : index
      %get3A_1716 = tpu.vector_load %arg10[%get3A_1714, %get3A_1715] {strides = array<i32>} : memref<512x64xf32, #tpu.memory_space<vmem>>, vector<1x16xf32>,
      %get3A_1717 = vector.shape_cast %get3A_1716 : vector<1x16xf32> to vector<16xf32>
      %sub3A_1718 = arith.subf %add3A_1713, %get3A_1717 : vector<16xf32>
      %abs3A_1719 = math.absf %sub3A_1718 : vector<16xf32>
      %get3A_1720 = arith.index_cast %add3A_1704 : i32 to index
      %get3A_1721 = arith.constant 16 : index
      %get3A_1722 = tpu.vector_load %arg9[%get3A_1720, %get3A_1721] {strides = array<i32>} : memref<512x64xf32, #tpu.memory_space<vmem>>, vector<1x16xf32>,
      %get3A_1723 = vector.shape_cast %get3A_1722 : vector<1x16xf32> to vector<16xf32>
      %get3A_1724 = arith.index_cast %add3A_1704 : i32 to index
      %get3A_1725 = arith.constant 16 : index
      %get3A_1726 = tpu.vector_load %arg11[%get3A_1724, %get3A_1725] {strides = array<i32>} : memref<512x64xf32, #tpu.memory_space<vmem>>, vector<1x16xf32>,
      %get3A_1727 = vector.shape_cast %get3A_1726 : vector<1x16xf32> to vector<16xf32>
      %add3A_1728 = arith.addf %get3A_1723, %get3A_1727 : vector<16xf32>
      %get3A_1729 = arith.index_cast %add3A_1704 : i32 to index
      %get3A_1730 = arith.constant 16 : index
      %get3A_1731 = tpu.vector_load %arg10[%get3A_1729, %get3A_1730] {strides = array<i32>} : memref<512x64xf32, #tpu.memory_space<vmem>>, vector<1x16xf32>,
      %get3A_1732 = vector.shape_cast %get3A_1731 : vector<1x16xf32> to vector<16xf32>
      %sub3A_1733 = arith.subf %add3A_1728, %get3A_1732 : vector<16xf32>
      %abs3A_1734 = math.absf %sub3A_1733 : vector<16xf32>
      %add3A_1735 = arith.addf %abs3A_1719, %abs3A_1734 : vector<16xf32>
      %get3A_1736 = arith.index_cast %add3A_1704 : i32 to index
      %get3A_1737 = arith.constant 32 : index
      %get3A_1738 = tpu.vector_load %arg9[%get3A_1736, %get3A_1737] {strides = array<i32>} : memref<512x64xf32, #tpu.memory_space<vmem>>, vector<1x16xf32>,
      %get3A_1739 = vector.shape_cast %get3A_1738 : vector<1x16xf32> to vector<16xf32>
      %get3A_1740 = arith.index_cast %add3A_1704 : i32 to index
      %get3A_1741 = arith.constant 32 : index
      %get3A_1742 = tpu.vector_load %arg11[%get3A_1740, %get3A_1741] {strides = array<i32>} : memref<512x64xf32, #tpu.memory_space<vmem>>, vector<1x16xf32>,
      %get3A_1743 = vector.shape_cast %get3A_1742 : vector<1x16xf32> to vector<16xf32>
      %add3A_1744 = arith.addf %get3A_1739, %get3A_1743 : vector<16xf32>
      %get3A_1745 = arith.index_cast %add3A_1704 : i32 to index
      %get3A_1746 = arith.constant 32 : index
      %get3A_1747 = tpu.vector_load %arg10[%get3A_1745, %get3A_1746] {strides = array<i32>} : memref<512x64xf32, #tpu.memory_space<vmem>>, vector<1x16xf32>,
      %get3A_1748 = vector.shape_cast %get3A_1747 : vector<1x16xf32> to vector<16xf32>
      %sub3A_1749 = arith.subf %add3A_1744, %get3A_1748 : vector<16xf32>
      %abs3A_1750 = math.absf %sub3A_1749 : vector<16xf32>
      %add3A_1751 = arith.addf %add3A_1735, %abs3A_1750 : vector<16xf32>
      %get3A_1752 = arith.index_cast %add3A_1704 : i32 to index
      %get3A_1753 = arith.constant 48 : index
      %get3A_1754 = tpu.vector_load %arg9[%get3A_1752, %get3A_1753] {strides = array<i32>} : memref<512x64xf32, #tpu.memory_space<vmem>>, vector<1x16xf32>,
      %get3A_1755 = vector.shape_cast %get3A_1754 : vector<1x16xf32> to vector<16xf32>
      %get3A_1756 = arith.index_cast %add3A_1704 : i32 to index
      %get3A_1757 = arith.constant 48 : index
      %get3A_1758 = tpu.vector_load %arg11[%get3A_1756, %get3A_1757] {strides = array<i32>} : memref<512x64xf32, #tpu.memory_space<vmem>>, vector<1x16xf32>,
      %get3A_1759 = vector.shape_cast %get3A_1758 : vector<1x16xf32> to vector<16xf32>
      %add3A_1760 = arith.addf %get3A_1755, %get3A_1759 : vector<16xf32>
      %get3A_1761 = arith.index_cast %add3A_1704 : i32 to index
      %get3A_1762 = arith.constant 48 : index
      %get3A_1763 = tpu.vector_load %arg10[%get3A_1761, %get3A_1762] {strides = array<i32>} : memref<512x64xf32, #tpu.memory_space<vmem>>, vector<1x16xf32>,
      %get3A_1764 = vector.shape_cast %get3A_1763 : vector<1x16xf32> to vector<16xf32>
      %sub3A_1765 = arith.subf %add3A_1760, %get3A_1764 : vector<16xf32>
      %abs3A_1766 = math.absf %sub3A_1765 : vector<16xf32>
      %add3A_1767 = arith.addf %add3A_1751, %abs3A_1766 : vector<16xf32>
      %xor3A_1768 = arith.constant 8 : i32
      %xor3A_1769 = vector.broadcast %xor3A_1768 : i32 to vector<16xi32>
      %xor3A_1770 = arith.xori %iota3A, %xor3A_1769 : vector<16xi32>
      %broadcast_in_dim3A_1771 = vector.shape_cast %xor3A_1770 : vector<16xi32> to vector<16x1xi32>
      %gather3A_1772 = vector.shape_cast %broadcast_in_dim3A_1771 : vector<16x1xi32> to vector<16xi32>
      %gather3A_1773 = tpu.dynamic_gather %add3A_1767[%gather3A_1772] in [0] : vector<16xf32>, vector<16xi32> -> vector<16xf32>
      %add3A_1774 = arith.addf %add3A_1767, %gather3A_1773 : vector<16xf32>
      %xor3A_1775 = arith.constant 4 : i32
      %xor3A_1776 = vector.broadcast %xor3A_1775 : i32 to vector<16xi32>
      %xor3A_1777 = arith.xori %iota3A, %xor3A_1776 : vector<16xi32>
      %broadcast_in_dim3A_1778 = vector.shape_cast %xor3A_1777 : vector<16xi32> to vector<16x1xi32>
      %gather3A_1779 = vector.shape_cast %broadcast_in_dim3A_1778 : vector<16x1xi32> to vector<16xi32>
      %gather3A_1780 = tpu.dynamic_gather %add3A_1774[%gather3A_1779] in [0] : vector<16xf32>, vector<16xi32> -> vector<16xf32>
      %add3A_1781 = arith.addf %add3A_1774, %gather3A_1780 : vector<16xf32>
      %xor3A_1782 = arith.constant 2 : i32
      %xor3A_1783 = vector.broadcast %xor3A_1782 : i32 to vector<16xi32>
      %xor3A_1784 = arith.xori %iota3A, %xor3A_1783 : vector<16xi32>
      %broadcast_in_dim3A_1785 = vector.shape_cast %xor3A_1784 : vector<16xi32> to vector<16x1xi32>
      %gather3A_1786 = vector.shape_cast %broadcast_in_dim3A_1785 : vector<16x1xi32> to vector<16xi32>
      %gather3A_1787 = tpu.dynamic_gather %add3A_1781[%gather3A_1786] in [0] : vector<16xf32>, vector<16xi32> -> vector<16xf32>
      %add3A_1788 = arith.addf %add3A_1781, %gather3A_1787 : vector<16xf32>
      %xor3A_1789 = arith.constant 1 : i32
      %xor3A_1790 = vector.broadcast %xor3A_1789 : i32 to vector<16xi32>
      %xor3A_1791 = arith.xori %iota3A, %xor3A_1790 : vector<16xi32>
      %broadcast_in_dim3A_1792 = vector.shape_cast %xor3A_1791 : vector<16xi32> to vector<16x1xi32>
      %gather3A_1793 = vector.shape_cast %broadcast_in_dim3A_1792 : vector<16x1xi32> to vector<16xi32>
      %gather3A_1794 = tpu.dynamic_gather %add3A_1788[%gather3A_1793] in [0] : vector<16xf32>, vector<16xi32> -> vector<16xf32>
      %add3A_1795 = arith.addf %add3A_1788, %gather3A_1794 : vector<16xf32>
      %eq3A_1796 = arith.constant 15 : i32
      %eq3A_1797 = vector.broadcast %eq3A_1796 : i32 to vector<16xi32>
      %eq3A_1798 = arith.cmpi eq, %iota3A, %eq3A_1797 : vector<16xi32>
      %sub3A_1799 = arith.constant 1.200000e+01 : f32
      %sub3A_1800 = vector.broadcast %sub3A_1799 : f32 to vector<16xf32>
      %sub3A_1801 = arith.subf %sub3A_1800, %add3A_1795 : vector<16xf32>
      %select_n3A_1802 = arith.select %eq3A_1798, %sub3A_1801, %select_n3A_1700 : vector<16xi1>, vector<16xf32>
      %mul3A_1803 = arith.constant 16 : i32
      %mul3A_1804 = arith.muli %scan3A_176, %mul3A_1803 : i32
      %swap3A = arith.index_cast %mul3A_1804 : i32 to index
      %swap3A_1805 = tpu.vector_load %arg12[%swap3A] {strides = array<i32>} : memref<512xf32, #tpu.memory_space<vmem>>, vector<16xf32>,
      %swap3A_1806 = vector.shape_cast %swap3A_1805 : vector<16xf32> to vector<16xf32>
      %swap3A_1807 = vector.shape_cast %select_n3A_1802 : vector<16xf32> to vector<16xf32>
      tpu.vector_store %arg12[%swap3A], %swap3A_1807 {strides = array<i32>} : memref<512xf32, #tpu.memory_space<vmem>>, vector<16xf32>,
    }
    %scan3A_175 = arith.constant 32 : i32
    "tpu.region"() ({
      %run_scoped3A = tpu.sem_alloc : memref<!tpu.dma_semaphore, #tpu.memory_space<semaphore_mem>>
      %dma_start3A_176 = tpu.memref_slice %arg6[%mul3A_2] : memref<16384xf32, #tpu.memory_space<hbm>> -> memref<512xf32, #tpu.memory_space<hbm>>
      %dma_start3A_177 = tpu.memref_slice %arg6[%mul3A_2] : memref<16384xf32, #tpu.memory_space<hbm>> -> memref<512xf32, #tpu.memory_space<hbm>>
      tpu.enqueue_dma source(%arg12 : memref<512xf32, #tpu.memory_space<vmem>>) target(%dma_start3A_177 : memref<512xf32, #tpu.memory_space<hbm>>) target_semaphore(%run_scoped3A : memref<!tpu.dma_semaphore, #tpu.memory_space<semaphore_mem>>)
      %dma_wait3A_178 = tpu.memref_slice %arg6[%mul3A_2] : memref<16384xf32, #tpu.memory_space<hbm>> -> memref<512xf32, #tpu.memory_space<hbm>>
      %dma_wait3A_179 = tpu.memref_slice %arg6[%mul3A_2] : memref<16384xf32, #tpu.memory_space<hbm>> -> memref<512xf32, #tpu.memory_space<hbm>>
      tpu.wait_dma2 semaphore(%run_scoped3A : memref<!tpu.dma_semaphore, #tpu.memory_space<semaphore_mem>>) src(%arg12 : memref<512xf32, #tpu.memory_space<vmem>>) dst(%dma_wait3A_179 : memref<512xf32, #tpu.memory_space<hbm>>)
      tpu.yield
    }) : () -> ()
    return
  }
}

module attributes {stable_mosaic.version = 14 : i64} {
  func.func @_tc_body(%arg0: i32, %arg1: memref<16384xi32, #tpu.memory_space<smem>>, %arg2: memref<1000000x64xf32, #tpu.memory_space<any>>, %arg3: memref<512x64xf32, #tpu.memory_space<vmem>>, %arg4: memref<2x512x64xf32, #tpu.memory_space<vmem>>, %arg5: memref<2x!tpu.dma_semaphore, #tpu.memory_space<semaphore_mem>>) attributes {dimension_semantics = [#tpu.dimension_semantics<arbitrary>], iteration_bounds = array<i64: 32>, scalar_prefetch = 1 : i64, scratch_operands = 2 : i64, tpu.core_type = #tpu.core_type<tc>, window_params = [{}, {transform_indices = @transform_1, window_bounds = array<i64: 512, 64>}]} {
    %rem3A = arith.constant 2 : i32
    %rem3A_0 = arith.remsi %arg0, %rem3A : i32
    %add3A = arith.constant 1 : i32
    %add3A_1 = arith.addi %arg0, %add3A : i32
    %rem3A_2 = arith.constant 2 : i32
    %rem3A_3 = arith.remsi %add3A_1, %rem3A_2 : i32
    %eq3A = arith.constant 0 : i32
    %eq3A_4 = arith.cmpi eq, %arg0, %eq3A : i32
    %convert_element_type3A = arith.extui %eq3A_4 : i1 to i32
    %cond3A = arith.constant 0 : i32
    %cond3A_5 = arith.cmpi ne, %convert_element_type3A, %cond3A : i32
    scf.if %cond3A_5 {
      %scan3A = arith.constant 0 : i32
      %scan3A_26 = arith.constant 64 : i32
      %scan3A_27 = arith.addi %scan3A, %scan3A_26 : i32
      %scan3A_28 = arith.constant 2 : i32
      scf.for %scan3A_30 = %scan3A to %scan3A_27 step %scan3A_28  : i32 {
        %add3A_31 = arith.constant 0 : i32
        %add3A_32 = arith.addi %add3A_31, %scan3A_30 : i32
        %get3A_33 = arith.index_cast %add3A_32 : i32 to index
        %get3A_34 = memref.load %arg1[%get3A_33] : memref<16384xi32, #tpu.memory_space<smem>>
        %add3A_35 = arith.constant 0 : i32
        %add3A_36 = arith.addi %add3A_35, %scan3A_30 : i32
        %dma_start3A = arith.constant 0 : i32
        %dma_start3A_37 = arith.constant 0 : i32
        %dma_start3A_38 = tpu.memref_slice %arg5[%dma_start3A_37] : memref<2x!tpu.dma_semaphore, #tpu.memory_space<semaphore_mem>> -> memref<1x!tpu.dma_semaphore, #tpu.memory_space<semaphore_mem>>
        %dma_start3A_39 = tpu.memref_squeeze %dma_start3A_38 : memref<1x!tpu.dma_semaphore, #tpu.memory_space<semaphore_mem>> -> memref<!tpu.dma_semaphore, #tpu.memory_space<semaphore_mem>>
        %dma_start3A_40 = arith.constant 0 : i32
        %dma_start3A_41 = tpu.memref_slice %arg4[%dma_start3A, %add3A_36, %dma_start3A_40] : memref<2x512x64xf32, #tpu.memory_space<vmem>> -> memref<1x1x64xf32, #tpu.memory_space<vmem>>
        %dma_start3A_42 = tpu.memref_squeeze %dma_start3A_41 : memref<1x1x64xf32, #tpu.memory_space<vmem>> -> memref<64xf32, #tpu.memory_space<vmem>>
        %dma_start3A_43 = arith.constant 0 : i32
        %dma_start3A_44 = tpu.memref_slice %arg2[%get3A_34, %dma_start3A_43] : memref<1000000x64xf32, #tpu.memory_space<any>> -> memref<1x64xf32, #tpu.memory_space<any>>
        %dma_start3A_45 = tpu.memref_squeeze %dma_start3A_44 : memref<1x64xf32, #tpu.memory_space<any>> -> memref<64xf32, #tpu.memory_space<any>>
        tpu.enqueue_dma source(%dma_start3A_45 : memref<64xf32, #tpu.memory_space<any>>) target(%dma_start3A_42 : memref<64xf32, #tpu.memory_space<vmem>>) target_semaphore(%dma_start3A_39 : memref<!tpu.dma_semaphore, #tpu.memory_space<semaphore_mem>>)
        %add3A_46 = arith.constant 64 : i32
        %add3A_47 = arith.addi %add3A_46, %scan3A_30 : i32
        %get3A_48 = arith.index_cast %add3A_47 : i32 to index
        %get3A_49 = memref.load %arg1[%get3A_48] : memref<16384xi32, #tpu.memory_space<smem>>
        %add3A_50 = arith.constant 64 : i32
        %add3A_51 = arith.addi %add3A_50, %scan3A_30 : i32
        %dma_start3A_52 = arith.constant 0 : i32
        %dma_start3A_53 = arith.constant 0 : i32
        %dma_start3A_54 = tpu.memref_slice %arg5[%dma_start3A_53] : memref<2x!tpu.dma_semaphore, #tpu.memory_space<semaphore_mem>> -> memref<1x!tpu.dma_semaphore, #tpu.memory_space<semaphore_mem>>
        %dma_start3A_55 = tpu.memref_squeeze %dma_start3A_54 : memref<1x!tpu.dma_semaphore, #tpu.memory_space<semaphore_mem>> -> memref<!tpu.dma_semaphore, #tpu.memory_space<semaphore_mem>>
        %dma_start3A_56 = arith.constant 0 : i32
        %dma_start3A_57 = tpu.memref_slice %arg4[%dma_start3A_52, %add3A_51, %dma_start3A_56] : memref<2x512x64xf32, #tpu.memory_space<vmem>> -> memref<1x1x64xf32, #tpu.memory_space<vmem>>
        %dma_start3A_58 = tpu.memref_squeeze %dma_start3A_57 : memref<1x1x64xf32, #tpu.memory_space<vmem>> -> memref<64xf32, #tpu.memory_space<vmem>>
        %dma_start3A_59 = arith.constant 0 : i32
        %dma_start3A_60 = tpu.memref_slice %arg2[%get3A_49, %dma_start3A_59] : memref<1000000x64xf32, #tpu.memory_space<any>> -> memref<1x64xf32, #tpu.memory_space<any>>
        %dma_start3A_61 = tpu.memref_squeeze %dma_start3A_60 : memref<1x64xf32, #tpu.memory_space<any>> -> memref<64xf32, #tpu.memory_space<any>>
        tpu.enqueue_dma source(%dma_start3A_61 : memref<64xf32, #tpu.memory_space<any>>) target(%dma_start3A_58 : memref<64xf32, #tpu.memory_space<vmem>>) target_semaphore(%dma_start3A_55 : memref<!tpu.dma_semaphore, #tpu.memory_space<semaphore_mem>>)
        %add3A_62 = arith.constant 128 : i32
        %add3A_63 = arith.addi %add3A_62, %scan3A_30 : i32
        %get3A_64 = arith.index_cast %add3A_63 : i32 to index
        %get3A_65 = memref.load %arg1[%get3A_64] : memref<16384xi32, #tpu.memory_space<smem>>
        %add3A_66 = arith.constant 128 : i32
        %add3A_67 = arith.addi %add3A_66, %scan3A_30 : i32
        %dma_start3A_68 = arith.constant 0 : i32
        %dma_start3A_69 = arith.constant 0 : i32
        %dma_start3A_70 = tpu.memref_slice %arg5[%dma_start3A_69] : memref<2x!tpu.dma_semaphore, #tpu.memory_space<semaphore_mem>> -> memref<1x!tpu.dma_semaphore, #tpu.memory_space<semaphore_mem>>
        %dma_start3A_71 = tpu.memref_squeeze %dma_start3A_70 : memref<1x!tpu.dma_semaphore, #tpu.memory_space<semaphore_mem>> -> memref<!tpu.dma_semaphore, #tpu.memory_space<semaphore_mem>>
        %dma_start3A_72 = arith.constant 0 : i32
        %dma_start3A_73 = tpu.memref_slice %arg4[%dma_start3A_68, %add3A_67, %dma_start3A_72] : memref<2x512x64xf32, #tpu.memory_space<vmem>> -> memref<1x1x64xf32, #tpu.memory_space<vmem>>
        %dma_start3A_74 = tpu.memref_squeeze %dma_start3A_73 : memref<1x1x64xf32, #tpu.memory_space<vmem>> -> memref<64xf32, #tpu.memory_space<vmem>>
        %dma_start3A_75 = arith.constant 0 : i32
        %dma_start3A_76 = tpu.memref_slice %arg2[%get3A_65, %dma_start3A_75] : memref<1000000x64xf32, #tpu.memory_space<any>> -> memref<1x64xf32, #tpu.memory_space<any>>
        %dma_start3A_77 = tpu.memref_squeeze %dma_start3A_76 : memref<1x64xf32, #tpu.memory_space<any>> -> memref<64xf32, #tpu.memory_space<any>>
        tpu.enqueue_dma source(%dma_start3A_77 : memref<64xf32, #tpu.memory_space<any>>) target(%dma_start3A_74 : memref<64xf32, #tpu.memory_space<vmem>>) target_semaphore(%dma_start3A_71 : memref<!tpu.dma_semaphore, #tpu.memory_space<semaphore_mem>>)
        %add3A_78 = arith.constant 192 : i32
        %add3A_79 = arith.addi %add3A_78, %scan3A_30 : i32
        %get3A_80 = arith.index_cast %add3A_79 : i32 to index
        %get3A_81 = memref.load %arg1[%get3A_80] : memref<16384xi32, #tpu.memory_space<smem>>
        %add3A_82 = arith.constant 192 : i32
        %add3A_83 = arith.addi %add3A_82, %scan3A_30 : i32
        %dma_start3A_84 = arith.constant 0 : i32
        %dma_start3A_85 = arith.constant 0 : i32
        %dma_start3A_86 = tpu.memref_slice %arg5[%dma_start3A_85] : memref<2x!tpu.dma_semaphore, #tpu.memory_space<semaphore_mem>> -> memref<1x!tpu.dma_semaphore, #tpu.memory_space<semaphore_mem>>
        %dma_start3A_87 = tpu.memref_squeeze %dma_start3A_86 : memref<1x!tpu.dma_semaphore, #tpu.memory_space<semaphore_mem>> -> memref<!tpu.dma_semaphore, #tpu.memory_space<semaphore_mem>>
        %dma_start3A_88 = arith.constant 0 : i32
        %dma_start3A_89 = tpu.memref_slice %arg4[%dma_start3A_84, %add3A_83, %dma_start3A_88] : memref<2x512x64xf32, #tpu.memory_space<vmem>> -> memref<1x1x64xf32, #tpu.memory_space<vmem>>
        %dma_start3A_90 = tpu.memref_squeeze %dma_start3A_89 : memref<1x1x64xf32, #tpu.memory_space<vmem>> -> memref<64xf32, #tpu.memory_space<vmem>>
        %dma_start3A_91 = arith.constant 0 : i32
        %dma_start3A_92 = tpu.memref_slice %arg2[%get3A_81, %dma_start3A_91] : memref<1000000x64xf32, #tpu.memory_space<any>> -> memref<1x64xf32, #tpu.memory_space<any>>
        %dma_start3A_93 = tpu.memref_squeeze %dma_start3A_92 : memref<1x64xf32, #tpu.memory_space<any>> -> memref<64xf32, #tpu.memory_space<any>>
        tpu.enqueue_dma source(%dma_start3A_93 : memref<64xf32, #tpu.memory_space<any>>) target(%dma_start3A_90 : memref<64xf32, #tpu.memory_space<vmem>>) target_semaphore(%dma_start3A_87 : memref<!tpu.dma_semaphore, #tpu.memory_space<semaphore_mem>>)
        %add3A_94 = arith.constant 256 : i32
        %add3A_95 = arith.addi %add3A_94, %scan3A_30 : i32
        %get3A_96 = arith.index_cast %add3A_95 : i32 to index
        %get3A_97 = memref.load %arg1[%get3A_96] : memref<16384xi32, #tpu.memory_space<smem>>
        %add3A_98 = arith.constant 256 : i32
        %add3A_99 = arith.addi %add3A_98, %scan3A_30 : i32
        %dma_start3A_100 = arith.constant 0 : i32
        %dma_start3A_101 = arith.constant 0 : i32
        %dma_start3A_102 = tpu.memref_slice %arg5[%dma_start3A_101] : memref<2x!tpu.dma_semaphore, #tpu.memory_space<semaphore_mem>> -> memref<1x!tpu.dma_semaphore, #tpu.memory_space<semaphore_mem>>
        %dma_start3A_103 = tpu.memref_squeeze %dma_start3A_102 : memref<1x!tpu.dma_semaphore, #tpu.memory_space<semaphore_mem>> -> memref<!tpu.dma_semaphore, #tpu.memory_space<semaphore_mem>>
        %dma_start3A_104 = arith.constant 0 : i32
        %dma_start3A_105 = tpu.memref_slice %arg4[%dma_start3A_100, %add3A_99, %dma_start3A_104] : memref<2x512x64xf32, #tpu.memory_space<vmem>> -> memref<1x1x64xf32, #tpu.memory_space<vmem>>
        %dma_start3A_106 = tpu.memref_squeeze %dma_start3A_105 : memref<1x1x64xf32, #tpu.memory_space<vmem>> -> memref<64xf32, #tpu.memory_space<vmem>>
        %dma_start3A_107 = arith.constant 0 : i32
        %dma_start3A_108 = tpu.memref_slice %arg2[%get3A_97, %dma_start3A_107] : memref<1000000x64xf32, #tpu.memory_space<any>> -> memref<1x64xf32, #tpu.memory_space<any>>
        %dma_start3A_109 = tpu.memref_squeeze %dma_start3A_108 : memref<1x64xf32, #tpu.memory_space<any>> -> memref<64xf32, #tpu.memory_space<any>>
        tpu.enqueue_dma source(%dma_start3A_109 : memref<64xf32, #tpu.memory_space<any>>) target(%dma_start3A_106 : memref<64xf32, #tpu.memory_space<vmem>>) target_semaphore(%dma_start3A_103 : memref<!tpu.dma_semaphore, #tpu.memory_space<semaphore_mem>>)
        %add3A_110 = arith.constant 320 : i32
        %add3A_111 = arith.addi %add3A_110, %scan3A_30 : i32
        %get3A_112 = arith.index_cast %add3A_111 : i32 to index
        %get3A_113 = memref.load %arg1[%get3A_112] : memref<16384xi32, #tpu.memory_space<smem>>
        %add3A_114 = arith.constant 320 : i32
        %add3A_115 = arith.addi %add3A_114, %scan3A_30 : i32
        %dma_start3A_116 = arith.constant 0 : i32
        %dma_start3A_117 = arith.constant 0 : i32
        %dma_start3A_118 = tpu.memref_slice %arg5[%dma_start3A_117] : memref<2x!tpu.dma_semaphore, #tpu.memory_space<semaphore_mem>> -> memref<1x!tpu.dma_semaphore, #tpu.memory_space<semaphore_mem>>
        %dma_start3A_119 = tpu.memref_squeeze %dma_start3A_118 : memref<1x!tpu.dma_semaphore, #tpu.memory_space<semaphore_mem>> -> memref<!tpu.dma_semaphore, #tpu.memory_space<semaphore_mem>>
        %dma_start3A_120 = arith.constant 0 : i32
        %dma_start3A_121 = tpu.memref_slice %arg4[%dma_start3A_116, %add3A_115, %dma_start3A_120] : memref<2x512x64xf32, #tpu.memory_space<vmem>> -> memref<1x1x64xf32, #tpu.memory_space<vmem>>
        %dma_start3A_122 = tpu.memref_squeeze %dma_start3A_121 : memref<1x1x64xf32, #tpu.memory_space<vmem>> -> memref<64xf32, #tpu.memory_space<vmem>>
        %dma_start3A_123 = arith.constant 0 : i32
        %dma_start3A_124 = tpu.memref_slice %arg2[%get3A_113, %dma_start3A_123] : memref<1000000x64xf32, #tpu.memory_space<any>> -> memref<1x64xf32, #tpu.memory_space<any>>
        %dma_start3A_125 = tpu.memref_squeeze %dma_start3A_124 : memref<1x64xf32, #tpu.memory_space<any>> -> memref<64xf32, #tpu.memory_space<any>>
        tpu.enqueue_dma source(%dma_start3A_125 : memref<64xf32, #tpu.memory_space<any>>) target(%dma_start3A_122 : memref<64xf32, #tpu.memory_space<vmem>>) target_semaphore(%dma_start3A_119 : memref<!tpu.dma_semaphore, #tpu.memory_space<semaphore_mem>>)
        %add3A_126 = arith.constant 384 : i32
        %add3A_127 = arith.addi %add3A_126, %scan3A_30 : i32
        %get3A_128 = arith.index_cast %add3A_127 : i32 to index
        %get3A_129 = memref.load %arg1[%get3A_128] : memref<16384xi32, #tpu.memory_space<smem>>
        %add3A_130 = arith.constant 384 : i32
        %add3A_131 = arith.addi %add3A_130, %scan3A_30 : i32
        %dma_start3A_132 = arith.constant 0 : i32
        %dma_start3A_133 = arith.constant 0 : i32
        %dma_start3A_134 = tpu.memref_slice %arg5[%dma_start3A_133] : memref<2x!tpu.dma_semaphore, #tpu.memory_space<semaphore_mem>> -> memref<1x!tpu.dma_semaphore, #tpu.memory_space<semaphore_mem>>
        %dma_start3A_135 = tpu.memref_squeeze %dma_start3A_134 : memref<1x!tpu.dma_semaphore, #tpu.memory_space<semaphore_mem>> -> memref<!tpu.dma_semaphore, #tpu.memory_space<semaphore_mem>>
        %dma_start3A_136 = arith.constant 0 : i32
        %dma_start3A_137 = tpu.memref_slice %arg4[%dma_start3A_132, %add3A_131, %dma_start3A_136] : memref<2x512x64xf32, #tpu.memory_space<vmem>> -> memref<1x1x64xf32, #tpu.memory_space<vmem>>
        %dma_start3A_138 = tpu.memref_squeeze %dma_start3A_137 : memref<1x1x64xf32, #tpu.memory_space<vmem>> -> memref<64xf32, #tpu.memory_space<vmem>>
        %dma_start3A_139 = arith.constant 0 : i32
        %dma_start3A_140 = tpu.memref_slice %arg2[%get3A_129, %dma_start3A_139] : memref<1000000x64xf32, #tpu.memory_space<any>> -> memref<1x64xf32, #tpu.memory_space<any>>
        %dma_start3A_141 = tpu.memref_squeeze %dma_start3A_140 : memref<1x64xf32, #tpu.memory_space<any>> -> memref<64xf32, #tpu.memory_space<any>>
        tpu.enqueue_dma source(%dma_start3A_141 : memref<64xf32, #tpu.memory_space<any>>) target(%dma_start3A_138 : memref<64xf32, #tpu.memory_space<vmem>>) target_semaphore(%dma_start3A_135 : memref<!tpu.dma_semaphore, #tpu.memory_space<semaphore_mem>>)
        %add3A_142 = arith.constant 448 : i32
        %add3A_143 = arith.addi %add3A_142, %scan3A_30 : i32
        %get3A_144 = arith.index_cast %add3A_143 : i32 to index
        %get3A_145 = memref.load %arg1[%get3A_144] : memref<16384xi32, #tpu.memory_space<smem>>
        %add3A_146 = arith.constant 448 : i32
        %add3A_147 = arith.addi %add3A_146, %scan3A_30 : i32
        %dma_start3A_148 = arith.constant 0 : i32
        %dma_start3A_149 = arith.constant 0 : i32
        %dma_start3A_150 = tpu.memref_slice %arg5[%dma_start3A_149] : memref<2x!tpu.dma_semaphore, #tpu.memory_space<semaphore_mem>> -> memref<1x!tpu.dma_semaphore, #tpu.memory_space<semaphore_mem>>
        %dma_start3A_151 = tpu.memref_squeeze %dma_start3A_150 : memref<1x!tpu.dma_semaphore, #tpu.memory_space<semaphore_mem>> -> memref<!tpu.dma_semaphore, #tpu.memory_space<semaphore_mem>>
        %dma_start3A_152 = arith.constant 0 : i32
        %dma_start3A_153 = tpu.memref_slice %arg4[%dma_start3A_148, %add3A_147, %dma_start3A_152] : memref<2x512x64xf32, #tpu.memory_space<vmem>> -> memref<1x1x64xf32, #tpu.memory_space<vmem>>
        %dma_start3A_154 = tpu.memref_squeeze %dma_start3A_153 : memref<1x1x64xf32, #tpu.memory_space<vmem>> -> memref<64xf32, #tpu.memory_space<vmem>>
        %dma_start3A_155 = arith.constant 0 : i32
        %dma_start3A_156 = tpu.memref_slice %arg2[%get3A_145, %dma_start3A_155] : memref<1000000x64xf32, #tpu.memory_space<any>> -> memref<1x64xf32, #tpu.memory_space<any>>
        %dma_start3A_157 = tpu.memref_squeeze %dma_start3A_156 : memref<1x64xf32, #tpu.memory_space<any>> -> memref<64xf32, #tpu.memory_space<any>>
        tpu.enqueue_dma source(%dma_start3A_157 : memref<64xf32, #tpu.memory_space<any>>) target(%dma_start3A_154 : memref<64xf32, #tpu.memory_space<vmem>>) target_semaphore(%dma_start3A_151 : memref<!tpu.dma_semaphore, #tpu.memory_space<semaphore_mem>>)
        %scan3A_158 = arith.constant 1 : i32
        %scan3A_159 = arith.addi %scan3A_30, %scan3A_158 : i32
        %add3A_160 = arith.constant 0 : i32
        %add3A_161 = arith.addi %add3A_160, %scan3A_159 : i32
        %get3A_162 = arith.index_cast %add3A_161 : i32 to index
        %get3A_163 = memref.load %arg1[%get3A_162] : memref<16384xi32, #tpu.memory_space<smem>>
        %add3A_164 = arith.constant 0 : i32
        %add3A_165 = arith.addi %add3A_164, %scan3A_159 : i32
        %dma_start3A_166 = arith.constant 0 : i32
        %dma_start3A_167 = arith.constant 0 : i32
        %dma_start3A_168 = tpu.memref_slice %arg5[%dma_start3A_167] : memref<2x!tpu.dma_semaphore, #tpu.memory_space<semaphore_mem>> -> memref<1x!tpu.dma_semaphore, #tpu.memory_space<semaphore_mem>>
        %dma_start3A_169 = tpu.memref_squeeze %dma_start3A_168 : memref<1x!tpu.dma_semaphore, #tpu.memory_space<semaphore_mem>> -> memref<!tpu.dma_semaphore, #tpu.memory_space<semaphore_mem>>
        %dma_start3A_170 = arith.constant 0 : i32
        %dma_start3A_171 = tpu.memref_slice %arg4[%dma_start3A_166, %add3A_165, %dma_start3A_170] : memref<2x512x64xf32, #tpu.memory_space<vmem>> -> memref<1x1x64xf32, #tpu.memory_space<vmem>>
        %dma_start3A_172 = tpu.memref_squeeze %dma_start3A_171 : memref<1x1x64xf32, #tpu.memory_space<vmem>> -> memref<64xf32, #tpu.memory_space<vmem>>
        %dma_start3A_173 = arith.constant 0 : i32
        %dma_start3A_174 = tpu.memref_slice %arg2[%get3A_163, %dma_start3A_173] : memref<1000000x64xf32, #tpu.memory_space<any>> -> memref<1x64xf32, #tpu.memory_space<any>>
        %dma_start3A_175 = tpu.memref_squeeze %dma_start3A_174 : memref<1x64xf32, #tpu.memory_space<any>> -> memref<64xf32, #tpu.memory_space<any>>
        tpu.enqueue_dma source(%dma_start3A_175 : memref<64xf32, #tpu.memory_space<any>>) target(%dma_start3A_172 : memref<64xf32, #tpu.memory_space<vmem>>) target_semaphore(%dma_start3A_169 : memref<!tpu.dma_semaphore, #tpu.memory_space<semaphore_mem>>)
        %add3A_176 = arith.constant 64 : i32
        %add3A_177 = arith.addi %add3A_176, %scan3A_159 : i32
        %get3A_178 = arith.index_cast %add3A_177 : i32 to index
        %get3A_179 = memref.load %arg1[%get3A_178] : memref<16384xi32, #tpu.memory_space<smem>>
        %add3A_180 = arith.constant 64 : i32
        %add3A_181 = arith.addi %add3A_180, %scan3A_159 : i32
        %dma_start3A_182 = arith.constant 0 : i32
        %dma_start3A_183 = arith.constant 0 : i32
        %dma_start3A_184 = tpu.memref_slice %arg5[%dma_start3A_183] : memref<2x!tpu.dma_semaphore, #tpu.memory_space<semaphore_mem>> -> memref<1x!tpu.dma_semaphore, #tpu.memory_space<semaphore_mem>>
        %dma_start3A_185 = tpu.memref_squeeze %dma_start3A_184 : memref<1x!tpu.dma_semaphore, #tpu.memory_space<semaphore_mem>> -> memref<!tpu.dma_semaphore, #tpu.memory_space<semaphore_mem>>
        %dma_start3A_186 = arith.constant 0 : i32
        %dma_start3A_187 = tpu.memref_slice %arg4[%dma_start3A_182, %add3A_181, %dma_start3A_186] : memref<2x512x64xf32, #tpu.memory_space<vmem>> -> memref<1x1x64xf32, #tpu.memory_space<vmem>>
        %dma_start3A_188 = tpu.memref_squeeze %dma_start3A_187 : memref<1x1x64xf32, #tpu.memory_space<vmem>> -> memref<64xf32, #tpu.memory_space<vmem>>
        %dma_start3A_189 = arith.constant 0 : i32
        %dma_start3A_190 = tpu.memref_slice %arg2[%get3A_179, %dma_start3A_189] : memref<1000000x64xf32, #tpu.memory_space<any>> -> memref<1x64xf32, #tpu.memory_space<any>>
        %dma_start3A_191 = tpu.memref_squeeze %dma_start3A_190 : memref<1x64xf32, #tpu.memory_space<any>> -> memref<64xf32, #tpu.memory_space<any>>
        tpu.enqueue_dma source(%dma_start3A_191 : memref<64xf32, #tpu.memory_space<any>>) target(%dma_start3A_188 : memref<64xf32, #tpu.memory_space<vmem>>) target_semaphore(%dma_start3A_185 : memref<!tpu.dma_semaphore, #tpu.memory_space<semaphore_mem>>)
        %add3A_192 = arith.constant 128 : i32
        %add3A_193 = arith.addi %add3A_192, %scan3A_159 : i32
        %get3A_194 = arith.index_cast %add3A_193 : i32 to index
        %get3A_195 = memref.load %arg1[%get3A_194] : memref<16384xi32, #tpu.memory_space<smem>>
        %add3A_196 = arith.constant 128 : i32
        %add3A_197 = arith.addi %add3A_196, %scan3A_159 : i32
        %dma_start3A_198 = arith.constant 0 : i32
        %dma_start3A_199 = arith.constant 0 : i32
        %dma_start3A_200 = tpu.memref_slice %arg5[%dma_start3A_199] : memref<2x!tpu.dma_semaphore, #tpu.memory_space<semaphore_mem>> -> memref<1x!tpu.dma_semaphore, #tpu.memory_space<semaphore_mem>>
        %dma_start3A_201 = tpu.memref_squeeze %dma_start3A_200 : memref<1x!tpu.dma_semaphore, #tpu.memory_space<semaphore_mem>> -> memref<!tpu.dma_semaphore, #tpu.memory_space<semaphore_mem>>
        %dma_start3A_202 = arith.constant 0 : i32
        %dma_start3A_203 = tpu.memref_slice %arg4[%dma_start3A_198, %add3A_197, %dma_start3A_202] : memref<2x512x64xf32, #tpu.memory_space<vmem>> -> memref<1x1x64xf32, #tpu.memory_space<vmem>>
        %dma_start3A_204 = tpu.memref_squeeze %dma_start3A_203 : memref<1x1x64xf32, #tpu.memory_space<vmem>> -> memref<64xf32, #tpu.memory_space<vmem>>
        %dma_start3A_205 = arith.constant 0 : i32
        %dma_start3A_206 = tpu.memref_slice %arg2[%get3A_195, %dma_start3A_205] : memref<1000000x64xf32, #tpu.memory_space<any>> -> memref<1x64xf32, #tpu.memory_space<any>>
        %dma_start3A_207 = tpu.memref_squeeze %dma_start3A_206 : memref<1x64xf32, #tpu.memory_space<any>> -> memref<64xf32, #tpu.memory_space<any>>
        tpu.enqueue_dma source(%dma_start3A_207 : memref<64xf32, #tpu.memory_space<any>>) target(%dma_start3A_204 : memref<64xf32, #tpu.memory_space<vmem>>) target_semaphore(%dma_start3A_201 : memref<!tpu.dma_semaphore, #tpu.memory_space<semaphore_mem>>)
        %add3A_208 = arith.constant 192 : i32
        %add3A_209 = arith.addi %add3A_208, %scan3A_159 : i32
        %get3A_210 = arith.index_cast %add3A_209 : i32 to index
        %get3A_211 = memref.load %arg1[%get3A_210] : memref<16384xi32, #tpu.memory_space<smem>>
        %add3A_212 = arith.constant 192 : i32
        %add3A_213 = arith.addi %add3A_212, %scan3A_159 : i32
        %dma_start3A_214 = arith.constant 0 : i32
        %dma_start3A_215 = arith.constant 0 : i32
        %dma_start3A_216 = tpu.memref_slice %arg5[%dma_start3A_215] : memref<2x!tpu.dma_semaphore, #tpu.memory_space<semaphore_mem>> -> memref<1x!tpu.dma_semaphore, #tpu.memory_space<semaphore_mem>>
        %dma_start3A_217 = tpu.memref_squeeze %dma_start3A_216 : memref<1x!tpu.dma_semaphore, #tpu.memory_space<semaphore_mem>> -> memref<!tpu.dma_semaphore, #tpu.memory_space<semaphore_mem>>
        %dma_start3A_218 = arith.constant 0 : i32
        %dma_start3A_219 = tpu.memref_slice %arg4[%dma_start3A_214, %add3A_213, %dma_start3A_218] : memref<2x512x64xf32, #tpu.memory_space<vmem>> -> memref<1x1x64xf32, #tpu.memory_space<vmem>>
        %dma_start3A_220 = tpu.memref_squeeze %dma_start3A_219 : memref<1x1x64xf32, #tpu.memory_space<vmem>> -> memref<64xf32, #tpu.memory_space<vmem>>
        %dma_start3A_221 = arith.constant 0 : i32
        %dma_start3A_222 = tpu.memref_slice %arg2[%get3A_211, %dma_start3A_221] : memref<1000000x64xf32, #tpu.memory_space<any>> -> memref<1x64xf32, #tpu.memory_space<any>>
        %dma_start3A_223 = tpu.memref_squeeze %dma_start3A_222 : memref<1x64xf32, #tpu.memory_space<any>> -> memref<64xf32, #tpu.memory_space<any>>
        tpu.enqueue_dma source(%dma_start3A_223 : memref<64xf32, #tpu.memory_space<any>>) target(%dma_start3A_220 : memref<64xf32, #tpu.memory_space<vmem>>) target_semaphore(%dma_start3A_217 : memref<!tpu.dma_semaphore, #tpu.memory_space<semaphore_mem>>)
        %add3A_224 = arith.constant 256 : i32
        %add3A_225 = arith.addi %add3A_224, %scan3A_159 : i32
        %get3A_226 = arith.index_cast %add3A_225 : i32 to index
        %get3A_227 = memref.load %arg1[%get3A_226] : memref<16384xi32, #tpu.memory_space<smem>>
        %add3A_228 = arith.constant 256 : i32
        %add3A_229 = arith.addi %add3A_228, %scan3A_159 : i32
        %dma_start3A_230 = arith.constant 0 : i32
        %dma_start3A_231 = arith.constant 0 : i32
        %dma_start3A_232 = tpu.memref_slice %arg5[%dma_start3A_231] : memref<2x!tpu.dma_semaphore, #tpu.memory_space<semaphore_mem>> -> memref<1x!tpu.dma_semaphore, #tpu.memory_space<semaphore_mem>>
        %dma_start3A_233 = tpu.memref_squeeze %dma_start3A_232 : memref<1x!tpu.dma_semaphore, #tpu.memory_space<semaphore_mem>> -> memref<!tpu.dma_semaphore, #tpu.memory_space<semaphore_mem>>
        %dma_start3A_234 = arith.constant 0 : i32
        %dma_start3A_235 = tpu.memref_slice %arg4[%dma_start3A_230, %add3A_229, %dma_start3A_234] : memref<2x512x64xf32, #tpu.memory_space<vmem>> -> memref<1x1x64xf32, #tpu.memory_space<vmem>>
        %dma_start3A_236 = tpu.memref_squeeze %dma_start3A_235 : memref<1x1x64xf32, #tpu.memory_space<vmem>> -> memref<64xf32, #tpu.memory_space<vmem>>
        %dma_start3A_237 = arith.constant 0 : i32
        %dma_start3A_238 = tpu.memref_slice %arg2[%get3A_227, %dma_start3A_237] : memref<1000000x64xf32, #tpu.memory_space<any>> -> memref<1x64xf32, #tpu.memory_space<any>>
        %dma_start3A_239 = tpu.memref_squeeze %dma_start3A_238 : memref<1x64xf32, #tpu.memory_space<any>> -> memref<64xf32, #tpu.memory_space<any>>
        tpu.enqueue_dma source(%dma_start3A_239 : memref<64xf32, #tpu.memory_space<any>>) target(%dma_start3A_236 : memref<64xf32, #tpu.memory_space<vmem>>) target_semaphore(%dma_start3A_233 : memref<!tpu.dma_semaphore, #tpu.memory_space<semaphore_mem>>)
        %add3A_240 = arith.constant 320 : i32
        %add3A_241 = arith.addi %add3A_240, %scan3A_159 : i32
        %get3A_242 = arith.index_cast %add3A_241 : i32 to index
        %get3A_243 = memref.load %arg1[%get3A_242] : memref<16384xi32, #tpu.memory_space<smem>>
        %add3A_244 = arith.constant 320 : i32
        %add3A_245 = arith.addi %add3A_244, %scan3A_159 : i32
        %dma_start3A_246 = arith.constant 0 : i32
        %dma_start3A_247 = arith.constant 0 : i32
        %dma_start3A_248 = tpu.memref_slice %arg5[%dma_start3A_247] : memref<2x!tpu.dma_semaphore, #tpu.memory_space<semaphore_mem>> -> memref<1x!tpu.dma_semaphore, #tpu.memory_space<semaphore_mem>>
        %dma_start3A_249 = tpu.memref_squeeze %dma_start3A_248 : memref<1x!tpu.dma_semaphore, #tpu.memory_space<semaphore_mem>> -> memref<!tpu.dma_semaphore, #tpu.memory_space<semaphore_mem>>
        %dma_start3A_250 = arith.constant 0 : i32
        %dma_start3A_251 = tpu.memref_slice %arg4[%dma_start3A_246, %add3A_245, %dma_start3A_250] : memref<2x512x64xf32, #tpu.memory_space<vmem>> -> memref<1x1x64xf32, #tpu.memory_space<vmem>>
        %dma_start3A_252 = tpu.memref_squeeze %dma_start3A_251 : memref<1x1x64xf32, #tpu.memory_space<vmem>> -> memref<64xf32, #tpu.memory_space<vmem>>
        %dma_start3A_253 = arith.constant 0 : i32
        %dma_start3A_254 = tpu.memref_slice %arg2[%get3A_243, %dma_start3A_253] : memref<1000000x64xf32, #tpu.memory_space<any>> -> memref<1x64xf32, #tpu.memory_space<any>>
        %dma_start3A_255 = tpu.memref_squeeze %dma_start3A_254 : memref<1x64xf32, #tpu.memory_space<any>> -> memref<64xf32, #tpu.memory_space<any>>
        tpu.enqueue_dma source(%dma_start3A_255 : memref<64xf32, #tpu.memory_space<any>>) target(%dma_start3A_252 : memref<64xf32, #tpu.memory_space<vmem>>) target_semaphore(%dma_start3A_249 : memref<!tpu.dma_semaphore, #tpu.memory_space<semaphore_mem>>)
        %add3A_256 = arith.constant 384 : i32
        %add3A_257 = arith.addi %add3A_256, %scan3A_159 : i32
        %get3A_258 = arith.index_cast %add3A_257 : i32 to index
        %get3A_259 = memref.load %arg1[%get3A_258] : memref<16384xi32, #tpu.memory_space<smem>>
        %add3A_260 = arith.constant 384 : i32
        %add3A_261 = arith.addi %add3A_260, %scan3A_159 : i32
        %dma_start3A_262 = arith.constant 0 : i32
        %dma_start3A_263 = arith.constant 0 : i32
        %dma_start3A_264 = tpu.memref_slice %arg5[%dma_start3A_263] : memref<2x!tpu.dma_semaphore, #tpu.memory_space<semaphore_mem>> -> memref<1x!tpu.dma_semaphore, #tpu.memory_space<semaphore_mem>>
        %dma_start3A_265 = tpu.memref_squeeze %dma_start3A_264 : memref<1x!tpu.dma_semaphore, #tpu.memory_space<semaphore_mem>> -> memref<!tpu.dma_semaphore, #tpu.memory_space<semaphore_mem>>
        %dma_start3A_266 = arith.constant 0 : i32
        %dma_start3A_267 = tpu.memref_slice %arg4[%dma_start3A_262, %add3A_261, %dma_start3A_266] : memref<2x512x64xf32, #tpu.memory_space<vmem>> -> memref<1x1x64xf32, #tpu.memory_space<vmem>>
        %dma_start3A_268 = tpu.memref_squeeze %dma_start3A_267 : memref<1x1x64xf32, #tpu.memory_space<vmem>> -> memref<64xf32, #tpu.memory_space<vmem>>
        %dma_start3A_269 = arith.constant 0 : i32
        %dma_start3A_270 = tpu.memref_slice %arg2[%get3A_259, %dma_start3A_269] : memref<1000000x64xf32, #tpu.memory_space<any>> -> memref<1x64xf32, #tpu.memory_space<any>>
        %dma_start3A_271 = tpu.memref_squeeze %dma_start3A_270 : memref<1x64xf32, #tpu.memory_space<any>> -> memref<64xf32, #tpu.memory_space<any>>
        tpu.enqueue_dma source(%dma_start3A_271 : memref<64xf32, #tpu.memory_space<any>>) target(%dma_start3A_268 : memref<64xf32, #tpu.memory_space<vmem>>) target_semaphore(%dma_start3A_265 : memref<!tpu.dma_semaphore, #tpu.memory_space<semaphore_mem>>)
        %add3A_272 = arith.constant 448 : i32
        %add3A_273 = arith.addi %add3A_272, %scan3A_159 : i32
        %get3A_274 = arith.index_cast %add3A_273 : i32 to index
        %get3A_275 = memref.load %arg1[%get3A_274] : memref<16384xi32, #tpu.memory_space<smem>>
        %add3A_276 = arith.constant 448 : i32
        %add3A_277 = arith.addi %add3A_276, %scan3A_159 : i32
        %dma_start3A_278 = arith.constant 0 : i32
        %dma_start3A_279 = arith.constant 0 : i32
        %dma_start3A_280 = tpu.memref_slice %arg5[%dma_start3A_279] : memref<2x!tpu.dma_semaphore, #tpu.memory_space<semaphore_mem>> -> memref<1x!tpu.dma_semaphore, #tpu.memory_space<semaphore_mem>>
        %dma_start3A_281 = tpu.memref_squeeze %dma_start3A_280 : memref<1x!tpu.dma_semaphore, #tpu.memory_space<semaphore_mem>> -> memref<!tpu.dma_semaphore, #tpu.memory_space<semaphore_mem>>
        %dma_start3A_282 = arith.constant 0 : i32
        %dma_start3A_283 = tpu.memref_slice %arg4[%dma_start3A_278, %add3A_277, %dma_start3A_282] : memref<2x512x64xf32, #tpu.memory_space<vmem>> -> memref<1x1x64xf32, #tpu.memory_space<vmem>>
        %dma_start3A_284 = tpu.memref_squeeze %dma_start3A_283 : memref<1x1x64xf32, #tpu.memory_space<vmem>> -> memref<64xf32, #tpu.memory_space<vmem>>
        %dma_start3A_285 = arith.constant 0 : i32
        %dma_start3A_286 = tpu.memref_slice %arg2[%get3A_275, %dma_start3A_285] : memref<1000000x64xf32, #tpu.memory_space<any>> -> memref<1x64xf32, #tpu.memory_space<any>>
        %dma_start3A_287 = tpu.memref_squeeze %dma_start3A_286 : memref<1x64xf32, #tpu.memory_space<any>> -> memref<64xf32, #tpu.memory_space<any>>
        tpu.enqueue_dma source(%dma_start3A_287 : memref<64xf32, #tpu.memory_space<any>>) target(%dma_start3A_284 : memref<64xf32, #tpu.memory_space<vmem>>) target_semaphore(%dma_start3A_281 : memref<!tpu.dma_semaphore, #tpu.memory_space<semaphore_mem>>)
      }
      %scan3A_29 = arith.constant 64 : i32
    } else {
    }
    %add3A_6 = arith.constant 1 : i32
    %add3A_7 = arith.addi %arg0, %add3A_6 : i32
    %lt3A = arith.constant 32 : i32
    %lt3A_8 = arith.cmpi slt, %add3A_7, %lt3A : i32
    %convert_element_type3A_9 = arith.extui %lt3A_8 : i1 to i32
    %cond3A_10 = arith.constant 0 : i32
    %cond3A_11 = arith.cmpi ne, %convert_element_type3A_9, %cond3A_10 : i32
    scf.if %cond3A_11 {
      %add3A_26 = arith.constant 1 : i32
      %add3A_27 = arith.addi %arg0, %add3A_26 : i32
      %scan3A = arith.constant 0 : i32
      %scan3A_28 = arith.constant 64 : i32
      %scan3A_29 = arith.addi %scan3A, %scan3A_28 : i32
      %scan3A_30 = arith.constant 2 : i32
      scf.for %scan3A_32 = %scan3A to %scan3A_29 step %scan3A_30  : i32 {
        %mul3A = arith.constant 512 : i32
        %mul3A_33 = arith.muli %add3A_27, %mul3A : i32
        %add3A_34 = arith.constant 0 : i32
        %add3A_35 = arith.addi %mul3A_33, %add3A_34 : i32
        %add3A_36 = arith.addi %add3A_35, %scan3A_32 : i32
        %get3A_37 = arith.index_cast %add3A_36 : i32 to index
        %get3A_38 = memref.load %arg1[%get3A_37] : memref<16384xi32, #tpu.memory_space<smem>>
        %add3A_39 = arith.constant 0 : i32
        %add3A_40 = arith.addi %add3A_39, %scan3A_32 : i32
        %dma_start3A = tpu.memref_slice %arg5[%rem3A_3] : memref<2x!tpu.dma_semaphore, #tpu.memory_space<semaphore_mem>> -> memref<1x!tpu.dma_semaphore, #tpu.memory_space<semaphore_mem>>
        %dma_start3A_41 = tpu.memref_squeeze %dma_start3A : memref<1x!tpu.dma_semaphore, #tpu.memory_space<semaphore_mem>> -> memref<!tpu.dma_semaphore, #tpu.memory_space<semaphore_mem>>
        %dma_start3A_42 = arith.constant 0 : i32
        %dma_start3A_43 = tpu.memref_slice %arg4[%rem3A_3, %add3A_40, %dma_start3A_42] : memref<2x512x64xf32, #tpu.memory_space<vmem>> -> memref<1x1x64xf32, #tpu.memory_space<vmem>>
        %dma_start3A_44 = tpu.memref_squeeze %dma_start3A_43 : memref<1x1x64xf32, #tpu.memory_space<vmem>> -> memref<64xf32, #tpu.memory_space<vmem>>
        %dma_start3A_45 = arith.constant 0 : i32
        %dma_start3A_46 = tpu.memref_slice %arg2[%get3A_38, %dma_start3A_45] : memref<1000000x64xf32, #tpu.memory_space<any>> -> memref<1x64xf32, #tpu.memory_space<any>>
        %dma_start3A_47 = tpu.memref_squeeze %dma_start3A_46 : memref<1x64xf32, #tpu.memory_space<any>> -> memref<64xf32, #tpu.memory_space<any>>
        tpu.enqueue_dma source(%dma_start3A_47 : memref<64xf32, #tpu.memory_space<any>>) target(%dma_start3A_44 : memref<64xf32, #tpu.memory_space<vmem>>) target_semaphore(%dma_start3A_41 : memref<!tpu.dma_semaphore, #tpu.memory_space<semaphore_mem>>)
        %mul3A_48 = arith.constant 512 : i32
        %mul3A_49 = arith.muli %add3A_27, %mul3A_48 : i32
        %add3A_50 = arith.constant 64 : i32
        %add3A_51 = arith.addi %mul3A_49, %add3A_50 : i32
        %add3A_52 = arith.addi %add3A_51, %scan3A_32 : i32
        %get3A_53 = arith.index_cast %add3A_52 : i32 to index
        %get3A_54 = memref.load %arg1[%get3A_53] : memref<16384xi32, #tpu.memory_space<smem>>
        %add3A_55 = arith.constant 64 : i32
        %add3A_56 = arith.addi %add3A_55, %scan3A_32 : i32
        %dma_start3A_57 = tpu.memref_slice %arg5[%rem3A_3] : memref<2x!tpu.dma_semaphore, #tpu.memory_space<semaphore_mem>> -> memref<1x!tpu.dma_semaphore, #tpu.memory_space<semaphore_mem>>
        %dma_start3A_58 = tpu.memref_squeeze %dma_start3A_57 : memref<1x!tpu.dma_semaphore, #tpu.memory_space<semaphore_mem>> -> memref<!tpu.dma_semaphore, #tpu.memory_space<semaphore_mem>>
        %dma_start3A_59 = arith.constant 0 : i32
        %dma_start3A_60 = tpu.memref_slice %arg4[%rem3A_3, %add3A_56, %dma_start3A_59] : memref<2x512x64xf32, #tpu.memory_space<vmem>> -> memref<1x1x64xf32, #tpu.memory_space<vmem>>
        %dma_start3A_61 = tpu.memref_squeeze %dma_start3A_60 : memref<1x1x64xf32, #tpu.memory_space<vmem>> -> memref<64xf32, #tpu.memory_space<vmem>>
        %dma_start3A_62 = arith.constant 0 : i32
        %dma_start3A_63 = tpu.memref_slice %arg2[%get3A_54, %dma_start3A_62] : memref<1000000x64xf32, #tpu.memory_space<any>> -> memref<1x64xf32, #tpu.memory_space<any>>
        %dma_start3A_64 = tpu.memref_squeeze %dma_start3A_63 : memref<1x64xf32, #tpu.memory_space<any>> -> memref<64xf32, #tpu.memory_space<any>>
        tpu.enqueue_dma source(%dma_start3A_64 : memref<64xf32, #tpu.memory_space<any>>) target(%dma_start3A_61 : memref<64xf32, #tpu.memory_space<vmem>>) target_semaphore(%dma_start3A_58 : memref<!tpu.dma_semaphore, #tpu.memory_space<semaphore_mem>>)
        %mul3A_65 = arith.constant 512 : i32
        %mul3A_66 = arith.muli %add3A_27, %mul3A_65 : i32
        %add3A_67 = arith.constant 128 : i32
        %add3A_68 = arith.addi %mul3A_66, %add3A_67 : i32
        %add3A_69 = arith.addi %add3A_68, %scan3A_32 : i32
        %get3A_70 = arith.index_cast %add3A_69 : i32 to index
        %get3A_71 = memref.load %arg1[%get3A_70] : memref<16384xi32, #tpu.memory_space<smem>>
        %add3A_72 = arith.constant 128 : i32
        %add3A_73 = arith.addi %add3A_72, %scan3A_32 : i32
        %dma_start3A_74 = tpu.memref_slice %arg5[%rem3A_3] : memref<2x!tpu.dma_semaphore, #tpu.memory_space<semaphore_mem>> -> memref<1x!tpu.dma_semaphore, #tpu.memory_space<semaphore_mem>>
        %dma_start3A_75 = tpu.memref_squeeze %dma_start3A_74 : memref<1x!tpu.dma_semaphore, #tpu.memory_space<semaphore_mem>> -> memref<!tpu.dma_semaphore, #tpu.memory_space<semaphore_mem>>
        %dma_start3A_76 = arith.constant 0 : i32
        %dma_start3A_77 = tpu.memref_slice %arg4[%rem3A_3, %add3A_73, %dma_start3A_76] : memref<2x512x64xf32, #tpu.memory_space<vmem>> -> memref<1x1x64xf32, #tpu.memory_space<vmem>>
        %dma_start3A_78 = tpu.memref_squeeze %dma_start3A_77 : memref<1x1x64xf32, #tpu.memory_space<vmem>> -> memref<64xf32, #tpu.memory_space<vmem>>
        %dma_start3A_79 = arith.constant 0 : i32
        %dma_start3A_80 = tpu.memref_slice %arg2[%get3A_71, %dma_start3A_79] : memref<1000000x64xf32, #tpu.memory_space<any>> -> memref<1x64xf32, #tpu.memory_space<any>>
        %dma_start3A_81 = tpu.memref_squeeze %dma_start3A_80 : memref<1x64xf32, #tpu.memory_space<any>> -> memref<64xf32, #tpu.memory_space<any>>
        tpu.enqueue_dma source(%dma_start3A_81 : memref<64xf32, #tpu.memory_space<any>>) target(%dma_start3A_78 : memref<64xf32, #tpu.memory_space<vmem>>) target_semaphore(%dma_start3A_75 : memref<!tpu.dma_semaphore, #tpu.memory_space<semaphore_mem>>)
        %mul3A_82 = arith.constant 512 : i32
        %mul3A_83 = arith.muli %add3A_27, %mul3A_82 : i32
        %add3A_84 = arith.constant 192 : i32
        %add3A_85 = arith.addi %mul3A_83, %add3A_84 : i32
        %add3A_86 = arith.addi %add3A_85, %scan3A_32 : i32
        %get3A_87 = arith.index_cast %add3A_86 : i32 to index
        %get3A_88 = memref.load %arg1[%get3A_87] : memref<16384xi32, #tpu.memory_space<smem>>
        %add3A_89 = arith.constant 192 : i32
        %add3A_90 = arith.addi %add3A_89, %scan3A_32 : i32
        %dma_start3A_91 = tpu.memref_slice %arg5[%rem3A_3] : memref<2x!tpu.dma_semaphore, #tpu.memory_space<semaphore_mem>> -> memref<1x!tpu.dma_semaphore, #tpu.memory_space<semaphore_mem>>
        %dma_start3A_92 = tpu.memref_squeeze %dma_start3A_91 : memref<1x!tpu.dma_semaphore, #tpu.memory_space<semaphore_mem>> -> memref<!tpu.dma_semaphore, #tpu.memory_space<semaphore_mem>>
        %dma_start3A_93 = arith.constant 0 : i32
        %dma_start3A_94 = tpu.memref_slice %arg4[%rem3A_3, %add3A_90, %dma_start3A_93] : memref<2x512x64xf32, #tpu.memory_space<vmem>> -> memref<1x1x64xf32, #tpu.memory_space<vmem>>
        %dma_start3A_95 = tpu.memref_squeeze %dma_start3A_94 : memref<1x1x64xf32, #tpu.memory_space<vmem>> -> memref<64xf32, #tpu.memory_space<vmem>>
        %dma_start3A_96 = arith.constant 0 : i32
        %dma_start3A_97 = tpu.memref_slice %arg2[%get3A_88, %dma_start3A_96] : memref<1000000x64xf32, #tpu.memory_space<any>> -> memref<1x64xf32, #tpu.memory_space<any>>
        %dma_start3A_98 = tpu.memref_squeeze %dma_start3A_97 : memref<1x64xf32, #tpu.memory_space<any>> -> memref<64xf32, #tpu.memory_space<any>>
        tpu.enqueue_dma source(%dma_start3A_98 : memref<64xf32, #tpu.memory_space<any>>) target(%dma_start3A_95 : memref<64xf32, #tpu.memory_space<vmem>>) target_semaphore(%dma_start3A_92 : memref<!tpu.dma_semaphore, #tpu.memory_space<semaphore_mem>>)
        %mul3A_99 = arith.constant 512 : i32
        %mul3A_100 = arith.muli %add3A_27, %mul3A_99 : i32
        %add3A_101 = arith.constant 256 : i32
        %add3A_102 = arith.addi %mul3A_100, %add3A_101 : i32
        %add3A_103 = arith.addi %add3A_102, %scan3A_32 : i32
        %get3A_104 = arith.index_cast %add3A_103 : i32 to index
        %get3A_105 = memref.load %arg1[%get3A_104] : memref<16384xi32, #tpu.memory_space<smem>>
        %add3A_106 = arith.constant 256 : i32
        %add3A_107 = arith.addi %add3A_106, %scan3A_32 : i32
        %dma_start3A_108 = tpu.memref_slice %arg5[%rem3A_3] : memref<2x!tpu.dma_semaphore, #tpu.memory_space<semaphore_mem>> -> memref<1x!tpu.dma_semaphore, #tpu.memory_space<semaphore_mem>>
        %dma_start3A_109 = tpu.memref_squeeze %dma_start3A_108 : memref<1x!tpu.dma_semaphore, #tpu.memory_space<semaphore_mem>> -> memref<!tpu.dma_semaphore, #tpu.memory_space<semaphore_mem>>
        %dma_start3A_110 = arith.constant 0 : i32
        %dma_start3A_111 = tpu.memref_slice %arg4[%rem3A_3, %add3A_107, %dma_start3A_110] : memref<2x512x64xf32, #tpu.memory_space<vmem>> -> memref<1x1x64xf32, #tpu.memory_space<vmem>>
        %dma_start3A_112 = tpu.memref_squeeze %dma_start3A_111 : memref<1x1x64xf32, #tpu.memory_space<vmem>> -> memref<64xf32, #tpu.memory_space<vmem>>
        %dma_start3A_113 = arith.constant 0 : i32
        %dma_start3A_114 = tpu.memref_slice %arg2[%get3A_105, %dma_start3A_113] : memref<1000000x64xf32, #tpu.memory_space<any>> -> memref<1x64xf32, #tpu.memory_space<any>>
        %dma_start3A_115 = tpu.memref_squeeze %dma_start3A_114 : memref<1x64xf32, #tpu.memory_space<any>> -> memref<64xf32, #tpu.memory_space<any>>
        tpu.enqueue_dma source(%dma_start3A_115 : memref<64xf32, #tpu.memory_space<any>>) target(%dma_start3A_112 : memref<64xf32, #tpu.memory_space<vmem>>) target_semaphore(%dma_start3A_109 : memref<!tpu.dma_semaphore, #tpu.memory_space<semaphore_mem>>)
        %mul3A_116 = arith.constant 512 : i32
        %mul3A_117 = arith.muli %add3A_27, %mul3A_116 : i32
        %add3A_118 = arith.constant 320 : i32
        %add3A_119 = arith.addi %mul3A_117, %add3A_118 : i32
        %add3A_120 = arith.addi %add3A_119, %scan3A_32 : i32
        %get3A_121 = arith.index_cast %add3A_120 : i32 to index
        %get3A_122 = memref.load %arg1[%get3A_121] : memref<16384xi32, #tpu.memory_space<smem>>
        %add3A_123 = arith.constant 320 : i32
        %add3A_124 = arith.addi %add3A_123, %scan3A_32 : i32
        %dma_start3A_125 = tpu.memref_slice %arg5[%rem3A_3] : memref<2x!tpu.dma_semaphore, #tpu.memory_space<semaphore_mem>> -> memref<1x!tpu.dma_semaphore, #tpu.memory_space<semaphore_mem>>
        %dma_start3A_126 = tpu.memref_squeeze %dma_start3A_125 : memref<1x!tpu.dma_semaphore, #tpu.memory_space<semaphore_mem>> -> memref<!tpu.dma_semaphore, #tpu.memory_space<semaphore_mem>>
        %dma_start3A_127 = arith.constant 0 : i32
        %dma_start3A_128 = tpu.memref_slice %arg4[%rem3A_3, %add3A_124, %dma_start3A_127] : memref<2x512x64xf32, #tpu.memory_space<vmem>> -> memref<1x1x64xf32, #tpu.memory_space<vmem>>
        %dma_start3A_129 = tpu.memref_squeeze %dma_start3A_128 : memref<1x1x64xf32, #tpu.memory_space<vmem>> -> memref<64xf32, #tpu.memory_space<vmem>>
        %dma_start3A_130 = arith.constant 0 : i32
        %dma_start3A_131 = tpu.memref_slice %arg2[%get3A_122, %dma_start3A_130] : memref<1000000x64xf32, #tpu.memory_space<any>> -> memref<1x64xf32, #tpu.memory_space<any>>
        %dma_start3A_132 = tpu.memref_squeeze %dma_start3A_131 : memref<1x64xf32, #tpu.memory_space<any>> -> memref<64xf32, #tpu.memory_space<any>>
        tpu.enqueue_dma source(%dma_start3A_132 : memref<64xf32, #tpu.memory_space<any>>) target(%dma_start3A_129 : memref<64xf32, #tpu.memory_space<vmem>>) target_semaphore(%dma_start3A_126 : memref<!tpu.dma_semaphore, #tpu.memory_space<semaphore_mem>>)
        %mul3A_133 = arith.constant 512 : i32
        %mul3A_134 = arith.muli %add3A_27, %mul3A_133 : i32
        %add3A_135 = arith.constant 384 : i32
        %add3A_136 = arith.addi %mul3A_134, %add3A_135 : i32
        %add3A_137 = arith.addi %add3A_136, %scan3A_32 : i32
        %get3A_138 = arith.index_cast %add3A_137 : i32 to index
        %get3A_139 = memref.load %arg1[%get3A_138] : memref<16384xi32, #tpu.memory_space<smem>>
        %add3A_140 = arith.constant 384 : i32
        %add3A_141 = arith.addi %add3A_140, %scan3A_32 : i32
        %dma_start3A_142 = tpu.memref_slice %arg5[%rem3A_3] : memref<2x!tpu.dma_semaphore, #tpu.memory_space<semaphore_mem>> -> memref<1x!tpu.dma_semaphore, #tpu.memory_space<semaphore_mem>>
        %dma_start3A_143 = tpu.memref_squeeze %dma_start3A_142 : memref<1x!tpu.dma_semaphore, #tpu.memory_space<semaphore_mem>> -> memref<!tpu.dma_semaphore, #tpu.memory_space<semaphore_mem>>
        %dma_start3A_144 = arith.constant 0 : i32
        %dma_start3A_145 = tpu.memref_slice %arg4[%rem3A_3, %add3A_141, %dma_start3A_144] : memref<2x512x64xf32, #tpu.memory_space<vmem>> -> memref<1x1x64xf32, #tpu.memory_space<vmem>>
        %dma_start3A_146 = tpu.memref_squeeze %dma_start3A_145 : memref<1x1x64xf32, #tpu.memory_space<vmem>> -> memref<64xf32, #tpu.memory_space<vmem>>
        %dma_start3A_147 = arith.constant 0 : i32
        %dma_start3A_148 = tpu.memref_slice %arg2[%get3A_139, %dma_start3A_147] : memref<1000000x64xf32, #tpu.memory_space<any>> -> memref<1x64xf32, #tpu.memory_space<any>>
        %dma_start3A_149 = tpu.memref_squeeze %dma_start3A_148 : memref<1x64xf32, #tpu.memory_space<any>> -> memref<64xf32, #tpu.memory_space<any>>
        tpu.enqueue_dma source(%dma_start3A_149 : memref<64xf32, #tpu.memory_space<any>>) target(%dma_start3A_146 : memref<64xf32, #tpu.memory_space<vmem>>) target_semaphore(%dma_start3A_143 : memref<!tpu.dma_semaphore, #tpu.memory_space<semaphore_mem>>)
        %mul3A_150 = arith.constant 512 : i32
        %mul3A_151 = arith.muli %add3A_27, %mul3A_150 : i32
        %add3A_152 = arith.constant 448 : i32
        %add3A_153 = arith.addi %mul3A_151, %add3A_152 : i32
        %add3A_154 = arith.addi %add3A_153, %scan3A_32 : i32
        %get3A_155 = arith.index_cast %add3A_154 : i32 to index
        %get3A_156 = memref.load %arg1[%get3A_155] : memref<16384xi32, #tpu.memory_space<smem>>
        %add3A_157 = arith.constant 448 : i32
        %add3A_158 = arith.addi %add3A_157, %scan3A_32 : i32
        %dma_start3A_159 = tpu.memref_slice %arg5[%rem3A_3] : memref<2x!tpu.dma_semaphore, #tpu.memory_space<semaphore_mem>> -> memref<1x!tpu.dma_semaphore, #tpu.memory_space<semaphore_mem>>
        %dma_start3A_160 = tpu.memref_squeeze %dma_start3A_159 : memref<1x!tpu.dma_semaphore, #tpu.memory_space<semaphore_mem>> -> memref<!tpu.dma_semaphore, #tpu.memory_space<semaphore_mem>>
        %dma_start3A_161 = arith.constant 0 : i32
        %dma_start3A_162 = tpu.memref_slice %arg4[%rem3A_3, %add3A_158, %dma_start3A_161] : memref<2x512x64xf32, #tpu.memory_space<vmem>> -> memref<1x1x64xf32, #tpu.memory_space<vmem>>
        %dma_start3A_163 = tpu.memref_squeeze %dma_start3A_162 : memref<1x1x64xf32, #tpu.memory_space<vmem>> -> memref<64xf32, #tpu.memory_space<vmem>>
        %dma_start3A_164 = arith.constant 0 : i32
        %dma_start3A_165 = tpu.memref_slice %arg2[%get3A_156, %dma_start3A_164] : memref<1000000x64xf32, #tpu.memory_space<any>> -> memref<1x64xf32, #tpu.memory_space<any>>
        %dma_start3A_166 = tpu.memref_squeeze %dma_start3A_165 : memref<1x64xf32, #tpu.memory_space<any>> -> memref<64xf32, #tpu.memory_space<any>>
        tpu.enqueue_dma source(%dma_start3A_166 : memref<64xf32, #tpu.memory_space<any>>) target(%dma_start3A_163 : memref<64xf32, #tpu.memory_space<vmem>>) target_semaphore(%dma_start3A_160 : memref<!tpu.dma_semaphore, #tpu.memory_space<semaphore_mem>>)
        %scan3A_167 = arith.constant 1 : i32
        %scan3A_168 = arith.addi %scan3A_32, %scan3A_167 : i32
        %mul3A_169 = arith.constant 512 : i32
        %mul3A_170 = arith.muli %add3A_27, %mul3A_169 : i32
        %add3A_171 = arith.constant 0 : i32
        %add3A_172 = arith.addi %mul3A_170, %add3A_171 : i32
        %add3A_173 = arith.addi %add3A_172, %scan3A_168 : i32
        %get3A_174 = arith.index_cast %add3A_173 : i32 to index
        %get3A_175 = memref.load %arg1[%get3A_174] : memref<16384xi32, #tpu.memory_space<smem>>
        %add3A_176 = arith.constant 0 : i32
        %add3A_177 = arith.addi %add3A_176, %scan3A_168 : i32
        %dma_start3A_178 = tpu.memref_slice %arg5[%rem3A_3] : memref<2x!tpu.dma_semaphore, #tpu.memory_space<semaphore_mem>> -> memref<1x!tpu.dma_semaphore, #tpu.memory_space<semaphore_mem>>
        %dma_start3A_179 = tpu.memref_squeeze %dma_start3A_178 : memref<1x!tpu.dma_semaphore, #tpu.memory_space<semaphore_mem>> -> memref<!tpu.dma_semaphore, #tpu.memory_space<semaphore_mem>>
        %dma_start3A_180 = arith.constant 0 : i32
        %dma_start3A_181 = tpu.memref_slice %arg4[%rem3A_3, %add3A_177, %dma_start3A_180] : memref<2x512x64xf32, #tpu.memory_space<vmem>> -> memref<1x1x64xf32, #tpu.memory_space<vmem>>
        %dma_start3A_182 = tpu.memref_squeeze %dma_start3A_181 : memref<1x1x64xf32, #tpu.memory_space<vmem>> -> memref<64xf32, #tpu.memory_space<vmem>>
        %dma_start3A_183 = arith.constant 0 : i32
        %dma_start3A_184 = tpu.memref_slice %arg2[%get3A_175, %dma_start3A_183] : memref<1000000x64xf32, #tpu.memory_space<any>> -> memref<1x64xf32, #tpu.memory_space<any>>
        %dma_start3A_185 = tpu.memref_squeeze %dma_start3A_184 : memref<1x64xf32, #tpu.memory_space<any>> -> memref<64xf32, #tpu.memory_space<any>>
        tpu.enqueue_dma source(%dma_start3A_185 : memref<64xf32, #tpu.memory_space<any>>) target(%dma_start3A_182 : memref<64xf32, #tpu.memory_space<vmem>>) target_semaphore(%dma_start3A_179 : memref<!tpu.dma_semaphore, #tpu.memory_space<semaphore_mem>>)
        %mul3A_186 = arith.constant 512 : i32
        %mul3A_187 = arith.muli %add3A_27, %mul3A_186 : i32
        %add3A_188 = arith.constant 64 : i32
        %add3A_189 = arith.addi %mul3A_187, %add3A_188 : i32
        %add3A_190 = arith.addi %add3A_189, %scan3A_168 : i32
        %get3A_191 = arith.index_cast %add3A_190 : i32 to index
        %get3A_192 = memref.load %arg1[%get3A_191] : memref<16384xi32, #tpu.memory_space<smem>>
        %add3A_193 = arith.constant 64 : i32
        %add3A_194 = arith.addi %add3A_193, %scan3A_168 : i32
        %dma_start3A_195 = tpu.memref_slice %arg5[%rem3A_3] : memref<2x!tpu.dma_semaphore, #tpu.memory_space<semaphore_mem>> -> memref<1x!tpu.dma_semaphore, #tpu.memory_space<semaphore_mem>>
        %dma_start3A_196 = tpu.memref_squeeze %dma_start3A_195 : memref<1x!tpu.dma_semaphore, #tpu.memory_space<semaphore_mem>> -> memref<!tpu.dma_semaphore, #tpu.memory_space<semaphore_mem>>
        %dma_start3A_197 = arith.constant 0 : i32
        %dma_start3A_198 = tpu.memref_slice %arg4[%rem3A_3, %add3A_194, %dma_start3A_197] : memref<2x512x64xf32, #tpu.memory_space<vmem>> -> memref<1x1x64xf32, #tpu.memory_space<vmem>>
        %dma_start3A_199 = tpu.memref_squeeze %dma_start3A_198 : memref<1x1x64xf32, #tpu.memory_space<vmem>> -> memref<64xf32, #tpu.memory_space<vmem>>
        %dma_start3A_200 = arith.constant 0 : i32
        %dma_start3A_201 = tpu.memref_slice %arg2[%get3A_192, %dma_start3A_200] : memref<1000000x64xf32, #tpu.memory_space<any>> -> memref<1x64xf32, #tpu.memory_space<any>>
        %dma_start3A_202 = tpu.memref_squeeze %dma_start3A_201 : memref<1x64xf32, #tpu.memory_space<any>> -> memref<64xf32, #tpu.memory_space<any>>
        tpu.enqueue_dma source(%dma_start3A_202 : memref<64xf32, #tpu.memory_space<any>>) target(%dma_start3A_199 : memref<64xf32, #tpu.memory_space<vmem>>) target_semaphore(%dma_start3A_196 : memref<!tpu.dma_semaphore, #tpu.memory_space<semaphore_mem>>)
        %mul3A_203 = arith.constant 512 : i32
        %mul3A_204 = arith.muli %add3A_27, %mul3A_203 : i32
        %add3A_205 = arith.constant 128 : i32
        %add3A_206 = arith.addi %mul3A_204, %add3A_205 : i32
        %add3A_207 = arith.addi %add3A_206, %scan3A_168 : i32
        %get3A_208 = arith.index_cast %add3A_207 : i32 to index
        %get3A_209 = memref.load %arg1[%get3A_208] : memref<16384xi32, #tpu.memory_space<smem>>
        %add3A_210 = arith.constant 128 : i32
        %add3A_211 = arith.addi %add3A_210, %scan3A_168 : i32
        %dma_start3A_212 = tpu.memref_slice %arg5[%rem3A_3] : memref<2x!tpu.dma_semaphore, #tpu.memory_space<semaphore_mem>> -> memref<1x!tpu.dma_semaphore, #tpu.memory_space<semaphore_mem>>
        %dma_start3A_213 = tpu.memref_squeeze %dma_start3A_212 : memref<1x!tpu.dma_semaphore, #tpu.memory_space<semaphore_mem>> -> memref<!tpu.dma_semaphore, #tpu.memory_space<semaphore_mem>>
        %dma_start3A_214 = arith.constant 0 : i32
        %dma_start3A_215 = tpu.memref_slice %arg4[%rem3A_3, %add3A_211, %dma_start3A_214] : memref<2x512x64xf32, #tpu.memory_space<vmem>> -> memref<1x1x64xf32, #tpu.memory_space<vmem>>
        %dma_start3A_216 = tpu.memref_squeeze %dma_start3A_215 : memref<1x1x64xf32, #tpu.memory_space<vmem>> -> memref<64xf32, #tpu.memory_space<vmem>>
        %dma_start3A_217 = arith.constant 0 : i32
        %dma_start3A_218 = tpu.memref_slice %arg2[%get3A_209, %dma_start3A_217] : memref<1000000x64xf32, #tpu.memory_space<any>> -> memref<1x64xf32, #tpu.memory_space<any>>
        %dma_start3A_219 = tpu.memref_squeeze %dma_start3A_218 : memref<1x64xf32, #tpu.memory_space<any>> -> memref<64xf32, #tpu.memory_space<any>>
        tpu.enqueue_dma source(%dma_start3A_219 : memref<64xf32, #tpu.memory_space<any>>) target(%dma_start3A_216 : memref<64xf32, #tpu.memory_space<vmem>>) target_semaphore(%dma_start3A_213 : memref<!tpu.dma_semaphore, #tpu.memory_space<semaphore_mem>>)
        %mul3A_220 = arith.constant 512 : i32
        %mul3A_221 = arith.muli %add3A_27, %mul3A_220 : i32
        %add3A_222 = arith.constant 192 : i32
        %add3A_223 = arith.addi %mul3A_221, %add3A_222 : i32
        %add3A_224 = arith.addi %add3A_223, %scan3A_168 : i32
        %get3A_225 = arith.index_cast %add3A_224 : i32 to index
        %get3A_226 = memref.load %arg1[%get3A_225] : memref<16384xi32, #tpu.memory_space<smem>>
        %add3A_227 = arith.constant 192 : i32
        %add3A_228 = arith.addi %add3A_227, %scan3A_168 : i32
        %dma_start3A_229 = tpu.memref_slice %arg5[%rem3A_3] : memref<2x!tpu.dma_semaphore, #tpu.memory_space<semaphore_mem>> -> memref<1x!tpu.dma_semaphore, #tpu.memory_space<semaphore_mem>>
        %dma_start3A_230 = tpu.memref_squeeze %dma_start3A_229 : memref<1x!tpu.dma_semaphore, #tpu.memory_space<semaphore_mem>> -> memref<!tpu.dma_semaphore, #tpu.memory_space<semaphore_mem>>
        %dma_start3A_231 = arith.constant 0 : i32
        %dma_start3A_232 = tpu.memref_slice %arg4[%rem3A_3, %add3A_228, %dma_start3A_231] : memref<2x512x64xf32, #tpu.memory_space<vmem>> -> memref<1x1x64xf32, #tpu.memory_space<vmem>>
        %dma_start3A_233 = tpu.memref_squeeze %dma_start3A_232 : memref<1x1x64xf32, #tpu.memory_space<vmem>> -> memref<64xf32, #tpu.memory_space<vmem>>
        %dma_start3A_234 = arith.constant 0 : i32
        %dma_start3A_235 = tpu.memref_slice %arg2[%get3A_226, %dma_start3A_234] : memref<1000000x64xf32, #tpu.memory_space<any>> -> memref<1x64xf32, #tpu.memory_space<any>>
        %dma_start3A_236 = tpu.memref_squeeze %dma_start3A_235 : memref<1x64xf32, #tpu.memory_space<any>> -> memref<64xf32, #tpu.memory_space<any>>
        tpu.enqueue_dma source(%dma_start3A_236 : memref<64xf32, #tpu.memory_space<any>>) target(%dma_start3A_233 : memref<64xf32, #tpu.memory_space<vmem>>) target_semaphore(%dma_start3A_230 : memref<!tpu.dma_semaphore, #tpu.memory_space<semaphore_mem>>)
        %mul3A_237 = arith.constant 512 : i32
        %mul3A_238 = arith.muli %add3A_27, %mul3A_237 : i32
        %add3A_239 = arith.constant 256 : i32
        %add3A_240 = arith.addi %mul3A_238, %add3A_239 : i32
        %add3A_241 = arith.addi %add3A_240, %scan3A_168 : i32
        %get3A_242 = arith.index_cast %add3A_241 : i32 to index
        %get3A_243 = memref.load %arg1[%get3A_242] : memref<16384xi32, #tpu.memory_space<smem>>
        %add3A_244 = arith.constant 256 : i32
        %add3A_245 = arith.addi %add3A_244, %scan3A_168 : i32
        %dma_start3A_246 = tpu.memref_slice %arg5[%rem3A_3] : memref<2x!tpu.dma_semaphore, #tpu.memory_space<semaphore_mem>> -> memref<1x!tpu.dma_semaphore, #tpu.memory_space<semaphore_mem>>
        %dma_start3A_247 = tpu.memref_squeeze %dma_start3A_246 : memref<1x!tpu.dma_semaphore, #tpu.memory_space<semaphore_mem>> -> memref<!tpu.dma_semaphore, #tpu.memory_space<semaphore_mem>>
        %dma_start3A_248 = arith.constant 0 : i32
        %dma_start3A_249 = tpu.memref_slice %arg4[%rem3A_3, %add3A_245, %dma_start3A_248] : memref<2x512x64xf32, #tpu.memory_space<vmem>> -> memref<1x1x64xf32, #tpu.memory_space<vmem>>
        %dma_start3A_250 = tpu.memref_squeeze %dma_start3A_249 : memref<1x1x64xf32, #tpu.memory_space<vmem>> -> memref<64xf32, #tpu.memory_space<vmem>>
        %dma_start3A_251 = arith.constant 0 : i32
        %dma_start3A_252 = tpu.memref_slice %arg2[%get3A_243, %dma_start3A_251] : memref<1000000x64xf32, #tpu.memory_space<any>> -> memref<1x64xf32, #tpu.memory_space<any>>
        %dma_start3A_253 = tpu.memref_squeeze %dma_start3A_252 : memref<1x64xf32, #tpu.memory_space<any>> -> memref<64xf32, #tpu.memory_space<any>>
        tpu.enqueue_dma source(%dma_start3A_253 : memref<64xf32, #tpu.memory_space<any>>) target(%dma_start3A_250 : memref<64xf32, #tpu.memory_space<vmem>>) target_semaphore(%dma_start3A_247 : memref<!tpu.dma_semaphore, #tpu.memory_space<semaphore_mem>>)
        %mul3A_254 = arith.constant 512 : i32
        %mul3A_255 = arith.muli %add3A_27, %mul3A_254 : i32
        %add3A_256 = arith.constant 320 : i32
        %add3A_257 = arith.addi %mul3A_255, %add3A_256 : i32
        %add3A_258 = arith.addi %add3A_257, %scan3A_168 : i32
        %get3A_259 = arith.index_cast %add3A_258 : i32 to index
        %get3A_260 = memref.load %arg1[%get3A_259] : memref<16384xi32, #tpu.memory_space<smem>>
        %add3A_261 = arith.constant 320 : i32
        %add3A_262 = arith.addi %add3A_261, %scan3A_168 : i32
        %dma_start3A_263 = tpu.memref_slice %arg5[%rem3A_3] : memref<2x!tpu.dma_semaphore, #tpu.memory_space<semaphore_mem>> -> memref<1x!tpu.dma_semaphore, #tpu.memory_space<semaphore_mem>>
        %dma_start3A_264 = tpu.memref_squeeze %dma_start3A_263 : memref<1x!tpu.dma_semaphore, #tpu.memory_space<semaphore_mem>> -> memref<!tpu.dma_semaphore, #tpu.memory_space<semaphore_mem>>
        %dma_start3A_265 = arith.constant 0 : i32
        %dma_start3A_266 = tpu.memref_slice %arg4[%rem3A_3, %add3A_262, %dma_start3A_265] : memref<2x512x64xf32, #tpu.memory_space<vmem>> -> memref<1x1x64xf32, #tpu.memory_space<vmem>>
        %dma_start3A_267 = tpu.memref_squeeze %dma_start3A_266 : memref<1x1x64xf32, #tpu.memory_space<vmem>> -> memref<64xf32, #tpu.memory_space<vmem>>
        %dma_start3A_268 = arith.constant 0 : i32
        %dma_start3A_269 = tpu.memref_slice %arg2[%get3A_260, %dma_start3A_268] : memref<1000000x64xf32, #tpu.memory_space<any>> -> memref<1x64xf32, #tpu.memory_space<any>>
        %dma_start3A_270 = tpu.memref_squeeze %dma_start3A_269 : memref<1x64xf32, #tpu.memory_space<any>> -> memref<64xf32, #tpu.memory_space<any>>
        tpu.enqueue_dma source(%dma_start3A_270 : memref<64xf32, #tpu.memory_space<any>>) target(%dma_start3A_267 : memref<64xf32, #tpu.memory_space<vmem>>) target_semaphore(%dma_start3A_264 : memref<!tpu.dma_semaphore, #tpu.memory_space<semaphore_mem>>)
        %mul3A_271 = arith.constant 512 : i32
        %mul3A_272 = arith.muli %add3A_27, %mul3A_271 : i32
        %add3A_273 = arith.constant 384 : i32
        %add3A_274 = arith.addi %mul3A_272, %add3A_273 : i32
        %add3A_275 = arith.addi %add3A_274, %scan3A_168 : i32
        %get3A_276 = arith.index_cast %add3A_275 : i32 to index
        %get3A_277 = memref.load %arg1[%get3A_276] : memref<16384xi32, #tpu.memory_space<smem>>
        %add3A_278 = arith.constant 384 : i32
        %add3A_279 = arith.addi %add3A_278, %scan3A_168 : i32
        %dma_start3A_280 = tpu.memref_slice %arg5[%rem3A_3] : memref<2x!tpu.dma_semaphore, #tpu.memory_space<semaphore_mem>> -> memref<1x!tpu.dma_semaphore, #tpu.memory_space<semaphore_mem>>
        %dma_start3A_281 = tpu.memref_squeeze %dma_start3A_280 : memref<1x!tpu.dma_semaphore, #tpu.memory_space<semaphore_mem>> -> memref<!tpu.dma_semaphore, #tpu.memory_space<semaphore_mem>>
        %dma_start3A_282 = arith.constant 0 : i32
        %dma_start3A_283 = tpu.memref_slice %arg4[%rem3A_3, %add3A_279, %dma_start3A_282] : memref<2x512x64xf32, #tpu.memory_space<vmem>> -> memref<1x1x64xf32, #tpu.memory_space<vmem>>
        %dma_start3A_284 = tpu.memref_squeeze %dma_start3A_283 : memref<1x1x64xf32, #tpu.memory_space<vmem>> -> memref<64xf32, #tpu.memory_space<vmem>>
        %dma_start3A_285 = arith.constant 0 : i32
        %dma_start3A_286 = tpu.memref_slice %arg2[%get3A_277, %dma_start3A_285] : memref<1000000x64xf32, #tpu.memory_space<any>> -> memref<1x64xf32, #tpu.memory_space<any>>
        %dma_start3A_287 = tpu.memref_squeeze %dma_start3A_286 : memref<1x64xf32, #tpu.memory_space<any>> -> memref<64xf32, #tpu.memory_space<any>>
        tpu.enqueue_dma source(%dma_start3A_287 : memref<64xf32, #tpu.memory_space<any>>) target(%dma_start3A_284 : memref<64xf32, #tpu.memory_space<vmem>>) target_semaphore(%dma_start3A_281 : memref<!tpu.dma_semaphore, #tpu.memory_space<semaphore_mem>>)
        %mul3A_288 = arith.constant 512 : i32
        %mul3A_289 = arith.muli %add3A_27, %mul3A_288 : i32
        %add3A_290 = arith.constant 448 : i32
        %add3A_291 = arith.addi %mul3A_289, %add3A_290 : i32
        %add3A_292 = arith.addi %add3A_291, %scan3A_168 : i32
        %get3A_293 = arith.index_cast %add3A_292 : i32 to index
        %get3A_294 = memref.load %arg1[%get3A_293] : memref<16384xi32, #tpu.memory_space<smem>>
        %add3A_295 = arith.constant 448 : i32
        %add3A_296 = arith.addi %add3A_295, %scan3A_168 : i32
        %dma_start3A_297 = tpu.memref_slice %arg5[%rem3A_3] : memref<2x!tpu.dma_semaphore, #tpu.memory_space<semaphore_mem>> -> memref<1x!tpu.dma_semaphore, #tpu.memory_space<semaphore_mem>>
        %dma_start3A_298 = tpu.memref_squeeze %dma_start3A_297 : memref<1x!tpu.dma_semaphore, #tpu.memory_space<semaphore_mem>> -> memref<!tpu.dma_semaphore, #tpu.memory_space<semaphore_mem>>
        %dma_start3A_299 = arith.constant 0 : i32
        %dma_start3A_300 = tpu.memref_slice %arg4[%rem3A_3, %add3A_296, %dma_start3A_299] : memref<2x512x64xf32, #tpu.memory_space<vmem>> -> memref<1x1x64xf32, #tpu.memory_space<vmem>>
        %dma_start3A_301 = tpu.memref_squeeze %dma_start3A_300 : memref<1x1x64xf32, #tpu.memory_space<vmem>> -> memref<64xf32, #tpu.memory_space<vmem>>
        %dma_start3A_302 = arith.constant 0 : i32
        %dma_start3A_303 = tpu.memref_slice %arg2[%get3A_294, %dma_start3A_302] : memref<1000000x64xf32, #tpu.memory_space<any>> -> memref<1x64xf32, #tpu.memory_space<any>>
        %dma_start3A_304 = tpu.memref_squeeze %dma_start3A_303 : memref<1x64xf32, #tpu.memory_space<any>> -> memref<64xf32, #tpu.memory_space<any>>
        tpu.enqueue_dma source(%dma_start3A_304 : memref<64xf32, #tpu.memory_space<any>>) target(%dma_start3A_301 : memref<64xf32, #tpu.memory_space<vmem>>) target_semaphore(%dma_start3A_298 : memref<!tpu.dma_semaphore, #tpu.memory_space<semaphore_mem>>)
      }
      %scan3A_31 = arith.constant 64 : i32
    } else {
    }
    %dma_wait3A = tpu.memref_slice %arg5[%rem3A_0] : memref<2x!tpu.dma_semaphore, #tpu.memory_space<semaphore_mem>> -> memref<1x!tpu.dma_semaphore, #tpu.memory_space<semaphore_mem>>
    %dma_wait3A_12 = tpu.memref_squeeze %dma_wait3A : memref<1x!tpu.dma_semaphore, #tpu.memory_space<semaphore_mem>> -> memref<!tpu.dma_semaphore, #tpu.memory_space<semaphore_mem>>
    %dma_wait3A_13 = arith.constant 0 : i32
    %dma_wait3A_14 = arith.constant 0 : i32
    %dma_wait3A_15 = tpu.memref_slice %arg4[%rem3A_0, %dma_wait3A_13, %dma_wait3A_14] : memref<2x512x64xf32, #tpu.memory_space<vmem>> -> memref<1x512x64xf32, #tpu.memory_space<vmem>>
    %dma_wait3A_16 = tpu.memref_squeeze %dma_wait3A_15 : memref<1x512x64xf32, #tpu.memory_space<vmem>> -> memref<512x64xf32, #tpu.memory_space<vmem>>
    %dma_wait3A_17 = arith.constant 0 : i32
    %dma_wait3A_18 = arith.constant 0 : i32
    %dma_wait3A_19 = tpu.memref_slice %arg2[%dma_wait3A_17, %dma_wait3A_18] : memref<1000000x64xf32, #tpu.memory_space<any>> -> memref<512x64xf32, #tpu.memory_space<any>>
    tpu.wait_dma2 semaphore(%dma_wait3A_12 : memref<!tpu.dma_semaphore, #tpu.memory_space<semaphore_mem>>) src(%dma_wait3A_19 : memref<512x64xf32, #tpu.memory_space<any>>) dst(%dma_wait3A_16 : memref<512x64xf32, #tpu.memory_space<vmem>>)
    %get3A = arith.index_cast %rem3A_0 : i32 to index
    %get3A_20 = arith.constant 0 : index
    %get3A_21 = arith.constant 0 : index
    %get3A_22 = vector.load %arg4[%get3A, %get3A_20, %get3A_21] : memref<2x512x64xf32, #tpu.memory_space<vmem>>, vector<1x512x64xf32>
    %get3A_23 = vector.shape_cast %get3A_22 : vector<1x512x64xf32> to vector<512x64xf32>
    %swap3A = arith.constant 0 : index
    %swap3A_24 = arith.constant 0 : index
    %swap3A_25 = vector.load %arg3[%swap3A, %swap3A_24] : memref<512x64xf32, #tpu.memory_space<vmem>>, vector<512x64xf32>
    tpu.vector_store %arg3[%swap3A, %swap3A_24], %get3A_23 {strides = array<i32>} : memref<512x64xf32, #tpu.memory_space<vmem>>, vector<512x64xf32>,
    return
  }
  func.func @transform_1(%arg0: i32, %arg1: memref<16384xi32, #tpu.memory_space<smem>>) -> (i32, i32) {
    %c0_i32 = arith.constant 0 : i32
    %c0_i32_0 = arith.constant 0 : i32
    return %arg0, %c0_i32 : i32, i32
  }
}

</mosaic_0001>

<sc_bundles>
// kernel: _score.4.cloned.1.call-start
scs
__scs_entry_jumppad:
0x0: {  	(pc) =	sbr.rel $0x88, $3  }
0x1: {  	(tag) =	ssettag $0x0;
	lr =	simm.s32 $0x1  }
0x2: {  	[smem:$0x3F9C] =	sst lr;
	_ =	strace $0xD0000000  }
0x3: {  	_ = 	snop  }
0x4: {  	_ = 	snop  }
0x5: {  	_ = 	snop  }
0x6: {  	_ = 	snop  }
0x7: {  	_ = 	snop  }
__scs_overlays_trampoline_lowered:
0x8: {  	[smem:$0x3FAB] =	sst s0  }
0x9: {  	[smem:$0x3FAC] =	sst s1  }
0xa: {  	[smem:$0x3FAD] =	sst s2  }
0xb: {  	[smem:$0x3FAE] =	sst s3  }
0xc: {  	[smem:$0x3FAF] =	sst s4  }
0xd: {  	[smem:$0x3FB0] =	sst s5  }
0xe: {  	[smem:$0x3FB1] =	sst s6  }
0xf: {  	[smem:$0x3FB2] =	sst s7  }
0x10: {  	[smem:$0x3FB3] =	sst s8  }
0x11: {  	[smem:$0x3FB4] =	sst s9;
	s0 =	simm.s32 @!p0 $0x0  }
0x12: {  	s1 =	sld [smem:$0x3F9A];
	s0 =	simm.s32 @p0 $0x1  }
0x13: {  	[smem:$0x3FB5] =	sst s0;
	s0 =	simm.s32 @!p1 $0x0  }
0x14: {  	s2 =	sld [smem:$0x3F99];
	s0 =	simm.s32 @p1 $0x1  }
0x15: {  	[smem:$0x3FB6] =	sst s0;
	s0 =	simm.s32 @!p2 $0x0  }
0x16: {  	s3 =	sld [smem:$0x3FDB];
	s0 =	simm.s32 @p2 $0x1  }
0x17: {  	s4 =	simm.s32 $0x1BF5;
	[smem:$0x3FB8] =	sst s0  }
0x18: {  	s0 =	sld [smem:$0x3F9B];
	_ =	swait.ge [sflag:s4], $0x0  }
0x19: {  	s7 =	sld [smem:$0x3F9C]  }
0x1a: {  	s8 =	sadd.s32 $0xFFFFE003, lr  }
0x1b: {  	s9 =	sadd.s32 $0xFFFFFEF7, lr;
	s5 =	simm.s32 $0xFFFFFFFF;
	p2 =	slt.u32 s8, $0xFFFFF086  }
0x1c: {  	p1 =	slt.u32 s9, $0xF7A;
	s5 =	simm.s32 @!p2 $0x0  }
0x1d: {  	s5 =	simm.s32 @p1 $0x1;
	p0 =	seq.s32 s7, s2  }
0x1e: {  	s7 =	smul.u32 @!p0 $0xF7A, s2;
	p2 =	seq.s32 @!p0 s5, $0x0  }
0x1f: {  	s9 =	smul.u32 $0xF7A, s1;
	s8 =	simm.s32 @!p0 $0x1BF5;
	p2 =	por !p2, p0  }
0x20: {  	[sflag:s8] =	ssyncset.s32 @!p0 $0xFFFFF086;
	s6 =	sadd.s32 @!p0 s3, s7;
	s7 =	simm.s32 @!p0 $0x108  }
0x21: {  	s3 =	sadd.s32 s3, s9;
	s6 =	sadd.s32 @!p0 $0x88, s6;
	s7 =	simm.s32 @p2 $0x1082  }
0x22: {  	[simem:s7], [sflag:s8] =	dma.local @!p0 [hbm:s6], $0xF7A  }
0x23: {  	s9 =	sor.u32 $0xD0000000, s2;
	s6 =	simm.s32 $0x108;
	_ =	swait.ge @!p0 [sflag:s8], $0x0  }
0x24: {  	s3 =	sadd.s32 $0x88, s3;
	s6 =	simm.s32 @!p1 $0x1082;
	[sflag:s4] =	ssyncset.s32 $0xFFFFF086  }
0x25: {  	[simem:s6], [sflag:s4] =	dma.local [hbm:s3], $0xF7A  }
0x26: {  	[smem:$0x3F9C] =	sst s1;
	(tag) =	ssettag s2;
	_ =	strace s9  }
0x27: {  	s1 =	sld [smem:$0x3FAC]  }
0x28: {  	s2 =	sld [smem:$0x3FAD]  }
0x29: {  	s4 =	sld [smem:$0x3FAF]  }
0x2a: {  	p0 =	seq.s32 s5, $0x0;
	s5 =	sld [smem:$0x3FB0]  }
0x2b: {  	s6 =	sld [smem:$0x3FB1]  }
0x2c: {  	s7 =	sld [smem:$0x3FB2]  }
0x2d: {  	s3 =	simm.s32 $0x108;
	s8 =	sld [smem:$0x3FB3]  }
0x2e: {  	s3 =	simm.s32 @!p0 $0x1082;
	s9 =	sld [smem:$0x3FB4]  }
0x2f: {  	lr =	sadd.s32 s0, s3;
	s0 =	sld [smem:$0x3FAB]  }
0x30: {  	s3 =	sld [smem:$0x3FAE]  }
0x31: {  	[smem:$0x3FB7] =	sst s10  }
0x32: {  	s10 =	sld [smem:$0x3FB5];
	_ =	sdelay $0x3  }
0x33: {  	p0 =	seq.s32 s10, $0x1;
	s10 =	sld [smem:$0x3FB7];
	_ =	sdelay $0x3  }
0x34: {  	[smem:$0x3FB7] =	sst s10  }
0x35: {  	s10 =	sld [smem:$0x3FB6];
	_ =	sdelay $0x3  }
0x36: {  	p1 =	seq.s32 s10, $0x1;
	s10 =	sld [smem:$0x3FB7];
	_ =	sdelay $0x3  }
0x37: {  	[smem:$0x3FB7] =	sst s10  }
0x38: {  	s10 =	sld [smem:$0x3FB8]  }
0x39: {  	_ = 	snop;
	(pc) =	sbr.ind lr, $3  }
0x3a: {  	_ = 	snop  }
0x3b: {  	_ = 	snop  }
0x3c: {  	p2 =	seq.s32 s10, $0x1;
	s10 =	sld [smem:$0x3FB7]  }
0x3d: {  	_ =	shalt  }
0x3e: {  	_ =	shalt  }
0x3f: {  	_ =	shalt  }
0x40: {  	_ =	shalt  }
0x41: {  	_ =	shalt  }
0x42: {  	_ =	shalt  }
0x43: {  	_ =	shalt  }
0x44: {  	_ =	shalt  }
0x45: {  	_ =	shalt  }
0x46: {  	_ =	shalt  }
0x47: {  	_ =	shalt  }
0x48: {  	_ =	shalt  }
0x49: {  	_ =	shalt  }
0x4a: {  	_ =	shalt  }
0x4b: {  	_ =	shalt  }
0x4c: {  	_ =	shalt  }
0x4d: {  	_ =	shalt  }
0x4e: {  	_ =	shalt  }
0x4f: {  	_ =	shalt  }
0x50: {  	_ =	shalt  }
0x51: {  	_ =	shalt  }
0x52: {  	_ =	shalt  }
0x53: {  	_ =	shalt  }
0x54: {  	_ =	shalt  }
0x55: {  	_ =	shalt  }
0x56: {  	_ =	shalt  }
0x57: {  	_ =	shalt  }
0x58: {  	_ =	shalt  }
0x59: {  	_ =	shalt  }
0x5a: {  	_ =	shalt  }
0x5b: {  	_ =	shalt  }
0x5c: {  	_ =	shalt  }
0x5d: {  	_ =	shalt  }
0x5e: {  	_ =	shalt  }
0x5f: {  	_ =	shalt  }
0x60: {  	_ =	shalt  }
0x61: {  	_ =	shalt  }
0x62: {  	_ =	shalt  }
0x63: {  	_ =	shalt  }
0x64: {  	_ =	shalt  }
0x65: {  	_ =	shalt  }
0x66: {  	_ =	shalt  }
0x67: {  	_ =	shalt  }
0x68: {  	_ =	shalt  }
0x69: {  	_ =	shalt  }
0x6a: {  	_ =	shalt  }
0x6b: {  	_ =	shalt  }
0x6c: {  	_ =	shalt  }
0x6d: {  	_ =	shalt  }
0x6e: {  	_ =	shalt  }
0x6f: {  	_ =	shalt  }
0x70: {  	_ =	shalt  }
0x71: {  	_ =	shalt  }
0x72: {  	_ =	shalt  }
0x73: {  	_ =	shalt  }
0x74: {  	_ =	shalt  }
0x75: {  	_ =	shalt  }
0x76: {  	_ =	shalt  }
0x77: {  	_ =	shalt  }
0x78: {  	_ =	shalt  }
0x79: {  	_ =	shalt  }
0x7a: {  	_ =	shalt  }
0x7b: {  	_ =	shalt  }
0x7c: {  	_ =	shalt  }
0x7d: {  	_ =	shalt  }
0x7e: {  	_ =	shalt  }
0x7f: {  	_ =	shalt  }
0x80: {  	_ =	shalt  }
0x81: {  	_ =	shalt  }
0x82: {  	_ =	shalt  }
0x83: {  	_ =	shalt  }
0x84: {  	_ =	shalt  }
0x85: {  	_ =	shalt  }
0x86: {  	_ =	shalt  }
0x87: {  	_ =	shalt  }
.Lfunc_end0:
.L_simem_size_0:
called_computation_lowered:
.L_overlay_start_0:
0x88: {  	s2 =	sld [smem:$0x3FD9]  }
0x89: {  	s3 =	sld [smem:$0x3FFE];
	_ =	sdelay $0x1  }
0x8a: {  	s1 =	srdreg.scid  }
0x8b: {  	s0 =	sand.u32 $0x1, s1  }
0x8c: {  	s17 =	sshll.u32 s0, $0xA;
	s2 =	sadd.s32 s3, s2  }
0x8d: {  	s2 =	sadd.s32 s2, s17  }
0x8e: {  	[smem:$0x3FC3] =	sst s2  }
0x8f: {  	_ = 	snop  }
0x90: {  	s2 =	sld [smem:$0x3FC9]  }
0x91: {  	s18 =	sld [smem:$0x3FC8]  }
0x92: {  	s4 =	sld [smem:$0x3FD0];
	(tm) =	ssettm $0x1  }
0x93: {  	s5 =	sld [smem:$0x3FFB];
	_ =	sdelay $0x3  }
0x94: {  	_ =	strace s5  }
0x95: {  	s5 =	sld [smem:$0x3FFC];
	_ =	sdelay $0x3  }
0x96: {  	_ =	strace s5  }
0x97: {  	s5 =	sld [smem:$0x3FFD];
	_ =	sdelay $0x3  }
0x98: {  	_ =	strace s5  }
0x99: {  	_ =	strace $0x8FFFFFFF  }
0x9a: {  	s19 =	sld [smem:$0x3FDB];
	_ =	sdelay $0x1  }
0x9b: {  	s6 =	simm.s32 $_scs_section_size  }
0x9c: {  	s7 =	simm.s32 $_size__tile_overlayer_lowered;
	s8 =	simm.s32 $_tile_overlayer_lowered  }
0x9d: {  	s22 =	simm.s32 $0x1BFF;
	s21 =	sshll.u32 s8, $0x1;
	s5 =	sadd.s32 s6, s19  }
0x9e: {  	s9 =	simm.s32 $0x0;
	s20 =	sshll.u32 s7, $0x1;
	s7 =	sadd.s32 s21, s5  }
0x9f: {  	[timem:s9], [sflag:s22] =	dma.local [hbm:s7], s20  }
0xa0: {  	_ =	swait.ge [sflag:s22], s20  }
0xa1: {  	s6 =	ssub.s32 $0x0, s20;
	[sflag:s22] =	ssyncset.done $0x0  }
0xa2: {  	[sflag:s22] =	ssyncadd.s32 s6;
	_ =	sdelay $0x1  }
0xa3: {  	s23 =	simm.s32 $0x1B8B  }
0xa4: {  	_ =	swait.ge [sflag:s23], $0x1  }
0xa5: {  	[sflag:s23] =	ssyncset.done $0x0  }
0xa6: {  	s25 =	simm.s32 $0x1B8E;
	s24 =	sld [smem:$0x3FFE];
	[sflag:s23] =	ssyncadd.s32 $0xFFFFFFFF  }
0xa7: {  	s26 =	simm.s32 $execute0_lowered;
	[smem:$0x3FD2] =	sst s25  }
0xa8: {  	s7 =	sshll.u32 s26, $0x1;
	_ =	strace $0x80000046;
	[dreg:$0x1] =	wrdreg $0xFFFFFFFF  }
0xa9: {  	s28 =	simm.s32 $_size_execute0_lowered;
	s5 =	sadd.s32 s5, s7;
	[dreg:$0x0] =	wrdreg $0x0  }
0xaa: {  	s7 =	sshll.u32 s28, $0x1;
	[dreg:$0x2] =	wrdreg s5  }
0xab: {  	[dreg:$0x3] =	wrdreg s7  }
0xac: {  	[dreg:$0x4] =	wrdreg $0xC0  }
0xad: {  	_ =	task [dreg:s9], $0x5FFFF  }
0xae: {  	[dreg:$0x1] =	wrdreg $0xFFFFFFFF  }
0xaf: {  	[dreg:$0x0] =	wrdreg $0x60  }
0xb0: {  	[dreg:$0x2] =	wrdreg s2  }
0xb1: {  	[dreg:$0x3] =	wrdreg s18  }
0xb2: {  	[dreg:$0x4] =	wrdreg s24  }
0xb3: {  	[dreg:$0x5] =	wrdreg s4  }
0xb4: {  	[dreg:$0x6] =	wrdreg $0x9  }
0xb5: {  	_ =	task.clear_ibuf [dreg:s9], $0x7FFFF;
	_ =	strace $0x90000046  }
0xb6: {  	s29 =	simm.s32 $0x9;
	_ =	strace $0x80000048  }
0xb7: {  	_ =	swait.ge [sflag:s29], $0x1  }
0xb8: {  	[sflag:s29] =	ssyncadd.s32 $0xFFFFFFFF  }
0xb9: {  	_ =	strace $0x90000048  }
0xba: {  	_ =	sfence  }
0xbb: {  	s30 =	sld [smem:$0x0];
	_ =	sdelay $0x2  }
0xbc: {  	s31 =	sshll.u32 s1, $0xD;
	s1 =	sshrl.u32 s1, $0x2  }
0xbd: {  	s3 =	sand.u32 $0x4000, s31;
	s1 =	sadd.s32 s1, s30  }
0xbe: {  	s0 =	sor.u32 s3, s0;
	s1 =	sshll.u32 s1, $0x11  }
0xbf: {  	s0 =	sor.u32 s1, s0  }
0xc0: {  	s0 =	sadd.s32 $0x8F2B, s0  }
0xc1: {  	[sflag:s0] =	ssyncadd.remote.s32 $0x1  }
0xc2: {  	_ =	sfence.sel $0xFFFF  }
0xc3: {  	[dreg:$0x0] =	wrdreg $0xFFFFFFFF;
	(pc) =	sbr.abs _section_cstart, $3  }
0xc4: {  	[dreg:$0x1] =	wrdreg $0xFFFFFFFF  }
0xc5: {  	_ =	task.clear_ibuf [dreg:s9], $0x2FFFF;
	_ =	strace $0x9FFFFFFF  }
0xc6: {  	(tm) =	ssettm $0x7FFFFFFF  }
0xc7: {  	_ =	shalt  }
tec
execute0_lowered:
.L_overlay_start_1:
0x0: {  	(tag) =	ssettag $0x1  }
0x1: {  	s0 =	rddreg [dreg:$0x0]  }
0x2: {  	v0 =	vimm.s32 $0xFEDCBA98;
	s5 =	rddreg [dreg:$0x1];
	v1 =	vimm.s32 $0x76543210  }
0x3: {  	s4 =	rddreg [dreg:$0x2];
	v2 =	vimm.s32 $0xBA98FEDC;
	v3 =	vimm.s32 $0x32107654;
	v4 =	vimm.s32 $0xDCFE98BA  }
0x4: {  	s7 =	rddreg [dreg:$0x3];
	s1 =	simm.s32 $0x0;
	v5 =	vimm.s32 $0x54761032;
	v6 =	vimm.s32 $0xEFCDAB89;
	v7 =	vimm.s32 $0x67452301  }
0x5: {  	s3 =	srdreg.scid;
	s2 =	stileid.u32;
	s11 =	simm.s32 $0x10400;
	vm0 =	vmmov $0x1;
	vm1 =	vmmov $0x3;
	vm2 =	vmmov $0x7  }
0x6: {  	s12 =	simm.s32 $0x80;
	s13 =	simm.s32 $0x400;
	s14 =	simm.s32 $0x8400;
	vm3 =	vmmov $0xf;
	vm4 =	vmmov $0x1f;
	v0 =	vunpack.c.l.s4.s8 v0  }
0x7: {  	s15 =	simm.s32 $0x2400;
	s16 =	simm.s32 $0x280;
	s17 =	simm.s32 $0xA400;
	v1 =	vunpack.c.l.s4.s8 v1;
	v2 =	vunpack.c.l.s4.s8 v2;
	v3 =	vunpack.c.l.s4.s8 v3  }
0x8: {  	s18 =	simm.s32 $0x100;
	s19 =	simm.s32 $0x4400;
	s20 =	simm.s32 $0x300;
	v4 =	vunpack.c.l.s4.s8 v4;
	v5 =	vunpack.c.l.s4.s8 v5;
	v6 =	vunpack.c.l.s4.s8 v6  }
0x9: {  	s21 =	simm.s32 $0xC400;
	s22 =	simm.s32 $0x180;
	s23 =	simm.s32 $0x6400;
	v7 =	vunpack.c.l.s4.s8 v7;
	v0 =	vunpack.c.0.s8.s32 v0;
	v2 =	vunpack.c.0.s8.s32 v2  }
0xa: {  	s24 =	simm.s32 $0x380;
	s25 =	simm.s32 $0xE400;
	s26 =	simm.s32 $0x1;
	v3 =	vunpack.c.0.s8.s32 v3;
	v4 =	vunpack.c.0.s8.s32 v4;
	v1 =	vunpack.c.0.s8.s32 v1  }
0xb: {  	s28 =	simm.s32 $0x18400;
	s29 =	simm.s32 $0x0;
	[smem:$0x7FF] =	sst s1;
	v5 =	vunpack.c.0.s8.s32 v5;
	v6 =	vunpack.c.0.s8.s32 v6;
	v0 =	vand.u32 $0xF, v0  }
0xc: {  	s6 =	sand.u32 $0x1, s3;
	s8 =	sshll.u32 s2, $0x1;
	s3 =	sadd.s32 $0xF42A00, s4;
	v7 =	vunpack.c.0.s8.s32 v7;
	v2 =	vcombine.low v3, v2;
	v0 =	vcombine.low v0, v1  }
0xd: {  	vm5 =	vmmov $0x3f;
	vm6 =	vmmov $0x7f;
	_ =	strace $0x80000047;
	s8 =	sor.u32 s6, s8;
	s6 =	ssub.s32 $0x2, s6;
	v59 =	vcombine.low v5, v4  }
0xe: {  	vm7 =	vmmov $0xff;
	s9 =	sshll.u32 s8, $0xC;
	s10 =	sshrl.u32 s6, $0x1;
	s8 =	sshll.u32 s8, $0x6;
	v60 =	vcombine.low v7, v6;
	v61 =	vand.u32 $0xF, v2;
	[tilespmem:$0x1FFC0] =	vst v0  }
0xf: {  	vm8 =	vmmov $0x1ff;
	vm9 =	vmmov $0x3ff;
	s9 =	sadd.s32 s9, s4;
	s10 =	ssub.s32 s6, s10;
	s4 =	sadd.s32 s0, s8;
	v62 =	vand.u32 $0xF, v59;
	[tilespmem:$0x1FFD0] =	vst v61  }
0x10: {  	vm10 =	vmmov $0x7ff;
	vm11 =	vmmov $0xfff;
	s5 =	sadd.s32 s5, s8;
	s7 =	sadd.s32 s7, s8;
	s6 =	sadd.s32 $0x600, s9;
	v63 =	vand.u32 $0xF, v60;
	[tilespmem:$0x1FFE0] =	vst v62  }
0x11: {  	vm12 =	vmmov $0x1fff;
	vm13 =	vmmov $0x3fff;
	vm14 =	vmmov $0x7fff;
	s8 =	smax.u32 s10, $0x1;
	s9 =	simm.s32 $0x2;
	s10 =	simm.s32 $0x200;
	[tilespmem:$0x1FFF0] =	vst v63  }
.LBB2_1:
0x12: {  	[tilespmem:s1], [sflag:$0x2] =	stream.linear.gather [hbm4b:s4+s1], $0x200, $0x38;
	[tilespmem:$0x18600] =	vst v63  }
0x13: {  	_ =	swait.ge [sflag:s9], $0x200  }
0x14: {  	[sflag:s9] =	ssyncset.done $0x0  }
0x15: {  	[sflag:s9] =	ssyncadd.s32 $0xFFFFFE00  }
0x16: {  	[tilespmem:s10], [sflag:$0x2] =	stream.linear.gather [hbm4b:s5+s1], $0x200, $0x38;
	[tilespmem:$0x18600] =	vst v63  }
0x17: {  	_ =	swait.ge [sflag:s9], $0x200  }
0x18: {  	[sflag:s9] =	ssyncset.done $0x0  }
0x19: {  	[sflag:s9] =	ssyncadd.s32 $0xFFFFFE00  }
0x1a: {  	[tilespmem:s11], [sflag:$0x1] =	stream.linear.gather [hbm4b:s6+s1], $0x8000, $0x38;
	[tilespmem:$0x18600] =	vst v63  }
0x1b: {  	_ = 	snop  }
0x1c: {  	[tilespmem:s13], [sflag:$0x1] =	stream.indirect.gather [hbm4b:s3+s12], $0x40, s1, s12, $0xb8;
	[tilespmem:$0x18600] =	vst v63  }
0x1d: {  	_ = 	snop  }
0x1e: {  	[tilespmem:s14], [sflag:$0x1] =	stream.indirect.gather [hbm4b:s3+s12], $0x40, s10, s12, $0xb8;
	[tilespmem:$0x18600] =	vst v63  }
0x1f: {  	_ = 	snop  }
0x20: {  	[tilespmem:s15], [sflag:$0x1] =	stream.indirect.gather [hbm4b:s3+s12], $0x40, s12, s12, $0xb8;
	[tilespmem:$0x18600] =	vst v63  }
0x21: {  	_ = 	snop  }
0x22: {  	[tilespmem:s17], [sflag:$0x1] =	stream.indirect.gather [hbm4b:s3+s12], $0x40, s16, s12, $0xb8;
	[tilespmem:$0x18600] =	vst v63  }
0x23: {  	_ = 	snop  }
0x24: {  	[tilespmem:s19], [sflag:$0x1] =	stream.indirect.gather [hbm4b:s3+s12], $0x40, s18, s12, $0xb8;
	[tilespmem:$0x18600] =	vst v63  }
0x25: {  	_ = 	snop  }
0x26: {  	[tilespmem:s21], [sflag:$0x1] =	stream.indirect.gather [hbm4b:s3+s12], $0x40, s20, s12, $0xb8;
	[tilespmem:$0x18600] =	vst v63  }
0x27: {  	_ = 	snop  }
0x28: {  	[tilespmem:s23], [sflag:$0x1] =	stream.indirect.gather [hbm4b:s3+s12], $0x40, s22, s12, $0xb8;
	[tilespmem:$0x18600] =	vst v63  }
0x29: {  	_ = 	snop  }
0x2a: {  	[tilespmem:s25], [sflag:$0x1] =	stream.indirect.gather [hbm4b:s3+s12], $0x40, s24, s12, $0xb8;
	[tilespmem:$0x18600] =	vst v63  }
0x2b: {  	_ =	swait.ge [sflag:s26], $0x8000  }
0x2c: {  	[sflag:s26] =	ssyncset.done $0x0  }
0x2d: {  	[sflag:s26] =	ssyncadd.s32 $0xFFFF8000  }
0x2e: {  	_ =	swait.ge [sflag:s26], $0x2000  }
0x2f: {  	[sflag:s26] =	ssyncset.done $0x0  }
0x30: {  	[sflag:s26] =	ssyncadd.s32 $0xFFFFE000  }
0x31: {  	_ =	swait.ge [sflag:s26], $0x2000  }
0x32: {  	[sflag:s26] =	ssyncset.done $0x0  }
0x33: {  	[sflag:s26] =	ssyncadd.s32 $0xFFFFE000  }
0x34: {  	_ =	swait.ge [sflag:s26], $0x2000  }
0x35: {  	[sflag:s26] =	ssyncset.done $0x0  }
0x36: {  	[sflag:s26] =	ssyncadd.s32 $0xFFFFE000  }
0x37: {  	_ =	swait.ge [sflag:s26], $0x2000  }
0x38: {  	[sflag:s26] =	ssyncset.done $0x0  }
0x39: {  	[sflag:s26] =	ssyncadd.s32 $0xFFFFE000  }
0x3a: {  	_ =	swait.ge [sflag:s26], $0x2000  }
0x3b: {  	[sflag:s26] =	ssyncset.done $0x0  }
0x3c: {  	[sflag:s26] =	ssyncadd.s32 $0xFFFFE000  }
0x3d: {  	_ =	swait.ge [sflag:s26], $0x2000  }
0x3e: {  	[sflag:s26] =	ssyncset.done $0x0  }
0x3f: {  	[sflag:s26] =	ssyncadd.s32 $0xFFFFE000  }
0x40: {  	_ =	swait.ge [sflag:s26], $0x2000  }
0x41: {  	[sflag:s26] =	ssyncset.done $0x0  }
0x42: {  	[sflag:s26] =	ssyncadd.s32 $0xFFFFE000  }
0x43: {  	_ =	swait.ge [sflag:s26], $0x2000  }
0x44: {  	[sflag:s26] =	ssyncset.done $0x0  }
0x45: {  	s0 =	simm.s32 $0x0;
	[sflag:s26] =	ssyncadd.s32 $0xFFFFE000  }
0x46: {  	v57 =	vld [tilespmem:s0+$0x87F0]  }
0x47: {  	v36 =	vld [tilespmem:s0+$0x87B0]  }
0x48: {  	v8 =	vld [tilespmem:s0+$0x87E0]  }
0x49: {  	v7 =	vld [tilespmem:s0+$0x7F0]  }
0x4a: {  	v9 =	vld [tilespmem:s0+$0x107F0]  }
0x4b: {  	v53 =	vld [tilespmem:s0+$0x8770]  }
0x4c: {  	v30 =	vld [tilespmem:s0+$0x87A0]  }
0x4d: {  	v0 =	vld [tilespmem:s0+$0x7B0]  }
0x4e: {  	v14 =	vld [tilespmem:s0+$0x107B0]  }
0x4f: {  	v58 =	vld [tilespmem:s0+$0x87C0]  }
0x50: {  	v25 =	vld [tilespmem:s0+$0x87D0]  }
0x51: {  	v28 =	vld [tilespmem:s0+$0x7E0]  }
0x52: {  	v31 =	vld [tilespmem:s0+$0x107E0]  }
0x53: {  	v50 =	vld [tilespmem:s0+$0x8730]  }
0x54: {  	v39 =	vld [tilespmem:s0+$0x8760]  }
0x55: {  	v20 =	vld [tilespmem:s0+$0x770]  }
0x56: {  	v43 =	vld [tilespmem:s0+$0x10770]  }
0x57: {  	v45 =	vld [tilespmem:s0+$0x8780]  }
0x58: {  	v52 =	vld [tilespmem:s0+$0x8790]  }
0x59: {  	v56 =	vld [tilespmem:s0+$0x7A0]  }
0x5a: {  	v63 =	vld [tilespmem:s0+$0x107A0]  }
0x5b: {  	v15 =	vld [tilespmem:s0+$0x7C0]  }
0x5c: {  	v33 =	vld [tilespmem:s0+$0x107C0]  }
0x5d: {  	v35 =	vld [tilespmem:s0+$0x7D0]  }
0x5e: {  	v38 =	vld [tilespmem:s0+$0x107D0]  }
0x5f: {  	v1 =	vld [tilespmem:s0+$0x86F0]  }
0x60: {  	v54 =	vld [tilespmem:s0+$0x8720]  }
0x61: {  	v32 =	vld [tilespmem:s0+$0x730]  }
0x62: {  	v29 =	vld [tilespmem:s0+$0x10730]  }
0x63: {  	v22 =	vld [tilespmem:s0+$0x8740]  }
0x64: {  	v21 =	vld [tilespmem:s0+$0x8750]  }
0x65: {  	v19 =	vld [tilespmem:s0+$0x760]  }
0x66: {  	v18 =	vld [tilespmem:s0+$0x10760]  }
0x67: {  	v2 =	vld [tilespmem:s0+$0x780]  }
0x68: {  	v11 =	vld [tilespmem:s0+$0x10780]  }
0x69: {  	v16 =	vld [tilespmem:s0+$0x10790]  }
0x6a: {  	v3 =	vld [tilespmem:s0+$0x86B0]  }
0x6b: {  	v44 =	vld [tilespmem:s0+$0x6F0]  }
0x6c: {  	v49 =	vld [tilespmem:s0+$0x106F0]  }
0x6d: {  	v48 =	vld [tilespmem:s0+$0x8700]  }
0x6e: {  	v55 =	vld [tilespmem:s0+$0x8710]  }
0x6f: {  	v37 =	vld [tilespmem:s0+$0x720]  }
0x70: {  	v34 =	vld [tilespmem:s0+$0x10720]  }
0x71: {  	v6 =	vld [tilespmem:s0+$0x740]  }
0x72: {  	v5 =	vld [tilespmem:s0+$0x10740]  }
0x73: {  	v4 =	vld [tilespmem:s0+$0x750]  }
0x74: {  	v10 =	vld [tilespmem:s0+$0x8670]  }
0x75: {  	v46 =	vld [tilespmem:s0+$0x86C0]  }
0x76: {  	v47 =	vld [tilespmem:s0+$0x86D0]  }
0x77: {  	v51 =	vld [tilespmem:s0+$0x6E0]  }
0x78: {  	v42 =	vld [tilespmem:s0+$0x106E0]  }
0x79: {  	v17 =	vld [tilespmem:s0+$0x700]  }
0x7a: {  	v13 =	vld [tilespmem:s0+$0x10700]  }
0x7b: {  	v12 =	vld [tilespmem:s0+$0x710]  }
0x7c: {  	v23 =	vld [tilespmem:s0+$0x8630]  }
0x7d: {  	v27 =	vld [tilespmem:s0+$0x6C0]  }
0x7e: {  	v24 =	vld [tilespmem:s0+$0x106C0]  }
0x7f: {  	v26 =	vld [tilespmem:s0+$0x6D0]  }
0x80: {  	v40 =	vld [tilespmem:s0+$0x85F0]  }
0x81: {  	v60 =	vld [tilespmem:s0+$0x8620]  }
0x82: {  	v61 =	vld [tilespmem:s0+$0x630]  }
0x83: {  	v62 =	vld [tilespmem:s0+$0x10630]  }
0x84: {  	v59 =	vld [tilespmem:s0+$0x8640]  }
0x85: {  	[tilespmem:$0x1FC10] =	vst v1;
	v1 =	vld [tilespmem:s0+$0x790]  }
0x86: {  	[tilespmem:$0x1FCB0] =	vst v3;
	v3 =	vld [tilespmem:s0+$0x86E0]  }
0x87: {  	[tilespmem:$0x1FCC0] =	vst v10;
	v10 =	vld [tilespmem:s0+$0x86A0]  }
0x88: {  	[tilespmem:$0x1FD40] =	vst v23;
	v23 =	vld [tilespmem:s0+$0x8660]  }
0x89: {  	[tilespmem:$0x1FD50] =	vst v60;
	v60 =	vld [tilespmem:s0+$0x8650]  }
0x8a: {  	[tilespmem:$0x1FD10] =	vst v61;
	v61 =	vld [tilespmem:s0+$0x660]  }
0x8b: {  	[tilespmem:$0x1FD20] =	vst v62;
	v62 =	vld [tilespmem:s0+$0x10660]  }
0x8c: {  	[tilespmem:$0x1FCF0] =	vst v59;
	v59 =	vld [tilespmem:s0+$0x690]  }
0x8d: {  	[tilespmem:$0x1FD60] =	vst v40;
	v40 =	vld [tilespmem:s0+$0x85B0]  }
0x8e: {  	v33 =	vadd.f32 v33, v15;
	v15 =	vld [tilespmem:s0+$0x85E0]  }
0x8f: {  	v41 =	vadd.f32 v31, v28;
	v31 =	vld [tilespmem:s0+$0x5F0]  }
0x90: {  	v35 =	vadd.f32 v38, v35;
	v28 =	vld [tilespmem:s0+$0x8600]  }
0x91: {  	v7 =	vadd.f32 v9, v7;
	[tilespmem:$0x1FD30] =	vst v23;
	v23 =	vld [tilespmem:s0+$0x670]  }
0x92: {  	v38 =	vld [tilespmem:s0+$0x10620];
	v58 =	vsub.f32 v33, v58;
	v25 =	vsub.f32 v35, v25  }
0x93: {  	v14 =	vadd.f32 v14, v0;
	v0 =	vld [tilespmem:s0+$0x8570];
	v2 =	vadd.f32 v11, v2  }
0x94: {  	v11 =	vld [tilespmem:s0+$0x85A0];
	v8 =	vsub.f32 v41, v8;
	v9 =	vand.u32 $0x7FFFFFFF, v58;
	v35 =	vand.u32 $0x7FFFFFFF, v25  }
0x95: {  	v41 =	vld [tilespmem:$0x1FFC0];
	v9 =	vadd.f32 v35, v9  }
0x96: {  	v56 =	vadd.f32 v63, v56;
	v7 =	vsub.f32 v7, v57;
	v8 =	vand.u32 $0x7FFFFFFF, v8;
	[tilespmem:$0x1FC80] =	vst v23;
	v23 =	vld [tilespmem:s0+$0x10670]  }
0x97: {  	v63 =	vld [tilespmem:s0+$0x600];
	v13 =	vadd.f32 v13, v17;
	v8 =	vadd.f32 v8, v9  }
0x98: {  	v17 =	vadd.f32 v49, v44;
	v49 =	vld [tilespmem:s0+$0x530];
	v2 =	vsub.f32 v2, v45;
	v57 =	vand.u32 $0x7FFFFFFF, v7  }
0x99: {  	v45 =	vadd.f32 v43, v20;
	v43 =	vld [tilespmem:$0x1FFD0];
	[tilespmem:$0x1FC00] =	vst v3;
	v8 =	vadd.f32 v57, v8  }
0x9a: {  	v3 =	vld [tilespmem:s0+$0x10750];
	[tilespmem:$0x1FDA0] =	vst v0  }
0x9b: {  	v1 =	vadd.f32 v16, v1;
	v0 =	vperm.xlane v8, v41;
	[tilespmem:$0x1FC90] =	vst v23;
	v23 =	vld [tilespmem:s0+$0x8680]  }
0x9c: {  	v44 =	vld [tilespmem:s0+$0x560]  }
0x9d: {  	v33 =	vld [tilespmem:s0+$0x105F0];
	v1 =	vsub.f32 v1, v52;
	v0 =	vadd.f32 v8, v0  }
0x9e: {  	v30 =	vsub.f32 v56, v30;
	[tilespmem:$0x1FCA0] =	vst v10;
	v10 =	vld [tilespmem:s0+$0x6B0]  }
0x9f: {  	v56 =	vld [tilespmem:s0+$0x105E0];
	v2 =	vand.u32 $0x7FFFFFFF, v2;
	v1 =	vand.u32 $0x7FFFFFFF, v1;
	v52 =	vperm.xlane v0, v43  }
0xa0: {  	v1 =	vadd.f32 v1, v2;
	v3 =	vadd.f32 v3, v4;
	[tilespmem:$0x1FC60] =	vst v23;
	v23 =	vld [tilespmem:s0+$0x8690]  }
0xa1: {  	v20 =	vld [tilespmem:s0+$0x8560];
	v2 =	vadd.f32 v0, v52;
	v0 =	vadd.f32 v5, v6  }
0xa2: {  	v13 =	vsub.f32 v13, v48;
	v48 =	vld [tilespmem:s0+$0x8590]  }
0xa3: {  	[tilespmem:$0x1FC20] =	vst v10;
	v10 =	vld [tilespmem:s0+$0x106B0];
	v6 =	vsub.f32 v3, v21;
	v0 =	vsub.f32 v0, v22  }
0xa4: {  	v14 =	vsub.f32 v14, v36;
	v36 =	vld [tilespmem:s0+$0x8550]  }
0xa5: {  	v5 =	vadd.f32 v18, v19;
	v6 =	vand.u32 $0x7FFFFFFF, v6;
	v19 =	vand.u32 $0x7FFFFFFF, v0;
	[tilespmem:$0x1FC70] =	vst v23;
	v23 =	vld [tilespmem:s0+$0x6A0]  }
0xa6: {  	v6 =	vadd.f32 v6, v19;
	v19 =	vld [tilespmem:s0+$0x8530]  }
0xa7: {  	v25 =	vld [tilespmem:s0+$0x8610]  }
0xa8: {  	[tilespmem:$0x1FC30] =	vst v10;
	v10 =	vld [tilespmem:s0+$0x10710]  }
0xa9: {  	v7 =	vld [tilespmem:s0+$0x10640];
	[tilespmem:$0x1FD90] =	vst v40;
	v5 =	vsub.f32 v5, v39  }
0xaa: {  	[tilespmem:$0x1FC40] =	vst v23;
	v23 =	vld [tilespmem:s0+$0x106A0]  }
0xab: {  	v40 =	vld [tilespmem:$0x1FFE0];
	v5 =	vand.u32 $0x7FFFFFFF, v5;
	[tilespmem:$0x1FDB0] =	vst v19;
	v19 =	vsub.f32 v45, v53  }
0xac: {  	v58 =	vld [tilespmem:s0+$0x10650];
	v6 =	vadd.f32 v5, v6  }
0xad: {  	[tilespmem:$0x1FD00] =	vst v60;
	v60 =	vld [tilespmem:s0+$0x680];
	v4 =	vand.u32 $0x7FFFFFFF, v30;
	v10 =	vadd.f32 v10, v12;
	v12 =	vand.u32 $0x7FFFFFFF, v19  }
0xae: {  	v9 =	vld [tilespmem:s0+$0x640];
	v4 =	vadd.f32 v4, v1;
	v12 =	vadd.f32 v12, v6  }
0xaf: {  	v14 =	vand.u32 $0x7FFFFFFF, v14;
	[tilespmem:$0x1FC50] =	vst v23;
	v23 =	vld [tilespmem:s0+$0x106D0]  }
0xb0: {  	[tilespmem:$0x1FCE0] =	vst v62;
	v62 =	vld [tilespmem:s0+$0x10680];
	v4 =	vadd.f32 v14, v4;
	v14 =	vperm.xlane v2, v40;
	v19 =	vperm.xlane v12, v41  }
0xb1: {  	[tilespmem:$0x1FCD0] =	vst v61;
	v61 =	vld [tilespmem:s0+$0x10690];
	v18 =	vadd.f32 v29, v32  }
0xb2: {  	v35 =	vld [tilespmem:s0+$0x620];
	v2 =	vadd.f32 v2, v14;
	v12 =	vadd.f32 v12, v19  }
0xb3: {  	v13 =	vand.u32 $0x7FFFFFFF, v13;
	v16 =	vld [tilespmem:s0+$0x105B0];
	v14 =	vadd.f32 v34, v37;
	v10 =	vsub.f32 v10, v55  }
0xb4: {  	[tilespmem:$0x1FD70] =	vst v11;
	v11 =	vld [tilespmem:s0+$0x85C0];
	v7 =	vadd.f32 v7, v9;
	v19 =	vadd.f32 v23, v26;
	v23 =	vperm.xlane v12, v43  }
0xb5: {  	v57 =	vld [tilespmem:s0+$0x650];
	v18 =	vsub.f32 v18, v50;
	v14 =	vsub.f32 v14, v54;
	v10 =	vand.u32 $0x7FFFFFFF, v10  }
0xb6: {  	v10 =	vadd.f32 v10, v13;
	v6 =	vperm.xlane v4, v41;
	v12 =	vadd.f32 v12, v23;
	v23 =	vld [tilespmem:$0x1FC00]  }
0xb7: {  	[tilespmem:$0x1FDC0] =	vst v20;
	v20 =	vld [tilespmem:s0+$0x5C0];
	v22 =	vadd.f32 v42, v51;
	v13 =	vadd.f32 v24, v27;
	v14 =	vand.u32 $0x7FFFFFFF, v14  }
0xb8: {  	v30 =	vld [tilespmem:s0+$0x10580];
	v10 =	vadd.f32 v14, v10;
	v4 =	vadd.f32 v4, v6  }
0xb9: {  	v1 =	vld [tilespmem:s0+$0x610];
	v18 =	vand.u32 $0x7FFFFFFF, v18;
	v13 =	vsub.f32 v13, v46;
	v19 =	vsub.f32 v19, v47  }
0xba: {  	v8 =	vld [tilespmem:s0+$0x5B0];
	v9 =	vadd.f32 v58, v57;
	v10 =	vadd.f32 v18, v10;
	v18 =	vperm.xlane v4, v43  }
0xbb: {  	v58 =	vld [tilespmem:$0x1FD20];
	v13 =	vand.u32 $0x7FFFFFFF, v13;
	v22 =	vsub.f32 v22, v23;
	v23 =	vand.u32 $0x7FFFFFFF, v19  }
0xbc: {  	v57 =	vld [tilespmem:s0+$0x540];
	v4 =	vadd.f32 v4, v18;
	v13 =	vadd.f32 v23, v13  }
0xbd: {  	v52 =	vld [tilespmem:s0+$0x5E0];
	v18 =	vand.u32 $0x7FFFFFFF, v22  }
0xbe: {  	v3 =	vld [tilespmem:s0+$0x10600];
	v23 =	vperm.xlane v12, v40;
	v13 =	vadd.f32 v18, v13;
	v18 =	vperm.xlane v4, v40  }
0xbf: {  	v21 =	vld [tilespmem:s0+$0x105C0]  }
0xc0: {  	v27 =	vadd.f32 v12, v23;
	v12 =	vadd.f32 v4, v18;
	v4 =	vld [tilespmem:$0x1FC20]  }
0xc1: {  	v18 =	vld [tilespmem:$0x1FC30]  }
0xc2: {  	v32 =	vld [tilespmem:s0+$0x84F0];
	v22 =	vperm.xlane v10, v41  }
0xc3: {  	v26 =	vld [tilespmem:$0x1FC10]  }
0xc4: {  	[tilespmem:$0x1FD80] =	vst v8;
	v8 =	vld [tilespmem:s0+$0x85D0];
	v10 =	vadd.f32 v10, v22  }
0xc5: {  	v51 =	vld [tilespmem:s0+$0x10530]  }
0xc6: {  	v39 =	vld [tilespmem:s0+$0x590];
	v4 =	vadd.f32 v18, v4;
	v18 =	vperm.xlane v10, v43  }
0xc7: {  	v50 =	vld [tilespmem:s0+$0x10590]  }
0xc8: {  	v17 =	vsub.f32 v17, v26;
	v10 =	vadd.f32 v10, v18;
	v18 =	vld [tilespmem:$0x1FC60]  }
0xc9: {  	v42 =	vld [tilespmem:s0+$0x4F0]  }
0xca: {  	v0 =	vld [tilespmem:s0+$0x10610];
	v17 =	vand.u32 $0x7FFFFFFF, v17  }
0xcb: {  	v29 =	vld [tilespmem:$0x1FC70];
	v13 =	vadd.f32 v17, v13;
	v17 =	vadd.f32 v62, v60  }
0xcc: {  	v26 =	vld [tilespmem:$0x1FC50]  }
0xcd: {  	v23 =	vld [tilespmem:$0x1FC40];
	v17 =	vsub.f32 v17, v18;
	v18 =	vperm.xlane v13, v41  }
0xce: {  	v37 =	vld [tilespmem:s0+$0x8540]  }
0xcf: {  	v18 =	vadd.f32 v13, v18;
	v13 =	vld [tilespmem:$0x1FCA0]  }
0xd0: {  	v55 =	vld [tilespmem:s0+$0x5A0];
	v22 =	vadd.f32 v61, v59  }
0xd1: {  	[tilespmem:$0x1FDD0] =	vst v2;
	v2 =	vld [tilespmem:s0+$0x10570]  }
0xd2: {  	v5 =	vld [tilespmem:s0+$0x570];
	v22 =	vsub.f32 v22, v29;
	v23 =	vadd.f32 v26, v23  }
0xd3: {  	v24 =	vld [tilespmem:s0+$0x105D0]  }
0xd4: {  	v45 =	vld [tilespmem:s0+$0x8580];
	v23 =	vsub.f32 v23, v13;
	v13 =	vand.u32 $0x7FFFFFFF, v17;
	v17 =	vand.u32 $0x7FFFFFFF, v22  }
0xd5: {  	v17 =	vadd.f32 v17, v13;
	v13 =	vld [tilespmem:$0x1FCB0]  }
0xd6: {  	v14 =	vld [tilespmem:s0+$0x5D0]  }
0xd7: {  	v53 =	vld [tilespmem:$0x1FC90]  }
0xd8: {  	v29 =	vld [tilespmem:$0x1FC80]  }
0xd9: {  	v0 =	vadd.f32 v0, v1;
	v46 =	vld [tilespmem:s0+$0x10560]  }
0xda: {  	v4 =	vsub.f32 v4, v13;
	v13 =	vld [tilespmem:$0x1FCC0]  }
0xdb: {  	v25 =	vsub.f32 v0, v25;
	v0 =	vld [tilespmem:s0+$0x84C0]  }
0xdc: {  	v6 =	vld [tilespmem:s0+$0x105A0]  }
0xdd: {  	v14 =	vadd.f32 v24, v14;
	v24 =	vld [tilespmem:s0+$0x104B0];
	v34 =	vadd.f32 v53, v29  }
0xde: {  	v44 =	vadd.f32 v46, v44;
	v46 =	vld [tilespmem:s0+$0x8400];
	v54 =	vperm.xlane v18, v43;
	v22 =	vperm.xlane v10, v40  }
0xdf: {  	v14 =	vsub.f32 v14, v8;
	v8 =	vld [tilespmem:$0x1FD60];
	v34 =	vsub.f32 v34, v13  }
0xe0: {  	v13 =	vadd.f32 v10, v22;
	v10 =	vand.u32 $0x7FFFFFFF, v23;
	v23 =	vadd.f32 v18, v54;
	v18 =	vld [tilespmem:$0x1FCE0]  }
0xe1: {  	v10 =	vadd.f32 v10, v17;
	v17 =	vld [tilespmem:$0x1FCD0]  }
0xe2: {  	v47 =	vld [tilespmem:s0+$0x104F0]  }
0xe3: {  	v19 =	vld [tilespmem:s0+$0x8520]  }
0xe4: {  	v61 =	vld [tilespmem:s0+$0x84B0]  }
0xe5: {  	v59 =	vld [tilespmem:$0x1FD30]  }
0xe6: {  	v17 =	vadd.f32 v18, v17;
	v18 =	vld [tilespmem:$0x1FCF0]  }
0xe7: {  	v60 =	vld [tilespmem:$0x1FD40]  }
0xe8: {  	v62 =	vadd.f32 v38, v35;
	v35 =	vld [tilespmem:s0+$0x10550]  }
0xe9: {  	v26 =	vld [tilespmem:s0+$0x580]  }
0xea: {  	v53 =	vld [tilespmem:s0+$0x520]  }
0xeb: {  	v7 =	vsub.f32 v7, v18;
	v18 =	vld [tilespmem:$0x1FD00]  }
0xec: {  	v54 =	vld [tilespmem:s0+$0x10520]  }
0xed: {  	v29 =	vld [tilespmem:s0+$0x84E0]  }
0xee: {  	v22 =	vld [tilespmem:s0+$0x8500]  }
0xef: {  	v1 =	vand.u32 $0x7FFFFFFF, v34;
	v34 =	vld [tilespmem:s0+$0x104E0]  }
0xf0: {  	v4 =	vand.u32 $0x7FFFFFFF, v4;
	v9 =	vsub.f32 v9, v18;
	v18 =	vld [tilespmem:$0x1FD10]  }
0xf1: {  	v10 =	vadd.f32 v4, v10;
	v4 =	vld [tilespmem:s0+$0x8510];
	v53 =	vadd.f32 v54, v53  }
0xf2: {  	v54 =	vld [tilespmem:s0+$0x400];
	v17 =	vsub.f32 v17, v59;
	v7 =	vand.u32 $0x7FFFFFFF, v7;
	v9 =	vand.u32 $0x7FFFFFFF, v9  }
0xf3: {  	v19 =	vsub.f32 v53, v19;
	v53 =	vld [tilespmem:s0+$0x480];
	v7 =	vadd.f32 v9, v7  }
0xf4: {  	v17 =	vand.u32 $0x7FFFFFFF, v17;
	v9 =	vadd.f32 v33, v31;
	v31 =	vld [tilespmem:s0+$0x550]  }
0xf5: {  	v18 =	vadd.f32 v58, v18;
	v7 =	vadd.f32 v17, v7;
	v17 =	vld [tilespmem:s0+$0x84A0]  }
0xf6: {  	v58 =	vperm.xlane v10, v41;
	v9 =	vsub.f32 v9, v8;
	v8 =	vld [tilespmem:$0x1FD70]  }
0xf7: {  	v20 =	vadd.f32 v21, v20;
	v59 =	vsub.f32 v18, v60;
	v60 =	vld [tilespmem:s0+$0x10540]  }
0xf8: {  	v10 =	vadd.f32 v10, v58;
	v58 =	vadd.f32 v3, v63;
	v3 =	vld [tilespmem:$0x1FD50]  }
0xf9: {  	v20 =	vsub.f32 v20, v11;
	v18 =	vld [tilespmem:s0+$0x8430]  }
0xfa: {  	v1 =	vadd.f32 v1, v7;
	v7 =	vsub.f32 v58, v28;
	v28 =	vld [tilespmem:s0+$0x4B0]  }
0xfb: {  	v20 =	vand.u32 $0x7FFFFFFF, v20;
	v14 =	vand.u32 $0x7FFFFFFF, v14;
	v6 =	vadd.f32 v6, v55;
	v58 =	vld [tilespmem:s0+$0x84D0]  }
0xfc: {  	v25 =	vand.u32 $0x7FFFFFFF, v25;
	v14 =	vadd.f32 v14, v20;
	v20 =	vand.u32 $0x7FFFFFFF, v59;
	v59 =	vld [tilespmem:s0+$0x10500]  }
0xfd: {  	v21 =	vperm.xlane v23, v40;
	v6 =	vsub.f32 v6, v8;
	v8 =	vld [tilespmem:$0x1FD80];
	v33 =	vsub.f32 v62, v3  }
0xfe: {  	v7 =	vand.u32 $0x7FFFFFFF, v7;
	v3 =	vld [tilespmem:s0+$0x8470];
	v62 =	vadd.f32 v56, v52;
	v52 =	vperm.xlane v10, v43  }
0xff: {  	v7 =	vadd.f32 v25, v7;
	v25 =	vand.u32 $0x7FFFFFFF, v33;
	v33 =	vld [tilespmem:s0+$0x4E0]  }
0x100: {  	v38 =	vadd.f32 v10, v52;
	v10 =	vadd.f32 v23, v21;
	v21 =	vld [tilespmem:s0+$0x10510]  }
0x101: {  	v42 =	vadd.f32 v47, v42;
	v23 =	vadd.f32 v30, v26;
	v30 =	vld [tilespmem:s0+$0x430]  }
0x102: {  	v63 =	vperm.xlane v1, v41;
	v26 =	vadd.f32 v50, v39;
	v39 =	vld [tilespmem:s0+$0x10470]  }
0x103: {  	v2 =	vadd.f32 v2, v5;
	v32 =	vsub.f32 v42, v32;
	v52 =	vld [tilespmem:s0+$0x4A0]  }
0x104: {  	v31 =	vadd.f32 v35, v31;
	v1 =	vadd.f32 v1, v63;
	v50 =	vld [tilespmem:s0+$0x4C0]  }
0x105: {  	v15 =	vsub.f32 v62, v15;
	v24 =	vadd.f32 v24, v28;
	v28 =	vld [tilespmem:s0+$0x490]  }
0x106: {  	v7 =	vadd.f32 v25, v7;
	v25 =	vld [tilespmem:s0+$0x500];
	v8 =	vadd.f32 v16, v8  }
0x107: {  	v16 =	vld [tilespmem:s0+$0x470];
	v15 =	vand.u32 $0x7FFFFFFF, v15;
	v23 =	vsub.f32 v23, v45;
	v26 =	vsub.f32 v26, v48  }
0x108: {  	v9 =	vand.u32 $0x7FFFFFFF, v9;
	v48 =	vld [tilespmem:s0+$0x8480];
	v14 =	vadd.f32 v15, v14;
	v7 =	vadd.f32 v20, v7  }
0x109: {  	v15 =	vperm.xlane v1, v43;
	v20 =	vld [tilespmem:s0+$0x510];
	v23 =	vand.u32 $0x7FFFFFFF, v23;
	v26 =	vand.u32 $0x7FFFFFFF, v26  }
0x10a: {  	v9 =	vadd.f32 v9, v14;
	v14 =	vperm.xlane v7, v41;
	v23 =	vadd.f32 v26, v23;
	v26 =	vld [tilespmem:$0x1FD90]  }
0x10b: {  	v31 =	vsub.f32 v31, v36;
	v1 =	vadd.f32 v1, v15;
	v15 =	vld [tilespmem:s0+$0x8420]  }
0x10c: {  	v6 =	vand.u32 $0x7FFFFFFF, v6;
	v24 =	vsub.f32 v24, v61;
	v7 =	vadd.f32 v7, v14;
	v14 =	vld [tilespmem:s0+$0x10430]  }
0x10d: {  	v25 =	vadd.f32 v59, v25;
	v55 =	vperm.xlane v9, v41;
	v6 =	vadd.f32 v6, v23;
	v23 =	vld [tilespmem:s0+$0x104A0]  }
0x10e: {  	v20 =	vadd.f32 v21, v20;
	v21 =	vand.u32 $0x7FFFFFFF, v31;
	v31 =	vld [tilespmem:s0+$0x10480];
	v11 =	vperm.xlane v7, v43  }
0x10f: {  	v22 =	vsub.f32 v25, v22;
	v25 =	vld [tilespmem:s0+$0x10490];
	v26 =	vsub.f32 v8, v26;
	v8 =	vperm.xlane v38, v40  }
0x110: {  	v9 =	vadd.f32 v9, v55;
	v55 =	vld [tilespmem:s0+$0x104C0];
	v7 =	vadd.f32 v7, v11;
	v11 =	vperm.xlane v1, v40  }
0x111: {  	v16 =	vadd.f32 v39, v16;
	v8 =	vadd.f32 v38, v8;
	v38 =	vld [tilespmem:s0+$0x104D0]  }
0x112: {  	v4 =	vsub.f32 v20, v4;
	v56 =	vperm.xlane v9, v43;
	v5 =	vadd.f32 v1, v11;
	v1 =	vld [tilespmem:s0+$0x4D0]  }
0x113: {  	v33 =	vadd.f32 v34, v33;
	v3 =	vsub.f32 v16, v3;
	v11 =	vld [tilespmem:$0x1FDA0]  }
0x114: {  	v22 =	vand.u32 $0x7FFFFFFF, v22;
	v4 =	vand.u32 $0x7FFFFFFF, v4;
	v9 =	vadd.f32 v9, v56;
	v56 =	vld [tilespmem:$0x1FDC0]  }
0x115: {  	v14 =	vadd.f32 v14, v30;
	v4 =	vadd.f32 v4, v22;
	v22 =	vld [tilespmem:s0+$0x410]  }
0x116: {  	v26 =	vand.u32 $0x7FFFFFFF, v26;
	v23 =	vadd.f32 v23, v52;
	v25 =	vadd.f32 v25, v28;
	v28 =	vld [tilespmem:s0+$0x8490]  }
0x117: {  	v62 =	vperm.xlane v7, v40;
	v26 =	vadd.f32 v26, v6;
	v14 =	vsub.f32 v14, v18;
	v18 =	vld [tilespmem:s0+$0x10440]  }
0x118: {  	v30 =	vadd.f32 v55, v50;
	v16 =	vsub.f32 v23, v17;
	v23 =	vld [tilespmem:s0+$0x10450];
	v63 =	vperm.xlane v9, v40  }
0x119: {  	v6 =	vadd.f32 v7, v62;
	v7 =	vadd.f32 v51, v49;
	v62 =	vld [tilespmem:$0x1FDB0]  }
0x11a: {  	v51 =	vld [tilespmem:s0+$0x420];
	v9 =	vadd.f32 v9, v63;
	v63 =	vadd.f32 v60, v57  }
0x11b: {  	v29 =	vsub.f32 v33, v29;
	v0 =	vsub.f32 v30, v0;
	v30 =	vld [tilespmem:s0+$0x450]  }
0x11c: {  	v60 =	vld [tilespmem:s0+$0x10420];
	v2 =	vsub.f32 v2, v11;
	v11 =	vperm.xlane v26, v41;
	v37 =	vsub.f32 v63, v37  }
0x11d: {  	v31 =	vadd.f32 v31, v53;
	v44 =	vsub.f32 v44, v56;
	v56 =	vld [tilespmem:s0+$0x10410]  }
0x11e: {  	v1 =	vadd.f32 v38, v1;
	v63 =	vld [tilespmem:s0+$0x10460];
	v11 =	vadd.f32 v26, v11;
	v42 =	vand.u32 $0x7FFFFFFF, v37  }
0x11f: {  	v7 =	vsub.f32 v7, v62;
	v26 =	vld [tilespmem:s0+$0x8410];
	v21 =	vadd.f32 v21, v42  }
0x120: {  	v62 =	vld [tilespmem:s0+$0x460];
	v20 =	vand.u32 $0x7FFFFFFF, v44;
	v1 =	vsub.f32 v1, v58;
	v57 =	vperm.xlane v11, v43  }
0x121: {  	v17 =	vadd.f32 v60, v51;
	v20 =	vadd.f32 v20, v21;
	v21 =	vld [tilespmem:s0+$0x10400]  }
0x122: {  	v0 =	vand.u32 $0x7FFFFFFF, v0;
	v1 =	vand.u32 $0x7FFFFFFF, v1;
	v11 =	vadd.f32 v11, v57;
	v57 =	vld [tilespmem:s0+$0x440]  }
0x123: {  	v19 =	vand.u32 $0x7FFFFFFF, v19;
	v0 =	vadd.f32 v1, v0;
	v1 =	vsub.f32 v17, v15;
	v15 =	vld [tilespmem:s0+$0x8450]  }
0x124: {  	v59 =	vld [tilespmem:s0+$0x8440];
	v31 =	vsub.f32 v31, v48;
	v4 =	vadd.f32 v19, v4  }
0x125: {  	v45 =	vld [tilespmem:s0+$0x8460];
	v25 =	vsub.f32 v25, v28;
	v23 =	vadd.f32 v23, v30  }
0x126: {  	v3 =	vand.u32 $0x7FFFFFFF, v3;
	v22 =	vadd.f32 v56, v22;
	v35 =	vadd.f32 v63, v62  }
0x127: {  	v14 =	vand.u32 $0x7FFFFFFF, v14;
	v21 =	vadd.f32 v21, v54;
	v18 =	vadd.f32 v18, v57  }
0x128: {  	v16 =	vand.u32 $0x7FFFFFFF, v16;
	v22 =	vsub.f32 v22, v26;
	v15 =	vsub.f32 v23, v15  }
0x129: {  	v2 =	vand.u32 $0x7FFFFFFF, v2;
	v21 =	vsub.f32 v21, v46;
	v18 =	vsub.f32 v18, v59  }
0x12a: {  	v17 =	vsub.f32 v35, v45;
	v22 =	vand.u32 $0x7FFFFFFF, v22;
	v23 =	vand.u32 $0x7FFFFFFF, v31  }
0x12b: {  	v15 =	vand.u32 $0x7FFFFFFF, v15;
	v21 =	vand.u32 $0x7FFFFFFF, v21;
	v18 =	vand.u32 $0x7FFFFFFF, v18  }
0x12c: {  	v21 =	vadd.f32 v22, v21;
	v15 =	vadd.f32 v15, v18;
	v18 =	vand.u32 $0x7FFFFFFF, v25  }
0x12d: {  	v1 =	vand.u32 $0x7FFFFFFF, v1;
	v17 =	vand.u32 $0x7FFFFFFF, v17;
	v18 =	vadd.f32 v18, v23  }
0x12e: {  	v26 =	vand.u32 $0x7FFFFFFF, v29;
	v1 =	vadd.f32 v1, v21;
	v15 =	vadd.f32 v17, v15  }
0x12f: {  	v7 =	vand.u32 $0x7FFFFFFF, v7;
	v0 =	vadd.f32 v26, v0;
	v16 =	vadd.f32 v16, v18  }
0x130: {  	v1 =	vadd.f32 v14, v1;
	v3 =	vadd.f32 v3, v15;
	v14 =	vand.u32 $0x7FFFFFFF, v24  }
0x131: {  	v4 =	vadd.f32 v7, v4;
	v15 =	vand.u32 $0x7FFFFFFF, v32;
	v14 =	vadd.f32 v14, v16  }
0x132: {  	v0 =	vadd.f32 v15, v0;
	v16 =	vperm.xlane v1, v41;
	v17 =	vperm.xlane v3, v41  }
0x133: {  	v60 =	vperm.xlane v11, v40;
	v2 =	vadd.f32 v2, v20;
	v15 =	vperm.xlane v14, v41  }
0x134: {  	v7 =	vperm.xlane v0, v41;
	v1 =	vadd.f32 v1, v16;
	v3 =	vadd.f32 v3, v17  }
0x135: {  	v16 =	vperm.xlane v2, v41;
	v14 =	vadd.f32 v14, v15;
	v15 =	vperm.xlane v4, v41  }
0x136: {  	v0 =	vadd.f32 v0, v7;
	v17 =	vperm.xlane v1, v43;
	v18 =	vperm.xlane v3, v43  }
0x137: {  	v2 =	vadd.f32 v2, v16;
	v7 =	vperm.xlane v14, v43;
	v4 =	vadd.f32 v4, v15  }
0x138: {  	v15 =	vperm.xlane v0, v43;
	v1 =	vadd.f32 v1, v17;
	v3 =	vadd.f32 v3, v18  }
0x139: {  	v19 =	vld [tilespmem:$0x1FFF0];
	v16 =	vperm.xlane v2, v43;
	v7 =	vadd.f32 v14, v7;
	v14 =	vperm.xlane v4, v43  }
0x13a: {  	v0 =	vadd.f32 v0, v15;
	v17 =	vperm.xlane v1, v40;
	v18 =	vperm.xlane v3, v40  }
0x13b: {  	v2 =	vadd.f32 v2, v16;
	v15 =	vperm.xlane v7, v40;
	v4 =	vadd.f32 v4, v14  }
0x13c: {  	v14 =	vperm.xlane v0, v40;
	v1 =	vadd.f32 v1, v17;
	v3 =	vadd.f32 v3, v18  }
0x13d: {  	v16 =	vperm.xlane v2, v40;
	v7 =	vadd.f32 v7, v15;
	v15 =	vperm.xlane v4, v40  }
0x13e: {  	v0 =	vadd.f32 v0, v14;
	v17 =	vperm.xlane v1, v19;
	v18 =	vperm.xlane v3, v19  }
0x13f: {  	v2 =	vadd.f32 v2, v16;
	v14 =	vperm.xlane v7, v19;
	v4 =	vadd.f32 v4, v15  }
0x140: {  	v15 =	vperm.xlane v0, v19;
	v1 =	vadd.f32 v1, v17;
	v3 =	vadd.f32 v3, v18  }
0x141: {  	v11 =	vadd.f32 v11, v60;
	v7 =	vadd.f32 v7, v14;
	v14 =	vperm.xlane v4, v19  }
0x142: {  	v0 =	vadd.f32 v0, v15;
	v1 =	vsel vm0, v1, v3;
	v3 =	vperm.xlane v2, v19  }
0x143: {  	v1 =	vsel vm1, v1, v7;
	v4 =	vadd.f32 v4, v14;
	v7 =	vperm.xlane v11, v19  }
0x144: {  	v0 =	vsel vm2, v1, v0;
	v1 =	vadd.f32 v2, v3;
	v2 =	vperm.xlane v9, v19  }
0x145: {  	v0 =	vsel vm3, v0, v4;
	v3 =	vadd.f32 v11, v7;
	v4 =	vperm.xlane v6, v19  }
0x146: {  	v0 =	vsel vm4, v0, v1;
	v1 =	vadd.f32 v9, v2;
	v2 =	vperm.xlane v5, v19  }
0x147: {  	v0 =	vsel vm5, v0, v3;
	v3 =	vadd.f32 v6, v4  }
0x148: {  	v4 =	vperm.xlane v8, v19;
	v0 =	vsel vm6, v0, v1;
	v1 =	vadd.f32 v5, v2;
	v5 =	vld [tilespmem:$0x1FDD0]  }
0x149: {  	v2 =	vperm.xlane v10, v19  }
0x14a: {  	v0 =	vsel vm7, v0, v3;
	v3 =	vadd.f32 v8, v4;
	v4 =	vperm.xlane v13, v19  }
0x14b: {  	v0 =	vsel vm8, v0, v1;
	v1 =	vadd.f32 v10, v2;
	v2 =	vperm.xlane v27, v19  }
0x14c: {  	v0 =	vsel vm9, v0, v3;
	v3 =	vadd.f32 v13, v4;
	v4 =	vperm.xlane v12, v19  }
0x14d: {  	v0 =	vsel vm10, v0, v1;
	v1 =	vadd.f32 v27, v2;
	v2 =	vperm.xlane v5, v19  }
0x14e: {  	v0 =	vsel vm11, v0, v3;
	v3 =	vadd.f32 v12, v4  }
0x14f: {  	v0 =	vsel vm12, v0, v1;
	v1 =	vadd.f32 v5, v2  }
0x150: {  	v0 =	vsel vm13, v0, v3  }
0x151: {  	v0 =	vsel vm14, v0, v1  }
0x152: {  	v0 =	vsub.f32 $1.200000000e+01, v0;
	_ =	sdelay $0x1  }
0x153: {  	s30 =	simm.s32 $0x400;
	[tilespmem:s28+$0x0] =	vst v0  }
0x154: {  	v54 =	vld [tilespmem:s30+$0x87F0]  }
0x155: {  	v36 =	vld [tilespmem:s30+$0x87B0]  }
0x156: {  	v55 =	vld [tilespmem:s30+$0x87E0]  }
0x157: {  	v10 =	vld [tilespmem:s30+$0x7F0]  }
0x158: {  	v11 =	vld [tilespmem:s30+$0x107F0]  }
0x159: {  	v0 =	vld [tilespmem:s30+$0x8770]  }
0x15a: {  	v30 =	vld [tilespmem:s30+$0x87A0]  }
0x15b: {  	v58 =	vld [tilespmem:s30+$0x7B0]  }
0x15c: {  	v13 =	vld [tilespmem:s30+$0x107B0]  }
0x15d: {  	v22 =	vld [tilespmem:s30+$0x87C0]  }
0x15e: {  	v25 =	vld [tilespmem:s30+$0x87D0]  }
0x15f: {  	v15 =	vld [tilespmem:s30+$0x7E0]  }
0x160: {  	v28 =	vld [tilespmem:s30+$0x107E0]  }
0x161: {  	v53 =	vld [tilespmem:s30+$0x8730]  }
0x162: {  	v42 =	vld [tilespmem:s30+$0x8760]  }
0x163: {  	v39 =	vld [tilespmem:s30+$0x770]  }
0x164: {  	v19 =	vld [tilespmem:s30+$0x10770]  }
0x165: {  	v44 =	vld [tilespmem:s30+$0x8780]  }
0x166: {  	v52 =	vld [tilespmem:s30+$0x8790]  }
0x167: {  	v63 =	vld [tilespmem:s30+$0x7A0]  }
0x168: {  	v7 =	vld [tilespmem:s30+$0x107A0]  }
0x169: {  	v31 =	vld [tilespmem:s30+$0x7C0]  }
0x16a: {  	v33 =	vld [tilespmem:s30+$0x107C0]  }
0x16b: {  	v35 =	vld [tilespmem:s30+$0x7D0]  }
0x16c: {  	v37 =	vld [tilespmem:s30+$0x107D0]  }
0x16d: {  	v32 =	vld [tilespmem:s30+$0x730]  }
0x16e: {  	v29 =	vld [tilespmem:s30+$0x10730]  }
0x16f: {  	v20 =	vld [tilespmem:s30+$0x8740]  }
0x170: {  	v21 =	vld [tilespmem:s30+$0x8750]  }
0x171: {  	v18 =	vld [tilespmem:s30+$0x760]  }
0x172: {  	v17 =	vld [tilespmem:s30+$0x10760]  }
0x173: {  	v12 =	vld [tilespmem:s30+$0x780]  }
0x174: {  	v2 =	vld [tilespmem:s30+$0x10780]  }
0x175: {  	v4 =	vld [tilespmem:s30+$0x10790]  }
0x176: {  	v1 =	vld [tilespmem:s30+$0x86B0]  }
0x177: {  	v49 =	vld [tilespmem:s30+$0x6F0]  }
0x178: {  	v47 =	vld [tilespmem:s30+$0x106F0]  }
0x179: {  	v46 =	vld [tilespmem:s30+$0x8700]  }
0x17a: {  	v48 =	vld [tilespmem:s30+$0x8710]  }
0x17b: {  	v38 =	vld [tilespmem:s30+$0x720]  }
0x17c: {  	v34 =	vld [tilespmem:s30+$0x10720]  }
0x17d: {  	v6 =	vld [tilespmem:s30+$0x740]  }
0x17e: {  	v5 =	vld [tilespmem:s30+$0x10740]  }
0x17f: {  	v3 =	vld [tilespmem:s30+$0x750]  }
0x180: {  	v8 =	vld [tilespmem:s30+$0x8670]  }
0x181: {  	v51 =	vld [tilespmem:s30+$0x86C0]  }
0x182: {  	v50 =	vld [tilespmem:s30+$0x86D0]  }
0x183: {  	v60 =	vld [tilespmem:s30+$0x6E0]  }
0x184: {  	v45 =	vld [tilespmem:s30+$0x106E0]  }
0x185: {  	v16 =	vld [tilespmem:s30+$0x700]  }
0x186: {  	v14 =	vld [tilespmem:s30+$0x10700]  }
0x187: {  	v9 =	vld [tilespmem:s30+$0x710]  }
0x188: {  	v23 =	vld [tilespmem:s30+$0x8630]  }
0x189: {  	v27 =	vld [tilespmem:s30+$0x6C0]  }
0x18a: {  	v24 =	vld [tilespmem:s30+$0x106C0]  }
0x18b: {  	v26 =	vld [tilespmem:s30+$0x6D0]  }
0x18c: {  	v61 =	vld [tilespmem:s30+$0x85F0]  }
0x18d: {  	v62 =	vld [tilespmem:s30+$0x8620]  }
0x18e: {  	v59 =	vld [tilespmem:s30+$0x680]  }
0x18f: {  	v57 =	vld [tilespmem:s30+$0x690]  }
0x190: {  	[tilespmem:$0x1FDE0] =	vst v0;
	v0 =	vld [tilespmem:s30+$0x86F0]  }
0x191: {  	[tilespmem:$0x1FEC0] =	vst v1;
	v1 =	vld [tilespmem:s30+$0x86E0]  }
0x192: {  	[tilespmem:$0x1FED0] =	vst v8;
	v8 =	vld [tilespmem:s30+$0x86A0]  }
0x193: {  	[tilespmem:$0x1FF50] =	vst v23;
	v23 =	vld [tilespmem:s30+$0x8660]  }
0x194: {  	[tilespmem:$0x1FF70] =	vst v61;
	v61 =	vld [tilespmem:s30+$0x630]  }
0x195: {  	[tilespmem:$0x1FF60] =	vst v62;
	v62 =	vld [tilespmem:s30+$0x10630]  }
0x196: {  	v56 =	vadd.f32 v37, v35;
	v37 =	vld [tilespmem:s30+$0x85B0]  }
0x197: {  	v28 =	vadd.f32 v28, v15;
	v15 =	vld [tilespmem:s30+$0x85E0]  }
0x198: {  	v31 =	vadd.f32 v33, v31;
	v33 =	vld [tilespmem:s30+$0x105F0]  }
0x199: {  	v35 =	vld [tilespmem:s30+$0x620]  }
0x19a: {  	v13 =	vadd.f32 v13, v58;
	v58 =	vld [tilespmem:s30+$0x10650]  }
0x19b: {  	v10 =	vadd.f32 v11, v10;
	v2 =	vadd.f32 v2, v12;
	v12 =	vld [tilespmem:s30+$0x5B0]  }
0x19c: {  	v22 =	vsub.f32 v31, v22;
	v31 =	vld [tilespmem:s30+$0x5F0]  }
0x19d: {  	v10 =	vsub.f32 v10, v54;
	v54 =	vld [tilespmem:s30+$0x640]  }
0x19e: {  	v11 =	vsub.f32 v28, v55;
	v55 =	vld [tilespmem:s30+$0x10640]  }
0x19f: {  	v25 =	vsub.f32 v56, v25;
	v56 =	vld [tilespmem:s30+$0x650]  }
0x1a0: {  	v36 =	vsub.f32 v13, v36;
	v13 =	vld [tilespmem:s30+$0x105B0]  }
0x1a1: {  	v2 =	vsub.f32 v2, v44;
	v44 =	vld [tilespmem:s30+$0x85D0]  }
0x1a2: {  	v28 =	vand.u32 $0x7FFFFFFF, v25;
	v25 =	vld [tilespmem:s30+$0x8600]  }
0x1a3: {  	[tilespmem:$0x1FE20] =	vst v0;
	v0 =	vld [tilespmem:s30+$0x8720]  }
0x1a4: {  	[tilespmem:$0x1FE10] =	vst v1;
	v1 =	vld [tilespmem:s30+$0x10750]  }
0x1a5: {  	[tilespmem:$0x1FEB0] =	vst v8;
	v8 =	vld [tilespmem:s30+$0x6B0]  }
0x1a6: {  	[tilespmem:$0x1FF40] =	vst v23;
	v23 =	vld [tilespmem:s30+$0x670]  }
0x1a7: {  	[tilespmem:$0x1FF20] =	vst v61;
	v61 =	vld [tilespmem:s30+$0x8640]  }
0x1a8: {  	v22 =	vand.u32 $0x7FFFFFFF, v22;
	[tilespmem:$0x1FF30] =	vst v62;
	v62 =	vld [tilespmem:s30+$0x8650]  }
0x1a9: {  	v22 =	vadd.f32 v28, v22;
	v28 =	vld [tilespmem:s30+$0x8610]  }
0x1aa: {  	v11 =	vand.u32 $0x7FFFFFFF, v11;
	[tilespmem:$0x1FF80] =	vst v37;
	v37 =	vld [tilespmem:s30+$0x10620]  }
0x1ab: {  	v11 =	vadd.f32 v11, v22;
	v22 =	vadd.f32 v19, v39;
	v39 =	vld [tilespmem:s30+$0x105E0]  }
0x1ac: {  	[tilespmem:$0x1FE00] =	vst v0;
	v0 =	vld [tilespmem:s30+$0x790]  }
0x1ad: {  	v19 =	vadd.f32 v45, v60;
	v45 =	vld [tilespmem:s30+$0x105D0]  }
0x1ae: {  	[tilespmem:$0x1FE30] =	vst v8;
	v8 =	vld [tilespmem:s30+$0x106B0]  }
0x1af: {  	[tilespmem:$0x1FE90] =	vst v23;
	v23 =	vld [tilespmem:s30+$0x10670]  }
0x1b0: {  	[tilespmem:$0x1FF00] =	vst v61;
	v61 =	vld [tilespmem:s30+$0x660]  }
0x1b1: {  	v0 =	vadd.f32 v4, v0;
	v4 =	vld [tilespmem:s30+$0x8570]  }
0x1b2: {  	[tilespmem:$0x1FF10] =	vst v62;
	v62 =	vld [tilespmem:s30+$0x10660]  }
0x1b3: {  	v10 =	vand.u32 $0x7FFFFFFF, v10;
	v1 =	vadd.f32 v1, v3;
	v37 =	vadd.f32 v37, v35;
	v35 =	vld [tilespmem:s30+$0x550]  }
0x1b4: {  	v10 =	vadd.f32 v10, v11;
	[tilespmem:$0x1FEA0] =	vst v23;
	v23 =	vld [tilespmem:s30+$0x8680]  }
0x1b5: {  	v1 =	vsub.f32 v1, v21;
	v21 =	vld [tilespmem:$0x1FE20];
	[tilespmem:$0x1FE40] =	vst v8  }
0x1b6: {  	v11 =	vperm.xlane v10, v41;
	v8 =	vld [tilespmem:s30+$0x10710];
	v0 =	vsub.f32 v0, v52;
	[tilespmem:$0x1FF90] =	vst v4;
	v4 =	vadd.f32 v7, v63  }
0x1b7: {  	v2 =	vand.u32 $0x7FFFFFFF, v2;
	[tilespmem:$0x1FEF0] =	vst v62;
	v62 =	vld [tilespmem:s30+$0x10680]  }
0x1b8: {  	[tilespmem:$0x1FEE0] =	vst v61;
	v61 =	vld [tilespmem:s30+$0x10690];
	v0 =	vand.u32 $0x7FFFFFFF, v0;
	v7 =	vadd.f32 v10, v11;
	v4 =	vsub.f32 v4, v30  }
0x1b9: {  	[tilespmem:$0x1FE70] =	vst v23;
	v23 =	vld [tilespmem:s30+$0x8690];
	v0 =	vadd.f32 v0, v2;
	v2 =	vadd.f32 v5, v6  }
0x1ba: {  	v11 =	vld [tilespmem:s30+$0x85A0];
	v3 =	vand.u32 $0x7FFFFFFF, v4  }
0x1bb: {  	v10 =	vld [tilespmem:s30+$0x85C0];
	v52 =	vperm.xlane v7, v43;
	v0 =	vadd.f32 v3, v0;
	v3 =	vsub.f32 v2, v20  }
0x1bc: {  	v1 =	vand.u32 $0x7FFFFFFF, v1;
	v63 =	vld [tilespmem:s30+$0x600]  }
0x1bd: {  	v6 =	vand.u32 $0x7FFFFFFF, v36;
	v36 =	vld [tilespmem:s30+$0x8550];
	v30 =	vadd.f32 v7, v52;
	v7 =	vand.u32 $0x7FFFFFFF, v3  }
0x1be: {  	v8 =	vadd.f32 v8, v9;
	v1 =	vadd.f32 v1, v7;
	v7 =	vld [tilespmem:$0x1FDE0]  }
0x1bf: {  	v5 =	vadd.f32 v29, v32;
	v29 =	vld [tilespmem:$0x1FED0];
	v4 =	vadd.f32 v17, v18  }
0x1c0: {  	v8 =	vsub.f32 v8, v48;
	v48 =	vld [tilespmem:s30+$0x8590]  }
0x1c1: {  	[tilespmem:$0x1FE80] =	vst v23;
	v23 =	vld [tilespmem:s30+$0x6A0];
	v4 =	vsub.f32 v4, v42  }
0x1c2: {  	v5 =	vsub.f32 v5, v53;
	v53 =	vld [tilespmem:s30+$0x5A0]  }
0x1c3: {  	v52 =	vld [tilespmem:s30+$0x5E0];
	v4 =	vand.u32 $0x7FFFFFFF, v4;
	v18 =	vsub.f32 v22, v7  }
0x1c4: {  	v2 =	vld [tilespmem:s30+$0x10600];
	v17 =	vadd.f32 v6, v0;
	v1 =	vadd.f32 v4, v1  }
0x1c5: {  	v4 =	vld [tilespmem:s30+$0x8560];
	v9 =	vand.u32 $0x7FFFFFFF, v18  }
0x1c6: {  	[tilespmem:$0x1FE50] =	vst v23;
	v23 =	vld [tilespmem:s30+$0x106A0];
	v1 =	vadd.f32 v9, v1;
	v9 =	vperm.xlane v17, v41  }
0x1c7: {  	v3 =	vld [tilespmem:s30+$0x610]  }
0x1c8: {  	v0 =	vld [tilespmem:s30+$0x10610];
	v9 =	vadd.f32 v17, v9;
	v17 =	vperm.xlane v1, v41  }
0x1c9: {  	v6 =	vperm.xlane v30, v40;
	v18 =	vld [tilespmem:$0x1FE00]  }
0x1ca: {  	v42 =	vld [tilespmem:s30+$0x104F0];
	[tilespmem:$0x1FFA0] =	vst v4;
	v4 =	vadd.f32 v14, v16;
	v1 =	vadd.f32 v1, v17  }
0x1cb: {  	v6 =	vadd.f32 v30, v6;
	v2 =	vadd.f32 v2, v63;
	[tilespmem:$0x1FE60] =	vst v23;
	v23 =	vld [tilespmem:s30+$0x106D0]  }
0x1cc: {  	v30 =	vld [tilespmem:s30+$0x5D0];
	v14 =	vadd.f32 v34, v38;
	v4 =	vsub.f32 v4, v46;
	v20 =	vperm.xlane v1, v43  }
0x1cd: {  	v8 =	vand.u32 $0x7FFFFFFF, v8;
	[tilespmem:$0x1FDF0] =	vst v6;
	v6 =	vld [tilespmem:s30+$0x570];
	v0 =	vadd.f32 v0, v3;
	v2 =	vsub.f32 v2, v25  }
0x1ce: {  	v4 =	vand.u32 $0x7FFFFFFF, v4;
	v14 =	vsub.f32 v14, v18;
	v1 =	vadd.f32 v1, v20;
	v20 =	vld [tilespmem:$0x1FE10]  }
0x1cf: {  	v3 =	vld [tilespmem:s30+$0x10550];
	v25 =	vadd.f32 v39, v52;
	v8 =	vadd.f32 v8, v4  }
0x1d0: {  	v39 =	vld [tilespmem:s30+$0x104B0];
	v17 =	vadd.f32 v24, v27;
	v18 =	vadd.f32 v23, v26;
	v14 =	vand.u32 $0x7FFFFFFF, v14  }
0x1d1: {  	v7 =	vld [tilespmem:s30+$0x8530];
	v0 =	vsub.f32 v0, v28;
	v8 =	vadd.f32 v14, v8  }
0x1d2: {  	v5 =	vand.u32 $0x7FFFFFFF, v5;
	v22 =	vld [tilespmem:s30+$0x10570];
	v17 =	vsub.f32 v17, v51;
	v18 =	vsub.f32 v18, v50  }
0x1d3: {  	v8 =	vadd.f32 v5, v8;
	v5 =	vperm.xlane v9, v43;
	v19 =	vsub.f32 v19, v20;
	v20 =	vld [tilespmem:s30+$0x84F0]  }
0x1d4: {  	v28 =	vld [tilespmem:s30+$0x84A0];
	v16 =	vadd.f32 v47, v49;
	v17 =	vand.u32 $0x7FFFFFFF, v17;
	v18 =	vand.u32 $0x7FFFFFFF, v18  }
0x1d5: {  	v47 =	vld [tilespmem:s30+$0x530];
	v17 =	vadd.f32 v18, v17;
	v9 =	vadd.f32 v9, v5  }
0x1d6: {  	v49 =	vld [tilespmem:s30+$0x10580];
	v18 =	vand.u32 $0x7FFFFFFF, v19  }
0x1d7: {  	v38 =	vld [tilespmem:s30+$0x4F0];
	v17 =	vadd.f32 v18, v17;
	v18 =	vperm.xlane v9, v40  }
0x1d8: {  	v46 =	vld [tilespmem:s30+$0x8580];
	v19 =	vperm.xlane v8, v41;
	[tilespmem:$0x1FFB0] =	vst v20;
	v20 =	vperm.xlane v1, v40  }
0x1d9: {  	v32 =	vadd.f32 v9, v18;
	v9 =	vld [tilespmem:$0x1FE40]  }
0x1da: {  	v8 =	vadd.f32 v8, v19;
	v60 =	vadd.f32 v1, v20;
	v1 =	vld [tilespmem:$0x1FE30]  }
0x1db: {  	v16 =	vsub.f32 v16, v21;
	v21 =	vld [tilespmem:$0x1FE50]  }
0x1dc: {  	v23 =	vld [tilespmem:$0x1FE60];
	v18 =	vperm.xlane v8, v43  }
0x1dd: {  	v26 =	vld [tilespmem:$0x1FE80]  }
0x1de: {  	v2 =	vand.u32 $0x7FFFFFFF, v2;
	v0 =	vand.u32 $0x7FFFFFFF, v0;
	v8 =	vadd.f32 v8, v18;
	v18 =	vld [tilespmem:$0x1FE70]  }
0x1df: {  	v0 =	vadd.f32 v0, v2;
	v2 =	vld [tilespmem:s30+$0x84C0];
	v9 =	vadd.f32 v9, v1;
	v1 =	vand.u32 $0x7FFFFFFF, v16  }
0x1e0: {  	v6 =	vadd.f32 v22, v6;
	v22 =	vld [tilespmem:s30+$0x8400];
	v16 =	vadd.f32 v1, v17  }
0x1e1: {  	v4 =	vld [tilespmem:s30+$0x105A0];
	v20 =	vadd.f32 v61, v57;
	v17 =	vadd.f32 v62, v59  }
0x1e2: {  	v24 =	vld [tilespmem:s30+$0x5C0];
	v21 =	vadd.f32 v23, v21;
	v23 =	vperm.xlane v16, v41  }
0x1e3: {  	v27 =	vld [tilespmem:$0x1FEA0];
	v20 =	vsub.f32 v20, v26;
	v17 =	vsub.f32 v17, v18  }
0x1e4: {  	v16 =	vadd.f32 v16, v23;
	v23 =	vld [tilespmem:$0x1FEB0]  }
0x1e5: {  	v14 =	vld [tilespmem:s30+$0x105C0];
	v20 =	vand.u32 $0x7FFFFFFF, v20;
	v17 =	vand.u32 $0x7FFFFFFF, v17  }
0x1e6: {  	v17 =	vadd.f32 v20, v17;
	v20 =	vld [tilespmem:$0x1FEC0]  }
0x1e7: {  	v51 =	vld [tilespmem:s30+$0x10530]  }
0x1e8: {  	v50 =	vld [tilespmem:s30+$0x590]  }
0x1e9: {  	v4 =	vadd.f32 v4, v53;
	v53 =	vld [tilespmem:s30+$0x10470];
	v21 =	vsub.f32 v21, v23;
	v23 =	vperm.xlane v8, v40  }
0x1ea: {  	v14 =	vadd.f32 v14, v24;
	v26 =	vld [tilespmem:$0x1FE90]  }
0x1eb: {  	v5 =	vld [tilespmem:s30+$0x8520];
	v9 =	vsub.f32 v9, v20;
	v34 =	vadd.f32 v8, v23;
	v8 =	vand.u32 $0x7FFFFFFF, v21  }
0x1ec: {  	v24 =	vadd.f32 v45, v30;
	v30 =	vld [tilespmem:s30+$0x4B0];
	v8 =	vadd.f32 v8, v17  }
0x1ed: {  	v45 =	vld [tilespmem:s30+$0x500];
	v9 =	vand.u32 $0x7FFFFFFF, v9  }
0x1ee: {  	v8 =	vadd.f32 v9, v8;
	v9 =	vld [tilespmem:$0x1FF00]  }
0x1ef: {  	v24 =	vsub.f32 v24, v44;
	v44 =	vld [tilespmem:s30+$0x104E0];
	v26 =	vadd.f32 v27, v26  }
0x1f0: {  	v14 =	vsub.f32 v14, v10;
	v10 =	vld [tilespmem:$0x1FF70]  }
0x1f1: {  	v26 =	vsub.f32 v26, v29;
	v29 =	vld [tilespmem:$0x1FEF0];
	v17 =	vadd.f32 v55, v54  }
0x1f2: {  	v23 =	vld [tilespmem:$0x1FEE0]  }
0x1f3: {  	v9 =	vsub.f32 v17, v9;
	v17 =	vld [tilespmem:$0x1FF10]  }
0x1f4: {  	v19 =	vld [tilespmem:s30+$0x8540];
	v27 =	vperm.xlane v16, v43  }
0x1f5: {  	v59 =	vld [tilespmem:$0x1FF40]  }
0x1f6: {  	v57 =	vld [tilespmem:s30+$0x10590];
	v16 =	vadd.f32 v16, v27;
	v27 =	vadd.f32 v58, v56  }
0x1f7: {  	v18 =	vld [tilespmem:s30+$0x580]  }
0x1f8: {  	v61 =	vld [tilespmem:$0x1FF20];
	v29 =	vadd.f32 v29, v23;
	v17 =	vsub.f32 v27, v17  }
0x1f9: {  	v1 =	vld [tilespmem:s30+$0x560]  }
0x1fa: {  	v58 =	vld [tilespmem:$0x1FF30];
	v29 =	vsub.f32 v29, v59;
	v9 =	vand.u32 $0x7FFFFFFF, v9;
	v17 =	vand.u32 $0x7FFFFFFF, v17  }
0x1fb: {  	v62 =	vld [tilespmem:s30+$0x10560];
	v9 =	vadd.f32 v17, v9  }
0x1fc: {  	v18 =	vadd.f32 v49, v18;
	v49 =	vld [tilespmem:s30+$0x10510];
	v29 =	vand.u32 $0x7FFFFFFF, v29  }
0x1fd: {  	v9 =	vadd.f32 v29, v9;
	v29 =	vld [tilespmem:$0x1FF60]  }
0x1fe: {  	v56 =	vld [tilespmem:s30+$0x10520]  }
0x1ff: {  	v54 =	vadd.f32 v58, v61;
	v61 =	vld [tilespmem:$0x1FF50]  }
0x200: {  	v20 =	vld [tilespmem:s30+$0x84B0]  }
0x201: {  	v14 =	vand.u32 $0x7FFFFFFF, v14;
	v21 =	vld [tilespmem:s30+$0x84E0]  }
0x202: {  	v24 =	vand.u32 $0x7FFFFFFF, v24;
	v55 =	vld [tilespmem:s30+$0x520];
	v17 =	vadd.f32 v33, v31;
	v33 =	vsub.f32 v37, v29  }
0x203: {  	v15 =	vsub.f32 v25, v15;
	v14 =	vadd.f32 v24, v14;
	v26 =	vand.u32 $0x7FFFFFFF, v26;
	v23 =	vld [tilespmem:s30+$0x8500]  }
0x204: {  	v58 =	vperm.xlane v8, v41;
	v54 =	vsub.f32 v54, v61;
	v59 =	vld [tilespmem:s30+$0x540];
	v25 =	vand.u32 $0x7FFFFFFF, v33  }
0x205: {  	v15 =	vand.u32 $0x7FFFFFFF, v15;
	v61 =	vld [tilespmem:s30+$0x84D0];
	v9 =	vadd.f32 v26, v9;
	v0 =	vadd.f32 v25, v0  }
0x206: {  	v8 =	vadd.f32 v8, v58;
	v24 =	vand.u32 $0x7FFFFFFF, v54;
	v54 =	vld [tilespmem:s30+$0x4A0];
	v17 =	vsub.f32 v17, v10  }
0x207: {  	v14 =	vadd.f32 v15, v14;
	v27 =	vld [tilespmem:s30+$0x8510];
	v52 =	vperm.xlane v9, v41;
	v0 =	vadd.f32 v24, v0  }
0x208: {  	v31 =	vld [tilespmem:s30+$0x10540];
	v10 =	vadd.f32 v13, v12;
	v17 =	vand.u32 $0x7FFFFFFF, v17;
	v25 =	vperm.xlane v8, v43  }
0x209: {  	v12 =	vld [tilespmem:$0x1FF90];
	v14 =	vadd.f32 v17, v14;
	v9 =	vadd.f32 v9, v52;
	v17 =	vperm.xlane v0, v41  }
0x20a: {  	v26 =	vld [tilespmem:s30+$0x8430];
	v24 =	vadd.f32 v8, v25  }
0x20b: {  	v29 =	vld [tilespmem:s30+$0x8470];
	v25 =	vadd.f32 v57, v50;
	v57 =	vperm.xlane v9, v43;
	v0 =	vadd.f32 v0, v17  }
0x20c: {  	v37 =	vld [tilespmem:s30+$0x10500]  }
0x20d: {  	v52 =	vld [tilespmem:s30+$0x430];
	v63 =	vadd.f32 v9, v57;
	v9 =	vperm.xlane v0, v43  }
0x20e: {  	v58 =	vperm.xlane v14, v41;
	v33 =	vld [tilespmem:s30+$0x4E0];
	v25 =	vsub.f32 v25, v48  }
0x20f: {  	v15 =	vperm.xlane v16, v40;
	v17 =	vsub.f32 v18, v46;
	v0 =	vadd.f32 v0, v9;
	v9 =	vld [tilespmem:$0x1FF80]  }
0x210: {  	v4 =	vsub.f32 v4, v11;
	v14 =	vadd.f32 v14, v58;
	v58 =	vld [tilespmem:s30+$0x4C0]  }
0x211: {  	v8 =	vadd.f32 v16, v15;
	v16 =	vld [tilespmem:s30+$0x510];
	v11 =	vand.u32 $0x7FFFFFFF, v17;
	v17 =	vand.u32 $0x7FFFFFFF, v25  }
0x212: {  	v15 =	vld [tilespmem:s30+$0x8420];
	v11 =	vadd.f32 v17, v11  }
0x213: {  	v4 =	vand.u32 $0x7FFFFFFF, v4;
	v50 =	vld [tilespmem:s30+$0x10430]  }
0x214: {  	v57 =	vld [tilespmem:s30+$0x104A0];
	v4 =	vadd.f32 v4, v11;
	v11 =	vperm.xlane v0, v40;
	v10 =	vsub.f32 v10, v9  }
0x215: {  	v55 =	vadd.f32 v56, v55;
	v13 =	vperm.xlane v24, v40;
	v48 =	vld [tilespmem:s30+$0x104C0];
	v56 =	vadd.f32 v44, v33  }
0x216: {  	v33 =	vld [tilespmem:s30+$0x10490];
	v25 =	vperm.xlane v14, v43;
	v11 =	vadd.f32 v0, v11;
	v10 =	vand.u32 $0x7FFFFFFF, v10  }
0x217: {  	v18 =	vld [tilespmem:s30+$0x8460];
	v0 =	vadd.f32 v51, v47;
	v4 =	vadd.f32 v10, v4  }
0x218: {  	v46 =	vld [tilespmem:s30+$0x470];
	v9 =	vadd.f32 v24, v13;
	v13 =	vadd.f32 v14, v25  }
0x219: {  	v17 =	vld [tilespmem:s30+$0x8480];
	v14 =	vperm.xlane v63, v40;
	v25 =	vsub.f32 v6, v12;
	v6 =	vperm.xlane v4, v41  }
0x21a: {  	v24 =	vsub.f32 v0, v7;
	v7 =	vld [tilespmem:s30+$0x104D0]  }
0x21b: {  	v10 =	vadd.f32 v63, v14;
	v14 =	vperm.xlane v13, v40;
	v0 =	vadd.f32 v4, v6;
	v6 =	vld [tilespmem:$0x1FFA0]  }
0x21c: {  	v63 =	vld [tilespmem:s30+$0x4D0]  }
0x21d: {  	v1 =	vadd.f32 v62, v1;
	v40 =	vld [tilespmem:s30+$0x10410];
	v12 =	vadd.f32 v13, v14;
	v13 =	vperm.xlane v0, v43  }
0x21e: {  	v21 =	vsub.f32 v56, v21;
	v14 =	vadd.f32 v42, v38;
	v38 =	vld [tilespmem:s30+$0x410]  }
0x21f: {  	v4 =	vadd.f32 v31, v59;
	v13 =	vadd.f32 v0, v13;
	v0 =	vld [tilespmem:$0x1FFB0]  }
0x220: {  	v41 =	vld [tilespmem:s30+$0x440];
	v51 =	vsub.f32 v1, v6;
	v1 =	vadd.f32 v3, v35  }
0x221: {  	v62 =	vadd.f32 v57, v54;
	v31 =	vld [tilespmem:s30+$0x460];
	v4 =	vsub.f32 v4, v19  }
0x222: {  	v59 =	vadd.f32 v7, v63;
	v6 =	vld [tilespmem:s30+$0x8410];
	v19 =	vsub.f32 v1, v36  }
0x223: {  	v4 =	vand.u32 $0x7FFFFFFF, v4;
	v35 =	vld [tilespmem:s30+$0x420];
	v1 =	vsub.f32 v55, v5;
	v5 =	vadd.f32 v49, v16  }
0x224: {  	v3 =	vld [tilespmem:s30+$0x10420];
	v14 =	vsub.f32 v14, v0;
	v0 =	vadd.f32 v37, v45;
	v16 =	vand.u32 $0x7FFFFFFF, v19  }
0x225: {  	v36 =	vld [tilespmem:s30+$0x10460];
	v19 =	vadd.f32 v39, v30;
	v4 =	vadd.f32 v16, v4  }
0x226: {  	v37 =	vld [tilespmem:s30+$0x480];
	v30 =	vsub.f32 v5, v27;
	v5 =	vand.u32 $0x7FFFFFFF, v51;
	v0 =	vsub.f32 v0, v23  }
0x227: {  	v39 =	vld [tilespmem:s30+$0x10480];
	v16 =	vadd.f32 v5, v4;
	v5 =	vsub.f32 v19, v20  }
0x228: {  	v27 =	vld [tilespmem:s30+$0x10400];
	v4 =	vand.u32 $0x7FFFFFFF, v30;
	v19 =	vadd.f32 v48, v58;
	v0 =	vand.u32 $0x7FFFFFFF, v0  }
0x229: {  	v23 =	vld [tilespmem:s30+$0x490];
	v20 =	vadd.f32 v53, v46;
	v0 =	vadd.f32 v4, v0  }
0x22a: {  	v30 =	vld [tilespmem:s30+$0x400];
	v4 =	vadd.f32 v50, v52;
	v63 =	vsub.f32 v19, v2  }
0x22b: {  	v42 =	vsub.f32 v59, v61;
	v19 =	vld [tilespmem:s30+$0x10440];
	v2 =	vsub.f32 v20, v29  }
0x22c: {  	s31 =	simm.s32 $0x18400;
	s0 =	simm.s32 $0x2000;
	v7 =	vsub.f32 v4, v26;
	v4 =	vsub.f32 v62, v28;
	v26 =	vld [tilespmem:s30+$0x450];
	v20 =	vand.u32 $0x7FFFFFFF, v63  }
.LBB2_2:
0x22d: {  	_ = 	snop  }
0x22e: {  	v28 =	vld [tilespmem:s30+$0x10450];
	v3 =	vadd.f32 v3, v35;
	v29 =	vadd.f32 v36, v31  }
0x22f: {  	v46 =	vld [tilespmem:s30+$0x8440];
	v47 =	vadd.f32 v39, v37;
	v23 =	vadd.f32 v33, v23  }
0x230: {  	v27 =	vadd.f32 v27, v30;
	v3 =	vsub.f32 v3, v15;
	v15 =	vld [tilespmem:s30+$0x8450]  }
0x231: {  	v31 =	vand.u32 $0x7FFFFFFF, v42;
	v30 =	vadd.f32 v40, v38;
	v18 =	vsub.f32 v29, v18;
	v29 =	vld [tilespmem:s30+$0x8490]  }
0x232: {  	v19 =	vadd.f32 v19, v41;
	v20 =	vadd.f32 v31, v20  }
0x233: {  	v25 =	vand.u32 $0x7FFFFFFF, v25;
	v26 =	vadd.f32 v28, v26;
	v22 =	vsub.f32 v27, v22  }
0x234: {  	v21 =	vand.u32 $0x7FFFFFFF, v21;
	v17 =	vsub.f32 v47, v17;
	v6 =	vsub.f32 v30, v6  }
0x235: {  	v19 =	vsub.f32 v19, v46;
	v22 =	vand.u32 $0x7FFFFFFF, v22;
	v15 =	vsub.f32 v26, v15  }
0x236: {  	v17 =	vand.u32 $0x7FFFFFFF, v17;
	v6 =	vand.u32 $0x7FFFFFFF, v6;
	v23 =	vsub.f32 v23, v29  }
0x237: {  	v19 =	vand.u32 $0x7FFFFFFF, v19;
	v6 =	vadd.f32 v6, v22;
	v15 =	vand.u32 $0x7FFFFFFF, v15  }
0x238: {  	v3 =	vand.u32 $0x7FFFFFFF, v3;
	v15 =	vadd.f32 v15, v19;
	v19 =	vand.u32 $0x7FFFFFFF, v23  }
0x239: {  	v18 =	vand.u32 $0x7FFFFFFF, v18;
	v3 =	vadd.f32 v3, v6;
	v17 =	vadd.f32 v19, v17  }
0x23a: {  	v24 =	vand.u32 $0x7FFFFFFF, v24;
	v6 =	vadd.f32 v18, v15;
	v15 =	vadd.f32 v21, v20;
	v20 =	vld [tilespmem:$0x1FFC0]  }
0x23b: {  	v1 =	vand.u32 $0x7FFFFFFF, v1;
	v7 =	vand.u32 $0x7FFFFFFF, v7;
	v4 =	vand.u32 $0x7FFFFFFF, v4;
	v31 =	vld [tilespmem:$0x1FFE0]  }
0x23c: {  	v2 =	vand.u32 $0x7FFFFFFF, v2;
	v0 =	vadd.f32 v1, v0;
	v4 =	vadd.f32 v4, v17  }
0x23d: {  	v5 =	vand.u32 $0x7FFFFFFF, v5;
	v3 =	vadd.f32 v7, v3;
	v2 =	vadd.f32 v2, v6  }
0x23e: {  	v0 =	vadd.f32 v24, v0;
	v21 =	vld [tilespmem:$0x1FFD0];
	v4 =	vadd.f32 v5, v4;
	v5 =	vand.u32 $0x7FFFFFFF, v14  }
0x23f: {  	v5 =	vadd.f32 v5, v15;
	v1 =	vperm.xlane v3, v20;
	v6 =	vperm.xlane v2, v20  }
0x240: {  	v48 =	vperm.xlane v13, v31;
	v14 =	vadd.f32 v25, v16;
	v7 =	vperm.xlane v4, v20  }
0x241: {  	v1 =	vadd.f32 v3, v1;
	v2 =	vadd.f32 v2, v6;
	v3 =	vperm.xlane v5, v20  }
0x242: {  	v4 =	vadd.f32 v4, v7;
	v6 =	vperm.xlane v0, v20;
	v7 =	vperm.xlane v14, v20  }
0x243: {  	v15 =	vperm.xlane v1, v21;
	v16 =	vperm.xlane v2, v21;
	v3 =	vadd.f32 v5, v3  }
0x244: {  	v5 =	vperm.xlane v4, v21;
	v0 =	vadd.f32 v0, v6;
	v6 =	vadd.f32 v14, v7  }
0x245: {  	v1 =	vadd.f32 v1, v15;
	v2 =	vadd.f32 v2, v16;
	v7 =	vperm.xlane v3, v21  }
0x246: {  	v17 =	vld [tilespmem:$0x1FFF0];
	v4 =	vadd.f32 v4, v5;
	v5 =	vperm.xlane v0, v21;
	v14 =	vperm.xlane v6, v21  }
0x247: {  	v15 =	vperm.xlane v1, v31;
	v16 =	vperm.xlane v2, v31;
	v3 =	vadd.f32 v3, v7  }
0x248: {  	v7 =	vperm.xlane v4, v31;
	v0 =	vadd.f32 v0, v5;
	v5 =	vadd.f32 v6, v14  }
0x249: {  	v1 =	vadd.f32 v1, v15;
	v2 =	vadd.f32 v2, v16;
	v6 =	vperm.xlane v3, v31  }
0x24a: {  	v4 =	vadd.f32 v4, v7;
	v7 =	vperm.xlane v0, v31;
	v14 =	vperm.xlane v5, v31  }
0x24b: {  	v15 =	vperm.xlane v1, v17;
	v16 =	vperm.xlane v2, v17;
	v3 =	vadd.f32 v3, v6  }
0x24c: {  	v6 =	vperm.xlane v4, v17;
	v0 =	vadd.f32 v0, v7;
	v5 =	vadd.f32 v5, v14  }
0x24d: {  	v1 =	vadd.f32 v1, v15;
	v2 =	vadd.f32 v2, v16;
	v7 =	vperm.xlane v3, v17  }
0x24e: {  	v13 =	vadd.f32 v13, v48;
	v4 =	vadd.f32 v4, v6;
	v6 =	vperm.xlane v0, v17  }
0x24f: {  	v1 =	vsel vm0, v1, v2;
	v2 =	vadd.f32 v3, v7;
	v3 =	vperm.xlane v5, v17  }
0x250: {  	v0 =	vadd.f32 v0, v6;
	v1 =	vsel vm1, v1, v4;
	v4 =	vperm.xlane v13, v17  }
0x251: {  	v1 =	vsel vm2, v1, v2;
	v2 =	vadd.f32 v5, v3;
	v3 =	vperm.xlane v12, v17  }
0x252: {  	v0 =	vsel vm3, v1, v0;
	v1 =	vadd.f32 v13, v4;
	v4 =	vperm.xlane v11, v17  }
0x253: {  	v0 =	vsel vm4, v0, v2;
	v2 =	vadd.f32 v12, v3;
	v3 =	vperm.xlane v10, v17  }
0x254: {  	v5 =	vld [tilespmem:$0x1FDF0];
	v0 =	vsel vm5, v0, v1;
	v1 =	vadd.f32 v11, v4;
	v4 =	vperm.xlane v9, v17  }
0x255: {  	v0 =	vsel vm6, v0, v2;
	v2 =	vadd.f32 v10, v3;
	v3 =	vperm.xlane v8, v17  }
0x256: {  	v0 =	vsel vm7, v0, v1;
	v1 =	vadd.f32 v9, v4;
	v4 =	vperm.xlane v34, v17  }
0x257: {  	v0 =	vsel vm8, v0, v2;
	v2 =	vadd.f32 v8, v3;
	v3 =	vperm.xlane v60, v17  }
0x258: {  	v0 =	vsel vm9, v0, v1;
	v1 =	vadd.f32 v34, v4;
	v4 =	vperm.xlane v32, v17  }
0x259: {  	v0 =	vsel vm10, v0, v2;
	v2 =	vadd.f32 v60, v3;
	v3 =	vperm.xlane v5, v17  }
0x25a: {  	v0 =	vsel vm11, v0, v1;
	v1 =	vadd.f32 v32, v4  }
0x25b: {  	v0 =	vsel vm12, v0, v2;
	v2 =	vadd.f32 v5, v3  }
0x25c: {  	v0 =	vsel vm13, v0, v1  }
0x25d: {  	v0 =	vsel vm14, v0, v2  }
0x25e: {  	v0 =	vsub.f32 $1.200000000e+01, v0  }
0x25f: {  	s31 =	sadd.s32 $0x10, s31  }
0x260: {  	s30 =	sshra.s32 s0, $0x2;
	[tilespmem:s31+$0x0] =	vst v0  }
0x261: {  	v18 =	vld [tilespmem:s30+$0x87F0]  }
0x262: {  	v41 =	vld [tilespmem:s30+$0x87B0]  }
0x263: {  	v14 =	vld [tilespmem:s30+$0x87E0]  }
0x264: {  	v26 =	vld [tilespmem:s30+$0x7F0]  }
0x265: {  	v40 =	vld [tilespmem:s30+$0x107F0]  }
0x266: {  	v0 =	vld [tilespmem:s30+$0x8770]  }
0x267: {  	v37 =	vld [tilespmem:s30+$0x87A0]  }
0x268: {  	v30 =	vld [tilespmem:s30+$0x7B0]  }
0x269: {  	v29 =	vld [tilespmem:s30+$0x107B0]  }
0x26a: {  	v43 =	vld [tilespmem:s30+$0x87C0]  }
0x26b: {  	v61 =	vld [tilespmem:s30+$0x87D0]  }
0x26c: {  	v63 =	vld [tilespmem:s30+$0x7E0]  }
0x26d: {  	v39 =	vld [tilespmem:s30+$0x107E0]  }
0x26e: {  	v53 =	vld [tilespmem:s30+$0x770]  }
0x26f: {  	v55 =	vld [tilespmem:s30+$0x10770]  }
0x270: {  	v48 =	vld [tilespmem:s30+$0x8780]  }
0x271: {  	v25 =	vld [tilespmem:s30+$0x8790]  }
0x272: {  	v46 =	vld [tilespmem:s30+$0x7A0]  }
0x273: {  	v28 =	vld [tilespmem:s30+$0x107A0]  }
0x274: {  	v3 =	vld [tilespmem:s30+$0x7C0]  }
0x275: {  	v2 =	vld [tilespmem:s30+$0x107C0]  }
0x276: {  	v1 =	vld [tilespmem:s30+$0x7D0]  }
0x277: {  	v4 =	vld [tilespmem:s30+$0x86F0]  }
0x278: {  	v50 =	vld [tilespmem:s30+$0x730]  }
0x279: {  	v52 =	vld [tilespmem:s30+$0x10730]  }
0x27a: {  	v15 =	vld [tilespmem:s30+$0x8740]  }
0x27b: {  	v19 =	vld [tilespmem:s30+$0x8750]  }
0x27c: {  	v27 =	vld [tilespmem:s30+$0x760]  }
0x27d: {  	v12 =	vld [tilespmem:s30+$0x10760]  }
0x27e: {  	v9 =	vld [tilespmem:s30+$0x780]  }
0x27f: {  	v7 =	vld [tilespmem:s30+$0x10780]  }
0x280: {  	v5 =	vld [tilespmem:s30+$0x790]  }
0x281: {  	v6 =	vld [tilespmem:s30+$0x86B0]  }
0x282: {  	v33 =	vld [tilespmem:s30+$0x6F0]  }
0x283: {  	v44 =	vld [tilespmem:s30+$0x106F0]  }
0x284: {  	v54 =	vld [tilespmem:s30+$0x8700]  }
0x285: {  	[tilespmem:$0x1F9B0] =	vst v0;
	v0 =	vld [tilespmem:s30+$0x8730]  }
0x286: {  	v56 =	vld [tilespmem:s30+$0x8710]  }
0x287: {  	v57 =	vld [tilespmem:s30+$0x720]  }
0x288: {  	v59 =	vld [tilespmem:s30+$0x10720]  }
0x289: {  	v11 =	vld [tilespmem:s30+$0x740]  }
0x28a: {  	[tilespmem:$0x1F9C0] =	vst v0;
	v0 =	vld [tilespmem:s30+$0x8760]  }
0x28b: {  	v10 =	vld [tilespmem:s30+$0x10740]  }
0x28c: {  	v8 =	vld [tilespmem:s30+$0x750]  }
0x28d: {  	v13 =	vld [tilespmem:s30+$0x8670]  }
0x28e: {  	v45 =	vld [tilespmem:s30+$0x86C0]  }
0x28f: {  	[tilespmem:$0x1F9A0] =	vst v0;
	v0 =	vld [tilespmem:s30+$0x107D0]  }
0x290: {  	v51 =	vld [tilespmem:s30+$0x86D0]  }
0x291: {  	v2 =	vadd.f32 v2, v3;
	v3 =	vld [tilespmem:s30+$0x8600]  }
0x292: {  	v58 =	vld [tilespmem:s30+$0x6E0]  }
0x293: {  	v60 =	vld [tilespmem:s30+$0x106E0]  }
0x294: {  	v0 =	vadd.f32 v0, v1;
	v1 =	vld [tilespmem:s30+$0x105F0]  }
0x295: {  	[tilespmem:$0x1F9F0] =	vst v4;
	v4 =	vld [tilespmem:s30+$0x8720]  }
0x296: {  	[tilespmem:$0x1FB50] =	vst v3;
	v3 =	vld [tilespmem:s30+$0x8610]  }
0x297: {  	v23 =	vld [tilespmem:s30+$0x700]  }
0x298: {  	[tilespmem:$0x1FA80] =	vst v13;
	v13 =	vld [tilespmem:s30+$0x86A0];
	v2 =	vsub.f32 v2, v43  }
0x299: {  	v35 =	vld [tilespmem:s30+$0x10700];
	v0 =	vsub.f32 v0, v61;
	[tilespmem:$0x1FB20] =	vst v1;
	v1 =	vadd.f32 v39, v63  }
0x29a: {  	v2 =	vand.u32 $0x7FFFFFFF, v2;
	[tilespmem:$0x1F9D0] =	vst v4;
	v4 =	vld [tilespmem:s30+$0x10790]  }
0x29b: {  	v36 =	vld [tilespmem:s30+$0x710];
	[tilespmem:$0x1FB60] =	vst v3;
	v3 =	vadd.f32 v40, v26;
	v0 =	vand.u32 $0x7FFFFFFF, v0;
	v1 =	vsub.f32 v1, v14  }
0x29c: {  	[tilespmem:$0x1FA70] =	vst v6;
	v6 =	vld [tilespmem:s30+$0x86E0];
	v0 =	vadd.f32 v0, v2  }
0x29d: {  	[tilespmem:$0x1FA60] =	vst v13;
	v13 =	vld [tilespmem:s30+$0x6B0];
	v2 =	vsub.f32 v3, v18;
	v1 =	vand.u32 $0x7FFFFFFF, v1  }
0x29e: {  	v3 =	vld [tilespmem:s30+$0x5B0];
	v0 =	vadd.f32 v1, v0  }
0x29f: {  	v4 =	vadd.f32 v4, v5;
	v5 =	vld [tilespmem:s30+$0x105B0];
	v1 =	vand.u32 $0x7FFFFFFF, v2  }
0x2a0: {  	v38 =	vld [tilespmem:s30+$0x10710];
	v0 =	vadd.f32 v1, v0  }
0x2a1: {  	[tilespmem:$0x1F9E0] =	vst v6;
	v6 =	vld [tilespmem:s30+$0x10750]  }
0x2a2: {  	[tilespmem:$0x1FA00] =	vst v13;
	v1 =	vld [tilespmem:s30+$0x8570];
	v2 =	vperm.xlane v0, v20  }
0x2a3: {  	v13 =	vld [tilespmem:s30+$0x106B0];
	[tilespmem:$0x1FBA0] =	vst v3;
	v3 =	vadd.f32 v7, v9  }
0x2a4: {  	v47 =	vld [tilespmem:s30+$0x6A0];
	[tilespmem:$0x1FBB0] =	vst v5;
	v5 =	vadd.f32 v28, v46;
	v0 =	vadd.f32 v0, v2  }
0x2a5: {  	v49 =	vld [tilespmem:s30+$0x106A0];
	v2 =	vsub.f32 v3, v48;
	v3 =	vsub.f32 v4, v25  }
0x2a6: {  	v6 =	vadd.f32 v6, v8;
	v8 =	vld [tilespmem:s30+$0x8530]  }
0x2a7: {  	v5 =	vsub.f32 v5, v37;
	[tilespmem:$0x1FBD0] =	vst v1;
	v1 =	vld [tilespmem:s30+$0x85A0];
	v2 =	vand.u32 $0x7FFFFFFF, v2;
	v3 =	vand.u32 $0x7FFFFFFF, v3  }
0x2a8: {  	[tilespmem:$0x1FA10] =	vst v13;
	v13 =	vld [tilespmem:s30+$0x8630];
	v2 =	vadd.f32 v3, v2  }
0x2a9: {  	v24 =	vld [tilespmem:s30+$0x6C0];
	v5 =	vand.u32 $0x7FFFFFFF, v5;
	v3 =	vadd.f32 v10, v11  }
0x2aa: {  	v32 =	vld [tilespmem:s30+$0x6D0];
	v2 =	vadd.f32 v5, v2  }
0x2ab: {  	v16 =	vld [tilespmem:s30+$0x85F0];
	[tilespmem:$0x1FBE0] =	vst v8;
	v3 =	vsub.f32 v3, v15;
	v5 =	vsub.f32 v6, v19  }
0x2ac: {  	v8 =	vld [tilespmem:$0x1F9A0];
	[tilespmem:$0x1FB90] =	vst v1;
	v1 =	vadd.f32 v29, v30  }
0x2ad: {  	[tilespmem:$0x1FB00] =	vst v13;
	v13 =	vld [tilespmem:s30+$0x8660];
	v7 =	vperm.xlane v0, v21;
	v3 =	vand.u32 $0x7FFFFFFF, v3;
	v5 =	vand.u32 $0x7FFFFFFF, v5  }
0x2ae: {  	v1 =	vsub.f32 v1, v41;
	v3 =	vadd.f32 v5, v3;
	v5 =	vld [tilespmem:$0x1F9B0]  }
0x2af: {  	v34 =	vld [tilespmem:s30+$0x106D0];
	v0 =	vadd.f32 v0, v7;
	v7 =	vadd.f32 v12, v27  }
0x2b0: {  	v62 =	vld [tilespmem:s30+$0x680];
	v4 =	vadd.f32 v55, v53;
	v1 =	vand.u32 $0x7FFFFFFF, v1  }
0x2b1: {  	v22 =	vld [tilespmem:s30+$0x10680];
	v7 =	vsub.f32 v7, v8;
	v1 =	vadd.f32 v1, v2  }
0x2b2: {  	[tilespmem:$0x1FAF0] =	vst v13;
	v13 =	vld [tilespmem:s30+$0x670];
	v2 =	vperm.xlane v0, v31  }
0x2b3: {  	[tilespmem:$0x1FB80] =	vst v16;
	v16 =	vld [tilespmem:s30+$0x8620];
	v7 =	vand.u32 $0x7FFFFFFF, v7;
	v4 =	vsub.f32 v4, v5;
	v5 =	vperm.xlane v1, v20  }
0x2b4: {  	v17 =	vld [tilespmem:s30+$0x690];
	v0 =	vadd.f32 v0, v2;
	v2 =	vadd.f32 v7, v3  }
0x2b5: {  	v42 =	vld [tilespmem:s30+$0x85B0];
	v1 =	vadd.f32 v1, v5;
	v5 =	vadd.f32 v38, v36  }
0x2b6: {  	v8 =	vld [tilespmem:s30+$0x8560];
	v4 =	vand.u32 $0x7FFFFFFF, v4  }
0x2b7: {  	[tilespmem:$0x1FA40] =	vst v13;
	v13 =	vld [tilespmem:s30+$0x10670];
	v2 =	vadd.f32 v4, v2;
	v4 =	vperm.xlane v1, v21;
	v5 =	vsub.f32 v5, v56  }
0x2b8: {  	[tilespmem:$0x1FB40] =	vst v16;
	v16 =	vld [tilespmem:s30+$0x630]  }
0x2b9: {  	v1 =	vadd.f32 v1, v4;
	v4 =	vand.u32 $0x7FFFFFFF, v5;
	v5 =	vld [tilespmem:$0x1F9D0]  }
0x2ba: {  	[tilespmem:$0x1FBC0] =	vst v42;
	v42 =	vld [tilespmem:s30+$0x85E0];
	v3 =	vadd.f32 v35, v23  }
0x2bb: {  	[tilespmem:$0x1FBF0] =	vst v8;
	v8 =	vld [tilespmem:$0x1F9C0]  }
0x2bc: {  	[tilespmem:$0x1FA50] =	vst v13;
	v13 =	vld [tilespmem:s30+$0x8680];
	v7 =	vadd.f32 v59, v57;
	v3 =	vsub.f32 v3, v54  }
0x2bd: {  	[tilespmem:$0x1FAD0] =	vst v16;
	v16 =	vld [tilespmem:s30+$0x10630]  }
0x2be: {  	v43 =	vld [tilespmem:s30+$0x10620];
	v6 =	vadd.f32 v52, v50;
	v3 =	vand.u32 $0x7FFFFFFF, v3;
	v5 =	vsub.f32 v7, v5  }
0x2bf: {  	[tilespmem:$0x1FB70] =	vst v42;
	v42 =	vld [tilespmem:s30+$0x5F0];
	v3 =	vadd.f32 v4, v3  }
0x2c0: {  	v26 =	vld [tilespmem:s30+$0x620];
	v6 =	vsub.f32 v6, v8;
	v5 =	vand.u32 $0x7FFFFFFF, v5  }
0x2c1: {  	[tilespmem:$0x1FA20] =	vst v13;
	v13 =	vld [tilespmem:s30+$0x8690];
	v3 =	vadd.f32 v5, v3  }
0x2c2: {  	[tilespmem:$0x1FAE0] =	vst v16;
	v16 =	vld [tilespmem:s30+$0x8640];
	v6 =	vand.u32 $0x7FFFFFFF, v6  }
0x2c3: {  	v3 =	vadd.f32 v6, v3;
	v6 =	vld [tilespmem:$0x1F9E0]  }
0x2c4: {  	v40 =	vld [tilespmem:s30+$0x650]  }
0x2c5: {  	v46 =	vld [tilespmem:s30+$0x85C0];
	v10 =	vperm.xlane v2, v20  }
0x2c6: {  	v11 =	vadd.f32 v60, v58;
	[tilespmem:$0x1FA30] =	vst v13;
	v13 =	vld [tilespmem:s30+$0x106C0]  }
0x2c7: {  	[tilespmem:$0x1FAB0] =	vst v16;
	v16 =	vld [tilespmem:s30+$0x8650];
	v2 =	vadd.f32 v2, v10  }
0x2c8: {  	v7 =	vadd.f32 v34, v32;
	v6 =	vsub.f32 v11, v6;
	v11 =	vld [tilespmem:$0x1F9F0]  }
0x2c9: {  	[tilespmem:$0x1FB30] =	vst v26;
	v26 =	vld [tilespmem:s30+$0x600];
	v5 =	vperm.xlane v2, v21  }
0x2ca: {  	v28 =	vld [tilespmem:s30+$0x84F0];
	v9 =	vadd.f32 v44, v33;
	v7 =	vsub.f32 v7, v51  }
0x2cb: {  	v61 =	vld [tilespmem:s30+$0x640];
	v4 =	vadd.f32 v13, v24;
	v2 =	vadd.f32 v2, v5  }
0x2cc: {  	v37 =	vld [tilespmem:s30+$0x4F0];
	v5 =	vand.u32 $0x7FFFFFFF, v7;
	v7 =	vperm.xlane v1, v31  }
0x2cd: {  	[tilespmem:$0x1FAC0] =	vst v16;
	v16 =	vld [tilespmem:s30+$0x660];
	v4 =	vsub.f32 v4, v45;
	v9 =	vsub.f32 v9, v11;
	v11 =	vperm.xlane v2, v31  }
0x2ce: {  	v32 =	vadd.f32 v1, v7;
	v1 =	vld [tilespmem:$0x1FA00]  }
0x2cf: {  	v4 =	vand.u32 $0x7FFFFFFF, v4;
	v60 =	vadd.f32 v2, v11;
	v2 =	vld [tilespmem:$0x1FA10]  }
0x2d0: {  	v63 =	vld [tilespmem:s30+$0x10640];
	v4 =	vadd.f32 v5, v4;
	v5 =	vperm.xlane v3, v20  }
0x2d1: {  	v18 =	vld [tilespmem:s30+$0x10650];
	v6 =	vand.u32 $0x7FFFFFFF, v6  }
0x2d2: {  	[tilespmem:$0x1FA90] =	vst v16;
	v16 =	vld [tilespmem:s30+$0x10660];
	v3 =	vadd.f32 v3, v5;
	v4 =	vadd.f32 v6, v4  }
0x2d3: {  	v39 =	vld [tilespmem:s30+$0x570];
	v5 =	vand.u32 $0x7FFFFFFF, v9  }
0x2d4: {  	v14 =	vld [tilespmem:s30+$0x590];
	v1 =	vadd.f32 v2, v1;
	v2 =	vadd.f32 v5, v4;
	v4 =	vperm.xlane v3, v21  }
0x2d5: {  	v44 =	vld [tilespmem:s30+$0x8540]  }
0x2d6: {  	v3 =	vadd.f32 v3, v4;
	v4 =	vld [tilespmem:$0x1FA20]  }
0x2d7: {  	[tilespmem:$0x1FAA0] =	vst v16;
	v16 =	vld [tilespmem:s30+$0x10690]  }
0x2d8: {  	v33 =	vld [tilespmem:s30+$0x8500]  }
0x2d9: {  	v48 =	vld [tilespmem:s30+$0x85D0];
	v5 =	vadd.f32 v22, v62  }
0x2da: {  	v13 =	vld [tilespmem:$0x1FA40]  }
0x2db: {  	v4 =	vsub.f32 v5, v4;
	v5 =	vld [tilespmem:$0x1FA30]  }
0x2dc: {  	v6 =	vadd.f32 v16, v17;
	v16 =	vld [tilespmem:$0x1FA50]  }
0x2dd: {  	v53 =	vld [tilespmem:s30+$0x5E0]  }
0x2de: {  	v55 =	vld [tilespmem:s30+$0x105E0]  }
0x2df: {  	v25 =	vld [tilespmem:s30+$0x10600]  }
0x2e0: {  	v58 =	vld [tilespmem:s30+$0x10560];
	v5 =	vsub.f32 v6, v5  }
0x2e1: {  	v16 =	vadd.f32 v16, v13;
	v13 =	vld [tilespmem:$0x1FA60]  }
0x2e2: {  	v27 =	vld [tilespmem:s30+$0x610];
	v4 =	vand.u32 $0x7FFFFFFF, v4;
	v5 =	vand.u32 $0x7FFFFFFF, v5  }
0x2e3: {  	v4 =	vadd.f32 v5, v4;
	v5 =	vld [tilespmem:$0x1FA70]  }
0x2e4: {  	v12 =	vld [tilespmem:s30+$0x105C0];
	v7 =	vadd.f32 v49, v47  }
0x2e5: {  	v19 =	vld [tilespmem:s30+$0x10610];
	v11 =	vperm.xlane v2, v20  }
0x2e6: {  	v50 =	vld [tilespmem:s30+$0x8580];
	v7 =	vsub.f32 v7, v13  }
0x2e7: {  	v52 =	vld [tilespmem:s30+$0x8590];
	v2 =	vadd.f32 v2, v11;
	v11 =	vperm.xlane v3, v31  }
0x2e8: {  	v15 =	vld [tilespmem:s30+$0x5D0];
	v7 =	vand.u32 $0x7FFFFFFF, v7;
	v1 =	vsub.f32 v1, v5  }
0x2e9: {  	v29 =	vld [tilespmem:s30+$0x8520];
	v34 =	vadd.f32 v3, v11;
	v3 =	vadd.f32 v7, v4  }
0x2ea: {  	v30 =	vld [tilespmem:s30+$0x84B0];
	v1 =	vand.u32 $0x7FFFFFFF, v1  }
0x2eb: {  	v17 =	vadd.f32 v1, v3;
	v1 =	vld [tilespmem:$0x1FAB0]  }
0x2ec: {  	v41 =	vld [tilespmem:s30+$0x104F0];
	v5 =	vperm.xlane v2, v21  }
0x2ed: {  	v19 =	vadd.f32 v19, v27;
	v13 =	vld [tilespmem:$0x1FA80]  }
0x2ee: {  	v27 =	vld [tilespmem:s30+$0x104B0];
	v11 =	vadd.f32 v2, v5;
	v2 =	vadd.f32 v63, v61  }
0x2ef: {  	v57 =	vld [tilespmem:s30+$0x5A0]  }
0x2f0: {  	v2 =	vsub.f32 v2, v1;
	v1 =	vld [tilespmem:$0x1FAC0]  }
0x2f1: {  	v59 =	vld [tilespmem:s30+$0x105A0]  }
0x2f2: {  	v16 =	vsub.f32 v16, v13;
	v13 =	vld [tilespmem:$0x1FAA0]  }
0x2f3: {  	v4 =	vadd.f32 v18, v40;
	v7 =	vld [tilespmem:$0x1FA90]  }
0x2f4: {  	v23 =	vld [tilespmem:s30+$0x520]  }
0x2f5: {  	v3 =	vsub.f32 v4, v1;
	v1 =	vld [tilespmem:$0x1FAD0]  }
0x2f6: {  	v4 =	vld [tilespmem:$0x1FAE0]  }
0x2f7: {  	v35 =	vld [tilespmem:s30+$0x10540]  }
0x2f8: {  	v7 =	vadd.f32 v13, v7;
	v13 =	vld [tilespmem:$0x1FB00]  }
0x2f9: {  	[tilespmem:$0x1FDF0] =	vst v0;
	v0 =	vld [tilespmem:s30+$0x10570]  }
0x2fa: {  	v54 =	vld [tilespmem:s30+$0x10530]  }
0x2fb: {  	v36 =	vld [tilespmem:s30+$0x10550];
	v4 =	vadd.f32 v4, v1  }
0x2fc: {  	[tilespmem:$0x1FB10] =	vst v42;
	v1 =	vld [tilespmem:$0x1FAF0]  }
0x2fd: {  	v42 =	vsub.f32 v4, v13;
	v4 =	vld [tilespmem:$0x1FB10]  }
0x2fe: {  	v13 =	vld [tilespmem:$0x1FB20]  }
0x2ff: {  	v38 =	vld [tilespmem:s30+$0x4E0]  }
0x300: {  	v8 =	vld [tilespmem:s30+$0x5C0]  }
0x301: {  	v56 =	vld [tilespmem:s30+$0x560];
	v7 =	vsub.f32 v7, v1  }
0x302: {  	v10 =	vld [tilespmem:s30+$0x105D0];
	v2 =	vand.u32 $0x7FFFFFFF, v2;
	v3 =	vand.u32 $0x7FFFFFFF, v3  }
0x303: {  	v2 =	vadd.f32 v3, v2;
	v49 =	vadd.f32 v13, v4;
	v4 =	vand.u32 $0x7FFFFFFF, v7;
	v7 =	vld [tilespmem:$0x1FB30]  }
0x304: {  	v24 =	vld [tilespmem:s30+$0x580]  }
0x305: {  	v8 =	vadd.f32 v12, v8;
	v2 =	vadd.f32 v4, v2;
	v4 =	vand.u32 $0x7FFFFFFF, v16;
	v16 =	vld [tilespmem:$0x1FB40]  }
0x306: {  	v0 =	vadd.f32 v0, v39;
	v39 =	vld [tilespmem:s30+$0x10480];
	v18 =	vperm.xlane v17, v20  }
0x307: {  	v45 =	vld [tilespmem:s30+$0x8550];
	v8 =	vsub.f32 v8, v46  }
0x308: {  	v46 =	vld [tilespmem:s30+$0x510];
	v17 =	vadd.f32 v17, v18;
	v18 =	vadd.f32 v43, v7  }
0x309: {  	v10 =	vadd.f32 v10, v15;
	v51 =	vld [tilespmem:s30+$0x530]  }
0x30a: {  	v16 =	vsub.f32 v18, v16;
	v18 =	vadd.f32 v4, v2;
	v2 =	vld [tilespmem:$0x1FB50]  }
0x30b: {  	v9 =	vld [tilespmem:s30+$0x10580]  }
0x30c: {  	v10 =	vsub.f32 v10, v48;
	v48 =	vld [tilespmem:s30+$0x430]  }
0x30d: {  	v47 =	vld [tilespmem:s30+$0x10510];
	v13 =	vadd.f32 v25, v26  }
0x30e: {  	v22 =	vld [tilespmem:$0x1FB70]  }
0x30f: {  	v13 =	vsub.f32 v13, v2;
	v2 =	vld [tilespmem:$0x1FB60]  }
0x310: {  	v9 =	vadd.f32 v9, v24;
	v6 =	vld [tilespmem:s30+$0x10590]  }
0x311: {  	v15 =	vadd.f32 v55, v53;
	v62 =	vld [tilespmem:s30+$0x84E0]  }
0x312: {  	v9 =	vsub.f32 v9, v50;
	v50 =	vld [tilespmem:s30+$0x470]  }
0x313: {  	v15 =	vsub.f32 v15, v22;
	v22 =	vld [tilespmem:$0x1FB80]  }
0x314: {  	v8 =	vand.u32 $0x7FFFFFFF, v8;
	v40 =	vld [tilespmem:s30+$0x104E0];
	v25 =	vsub.f32 v19, v2  }
0x315: {  	v10 =	vand.u32 $0x7FFFFFFF, v10;
	v6 =	vadd.f32 v6, v14;
	v14 =	vadd.f32 v59, v57;
	v57 =	vld [tilespmem:s30+$0x104C0]  }
0x316: {  	v8 =	vadd.f32 v10, v8;
	v59 =	vld [tilespmem:s30+$0x4D0];
	v13 =	vand.u32 $0x7FFFFFFF, v13;
	v25 =	vand.u32 $0x7FFFFFFF, v25  }
0x317: {  	v6 =	vsub.f32 v6, v52;
	v52 =	vld [tilespmem:s30+$0x10470];
	v13 =	vadd.f32 v25, v13  }
0x318: {  	v15 =	vand.u32 $0x7FFFFFFF, v15;
	v5 =	vld [tilespmem:s30+$0x8510];
	v55 =	vperm.xlane v17, v21;
	v16 =	vand.u32 $0x7FFFFFFF, v16  }
0x319: {  	v9 =	vand.u32 $0x7FFFFFFF, v9;
	v15 =	vadd.f32 v15, v8;
	v63 =	vld [tilespmem:s30+$0x10520];
	v10 =	vadd.f32 v16, v13  }
0x31a: {  	v25 =	vsub.f32 v49, v22;
	v13 =	vand.u32 $0x7FFFFFFF, v42;
	v42 =	vadd.f32 v17, v55;
	v17 =	vld [tilespmem:$0x1FB90]  }
0x31b: {  	v6 =	vand.u32 $0x7FFFFFFF, v6;
	v61 =	vld [tilespmem:s30+$0x8470];
	v12 =	vperm.xlane v11, v31;
	v10 =	vadd.f32 v13, v10  }
0x31c: {  	v6 =	vadd.f32 v6, v9;
	v9 =	vld [tilespmem:$0x1FBC0];
	v53 =	vperm.xlane v18, v20;
	v25 =	vand.u32 $0x7FFFFFFF, v25  }
0x31d: {  	v8 =	vadd.f32 v11, v12;
	v1 =	vld [tilespmem:s30+$0x540];
	v11 =	vadd.f32 v25, v15;
	v12 =	vperm.xlane v10, v20  }
0x31e: {  	v18 =	vadd.f32 v18, v53;
	v22 =	vld [tilespmem:$0x1FBB0]  }
0x31f: {  	v14 =	vsub.f32 v14, v17;
	v17 =	vld [tilespmem:$0x1FBA0];
	v10 =	vadd.f32 v10, v12;
	v12 =	vperm.xlane v11, v20  }
0x320: {  	v38 =	vadd.f32 v40, v38;
	v40 =	vld [tilespmem:s30+$0x10410];
	v13 =	vperm.xlane v18, v21  }
0x321: {  	v3 =	vld [tilespmem:s30+$0x550];
	v24 =	vperm.xlane v10, v21;
	v11 =	vadd.f32 v11, v12  }
0x322: {  	v26 =	vld [tilespmem:s30+$0x84D0];
	v1 =	vadd.f32 v35, v1;
	v13 =	vadd.f32 v18, v13  }
0x323: {  	v35 =	vld [tilespmem:s30+$0x420];
	v14 =	vand.u32 $0x7FFFFFFF, v14;
	v25 =	vperm.xlane v11, v21;
	v10 =	vadd.f32 v10, v24  }
0x324: {  	v7 =	vld [tilespmem:s30+$0x8430];
	v6 =	vadd.f32 v14, v6;
	v17 =	vadd.f32 v22, v17  }
0x325: {  	v43 =	vld [tilespmem:s30+$0x10500];
	v14 =	vperm.xlane v13, v31;
	v24 =	vadd.f32 v11, v25;
	v11 =	vperm.xlane v10, v31  }
0x326: {  	v4 =	vld [tilespmem:s30+$0x84A0];
	v12 =	vsub.f32 v17, v9  }
0x327: {  	v11 =	vadd.f32 v10, v11;
	v10 =	vadd.f32 v13, v14;
	v14 =	vld [tilespmem:$0x1FBD0]  }
0x328: {  	v53 =	vld [tilespmem:s30+$0x4A0]  }
0x329: {  	v2 =	vld [tilespmem:s30+$0x4B0];
	v12 =	vand.u32 $0x7FFFFFFF, v12  }
0x32a: {  	v19 =	vld [tilespmem:s30+$0x84C0];
	v6 =	vadd.f32 v12, v6  }
0x32b: {  	v49 =	vld [tilespmem:s30+$0x10430]  }
0x32c: {  	v25 =	vsub.f32 v0, v14;
	v0 =	vperm.xlane v6, v20;
	v20 =	vld [tilespmem:$0x1FBE0]  }
0x32d: {  	v16 =	vld [tilespmem:s30+$0x500]  }
0x32e: {  	v55 =	vld [tilespmem:s30+$0x4C0]  }
0x32f: {  	v2 =	vadd.f32 v27, v2;
	v27 =	vld [tilespmem:s30+$0x10400];
	v13 =	vadd.f32 v54, v51;
	v12 =	vperm.xlane v24, v31  }
0x330: {  	v15 =	vld [tilespmem:s30+$0x8420]  }
0x331: {  	v9 =	vperm.xlane v42, v31;
	v12 =	vadd.f32 v24, v12;
	v24 =	vsub.f32 v13, v20;
	v13 =	vld [tilespmem:$0x1FBF0]  }
0x332: {  	v23 =	vadd.f32 v63, v23;
	v18 =	vld [tilespmem:s30+$0x8460];
	v16 =	vadd.f32 v43, v16  }
0x333: {  	v9 =	vadd.f32 v42, v9;
	v51 =	vld [tilespmem:s30+$0x104D0];
	v14 =	vadd.f32 v58, v56  }
0x334: {  	v22 =	vld [tilespmem:s30+$0x8400];
	v56 =	vsub.f32 v1, v44;
	v1 =	vsub.f32 v23, v29  }
0x335: {  	v17 =	vld [tilespmem:s30+$0x8480];
	v29 =	vsub.f32 v16, v33;
	v0 =	vadd.f32 v6, v0  }
0x336: {  	v42 =	vld [tilespmem:s30+$0x104A0];
	v54 =	vsub.f32 v14, v13;
	v13 =	vadd.f32 v36, v3  }
0x337: {  	v31 =	vld [tilespmem:s30+$0x460];
	v14 =	vadd.f32 v41, v37;
	v36 =	vperm.xlane v0, v21;
	v21 =	vsub.f32 v38, v62  }
0x338: {  	v33 =	vld [tilespmem:s30+$0x10490];
	v62 =	vadd.f32 v51, v59;
	v58 =	vsub.f32 v13, v45  }
0x339: {  	v6 =	vld [tilespmem:s30+$0x8410];
	v13 =	vadd.f32 v0, v36;
	v14 =	vsub.f32 v14, v28  }
0x33a: {  	v3 =	vld [tilespmem:s30+$0x10420];
	v0 =	vand.u32 $0x7FFFFFFF, v56;
	v28 =	vadd.f32 v47, v46;
	v23 =	vand.u32 $0x7FFFFFFF, v58  }
0x33b: {  	v63 =	vadd.f32 v42, v53;
	v37 =	vld [tilespmem:s30+$0x480];
	v0 =	vadd.f32 v23, v0  }
0x33c: {  	v38 =	vld [tilespmem:s30+$0x410];
	v42 =	vsub.f32 v62, v26;
	v28 =	vsub.f32 v28, v5;
	v5 =	vand.u32 $0x7FFFFFFF, v54  }
0x33d: {  	p0 =	sne.s32 s0, $0x1F000;
	v41 =	vld [tilespmem:s30+$0x440];
	v16 =	vadd.f32 v5, v0;
	v5 =	vsub.f32 v2, v30  }
.Ltmp0:
0x33e: {  	v36 =	vld [tilespmem:s30+$0x10460];
	v0 =	vand.u32 $0x7FFFFFFF, v29;
	v2 =	vand.u32 $0x7FFFFFFF, v28;
	v28 =	vadd.f32 v57, v55;
	(pc) =	sbr.rel @p0 .LBB2_2-.Ltmp0, $4  }
0x33f: {  	v26 =	vld [tilespmem:s30+$0x450];
	v29 =	vadd.f32 v52, v50;
	v0 =	vadd.f32 v2, v0  }
0x340: {  	v23 =	vld [tilespmem:s30+$0x490];
	v2 =	vadd.f32 v49, v48;
	v28 =	vsub.f32 v28, v19  }
0x341: {  	v4 =	vsub.f32 v63, v4;
	v30 =	vld [tilespmem:s30+$0x400]  }
0x342: {  	s0 =	sadd.s32 $0x1000, s0;
	v19 =	vld [tilespmem:s30+$0x10440];
	v7 =	vsub.f32 v2, v7;
	v2 =	vsub.f32 v29, v61;
	v20 =	vand.u32 $0x7FFFFFFF, v28  }
0x343: {  	v3 =	vadd.f32 v3, v35;
	v29 =	vadd.f32 v36, v31  }
0x344: {  	v45 =	vand.u32 $0x7FFFFFFF, v42;
	v47 =	vadd.f32 v39, v37;
	v25 =	vand.u32 $0x7FFFFFFF, v25  }
0x345: {  	v28 =	vld [tilespmem:s30+$0x10450];
	v50 =	vadd.f32 v40, v38;
	v1 =	vand.u32 $0x7FFFFFFF, v1;
	v20 =	vadd.f32 v45, v20  }
0x346: {  	v46 =	vld [tilespmem:s30+$0x8440];
	v0 =	vadd.f32 v1, v0;
	v61 =	vadd.f32 v25, v16  }
0x347: {  	v48 =	vld [tilespmem:s30+$0x8450];
	v3 =	vsub.f32 v3, v15;
	v18 =	vsub.f32 v29, v18  }
0x348: {  	v49 =	vld [tilespmem:s30+$0x8490];
	v17 =	vsub.f32 v47, v17;
	v23 =	vadd.f32 v33, v23  }
0x349: {  	v24 =	vand.u32 $0x7FFFFFFF, v24;
	v6 =	vsub.f32 v50, v6;
	v27 =	vadd.f32 v27, v30  }
0x34a: {  	v21 =	vand.u32 $0x7FFFFFFF, v21;
	v19 =	vadd.f32 v19, v41;
	v26 =	vadd.f32 v28, v26  }
0x34b: {  	v4 =	vand.u32 $0x7FFFFFFF, v4;
	v55 =	vadd.f32 v21, v20;
	v22 =	vsub.f32 v27, v22  }
0x34c: {  	v5 =	vand.u32 $0x7FFFFFFF, v5;
	v19 =	vsub.f32 v19, v46;
	v15 =	vsub.f32 v26, v48  }
0x34d: {  	v17 =	vand.u32 $0x7FFFFFFF, v17;
	v6 =	vand.u32 $0x7FFFFFFF, v6;
	v23 =	vsub.f32 v23, v49  }
0x34e: {  	v51 =	vld [tilespmem:$0x1FFE0];
	v22 =	vand.u32 $0x7FFFFFFF, v22;
	v19 =	vand.u32 $0x7FFFFFFF, v19;
	v15 =	vand.u32 $0x7FFFFFFF, v15  }
0x34f: {  	v57 =	vld [tilespmem:$0x1FFC0];
	v53 =	vand.u32 $0x7FFFFFFF, v23;
	v6 =	vadd.f32 v6, v22;
	v15 =	vadd.f32 v15, v19  }
0x350: {  	v3 =	vand.u32 $0x7FFFFFFF, v3;
	v18 =	vand.u32 $0x7FFFFFFF, v18;
	v17 =	vadd.f32 v53, v17  }
0x351: {  	v7 =	vand.u32 $0x7FFFFFFF, v7;
	v3 =	vadd.f32 v3, v6;
	v54 =	vadd.f32 v18, v15  }
0x352: {  	v2 =	vand.u32 $0x7FFFFFFF, v2;
	v0 =	vadd.f32 v24, v0;
	v4 =	vadd.f32 v4, v17  }
0x353: {  	v56 =	vand.u32 $0x7FFFFFFF, v14;
	v36 =	vld [tilespmem:$0x1FFF0];
	v3 =	vadd.f32 v7, v3;
	v2 =	vadd.f32 v2, v54  }
0x354: {  	v21 =	vld [tilespmem:$0x1FFD0];
	v52 =	vperm.xlane v13, v51;
	v63 =	vperm.xlane v0, v57;
	v4 =	vadd.f32 v5, v4  }
0x355: {  	v5 =	vadd.f32 v56, v55;
	v58 =	vperm.xlane v3, v57;
	v6 =	vperm.xlane v2, v57  }
0x356: {  	v20 =	vperm.xlane v61, v57;
	v59 =	vperm.xlane v4, v57  }
0x357: {  	v62 =	vperm.xlane v5, v57;
	v1 =	vadd.f32 v3, v58;
	v2 =	vadd.f32 v2, v6  }
0x358: {  	v44 =	vperm.xlane v12, v36;
	v50 =	vperm.xlane v9, v36;
	v4 =	vadd.f32 v4, v59  }
0x359: {  	v3 =	vadd.f32 v5, v62;
	v22 =	vperm.xlane v1, v21;
	v23 =	vperm.xlane v2, v21  }
0x35a: {  	v0 =	vadd.f32 v0, v63;
	v25 =	vadd.f32 v61, v20;
	v24 =	vperm.xlane v4, v21  }
0x35b: {  	v26 =	vperm.xlane v3, v21;
	v1 =	vadd.f32 v1, v22;
	v2 =	vadd.f32 v2, v23  }
0x35c: {  	v27 =	vperm.xlane v0, v21;
	v14 =	vperm.xlane v25, v21;
	v4 =	vadd.f32 v4, v24  }
0x35d: {  	v3 =	vadd.f32 v3, v26;
	v15 =	vperm.xlane v1, v51;
	v16 =	vperm.xlane v2, v51  }
0x35e: {  	v0 =	vadd.f32 v0, v27;
	v29 =	vadd.f32 v25, v14;
	v28 =	vperm.xlane v4, v51  }
0x35f: {  	v30 =	vperm.xlane v3, v51;
	v1 =	vadd.f32 v1, v15;
	v2 =	vadd.f32 v2, v16  }
0x360: {  	v35 =	vperm.xlane v0, v51;
	v14 =	vperm.xlane v29, v51;
	v4 =	vadd.f32 v4, v28  }
0x361: {  	v3 =	vadd.f32 v3, v30;
	v15 =	vperm.xlane v1, v36;
	v16 =	vperm.xlane v2, v36  }
0x362: {  	v0 =	vadd.f32 v0, v35;
	v5 =	vadd.f32 v29, v14;
	v37 =	vperm.xlane v4, v36  }
0x363: {  	v38 =	vperm.xlane v3, v36;
	v1 =	vadd.f32 v1, v15;
	v2 =	vadd.f32 v2, v16  }
0x364: {  	v13 =	vadd.f32 v13, v52;
	v39 =	vperm.xlane v0, v36;
	v4 =	vadd.f32 v4, v37  }
0x365: {  	v41 =	vperm.xlane v5, v36;
	v40 =	vadd.f32 v3, v38;
	v1 =	vsel vm0, v1, v2  }
0x366: {  	v42 =	vperm.xlane v13, v36;
	v0 =	vadd.f32 v0, v39;
	v1 =	vsel vm1, v1, v4  }
0x367: {  	v46 =	vperm.xlane v11, v36;
	v43 =	vadd.f32 v5, v41;
	v1 =	vsel vm2, v1, v40  }
0x368: {  	v45 =	vadd.f32 v13, v42;
	v56 =	vperm.xlane v60, v36;
	v0 =	vsel vm3, v1, v0  }
0x369: {  	v47 =	vadd.f32 v12, v44;
	v48 =	vperm.xlane v10, v36;
	v0 =	vsel vm4, v0, v43  }
0x36a: {  	v49 =	vadd.f32 v11, v46;
	v59 =	vadd.f32 v60, v56;
	v60 =	vld [tilespmem:$0x1FDF0];
	v0 =	vsel vm5, v0, v45  }
0x36b: {  	v52 =	vperm.xlane v8, v36;
	v51 =	vadd.f32 v10, v48;
	v0 =	vsel vm6, v0, v47  }
0x36c: {  	v53 =	vadd.f32 v9, v50;
	v54 =	vperm.xlane v34, v36;
	v0 =	vsel vm7, v0, v49  }
0x36d: {  	v55 =	vadd.f32 v8, v52;
	v0 =	vsel vm8, v0, v51  }
0x36e: {  	v57 =	vadd.f32 v34, v54;
	v58 =	vperm.xlane v32, v36;
	v0 =	vsel vm9, v0, v53  }
0x36f: {  	v61 =	vperm.xlane v60, v36;
	v0 =	vsel vm10, v0, v55  }
0x370: {  	v62 =	vadd.f32 v32, v58;
	v0 =	vsel vm11, v0, v57  }
0x371: {  	v63 =	vadd.f32 v60, v61;
	v0 =	vsel vm12, v0, v59  }
0x372: {  	v0 =	vsel vm13, v0, v62  }
0x373: {  	v0 =	vsel vm14, v0, v63  }
0x374: {  	s29 =	sadd.s32 $0x1, s29;
	v0 =	vsub.f32 $1.200000000e+01, v0  }
0x375: {  	s0 =	sadd.s32 $0x10, s31;
	p0 =	sne.s32 s29, s8  }
.Ltmp1:
0x376: {  	[tilespmem:s0+$0x0] =	vst v0;
	(pc) =	sbr.rel @p0 .LBB2_1-.Ltmp1, $4  }
0x377: {  	[hbm4b:s7+s1] =	stream.linear.scatter [tilespmem:s28], [sflag:$0x2], $0x200, $0x38;
	[tilespmem:$0x18600] =	vst v63  }
0x378: {  	_ =	swait.ge [sflag:s9], $0x200  }
0x379: {  	[sflag:s9] =	ssyncset.done $0x0  }
0x37a: {  	[sflag:s9] =	ssyncadd.s32 $0xFFFFFE00  }
0x37b: {  	_ =	sfence.sel $0x180000  }
0x37c: {  	[bflag:$0x0] =	sbarrier.arrive $0xFFFF  }
0x37d: {  	_ =	strace $0x90000047  }
0x37e: {  	[bflag:$0x2] =	sbarrier.arrive $0xFFFF  }
0x37f: {  	p0 =	sne.s32 s2, $0x0;
	s0 =	rddreg [dreg:$0x4]  }
0x380: {  	s0 =	sadd.s32 @!p0 $0x100000, s0  }
0x381: {  	[sflag:s0] =	ssyncadd.tile.s32 @!p0 $0x1;
	_ =	shalt  }
.Lfunc_end2:
_tile_overlayer_lowered:
.L_overlay_start_2:
0x382: {  	(tag) =	ssettag $0x2  }
0x383: {  	s0 =	rddreg [dreg:$0x0];
	s2 =	stileid.u32  }
0x384: {  	s1 =	rddreg [dreg:$0x1];
	p0 =	sne.s32 s2, $0x0  }
0x385: {  	s3 =	rddreg [dreg:$0x2];
	[bflag:$0x3] =	sbarrier.arrive $0xFFFF;
	s2 =	simm.s32 @!p0 $0x1C02  }
0x386: {  	[timem:s3], [sflag:s2] =	dma.local @!p0 [hbm:s0], s1  }
0x387: {  	s0 =	simm.s32 @!p0 $0x2  }
0x388: {  	_ =	swait.ge @!p0 [sflag:s0], s1  }
0x389: {  	s1 =	ssub.s32 @!p0 $0x0, s1;
	[sflag:s0] =	ssyncset.done @!p0 $0x0  }
0x38a: {  	[sflag:s0] =	ssyncadd.s32 @!p0 s1  }
0x38b: {  	[bflag:$0x3] =	sbarrier.arrive $0xFFFF  }
0x38c: {  	_ =	shalt  }

</sc_bundles>
